<compile_context>
chip_gen: v7x
topology: tpu7x:2x2x1
jax: 0.10.2.dev20260603
libtpu: 0.0.44.dev20260713+nightly
codegen_flags: <defaults>
</compile_context>

<pallas_src>
import jax
import jax.numpy as jnp
from jax import lax
from jax.experimental import pallas as pl
from jax.experimental.pallas import tpu as pltpu
from jax.experimental.pallas import tpu_sc as plsc

N = 10000
E = 320000
D_FEAT = 128
EDGE_DIM = 16
HEADS = 4
HID = 64
HC = 256

NC = 2
NS = 16
NW = NC * NS

EV = E + N
EPW = 10496
EP = NW * EPW
CH = 128
A_CHUNKS = EPW // CH

C_EPW = EP // NS
C_CHUNKS = C_EPW // CH

L_EPW = E // NW
L_CH = 80
L_CHUNKS = L_EPW // L_CH

NR = 10240
RPT = NR // NS

_NEG = -1e30


def _mesh():
    return plsc.VectorSubcoreMesh(core_axis_name="c", subcore_axis_name="s")


def _zero_rows(buf, nrows, ncols):
    z = jnp.zeros((16,), jnp.float32)

    def body(i, _):
        for q in range(ncols // 16):
            buf[i, pl.ds(q * 16, 16)] = z
        return 0

    lax.fori_loop(0, nrows, body, 0)


def _loopsum_body(dst_hbm, vals_hbm, out_hbm, dbuf, vbuf, zbuf, acc_sh, sem):
    c = lax.axis_index("c")
    s = lax.axis_index("s")
    wid = s * NC + c
    _zero_rows(zbuf, RPT, 32)
    pltpu.sync_copy(zbuf, acc_sh.at[pl.ds(s * RPT, RPT), :])
    plsc.subcore_barrier()

    def chunk(g, _):
        base = wid * L_EPW + g * L_CH
        pltpu.sync_copy(dst_hbm.at[pl.ds(base, L_CH)], dbuf)
        pltpu.sync_copy(vals_hbm.at[pl.ds(base, L_CH), :], vbuf)
        pltpu.sync_copy(vbuf, acc_sh.at[dbuf], add=True)
        return 0

    lax.fori_loop(0, L_CHUNKS, chunk, 0)
    plsc.subcore_barrier()
    pltpu.sync_copy(
        acc_sh.at[pl.ds(s * RPT, RPT), :],
        out_hbm.at[c, pl.ds(s * RPT, RPT), :],
    )


def _loopsum_call(dst, vals):
    k = pl.kernel(
        _loopsum_body,
        out_type=jax.ShapeDtypeStruct((NC, NR, 32), jnp.float32),
        mesh=_mesh(),
        compiler_params=pltpu.CompilerParams(
            needs_layout_passes=False, use_tc_tiling_on_sc=False),
        scratch_types=[
            pltpu.VMEM((L_CH,), jnp.int32),
            pltpu.VMEM((L_CH, 32), jnp.float32),
            pltpu.VMEM((RPT, 32), jnp.float32),
            pltpu.VMEM_SHARED((NR, 32), jnp.float32),
            pltpu.SemaphoreType.DMA,
        ],
    )
    return k(dst, vals)


def _logits_body(src_hbm, dst_hbm, xl_hbm, xr_hbm, ef_hbm, att_hbm,
                 logit_hbm, outmax_hbm,
                 sbuf, dbuf, xlb, xrb, efb, lbuf, attb, mbuf, sem):
    c = lax.axis_index("c")
    s = lax.axis_index("s")
    wid = s * NC + c
    pltpu.sync_copy(att_hbm, attb)
    pltpu.sync_copy(src_hbm.at[pl.ds(wid * EPW, EPW)], sbuf)
    pltpu.sync_copy(dst_hbm.at[pl.ds(wid * EPW, EPW)], dbuf)
    att = [attb[pl.ds(q * 16, 16)] for q in range(16)]
    lanes = lax.iota(jnp.int32, 16)
    onehot = [jnp.where(lanes == h, 1.0, 0.0).astype(jnp.float32)
              for h in range(HEADS)]
    negv = jnp.full((16,), _NEG, jnp.float32)

    def chunk(g, wmax):
        base = wid * EPW + g * CH
        d1 = pltpu.async_copy(xl_hbm.at[sbuf.at[pl.ds(g * CH, CH)]], xlb, sem)
        d2 = pltpu.async_copy(xr_hbm.at[dbuf.at[pl.ds(g * CH, CH)]], xrb, sem)
        d3 = pltpu.async_copy(ef_hbm.at[pl.ds(base, CH), :], efb, sem)
        d1.wait()
        d2.wait()
        d3.wait()

        def edge(i, wmax):
            accs = []
            for h in range(HEADS):
                acc = jnp.zeros((16,), jnp.float32)
                for qq in range(4):
                    q = h * 4 + qq
                    m = (xlb[i, pl.ds(q * 16, 16)]
                         + xrb[i, pl.ds(q * 16, 16)]
                         + efb[i, pl.ds(q * 16, 16)])
                    m = jnp.maximum(m, 0.2 * m)
                    acc = acc + m * att[q]
                accs.append(acc)
            lvec = jnp.zeros((16,), jnp.float32)
            for h in range(HEADS):
                lvec = lvec + jnp.sum(accs[h]) * onehot[h]
            lbuf[i, :] = lvec
            return jnp.maximum(wmax, lvec)

        wmax = lax.fori_loop(0, CH, edge, wmax)
        pltpu.sync_copy(lbuf, logit_hbm.at[pl.ds(base, CH), :])
        return wmax

    wmax = lax.fori_loop(0, A_CHUNKS, chunk, negv)
    mbuf[:] = wmax
    pltpu.sync_copy(mbuf, outmax_hbm.at[pl.ds(wid * 16, 16)])


def _logits_call(srcp, dstp, xl, xr, ef, attf):
    k = pl.kernel(
        _logits_body,
        out_type=(
            jax.ShapeDtypeStruct((EP, 16), jnp.float32),
            jax.ShapeDtypeStruct((NW * 16,), jnp.float32),
        ),
        mesh=_mesh(),
        compiler_params=pltpu.CompilerParams(
            needs_layout_passes=False, use_tc_tiling_on_sc=False),
        scratch_types=[
            pltpu.VMEM((EPW,), jnp.int32),
            pltpu.VMEM((EPW,), jnp.int32),
            pltpu.VMEM((CH, HC), jnp.float32),
            pltpu.VMEM((CH, HC), jnp.float32),
            pltpu.VMEM((CH, HC), jnp.float32),
            pltpu.VMEM((CH, 16), jnp.float32),
            pltpu.VMEM((HC,), jnp.float32),
            pltpu.VMEM((16,), jnp.float32),
            pltpu.SemaphoreType.DMA,
        ],
    )
    return k(srcp, dstp, xl, xr, ef, attf)


def _agg_body(src_hbm, dst_hbm, logit_hbm, gmax_hbm, xl0_hbm, xl1_hbm,
              out0_hbm, out1_hbm,
              sbuf, dbuf, xlb, msgb, lbuf, gmb, acc_sh, sem):
    c = lax.axis_index("c")
    s = lax.axis_index("s")
    pltpu.sync_copy(gmax_hbm, gmb)
    gm = gmb[:]
    lanes = lax.iota(jnp.int32, 16)
    headmask = lanes < HEADS
    zero = jnp.zeros((16,), jnp.float32)
    _zero_rows(msgb, 128, 144)
    for r in range(5):
        pltpu.sync_copy(
            msgb, acc_sh.at[pl.ds(s * RPT + r * 128, 128), :])
    plsc.subcore_barrier()

    def run(xl_hbm, h0, h1):
        def chunk(g, _):
            base = s * C_EPW + g * CH
            d1 = pltpu.async_copy(src_hbm.at[pl.ds(base, CH)], sbuf, sem)
            d2 = pltpu.async_copy(dst_hbm.at[pl.ds(base, CH)], dbuf, sem)
            d3 = pltpu.async_copy(logit_hbm.at[pl.ds(base, CH), :], lbuf, sem)
            d1.wait()
            d2.wait()
            d3.wait()
            pltpu.async_copy(xl_hbm.at[sbuf], xlb, sem).wait()

            def edge(i, _):
                lv = lbuf[i, :]
                ez = jnp.exp(lv - gm)
                keep = jnp.logical_and(base + i < EV, headmask)
                ezm = jnp.where(keep, ez, zero)
                e0 = ezm[h0]
                e1 = ezm[h1]
                for q in range(8):
                    e = e0 if q < 4 else e1
                    msgb[i, pl.ds(q * 16, 16)] = e * xlb[i, pl.ds(q * 16, 16)]
                msgb[i, pl.ds(128, 16)] = ezm
                return 0

            lax.fori_loop(0, CH, edge, 0)
            pltpu.sync_copy(msgb, acc_sh.at[dbuf], add=True)
            return 0

        lax.fori_loop(0, C_CHUNKS, chunk, 0)

    @pl.when(c == 0)
    def _():
        run(xl0_hbm, 0, 1)

    @pl.when(c == 1)
    def _():
        run(xl1_hbm, 2, 3)

    plsc.subcore_barrier()

    def wout(o_hbm, h0, h1):
        def sub(r, _):
            row0 = s * RPT + r * 128
            pltpu.sync_copy(acc_sh.at[pl.ds(row0, 128), :], msgb)

            def row(i, _):
                d = jnp.maximum(msgb[i, pl.ds(128, 16)], 1e-30)
                invv = 1.0 / d
                i0 = invv[h0]
                i1 = invv[h1]
                for q in range(8):
                    iv = i0 if q < 4 else i1
                    xlb[i, pl.ds(q * 16, 16)] = iv * msgb[i, pl.ds(q * 16, 16)]
                return 0

            lax.fori_loop(0, 128, row, 0)
            pltpu.sync_copy(xlb, o_hbm.at[pl.ds(row0, 128), :])
            return 0

        lax.fori_loop(0, 5, sub, 0)

    @pl.when(c == 0)
    def _():
        wout(out0_hbm, 0, 1)

    @pl.when(c == 1)
    def _():
        wout(out1_hbm, 2, 3)


def _agg_call(srcp, dstp, logit, gmaxv, xl0, xl1):
    k = pl.kernel(
        _agg_body,
        out_type=(
            jax.ShapeDtypeStruct((NR, 128), jnp.float32),
            jax.ShapeDtypeStruct((NR, 128), jnp.float32),
        ),
        mesh=_mesh(),
        compiler_params=pltpu.CompilerParams(
            needs_layout_passes=False, use_tc_tiling_on_sc=False),
        scratch_types=[
            pltpu.VMEM((CH,), jnp.int32),
            pltpu.VMEM((CH,), jnp.int32),
            pltpu.VMEM((CH, 128), jnp.float32),
            pltpu.VMEM((CH, 144), jnp.float32),
            pltpu.VMEM((CH, 16), jnp.float32),
            pltpu.VMEM((16,), jnp.float32),
            pltpu.VMEM_SHARED((NR, 144), jnp.float32),
            pltpu.SemaphoreType.DMA,
        ],
    )
    return k(srcp, dstp, logit, gmaxv, xl0, xl1)


def _proj_kernel(h_ref, wl_ref, bl_ref, wr_ref, br_ref,
                 xl0_ref, xl1_ref, xr_ref):
    xl = jnp.dot(h_ref[...], wl_ref[...],
                 preferred_element_type=jnp.float32,
                 precision=lax.Precision.HIGHEST) + bl_ref[...]
    xl0_ref[...] = xl[:, :128]
    xl1_ref[...] = xl[:, 128:]
    xr_ref[...] = jnp.dot(h_ref[...], wr_ref[...],
                          preferred_element_type=jnp.float32,
                 precision=lax.Precision.HIGHEST) + br_ref[...]


def _proj_call(h, wlT, bl, wrT, br):
    ind = h.shape[1]
    rb = NR // 8
    return pl.pallas_call(
        _proj_kernel,
        grid=(8,),
        in_specs=[
            pl.BlockSpec((rb, ind), lambda i: (i, 0)),
            pl.BlockSpec((ind, HC), lambda i: (0, 0)),
            pl.BlockSpec((1, HC), lambda i: (0, 0)),
            pl.BlockSpec((ind, HC), lambda i: (0, 0)),
            pl.BlockSpec((1, HC), lambda i: (0, 0)),
        ],
        out_specs=(
            pl.BlockSpec((rb, 128), lambda i: (i, 0)),
            pl.BlockSpec((rb, 128), lambda i: (i, 0)),
            pl.BlockSpec((rb, HC), lambda i: (i, 0)),
        ),
        out_shape=(
            jax.ShapeDtypeStruct((NR, 128), jnp.float32),
            jax.ShapeDtypeStruct((NR, 128), jnp.float32),
            jax.ShapeDtypeStruct((NR, HC), jnp.float32),
        ),
    )(h, wlT, bl.reshape(1, HC), wrT, br.reshape(1, HC))


EF_BLK = 512
EF_GRID = EP // EF_BLK
EF_EDGE_BLKS = E // EF_BLK


def _ef_kernel(ea_ref, s_ref, we_ref, out_ref):
    i = pl.program_id(0)

    @pl.when(i < EF_EDGE_BLKS)
    def _():
        out_ref[...] = jnp.dot(ea_ref[...], we_ref[...],
                               preferred_element_type=jnp.float32,
                 precision=lax.Precision.HIGHEST)

    @pl.when(i >= EF_EDGE_BLKS)
    def _():
        sm = s_ref[0] + s_ref[1]
        cnt = jnp.clip(sm[:, 16:17], 1.0, None)
        la = sm[:, :16] / cnt
        out_ref[...] = jnp.dot(la, we_ref[...],
                               preferred_element_type=jnp.float32,
                 precision=lax.Precision.HIGHEST)


def _ef_call(edge_attr, sums_pad, weT):
    return pl.pallas_call(
        _ef_kernel,
        grid=(EF_GRID,),
        in_specs=[
            pl.BlockSpec((EF_BLK, EDGE_DIM),
                         lambda i: (jnp.minimum(i, EF_EDGE_BLKS - 1), 0)),
            pl.BlockSpec((NC, EF_BLK, 32),
                         lambda i: (0, jnp.clip(i - EF_EDGE_BLKS, 0,
                                                NR // EF_BLK - 1), 0)),
            pl.BlockSpec((EDGE_DIM, HC), lambda i: (0, 0)),
        ],
        out_specs=pl.BlockSpec((EF_BLK, HC), lambda i: (i, 0)),
        out_shape=jax.ShapeDtypeStruct((EP, HC), jnp.float32),
    )(edge_attr, sums_pad, weT)


def _gn_kernel(h0_ref, h1_ref, bias_ref, a_ref, w_ref, b_ref, out_ref):
    hb = jnp.concatenate([h0_ref[...], h1_ref[...]], axis=1) + bias_ref[...]
    rows = lax.broadcasted_iota(jnp.int32, (NR, 1), 0)
    mask = rows < N
    mean = jnp.sum(jnp.where(mask, hb, 0.0), axis=0, keepdims=True) / N
    cen = hb - a_ref[...] * mean
    var = jnp.sum(jnp.where(mask, cen * cen, 0.0),
                  axis=0, keepdims=True) / N
    res = cen * (w_ref[...] / jnp.sqrt(var + 1e-5)) + b_ref[...]
    out_ref[...] = jnp.maximum(res, 0.0)


def _gn_call(h0, h1, bias, gn_a, gn_w, gn_b):
    return pl.pallas_call(
        _gn_kernel,
        out_shape=jax.ShapeDtypeStruct((NR, HC), jnp.float32),
    )(h0, h1, bias.reshape(1, HC), gn_a.reshape(1, HC),
      gn_w.reshape(1, HC), gn_b.reshape(1, HC))


def _mlp_kernel(h_ref, w1_ref, b1_ref, w2_ref, b2_ref, w3_ref, b3_ref,
                out_ref):
    a1 = jnp.maximum(jnp.dot(h_ref[...], w1_ref[...],
                             preferred_element_type=jnp.float32,
                 precision=lax.Precision.HIGHEST)
                     + b1_ref[...], 0.0)
    a2 = jnp.maximum(jnp.dot(a1, w2_ref[...],
                             preferred_element_type=jnp.float32,
                 precision=lax.Precision.HIGHEST)
                     + b2_ref[...], 0.0)
    out_ref[...] = jnp.dot(a2, w3_ref[...],
                           preferred_element_type=jnp.float32,
                 precision=lax.Precision.HIGHEST) + b3_ref[...]


def _mlp_call(h, mlp):
    w1T = mlp['W1'].T
    b1 = mlp['b1'].reshape(1, 128)
    w2T = jnp.zeros((128, 128), jnp.float32).at[:, :64].set(mlp['W2'].T)
    b2 = jnp.zeros((1, 128), jnp.float32).at[:, :64].set(mlp['b2'])
    w3T = jnp.zeros((128, 128), jnp.float32).at[:64, :1].set(mlp['W3'].T)
    b3 = jnp.zeros((1, 128), jnp.float32).at[:, :1].set(mlp['b3'])
    rb = NR // 8
    out = pl.pallas_call(
        _mlp_kernel,
        grid=(8,),
        in_specs=[
            pl.BlockSpec((rb, HC), lambda i: (i, 0)),
            pl.BlockSpec((HC, 128), lambda i: (0, 0)),
            pl.BlockSpec((1, 128), lambda i: (0, 0)),
            pl.BlockSpec((128, 128), lambda i: (0, 0)),
            pl.BlockSpec((1, 128), lambda i: (0, 0)),
            pl.BlockSpec((128, 128), lambda i: (0, 0)),
            pl.BlockSpec((1, 128), lambda i: (0, 0)),
        ],
        out_specs=pl.BlockSpec((rb, 128), lambda i: (i, 0)),
        out_shape=jax.ShapeDtypeStruct((NR, 128), jnp.float32),
    )(h, w1T, b1, w2T, b2, w3T, b3)
    return out[:N, :1]


def kernel(x, edge_index, edge_attr, params):
    loop = jnp.arange(N, dtype=edge_index.dtype)
    padz = jnp.zeros((EP - EV,), edge_index.dtype)
    srcp = jnp.concatenate([edge_index[0], loop, padz])
    dstp = jnp.concatenate([edge_index[1], loop, padz])

    vals = jnp.concatenate(
        [edge_attr, jnp.ones((E, 1), jnp.float32),
         jnp.zeros((E, 15), jnp.float32)], axis=1)
    sums_pad = _loopsum_call(edge_index[1], vals)

    h = jnp.pad(x, ((0, NR - N), (0, 0)))
    for p in params['layers']:
        xl0, xl1, xr = _proj_call(h, p['Wl'].T, p['bl'], p['Wr'].T, p['br'])
        xl = jnp.concatenate([xl0, xl1], axis=1)
        ef = _ef_call(edge_attr, sums_pad, p['We'].T)
        attf = p['att'].reshape(HC)
        logit, outmax = _logits_call(srcp, dstp, xl, xr, ef, attf)
        gmaxv = jnp.full((16,), jnp.max(outmax), jnp.float32)
        h0agg, h1agg = _agg_call(srcp, dstp, logit, gmaxv, xl0, xl1)
        h = _gn_call(h0agg, h1agg, p['bias'], p['gn_a'], p['gn_w'], p['gn_b'])

    return _mlp_call(h, params['mlp'])

# --- scband reference (transcript-rebuilt; emitter-appended) ---
"""Pipeline reference for scband-gnnclassifier-63513976373731 (READ-ONLY COPY).

The authoritative reference and input builder live on the scoring server;
editing this copy changes nothing except your own understanding.
"""

import jax, jax.numpy as jnp
import numpy as np

N = 10000
E = 320000
D_FEAT = 128
EDGE_DIM = 16
HEADS = 4
HID = 64
HC = HEADS * HID


def _linear(key, out_dim, in_dim):
    return jax.random.normal(key, (out_dim, in_dim), dtype=jnp.float32) / np.sqrt(in_dim)


def _make_params(key):
    layers = []
    in_dim = D_FEAT
    for i in range(2):
        k = jax.random.fold_in(key, i)
        ks = jax.random.split(k, 4)
        layers.append({
            'Wl': _linear(ks[0], HC, in_dim),
            'bl': jnp.zeros((HC,), jnp.float32),
            'Wr': _linear(ks[1], HC, in_dim),
            'br': jnp.zeros((HC,), jnp.float32),
            'We': _linear(ks[2], HC, EDGE_DIM),
            'att': jax.random.normal(ks[3], (HEADS, HID), dtype=jnp.float32) / np.sqrt(HID),
            'bias': jnp.zeros((HC,), jnp.float32),
            'gn_w': jnp.ones((HC,), jnp.float32),
            'gn_b': jnp.zeros((HC,), jnp.float32),
            'gn_a': jnp.ones((HC,), jnp.float32),
        })
        in_dim = HC
    km = jax.random.split(jax.random.fold_in(key, 99), 3)
    mlp = {
        'W1': _linear(km[0], 128, HC), 'b1': jnp.zeros((128,), jnp.float32),
        'W2': _linear(km[1], 64, 128), 'b2': jnp.zeros((64,), jnp.float32),
        'W3': _linear(km[2], 1, 64), 'b3': jnp.zeros((1,), jnp.float32),
    }
    return {'layers': layers, 'mlp': mlp}


def setup_inputs(seed: int = 0):
    key = jax.random.key(seed)
    k1, k2, k3, k4 = jax.random.split(key, 4)
    x = jax.random.normal(k1, (N, D_FEAT), dtype=jnp.float32)
    edge_index = jax.random.randint(k2, (2, E), 0, N, dtype=jnp.int32)
    edge_attr = jax.random.normal(k3, (E, EDGE_DIM), dtype=jnp.float32)
    params = _make_params(k4)
    return {'x': x, 'edge_index': edge_index, 'edge_attr': edge_attr, 'params': params}


def _forward(x, edge_attr, params, edge_index):
    n = x.shape[0]
    loop = jnp.arange(n, dtype=edge_index.dtype)
    src = jnp.concatenate([edge_index[0], loop])
    dst = jnp.concatenate([edge_index[1], loop])
    # self-loop edge_attr filled with per-dst-node mean (PyG fill_value='mean')
    ones_e = jnp.ones((edge_attr.shape[0],), jnp.float32)
    cnt = jnp.clip(jax.ops.segment_sum(ones_e, edge_index[1], num_segments=n), 1.0, None)
    loop_attr = jax.ops.segment_sum(edge_attr, edge_index[1], num_segments=n) / cnt[:, None]
    ea = jnp.concatenate([edge_attr, loop_attr], axis=0)
    h = x
    for p in params['layers']:
        xl = (h @ p['Wl'].T + p['bl']).reshape(n, HEADS, HID)
        xr = (h @ p['Wr'].T + p['br']).reshape(n, HEADS, HID)
        ef = (ea @ p['We'].T).reshape(-1, HEADS, HID)
        m = xl[src] + xr[dst] + ef
        e = jax.nn.leaky_relu(m, negative_slope=0.2)
        logit = jnp.sum(e * p['att'][None, :, :], axis=-1)
        mx = jax.ops.segment_max(logit, dst, num_segments=n)
        mx = jnp.where(jnp.isfinite(mx), mx, 0.0)
        ez = jnp.exp(logit - mx[dst])
        den = jax.ops.segment_sum(ez, dst, num_segments=n)
        alpha = ez / (den[dst] + 1e-16)
        msg = xl[src] * alpha[:, :, None]
        h = jax.ops.segment_sum(msg, dst, num_segments=n).reshape(n, HC) + p['bias']
        # GraphNorm (single graph, eval): (x - a*mean)/sqrt(var+eps)*w + b
        mean = jnp.mean(h, axis=0, keepdims=True)
        out = h - p['gn_a'][None, :] * mean
        var = jnp.mean(out * out, axis=0, keepdims=True)
        h = out / jnp.sqrt(var + 1e-5) * p['gn_w'][None, :] + p['gn_b'][None, :]
        h = jax.nn.relu(h)
        # dropout: identity in eval mode
    mp = params['mlp']
    h = jax.nn.relu(h @ mp['W1'].T + mp['b1'])
    h = jax.nn.relu(h @ mp['W2'].T + mp['b2'])
    return h @ mp['W3'].T + mp['b3']


def reference(x, edge_index, edge_attr, params):
    return _forward(x, edge_attr, params, edge_index)

if __name__ == "__main__":
    import jax
    _d = setup_inputs()
    print(jax.jit(kernel)(*tuple(_d.values())))

</pallas_src>

<mosaic_0001>
#map = affine_map<(d0, d1) -> (0)>
#map1 = affine_map<(d0, d1) -> (0, 0)>
#map2 = affine_map<(d0, d1) -> (0, 0, 0)>
module attributes {stable_mosaic.version = 14 : i64} {
  func.func @_loopsum_body(%arg0: i32, %arg1: i32, %arg2: memref<320000xi32, #tpu.memory_space<hbm>>, %arg3: memref<320000x32xf32, #tpu.memory_space<hbm>>, %arg4: memref<2x10240x32xf32, #tpu.memory_space<hbm>>, %arg5: memref<80xi32, #tpu.memory_space<vmem>>, %arg6: memref<80x32xf32, #tpu.memory_space<vmem>>, %arg7: memref<640x32xf32, #tpu.memory_space<vmem>>, %arg8: memref<10240x32xf32, #tpu.memory_space<vmem_shared>>, %arg9: memref<!tpu.dma_semaphore, #tpu.memory_space<semaphore_mem>>) attributes {dimension_semantics = [#tpu.dimension_semantics<core_parallel>, #tpu.dimension_semantics<subcore_parallel>], iteration_bounds = array<i64: 2, 16>, scalar_prefetch = 0 : i64, scratch_operands = 5 : i64, tpu.core_type = #tpu.core_type<sc_vector_subcore>, window_params = [{transform_indices = #map}, {transform_indices = #map1}, {transform_indices = #map2}]} {
    %mul3A = arith.constant 2 : i32
    %mul3A_0 = arith.muli %arg1, %mul3A : i32
    %add3A = arith.addi %mul3A_0, %arg0 : i32
    %broadcast_in_dim3A = arith.constant 0.000000e+00 : f32
    %broadcast_in_dim3A_1 = vector.broadcast %broadcast_in_dim3A : f32 to vector<16xf32>
    %scan3A = arith.constant 0 : i32
    %scan3A_2 = arith.constant 0 : i32
    %scan3A_3 = arith.constant 640 : i32
    %scan3A_4 = arith.addi %scan3A_2, %scan3A_3 : i32
    %scan3A_5 = arith.constant 1 : i32
    %scan3A_6 = scf.for %scan3A_22 = %scan3A_2 to %scan3A_4 step %scan3A_5 iter_args(%scan3A_23 = %scan3A) -> (i32)  : i32 {
      %swap3A = arith.index_cast %scan3A_22 : i32 to index
      %swap3A_24 = arith.constant 0 : index
      %swap3A_25 = tpu.vector_load %arg7[%swap3A, %swap3A_24] {strides = array<i32>} : memref<640x32xf32, #tpu.memory_space<vmem>>, vector<16xf32>,
      tpu.vector_store %arg7[%swap3A, %swap3A_24], %broadcast_in_dim3A_1 {strides = array<i32>} : memref<640x32xf32, #tpu.memory_space<vmem>>, vector<16xf32>,
      %swap3A_26 = arith.index_cast %scan3A_22 : i32 to index
      %swap3A_27 = arith.constant 16 : index
      %swap3A_28 = tpu.vector_load %arg7[%swap3A_26, %swap3A_27] {strides = array<i32>} : memref<640x32xf32, #tpu.memory_space<vmem>>, vector<16xf32>,
      tpu.vector_store %arg7[%swap3A_26, %swap3A_27], %broadcast_in_dim3A_1 {strides = array<i32>} : memref<640x32xf32, #tpu.memory_space<vmem>>, vector<16xf32>,
      %scan3A_29 = arith.constant 0 : i32
      scf.yield %scan3A_29 : i32
    }
    %scan3A_7 = arith.constant 640 : i32
    %mul3A_8 = arith.constant 640 : i32
    %mul3A_9 = arith.muli %arg1, %mul3A_8 : i32
    "tpu.region"() ({
      %run_scoped3A = tpu.sem_alloc : memref<!tpu.dma_semaphore, #tpu.memory_space<semaphore_mem>>
      %dma_start3A = arith.constant 0 : i32
      %dma_start3A_22 = tpu.memref_slice %arg8[%mul3A_9, %dma_start3A] : memref<10240x32xf32, #tpu.memory_space<vmem_shared>> -> memref<640x32xf32, #tpu.memory_space<vmem_shared>>
      %dma_start3A_23 = arith.constant 0 : i32
      %dma_start3A_24 = tpu.memref_slice %arg8[%mul3A_9, %dma_start3A_23] : memref<10240x32xf32, #tpu.memory_space<vmem_shared>> -> memref<640x32xf32, #tpu.memory_space<vmem_shared>>
      tpu.enqueue_dma source(%arg7 : memref<640x32xf32, #tpu.memory_space<vmem>>) target(%dma_start3A_24 : memref<640x32xf32, #tpu.memory_space<vmem_shared>>) target_semaphore(%run_scoped3A : memref<!tpu.dma_semaphore, #tpu.memory_space<semaphore_mem>>)
      %dma_wait3A = arith.constant 0 : i32
      %dma_wait3A_25 = tpu.memref_slice %arg8[%mul3A_9, %dma_wait3A] : memref<10240x32xf32, #tpu.memory_space<vmem_shared>> -> memref<640x32xf32, #tpu.memory_space<vmem_shared>>
      %dma_wait3A_26 = arith.constant 0 : i32
      %dma_wait3A_27 = tpu.memref_slice %arg8[%mul3A_9, %dma_wait3A_26] : memref<10240x32xf32, #tpu.memory_space<vmem_shared>> -> memref<640x32xf32, #tpu.memory_space<vmem_shared>>
      tpu.wait_dma2 semaphore(%run_scoped3A : memref<!tpu.dma_semaphore, #tpu.memory_space<semaphore_mem>>) src(%arg7 : memref<640x32xf32, #tpu.memory_space<vmem>>) dst(%dma_wait3A_27 : memref<640x32xf32, #tpu.memory_space<vmem_shared>>)
      tpu.yield
    }) : () -> ()
    %barrier3A = arith.constant 0 : index
    tpu.barrier barrier_id(%barrier3A)
    %scan3A_10 = arith.constant 0 : i32
    %scan3A_11 = arith.constant 0 : i32
    %scan3A_12 = arith.constant 125 : i32
    %scan3A_13 = arith.addi %scan3A_11, %scan3A_12 : i32
    %scan3A_14 = arith.constant 1 : i32
    %scan3A_15 = scf.for %scan3A_22 = %scan3A_11 to %scan3A_13 step %scan3A_14 iter_args(%scan3A_23 = %scan3A_10) -> (i32)  : i32 {
      %mul3A_24 = arith.constant 10000 : i32
      %mul3A_25 = arith.muli %add3A, %mul3A_24 : i32
      %mul3A_26 = arith.constant 80 : i32
      %mul3A_27 = arith.muli %scan3A_22, %mul3A_26 : i32
      %add3A_28 = arith.addi %mul3A_25, %mul3A_27 : i32
      "tpu.region"() ({
        %run_scoped3A = tpu.sem_alloc : memref<!tpu.dma_semaphore, #tpu.memory_space<semaphore_mem>>
        %dma_start3A = tpu.memref_slice %arg2[%add3A_28] : memref<320000xi32, #tpu.memory_space<hbm>> -> memref<80xi32, #tpu.memory_space<hbm>>
        %dma_start3A_30 = tpu.memref_slice %arg2[%add3A_28] : memref<320000xi32, #tpu.memory_space<hbm>> -> memref<80xi32, #tpu.memory_space<hbm>>
        tpu.enqueue_dma source(%dma_start3A_30 : memref<80xi32, #tpu.memory_space<hbm>>) target(%arg5 : memref<80xi32, #tpu.memory_space<vmem>>) target_semaphore(%run_scoped3A : memref<!tpu.dma_semaphore, #tpu.memory_space<semaphore_mem>>)
        %dma_wait3A = tpu.memref_slice %arg2[%add3A_28] : memref<320000xi32, #tpu.memory_space<hbm>> -> memref<80xi32, #tpu.memory_space<hbm>>
        %dma_wait3A_31 = tpu.memref_slice %arg2[%add3A_28] : memref<320000xi32, #tpu.memory_space<hbm>> -> memref<80xi32, #tpu.memory_space<hbm>>
        tpu.wait_dma2 semaphore(%run_scoped3A : memref<!tpu.dma_semaphore, #tpu.memory_space<semaphore_mem>>) src(%dma_wait3A_31 : memref<80xi32, #tpu.memory_space<hbm>>) dst(%arg5 : memref<80xi32, #tpu.memory_space<vmem>>)
        tpu.yield
      }) : () -> ()
      "tpu.region"() ({
        %run_scoped3A = tpu.sem_alloc : memref<!tpu.dma_semaphore, #tpu.memory_space<semaphore_mem>>
        %dma_start3A = arith.constant 0 : i32
        %dma_start3A_30 = tpu.memref_slice %arg3[%add3A_28, %dma_start3A] : memref<320000x32xf32, #tpu.memory_space<hbm>> -> memref<80x32xf32, #tpu.memory_space<hbm>>
        %dma_start3A_31 = arith.constant 0 : i32
        %dma_start3A_32 = tpu.memref_slice %arg3[%add3A_28, %dma_start3A_31] : memref<320000x32xf32, #tpu.memory_space<hbm>> -> memref<80x32xf32, #tpu.memory_space<hbm>>
        tpu.enqueue_dma source(%dma_start3A_32 : memref<80x32xf32, #tpu.memory_space<hbm>>) target(%arg6 : memref<80x32xf32, #tpu.memory_space<vmem>>) target_semaphore(%run_scoped3A : memref<!tpu.dma_semaphore, #tpu.memory_space<semaphore_mem>>)
        %dma_wait3A = arith.constant 0 : i32
        %dma_wait3A_33 = tpu.memref_slice %arg3[%add3A_28, %dma_wait3A] : memref<320000x32xf32, #tpu.memory_space<hbm>> -> memref<80x32xf32, #tpu.memory_space<hbm>>
        %dma_wait3A_34 = arith.constant 0 : i32
        %dma_wait3A_35 = tpu.memref_slice %arg3[%add3A_28, %dma_wait3A_34] : memref<320000x32xf32, #tpu.memory_space<hbm>> -> memref<80x32xf32, #tpu.memory_space<hbm>>
        tpu.wait_dma2 semaphore(%run_scoped3A : memref<!tpu.dma_semaphore, #tpu.memory_space<semaphore_mem>>) src(%dma_wait3A_35 : memref<80x32xf32, #tpu.memory_space<hbm>>) dst(%arg6 : memref<80x32xf32, #tpu.memory_space<vmem>>)
        tpu.yield
      }) : () -> ()
      "tpu.region"() ({
        %run_scoped3A = tpu.sem_alloc : memref<!tpu.dma_semaphore, #tpu.memory_space<semaphore_mem>>
        %dma_start3A = arith.constant 0 : i32
        %dma_start3A_30 = arith.constant 0 : i32
        %dma_start3A_31 = tpu.memref_slice %arg8[%dma_start3A, %dma_start3A_30] : memref<10240x32xf32, #tpu.memory_space<vmem_shared>> -> memref<10240x32xf32, #tpu.memory_space<vmem_shared>>
        tpu.enqueue_indirect_dma source(%arg6 : memref<80x32xf32, #tpu.memory_space<vmem>>) target(%dma_start3A_31 : memref<10240x32xf32, #tpu.memory_space<vmem_shared>>) offsets(%arg5 : memref<80xi32, #tpu.memory_space<vmem>>) semaphore(%run_scoped3A : memref<!tpu.dma_semaphore, #tpu.memory_space<semaphore_mem>>) {add = true}
        %dma_wait3A = arith.constant 0 : i32
        %dma_wait3A_32 = arith.constant 0 : i32
        %dma_wait3A_33 = tpu.memref_slice %arg8[%dma_wait3A, %dma_wait3A_32] : memref<10240x32xf32, #tpu.memory_space<vmem_shared>> -> memref<10240x32xf32, #tpu.memory_space<vmem_shared>>
        tpu.wait_indirect_dma semaphore(%run_scoped3A : memref<!tpu.dma_semaphore, #tpu.memory_space<semaphore_mem>>) src(%arg6 : memref<80x32xf32, #tpu.memory_space<vmem>>) dst(%dma_wait3A_33 : memref<10240x32xf32, #tpu.memory_space<vmem_shared>>)
        tpu.yield
      }) : () -> ()
      %scan3A_29 = arith.constant 0 : i32
      scf.yield %scan3A_29 : i32
    }
    %scan3A_16 = arith.constant 125 : i32
    %barrier3A_17 = arith.constant 0 : index
    tpu.barrier barrier_id(%barrier3A_17)
    %mul3A_18 = arith.constant 640 : i32
    %mul3A_19 = arith.muli %arg1, %mul3A_18 : i32
    %mul3A_20 = arith.constant 640 : i32
    %mul3A_21 = arith.muli %arg1, %mul3A_20 : i32
    "tpu.region"() ({
      %run_scoped3A = tpu.sem_alloc : memref<!tpu.dma_semaphore, #tpu.memory_space<semaphore_mem>>
      %dma_start3A = arith.constant 0 : i32
      %dma_start3A_22 = tpu.memref_slice %arg4[%arg0, %mul3A_21, %dma_start3A] : memref<2x10240x32xf32, #tpu.memory_space<hbm>> -> memref<1x640x32xf32, #tpu.memory_space<hbm>>
      %dma_start3A_23 = tpu.memref_squeeze %dma_start3A_22 : memref<1x640x32xf32, #tpu.memory_space<hbm>> -> memref<640x32xf32, #tpu.memory_space<hbm>>
      %dma_start3A_24 = arith.constant 0 : i32
      %dma_start3A_25 = tpu.memref_slice %arg8[%mul3A_19, %dma_start3A_24] : memref<10240x32xf32, #tpu.memory_space<vmem_shared>> -> memref<640x32xf32, #tpu.memory_space<vmem_shared>>
      tpu.enqueue_dma source(%dma_start3A_25 : memref<640x32xf32, #tpu.memory_space<vmem_shared>>) target(%dma_start3A_23 : memref<640x32xf32, #tpu.memory_space<hbm>>) target_semaphore(%run_scoped3A : memref<!tpu.dma_semaphore, #tpu.memory_space<semaphore_mem>>)
      %dma_wait3A = arith.constant 0 : i32
      %dma_wait3A_26 = tpu.memref_slice %arg4[%arg0, %mul3A_21, %dma_wait3A] : memref<2x10240x32xf32, #tpu.memory_space<hbm>> -> memref<1x640x32xf32, #tpu.memory_space<hbm>>
      %dma_wait3A_27 = tpu.memref_squeeze %dma_wait3A_26 : memref<1x640x32xf32, #tpu.memory_space<hbm>> -> memref<640x32xf32, #tpu.memory_space<hbm>>
      %dma_wait3A_28 = arith.constant 0 : i32
      %dma_wait3A_29 = tpu.memref_slice %arg8[%mul3A_19, %dma_wait3A_28] : memref<10240x32xf32, #tpu.memory_space<vmem_shared>> -> memref<640x32xf32, #tpu.memory_space<vmem_shared>>
      tpu.wait_dma2 semaphore(%run_scoped3A : memref<!tpu.dma_semaphore, #tpu.memory_space<semaphore_mem>>) src(%dma_wait3A_29 : memref<640x32xf32, #tpu.memory_space<vmem_shared>>) dst(%dma_wait3A_27 : memref<640x32xf32, #tpu.memory_space<hbm>>)
      tpu.yield
    }) : () -> ()
    return
  }
}

#map = affine_map<(d0, d1) -> (0)>
#map1 = affine_map<(d0, d1) -> (0, 0)>
module attributes {stable_mosaic.version = 14 : i64} {
  func.func @_agg_body(%arg0: i32, %arg1: i32, %arg2: memref<335872xi32, #tpu.memory_space<hbm>>, %arg3: memref<335872xi32, #tpu.memory_space<hbm>>, %arg4: memref<335872x16xf32, #tpu.memory_space<hbm>>, %arg5: memref<16xf32, #tpu.memory_space<hbm>>, %arg6: memref<10240x128xf32, #tpu.memory_space<hbm>>, %arg7: memref<10240x128xf32, #tpu.memory_space<hbm>>, %arg8: memref<10240x128xf32, #tpu.memory_space<hbm>>, %arg9: memref<10240x128xf32, #tpu.memory_space<hbm>>, %arg10: memref<128xi32, #tpu.memory_space<vmem>>, %arg11: memref<128xi32, #tpu.memory_space<vmem>>, %arg12: memref<128x128xf32, #tpu.memory_space<vmem>>, %arg13: memref<128x144xf32, #tpu.memory_space<vmem>>, %arg14: memref<128x16xf32, #tpu.memory_space<vmem>>, %arg15: memref<16xf32, #tpu.memory_space<vmem>>, %arg16: memref<10240x144xf32, #tpu.memory_space<vmem_shared>>, %arg17: memref<!tpu.dma_semaphore, #tpu.memory_space<semaphore_mem>>) attributes {dimension_semantics = [#tpu.dimension_semantics<core_parallel>, #tpu.dimension_semantics<subcore_parallel>], iteration_bounds = array<i64: 2, 16>, scalar_prefetch = 0 : i64, scratch_operands = 8 : i64, tpu.core_type = #tpu.core_type<sc_vector_subcore>, window_params = [{transform_indices = #map}, {transform_indices = #map}, {transform_indices = #map1}, {transform_indices = #map}, {transform_indices = #map1}, {transform_indices = #map1}, {transform_indices = #map1}, {transform_indices = #map1}]} {
    "tpu.region"() ({
      %run_scoped3A = tpu.sem_alloc : memref<!tpu.dma_semaphore, #tpu.memory_space<semaphore_mem>>
      tpu.enqueue_dma source(%arg5 : memref<16xf32, #tpu.memory_space<hbm>>) target(%arg15 : memref<16xf32, #tpu.memory_space<vmem>>) target_semaphore(%run_scoped3A : memref<!tpu.dma_semaphore, #tpu.memory_space<semaphore_mem>>)
      tpu.wait_dma2 semaphore(%run_scoped3A : memref<!tpu.dma_semaphore, #tpu.memory_space<semaphore_mem>>) src(%arg5 : memref<16xf32, #tpu.memory_space<hbm>>) dst(%arg15 : memref<16xf32, #tpu.memory_space<vmem>>)
      tpu.yield
    }) : () -> ()
    %get3A = arith.constant 0 : index
    %get3A_0 = tpu.vector_load %arg15[%get3A] {strides = array<i32>} : memref<16xf32, #tpu.memory_space<vmem>>, vector<16xf32>,
    %iota3A = tpu.iota {dimensions = array<i32: 0>} : vector<16xi32>
    %lt3A = arith.constant 4 : i32
    %lt3A_1 = vector.broadcast %lt3A : i32 to vector<16xi32>
    %lt3A_2 = arith.cmpi slt, %iota3A, %lt3A_1 : vector<16xi32>
    %broadcast_in_dim3A = arith.constant 0.000000e+00 : f32
    %broadcast_in_dim3A_3 = vector.broadcast %broadcast_in_dim3A : f32 to vector<16xf32>
    %broadcast_in_dim3A_4 = arith.constant 0.000000e+00 : f32
    %broadcast_in_dim3A_5 = vector.broadcast %broadcast_in_dim3A_4 : f32 to vector<16xf32>
    %scan3A = arith.constant 0 : i32
    %scan3A_6 = arith.constant 0 : i32
    %scan3A_7 = arith.constant 128 : i32
    %scan3A_8 = arith.addi %scan3A_6, %scan3A_7 : i32
    %scan3A_9 = arith.constant 1 : i32
    %scan3A_10 = scf.for %scan3A_48 = %scan3A_6 to %scan3A_8 step %scan3A_9 iter_args(%scan3A_49 = %scan3A) -> (i32)  : i32 {
      %swap3A = arith.index_cast %scan3A_48 : i32 to index
      %swap3A_50 = arith.constant 0 : index
      %swap3A_51 = tpu.vector_load %arg13[%swap3A, %swap3A_50] {strides = array<i32>} : memref<128x144xf32, #tpu.memory_space<vmem>>, vector<16xf32>,
      tpu.vector_store %arg13[%swap3A, %swap3A_50], %broadcast_in_dim3A_5 {strides = array<i32>} : memref<128x144xf32, #tpu.memory_space<vmem>>, vector<16xf32>,
      %swap3A_52 = arith.index_cast %scan3A_48 : i32 to index
      %swap3A_53 = arith.constant 16 : index
      %swap3A_54 = tpu.vector_load %arg13[%swap3A_52, %swap3A_53] {strides = array<i32>} : memref<128x144xf32, #tpu.memory_space<vmem>>, vector<16xf32>,
      tpu.vector_store %arg13[%swap3A_52, %swap3A_53], %broadcast_in_dim3A_5 {strides = array<i32>} : memref<128x144xf32, #tpu.memory_space<vmem>>, vector<16xf32>,
      %swap3A_55 = arith.index_cast %scan3A_48 : i32 to index
      %swap3A_56 = arith.constant 32 : index
      %swap3A_57 = tpu.vector_load %arg13[%swap3A_55, %swap3A_56] {strides = array<i32>} : memref<128x144xf32, #tpu.memory_space<vmem>>, vector<16xf32>,
      tpu.vector_store %arg13[%swap3A_55, %swap3A_56], %broadcast_in_dim3A_5 {strides = array<i32>} : memref<128x144xf32, #tpu.memory_space<vmem>>, vector<16xf32>,
      %swap3A_58 = arith.index_cast %scan3A_48 : i32 to index
      %swap3A_59 = arith.constant 48 : index
      %swap3A_60 = tpu.vector_load %arg13[%swap3A_58, %swap3A_59] {strides = array<i32>} : memref<128x144xf32, #tpu.memory_space<vmem>>, vector<16xf32>,
      tpu.vector_store %arg13[%swap3A_58, %swap3A_59], %broadcast_in_dim3A_5 {strides = array<i32>} : memref<128x144xf32, #tpu.memory_space<vmem>>, vector<16xf32>,
      %swap3A_61 = arith.index_cast %scan3A_48 : i32 to index
      %swap3A_62 = arith.constant 64 : index
      %swap3A_63 = tpu.vector_load %arg13[%swap3A_61, %swap3A_62] {strides = array<i32>} : memref<128x144xf32, #tpu.memory_space<vmem>>, vector<16xf32>,
      tpu.vector_store %arg13[%swap3A_61, %swap3A_62], %broadcast_in_dim3A_5 {strides = array<i32>} : memref<128x144xf32, #tpu.memory_space<vmem>>, vector<16xf32>,
      %swap3A_64 = arith.index_cast %scan3A_48 : i32 to index
      %swap3A_65 = arith.constant 80 : index
      %swap3A_66 = tpu.vector_load %arg13[%swap3A_64, %swap3A_65] {strides = array<i32>} : memref<128x144xf32, #tpu.memory_space<vmem>>, vector<16xf32>,
      tpu.vector_store %arg13[%swap3A_64, %swap3A_65], %broadcast_in_dim3A_5 {strides = array<i32>} : memref<128x144xf32, #tpu.memory_space<vmem>>, vector<16xf32>,
      %swap3A_67 = arith.index_cast %scan3A_48 : i32 to index
      %swap3A_68 = arith.constant 96 : index
      %swap3A_69 = tpu.vector_load %arg13[%swap3A_67, %swap3A_68] {strides = array<i32>} : memref<128x144xf32, #tpu.memory_space<vmem>>, vector<16xf32>,
      tpu.vector_store %arg13[%swap3A_67, %swap3A_68], %broadcast_in_dim3A_5 {strides = array<i32>} : memref<128x144xf32, #tpu.memory_space<vmem>>, vector<16xf32>,
      %swap3A_70 = arith.index_cast %scan3A_48 : i32 to index
      %swap3A_71 = arith.constant 112 : index
      %swap3A_72 = tpu.vector_load %arg13[%swap3A_70, %swap3A_71] {strides = array<i32>} : memref<128x144xf32, #tpu.memory_space<vmem>>, vector<16xf32>,
      tpu.vector_store %arg13[%swap3A_70, %swap3A_71], %broadcast_in_dim3A_5 {strides = array<i32>} : memref<128x144xf32, #tpu.memory_space<vmem>>, vector<16xf32>,
      %swap3A_73 = arith.index_cast %scan3A_48 : i32 to index
      %swap3A_74 = arith.constant 128 : index
      %swap3A_75 = tpu.vector_load %arg13[%swap3A_73, %swap3A_74] {strides = array<i32>} : memref<128x144xf32, #tpu.memory_space<vmem>>, vector<16xf32>,
      tpu.vector_store %arg13[%swap3A_73, %swap3A_74], %broadcast_in_dim3A_5 {strides = array<i32>} : memref<128x144xf32, #tpu.memory_space<vmem>>, vector<16xf32>,
      %scan3A_76 = arith.constant 0 : i32
      scf.yield %scan3A_76 : i32
    }
    %scan3A_11 = arith.constant 128 : i32
    %mul3A = arith.constant 640 : i32
    %mul3A_12 = arith.muli %arg1, %mul3A : i32
    %add3A = arith.constant 0 : i32
    %add3A_13 = arith.addi %mul3A_12, %add3A : i32
    "tpu.region"() ({
      %run_scoped3A = tpu.sem_alloc : memref<!tpu.dma_semaphore, #tpu.memory_space<semaphore_mem>>
      %dma_start3A = arith.constant 0 : i32
      %dma_start3A_48 = tpu.memref_slice %arg16[%add3A_13, %dma_start3A] : memref<10240x144xf32, #tpu.memory_space<vmem_shared>> -> memref<128x144xf32, #tpu.memory_space<vmem_shared>>
      %dma_start3A_49 = arith.constant 0 : i32
      %dma_start3A_50 = tpu.memref_slice %arg16[%add3A_13, %dma_start3A_49] : memref<10240x144xf32, #tpu.memory_space<vmem_shared>> -> memref<128x144xf32, #tpu.memory_space<vmem_shared>>
      tpu.enqueue_dma source(%arg13 : memref<128x144xf32, #tpu.memory_space<vmem>>) target(%dma_start3A_50 : memref<128x144xf32, #tpu.memory_space<vmem_shared>>) target_semaphore(%run_scoped3A : memref<!tpu.dma_semaphore, #tpu.memory_space<semaphore_mem>>)
      %dma_wait3A = arith.constant 0 : i32
      %dma_wait3A_51 = tpu.memref_slice %arg16[%add3A_13, %dma_wait3A] : memref<10240x144xf32, #tpu.memory_space<vmem_shared>> -> memref<128x144xf32, #tpu.memory_space<vmem_shared>>
      %dma_wait3A_52 = arith.constant 0 : i32
      %dma_wait3A_53 = tpu.memref_slice %arg16[%add3A_13, %dma_wait3A_52] : memref<10240x144xf32, #tpu.memory_space<vmem_shared>> -> memref<128x144xf32, #tpu.memory_space<vmem_shared>>
      tpu.wait_dma2 semaphore(%run_scoped3A : memref<!tpu.dma_semaphore, #tpu.memory_space<semaphore_mem>>) src(%arg13 : memref<128x144xf32, #tpu.memory_space<vmem>>) dst(%dma_wait3A_53 : memref<128x144xf32, #tpu.memory_space<vmem_shared>>)
      tpu.yield
    }) : () -> ()
    %mul3A_14 = arith.constant 640 : i32
    %mul3A_15 = arith.muli %arg1, %mul3A_14 : i32
    %add3A_16 = arith.constant 128 : i32
    %add3A_17 = arith.addi %mul3A_15, %add3A_16 : i32
    "tpu.region"() ({
      %run_scoped3A = tpu.sem_alloc : memref<!tpu.dma_semaphore, #tpu.memory_space<semaphore_mem>>
      %dma_start3A = arith.constant 0 : i32
      %dma_start3A_48 = tpu.memref_slice %arg16[%add3A_17, %dma_start3A] : memref<10240x144xf32, #tpu.memory_space<vmem_shared>> -> memref<128x144xf32, #tpu.memory_space<vmem_shared>>
      %dma_start3A_49 = arith.constant 0 : i32
      %dma_start3A_50 = tpu.memref_slice %arg16[%add3A_17, %dma_start3A_49] : memref<10240x144xf32, #tpu.memory_space<vmem_shared>> -> memref<128x144xf32, #tpu.memory_space<vmem_shared>>
      tpu.enqueue_dma source(%arg13 : memref<128x144xf32, #tpu.memory_space<vmem>>) target(%dma_start3A_50 : memref<128x144xf32, #tpu.memory_space<vmem_shared>>) target_semaphore(%run_scoped3A : memref<!tpu.dma_semaphore, #tpu.memory_space<semaphore_mem>>)
      %dma_wait3A = arith.constant 0 : i32
      %dma_wait3A_51 = tpu.memref_slice %arg16[%add3A_17, %dma_wait3A] : memref<10240x144xf32, #tpu.memory_space<vmem_shared>> -> memref<128x144xf32, #tpu.memory_space<vmem_shared>>
      %dma_wait3A_52 = arith.constant 0 : i32
      %dma_wait3A_53 = tpu.memref_slice %arg16[%add3A_17, %dma_wait3A_52] : memref<10240x144xf32, #tpu.memory_space<vmem_shared>> -> memref<128x144xf32, #tpu.memory_space<vmem_shared>>
      tpu.wait_dma2 semaphore(%run_scoped3A : memref<!tpu.dma_semaphore, #tpu.memory_space<semaphore_mem>>) src(%arg13 : memref<128x144xf32, #tpu.memory_space<vmem>>) dst(%dma_wait3A_53 : memref<128x144xf32, #tpu.memory_space<vmem_shared>>)
      tpu.yield
    }) : () -> ()
    %mul3A_18 = arith.constant 640 : i32
    %mul3A_19 = arith.muli %arg1, %mul3A_18 : i32
    %add3A_20 = arith.constant 256 : i32
    %add3A_21 = arith.addi %mul3A_19, %add3A_20 : i32
    "tpu.region"() ({
      %run_scoped3A = tpu.sem_alloc : memref<!tpu.dma_semaphore, #tpu.memory_space<semaphore_mem>>
      %dma_start3A = arith.constant 0 : i32
      %dma_start3A_48 = tpu.memref_slice %arg16[%add3A_21, %dma_start3A] : memref<10240x144xf32, #tpu.memory_space<vmem_shared>> -> memref<128x144xf32, #tpu.memory_space<vmem_shared>>
      %dma_start3A_49 = arith.constant 0 : i32
      %dma_start3A_50 = tpu.memref_slice %arg16[%add3A_21, %dma_start3A_49] : memref<10240x144xf32, #tpu.memory_space<vmem_shared>> -> memref<128x144xf32, #tpu.memory_space<vmem_shared>>
      tpu.enqueue_dma source(%arg13 : memref<128x144xf32, #tpu.memory_space<vmem>>) target(%dma_start3A_50 : memref<128x144xf32, #tpu.memory_space<vmem_shared>>) target_semaphore(%run_scoped3A : memref<!tpu.dma_semaphore, #tpu.memory_space<semaphore_mem>>)
      %dma_wait3A = arith.constant 0 : i32
      %dma_wait3A_51 = tpu.memref_slice %arg16[%add3A_21, %dma_wait3A] : memref<10240x144xf32, #tpu.memory_space<vmem_shared>> -> memref<128x144xf32, #tpu.memory_space<vmem_shared>>
      %dma_wait3A_52 = arith.constant 0 : i32
      %dma_wait3A_53 = tpu.memref_slice %arg16[%add3A_21, %dma_wait3A_52] : memref<10240x144xf32, #tpu.memory_space<vmem_shared>> -> memref<128x144xf32, #tpu.memory_space<vmem_shared>>
      tpu.wait_dma2 semaphore(%run_scoped3A : memref<!tpu.dma_semaphore, #tpu.memory_space<semaphore_mem>>) src(%arg13 : memref<128x144xf32, #tpu.memory_space<vmem>>) dst(%dma_wait3A_53 : memref<128x144xf32, #tpu.memory_space<vmem_shared>>)
      tpu.yield
    }) : () -> ()
    %mul3A_22 = arith.constant 640 : i32
    %mul3A_23 = arith.muli %arg1, %mul3A_22 : i32
    %add3A_24 = arith.constant 384 : i32
    %add3A_25 = arith.addi %mul3A_23, %add3A_24 : i32
    "tpu.region"() ({
      %run_scoped3A = tpu.sem_alloc : memref<!tpu.dma_semaphore, #tpu.memory_space<semaphore_mem>>
      %dma_start3A = arith.constant 0 : i32
      %dma_start3A_48 = tpu.memref_slice %arg16[%add3A_25, %dma_start3A] : memref<10240x144xf32, #tpu.memory_space<vmem_shared>> -> memref<128x144xf32, #tpu.memory_space<vmem_shared>>
      %dma_start3A_49 = arith.constant 0 : i32
      %dma_start3A_50 = tpu.memref_slice %arg16[%add3A_25, %dma_start3A_49] : memref<10240x144xf32, #tpu.memory_space<vmem_shared>> -> memref<128x144xf32, #tpu.memory_space<vmem_shared>>
      tpu.enqueue_dma source(%arg13 : memref<128x144xf32, #tpu.memory_space<vmem>>) target(%dma_start3A_50 : memref<128x144xf32, #tpu.memory_space<vmem_shared>>) target_semaphore(%run_scoped3A : memref<!tpu.dma_semaphore, #tpu.memory_space<semaphore_mem>>)
      %dma_wait3A = arith.constant 0 : i32
      %dma_wait3A_51 = tpu.memref_slice %arg16[%add3A_25, %dma_wait3A] : memref<10240x144xf32, #tpu.memory_space<vmem_shared>> -> memref<128x144xf32, #tpu.memory_space<vmem_shared>>
      %dma_wait3A_52 = arith.constant 0 : i32
      %dma_wait3A_53 = tpu.memref_slice %arg16[%add3A_25, %dma_wait3A_52] : memref<10240x144xf32, #tpu.memory_space<vmem_shared>> -> memref<128x144xf32, #tpu.memory_space<vmem_shared>>
      tpu.wait_dma2 semaphore(%run_scoped3A : memref<!tpu.dma_semaphore, #tpu.memory_space<semaphore_mem>>) src(%arg13 : memref<128x144xf32, #tpu.memory_space<vmem>>) dst(%dma_wait3A_53 : memref<128x144xf32, #tpu.memory_space<vmem_shared>>)
      tpu.yield
    }) : () -> ()
    %mul3A_26 = arith.constant 640 : i32
    %mul3A_27 = arith.muli %arg1, %mul3A_26 : i32
    %add3A_28 = arith.constant 512 : i32
    %add3A_29 = arith.addi %mul3A_27, %add3A_28 : i32
    "tpu.region"() ({
      %run_scoped3A = tpu.sem_alloc : memref<!tpu.dma_semaphore, #tpu.memory_space<semaphore_mem>>
      %dma_start3A = arith.constant 0 : i32
      %dma_start3A_48 = tpu.memref_slice %arg16[%add3A_29, %dma_start3A] : memref<10240x144xf32, #tpu.memory_space<vmem_shared>> -> memref<128x144xf32, #tpu.memory_space<vmem_shared>>
      %dma_start3A_49 = arith.constant 0 : i32
      %dma_start3A_50 = tpu.memref_slice %arg16[%add3A_29, %dma_start3A_49] : memref<10240x144xf32, #tpu.memory_space<vmem_shared>> -> memref<128x144xf32, #tpu.memory_space<vmem_shared>>
      tpu.enqueue_dma source(%arg13 : memref<128x144xf32, #tpu.memory_space<vmem>>) target(%dma_start3A_50 : memref<128x144xf32, #tpu.memory_space<vmem_shared>>) target_semaphore(%run_scoped3A : memref<!tpu.dma_semaphore, #tpu.memory_space<semaphore_mem>>)
      %dma_wait3A = arith.constant 0 : i32
      %dma_wait3A_51 = tpu.memref_slice %arg16[%add3A_29, %dma_wait3A] : memref<10240x144xf32, #tpu.memory_space<vmem_shared>> -> memref<128x144xf32, #tpu.memory_space<vmem_shared>>
      %dma_wait3A_52 = arith.constant 0 : i32
      %dma_wait3A_53 = tpu.memref_slice %arg16[%add3A_29, %dma_wait3A_52] : memref<10240x144xf32, #tpu.memory_space<vmem_shared>> -> memref<128x144xf32, #tpu.memory_space<vmem_shared>>
      tpu.wait_dma2 semaphore(%run_scoped3A : memref<!tpu.dma_semaphore, #tpu.memory_space<semaphore_mem>>) src(%arg13 : memref<128x144xf32, #tpu.memory_space<vmem>>) dst(%dma_wait3A_53 : memref<128x144xf32, #tpu.memory_space<vmem_shared>>)
      tpu.yield
    }) : () -> ()
    %barrier3A = arith.constant 0 : index
    tpu.barrier barrier_id(%barrier3A)
    %eq3A = arith.constant 0 : i32
    %eq3A_30 = arith.cmpi eq, %arg0, %eq3A : i32
    %convert_element_type3A = arith.extui %eq3A_30 : i1 to i32
    %cond3A = arith.constant 0 : i32
    %cond3A_31 = arith.cmpi ne, %convert_element_type3A, %cond3A : i32
    scf.if %cond3A_31 {
      %scan3A_48 = arith.constant 0 : i32
      %scan3A_49 = arith.constant 0 : i32
      %scan3A_50 = arith.constant 164 : i32
      %scan3A_51 = arith.addi %scan3A_49, %scan3A_50 : i32
      %scan3A_52 = arith.constant 1 : i32
      %scan3A_53 = scf.for %scan3A_55 = %scan3A_49 to %scan3A_51 step %scan3A_52 iter_args(%scan3A_56 = %scan3A_48) -> (i32)  : i32 {
        %mul3A_57 = arith.constant 20992 : i32
        %mul3A_58 = arith.muli %arg1, %mul3A_57 : i32
        %mul3A_59 = arith.constant 128 : i32
        %mul3A_60 = arith.muli %scan3A_55, %mul3A_59 : i32
        %add3A_61 = arith.addi %mul3A_58, %mul3A_60 : i32
        %dma_start3A = tpu.memref_slice %arg2[%add3A_61] : memref<335872xi32, #tpu.memory_space<hbm>> -> memref<128xi32, #tpu.memory_space<hbm>>
        %dma_start3A_62 = tpu.memref_slice %arg2[%add3A_61] : memref<335872xi32, #tpu.memory_space<hbm>> -> memref<128xi32, #tpu.memory_space<hbm>>
        tpu.enqueue_dma source(%dma_start3A_62 : memref<128xi32, #tpu.memory_space<hbm>>) target(%arg10 : memref<128xi32, #tpu.memory_space<vmem>>) target_semaphore(%arg17 : memref<!tpu.dma_semaphore, #tpu.memory_space<semaphore_mem>>)
        %dma_start3A_63 = tpu.memref_slice %arg3[%add3A_61] : memref<335872xi32, #tpu.memory_space<hbm>> -> memref<128xi32, #tpu.memory_space<hbm>>
        %dma_start3A_64 = tpu.memref_slice %arg3[%add3A_61] : memref<335872xi32, #tpu.memory_space<hbm>> -> memref<128xi32, #tpu.memory_space<hbm>>
        tpu.enqueue_dma source(%dma_start3A_64 : memref<128xi32, #tpu.memory_space<hbm>>) target(%arg11 : memref<128xi32, #tpu.memory_space<vmem>>) target_semaphore(%arg17 : memref<!tpu.dma_semaphore, #tpu.memory_space<semaphore_mem>>)
        %dma_start3A_65 = arith.constant 0 : i32
        %dma_start3A_66 = tpu.memref_slice %arg4[%add3A_61, %dma_start3A_65] : memref<335872x16xf32, #tpu.memory_space<hbm>> -> memref<128x16xf32, #tpu.memory_space<hbm>>
        %dma_start3A_67 = arith.constant 0 : i32
        %dma_start3A_68 = tpu.memref_slice %arg4[%add3A_61, %dma_start3A_67] : memref<335872x16xf32, #tpu.memory_space<hbm>> -> memref<128x16xf32, #tpu.memory_space<hbm>>
        tpu.enqueue_dma source(%dma_start3A_68 : memref<128x16xf32, #tpu.memory_space<hbm>>) target(%arg14 : memref<128x16xf32, #tpu.memory_space<vmem>>) target_semaphore(%arg17 : memref<!tpu.dma_semaphore, #tpu.memory_space<semaphore_mem>>)
        %dma_wait3A = tpu.memref_slice %arg2[%add3A_61] : memref<335872xi32, #tpu.memory_space<hbm>> -> memref<128xi32, #tpu.memory_space<hbm>>
        %dma_wait3A_69 = tpu.memref_slice %arg2[%add3A_61] : memref<335872xi32, #tpu.memory_space<hbm>> -> memref<128xi32, #tpu.memory_space<hbm>>
        tpu.wait_dma2 semaphore(%arg17 : memref<!tpu.dma_semaphore, #tpu.memory_space<semaphore_mem>>) src(%dma_wait3A_69 : memref<128xi32, #tpu.memory_space<hbm>>) dst(%arg10 : memref<128xi32, #tpu.memory_space<vmem>>)
        %dma_wait3A_70 = tpu.memref_slice %arg3[%add3A_61] : memref<335872xi32, #tpu.memory_space<hbm>> -> memref<128xi32, #tpu.memory_space<hbm>>
        %dma_wait3A_71 = tpu.memref_slice %arg3[%add3A_61] : memref<335872xi32, #tpu.memory_space<hbm>> -> memref<128xi32, #tpu.memory_space<hbm>>
        tpu.wait_dma2 semaphore(%arg17 : memref<!tpu.dma_semaphore, #tpu.memory_space<semaphore_mem>>) src(%dma_wait3A_71 : memref<128xi32, #tpu.memory_space<hbm>>) dst(%arg11 : memref<128xi32, #tpu.memory_space<vmem>>)
        %dma_wait3A_72 = arith.constant 0 : i32
        %dma_wait3A_73 = tpu.memref_slice %arg4[%add3A_61, %dma_wait3A_72] : memref<335872x16xf32, #tpu.memory_space<hbm>> -> memref<128x16xf32, #tpu.memory_space<hbm>>
        %dma_wait3A_74 = arith.constant 0 : i32
        %dma_wait3A_75 = tpu.memref_slice %arg4[%add3A_61, %dma_wait3A_74] : memref<335872x16xf32, #tpu.memory_space<hbm>> -> memref<128x16xf32, #tpu.memory_space<hbm>>
        tpu.wait_dma2 semaphore(%arg17 : memref<!tpu.dma_semaphore, #tpu.memory_space<semaphore_mem>>) src(%dma_wait3A_75 : memref<128x16xf32, #tpu.memory_space<hbm>>) dst(%arg14 : memref<128x16xf32, #tpu.memory_space<vmem>>)
        %dma_start3A_76 = arith.constant 0 : i32
        %dma_start3A_77 = arith.constant 0 : i32
        %dma_start3A_78 = tpu.memref_slice %arg6[%dma_start3A_76, %dma_start3A_77] : memref<10240x128xf32, #tpu.memory_space<hbm>> -> memref<10240x128xf32, #tpu.memory_space<hbm>>
        tpu.enqueue_indirect_dma source(%dma_start3A_78 : memref<10240x128xf32, #tpu.memory_space<hbm>>) target(%arg12 : memref<128x128xf32, #tpu.memory_space<vmem>>) offsets(%arg10 : memref<128xi32, #tpu.memory_space<vmem>>) semaphore(%arg17 : memref<!tpu.dma_semaphore, #tpu.memory_space<semaphore_mem>>)
        %dma_wait3A_79 = arith.constant 0 : i32
        %dma_wait3A_80 = arith.constant 0 : i32
        %dma_wait3A_81 = tpu.memref_slice %arg6[%dma_wait3A_79, %dma_wait3A_80] : memref<10240x128xf32, #tpu.memory_space<hbm>> -> memref<10240x128xf32, #tpu.memory_space<hbm>>
        tpu.wait_indirect_dma semaphore(%arg17 : memref<!tpu.dma_semaphore, #tpu.memory_space<semaphore_mem>>) src(%dma_wait3A_81 : memref<10240x128xf32, #tpu.memory_space<hbm>>) dst(%arg12 : memref<128x128xf32, #tpu.memory_space<vmem>>)
        %scan3A_82 = arith.constant 0 : i32
        %scan3A_83 = arith.constant 0 : i32
        %scan3A_84 = arith.constant 128 : i32
        %scan3A_85 = arith.addi %scan3A_83, %scan3A_84 : i32
        %scan3A_86 = arith.constant 1 : i32
        %scan3A_87 = scf.for %scan3A_90 = %scan3A_83 to %scan3A_85 step %scan3A_86 iter_args(%scan3A_91 = %scan3A_82) -> (i32)  : i32 {
          %get3A_92 = arith.index_cast %scan3A_90 : i32 to index
          %get3A_93 = arith.constant 0 : index
          %get3A_94 = tpu.vector_load %arg14[%get3A_92, %get3A_93] {strides = array<i32>} : memref<128x16xf32, #tpu.memory_space<vmem>>, vector<16xf32>,
          %sub3A = arith.subf %get3A_94, %get3A_0 : vector<16xf32>
          %exp3A = math.exp %sub3A : vector<16xf32>
          %add3A_95 = arith.addi %add3A_61, %scan3A_90 : i32
          %lt3A_96 = arith.constant 330000 : i32
          %lt3A_97 = arith.cmpi slt, %add3A_95, %lt3A_96 : i32
          %and3A = vector.broadcast %lt3A_97 : i1 to vector<16xi1>
          %and3A_98 = arith.andi %and3A, %lt3A_2 : vector<16xi1>
          %select_n3A = arith.select %and3A_98, %exp3A, %broadcast_in_dim3A_3 : vector<16xi1>, vector<16xf32>
          %slice3A = vector.extract_strided_slice %select_n3A {offsets = [0], sizes = [1], strides = [1]} : vector<16xf32> to vector<1xf32>
          %squeeze3A = vector.extract %slice3A[0] : f32 from vector<1xf32>
          %slice3A_99 = vector.extract_strided_slice %select_n3A {offsets = [1], sizes = [1], strides = [1]} : vector<16xf32> to vector<1xf32>
          %squeeze3A_100 = vector.extract %slice3A_99[0] : f32 from vector<1xf32>
          %get3A_101 = arith.index_cast %scan3A_90 : i32 to index
          %get3A_102 = arith.constant 0 : index
          %get3A_103 = tpu.vector_load %arg12[%get3A_101, %get3A_102] {strides = array<i32>} : memref<128x128xf32, #tpu.memory_space<vmem>>, vector<16xf32>,
          %mul3A_104 = vector.broadcast %squeeze3A : f32 to vector<16xf32>
          %mul3A_105 = arith.mulf %mul3A_104, %get3A_103 : vector<16xf32>
          %swap3A = arith.index_cast %scan3A_90 : i32 to index
          %swap3A_106 = arith.constant 0 : index
          %swap3A_107 = tpu.vector_load %arg13[%swap3A, %swap3A_106] {strides = array<i32>} : memref<128x144xf32, #tpu.memory_space<vmem>>, vector<16xf32>,
          tpu.vector_store %arg13[%swap3A, %swap3A_106], %mul3A_105 {strides = array<i32>} : memref<128x144xf32, #tpu.memory_space<vmem>>, vector<16xf32>,
          %get3A_108 = arith.index_cast %scan3A_90 : i32 to index
          %get3A_109 = arith.constant 16 : index
          %get3A_110 = tpu.vector_load %arg12[%get3A_108, %get3A_109] {strides = array<i32>} : memref<128x128xf32, #tpu.memory_space<vmem>>, vector<16xf32>,
          %mul3A_111 = vector.broadcast %squeeze3A : f32 to vector<16xf32>
          %mul3A_112 = arith.mulf %mul3A_111, %get3A_110 : vector<16xf32>
          %swap3A_113 = arith.index_cast %scan3A_90 : i32 to index
          %swap3A_114 = arith.constant 16 : index
          %swap3A_115 = tpu.vector_load %arg13[%swap3A_113, %swap3A_114] {strides = array<i32>} : memref<128x144xf32, #tpu.memory_space<vmem>>, vector<16xf32>,
          tpu.vector_store %arg13[%swap3A_113, %swap3A_114], %mul3A_112 {strides = array<i32>} : memref<128x144xf32, #tpu.memory_space<vmem>>, vector<16xf32>,
          %get3A_116 = arith.index_cast %scan3A_90 : i32 to index
          %get3A_117 = arith.constant 32 : index
          %get3A_118 = tpu.vector_load %arg12[%get3A_116, %get3A_117] {strides = array<i32>} : memref<128x128xf32, #tpu.memory_space<vmem>>, vector<16xf32>,
          %mul3A_119 = vector.broadcast %squeeze3A : f32 to vector<16xf32>
          %mul3A_120 = arith.mulf %mul3A_119, %get3A_118 : vector<16xf32>
          %swap3A_121 = arith.index_cast %scan3A_90 : i32 to index
          %swap3A_122 = arith.constant 32 : index
          %swap3A_123 = tpu.vector_load %arg13[%swap3A_121, %swap3A_122] {strides = array<i32>} : memref<128x144xf32, #tpu.memory_space<vmem>>, vector<16xf32>,
          tpu.vector_store %arg13[%swap3A_121, %swap3A_122], %mul3A_120 {strides = array<i32>} : memref<128x144xf32, #tpu.memory_space<vmem>>, vector<16xf32>,
          %get3A_124 = arith.index_cast %scan3A_90 : i32 to index
          %get3A_125 = arith.constant 48 : index
          %get3A_126 = tpu.vector_load %arg12[%get3A_124, %get3A_125] {strides = array<i32>} : memref<128x128xf32, #tpu.memory_space<vmem>>, vector<16xf32>,
          %mul3A_127 = vector.broadcast %squeeze3A : f32 to vector<16xf32>
          %mul3A_128 = arith.mulf %mul3A_127, %get3A_126 : vector<16xf32>
          %swap3A_129 = arith.index_cast %scan3A_90 : i32 to index
          %swap3A_130 = arith.constant 48 : index
          %swap3A_131 = tpu.vector_load %arg13[%swap3A_129, %swap3A_130] {strides = array<i32>} : memref<128x144xf32, #tpu.memory_space<vmem>>, vector<16xf32>,
          tpu.vector_store %arg13[%swap3A_129, %swap3A_130], %mul3A_128 {strides = array<i32>} : memref<128x144xf32, #tpu.memory_space<vmem>>, vector<16xf32>,
          %get3A_132 = arith.index_cast %scan3A_90 : i32 to index
          %get3A_133 = arith.constant 64 : index
          %get3A_134 = tpu.vector_load %arg12[%get3A_132, %get3A_133] {strides = array<i32>} : memref<128x128xf32, #tpu.memory_space<vmem>>, vector<16xf32>,
          %mul3A_135 = vector.broadcast %squeeze3A_100 : f32 to vector<16xf32>
          %mul3A_136 = arith.mulf %mul3A_135, %get3A_134 : vector<16xf32>
          %swap3A_137 = arith.index_cast %scan3A_90 : i32 to index
          %swap3A_138 = arith.constant 64 : index
          %swap3A_139 = tpu.vector_load %arg13[%swap3A_137, %swap3A_138] {strides = array<i32>} : memref<128x144xf32, #tpu.memory_space<vmem>>, vector<16xf32>,
          tpu.vector_store %arg13[%swap3A_137, %swap3A_138], %mul3A_136 {strides = array<i32>} : memref<128x144xf32, #tpu.memory_space<vmem>>, vector<16xf32>,
          %get3A_140 = arith.index_cast %scan3A_90 : i32 to index
          %get3A_141 = arith.constant 80 : index
          %get3A_142 = tpu.vector_load %arg12[%get3A_140, %get3A_141] {strides = array<i32>} : memref<128x128xf32, #tpu.memory_space<vmem>>, vector<16xf32>,
          %mul3A_143 = vector.broadcast %squeeze3A_100 : f32 to vector<16xf32>
          %mul3A_144 = arith.mulf %mul3A_143, %get3A_142 : vector<16xf32>
          %swap3A_145 = arith.index_cast %scan3A_90 : i32 to index
          %swap3A_146 = arith.constant 80 : index
          %swap3A_147 = tpu.vector_load %arg13[%swap3A_145, %swap3A_146] {strides = array<i32>} : memref<128x144xf32, #tpu.memory_space<vmem>>, vector<16xf32>,
          tpu.vector_store %arg13[%swap3A_145, %swap3A_146], %mul3A_144 {strides = array<i32>} : memref<128x144xf32, #tpu.memory_space<vmem>>, vector<16xf32>,
          %get3A_148 = arith.index_cast %scan3A_90 : i32 to index
          %get3A_149 = arith.constant 96 : index
          %get3A_150 = tpu.vector_load %arg12[%get3A_148, %get3A_149] {strides = array<i32>} : memref<128x128xf32, #tpu.memory_space<vmem>>, vector<16xf32>,
          %mul3A_151 = vector.broadcast %squeeze3A_100 : f32 to vector<16xf32>
          %mul3A_152 = arith.mulf %mul3A_151, %get3A_150 : vector<16xf32>
          %swap3A_153 = arith.index_cast %scan3A_90 : i32 to index
          %swap3A_154 = arith.constant 96 : index
          %swap3A_155 = tpu.vector_load %arg13[%swap3A_153, %swap3A_154] {strides = array<i32>} : memref<128x144xf32, #tpu.memory_space<vmem>>, vector<16xf32>,
          tpu.vector_store %arg13[%swap3A_153, %swap3A_154], %mul3A_152 {strides = array<i32>} : memref<128x144xf32, #tpu.memory_space<vmem>>, vector<16xf32>,
          %get3A_156 = arith.index_cast %scan3A_90 : i32 to index
          %get3A_157 = arith.constant 112 : index
          %get3A_158 = tpu.vector_load %arg12[%get3A_156, %get3A_157] {strides = array<i32>} : memref<128x128xf32, #tpu.memory_space<vmem>>, vector<16xf32>,
          %mul3A_159 = vector.broadcast %squeeze3A_100 : f32 to vector<16xf32>
          %mul3A_160 = arith.mulf %mul3A_159, %get3A_158 : vector<16xf32>
          %swap3A_161 = arith.index_cast %scan3A_90 : i32 to index
          %swap3A_162 = arith.constant 112 : index
          %swap3A_163 = tpu.vector_load %arg13[%swap3A_161, %swap3A_162] {strides = array<i32>} : memref<128x144xf32, #tpu.memory_space<vmem>>, vector<16xf32>,
          tpu.vector_store %arg13[%swap3A_161, %swap3A_162], %mul3A_160 {strides = array<i32>} : memref<128x144xf32, #tpu.memory_space<vmem>>, vector<16xf32>,
          %swap3A_164 = arith.index_cast %scan3A_90 : i32 to index
          %swap3A_165 = arith.constant 128 : index
          %swap3A_166 = tpu.vector_load %arg13[%swap3A_164, %swap3A_165] {strides = array<i32>} : memref<128x144xf32, #tpu.memory_space<vmem>>, vector<16xf32>,
          tpu.vector_store %arg13[%swap3A_164, %swap3A_165], %select_n3A {strides = array<i32>} : memref<128x144xf32, #tpu.memory_space<vmem>>, vector<16xf32>,
          %scan3A_167 = arith.constant 0 : i32
          scf.yield %scan3A_167 : i32
        }
        %scan3A_88 = arith.constant 128 : i32
        "tpu.region"() ({
          %run_scoped3A = tpu.sem_alloc : memref<!tpu.dma_semaphore, #tpu.memory_space<semaphore_mem>>
          %dma_start3A_90 = arith.constant 0 : i32
          %dma_start3A_91 = arith.constant 0 : i32
          %dma_start3A_92 = tpu.memref_slice %arg16[%dma_start3A_90, %dma_start3A_91] : memref<10240x144xf32, #tpu.memory_space<vmem_shared>> -> memref<10240x144xf32, #tpu.memory_space<vmem_shared>>
          tpu.enqueue_indirect_dma source(%arg13 : memref<128x144xf32, #tpu.memory_space<vmem>>) target(%dma_start3A_92 : memref<10240x144xf32, #tpu.memory_space<vmem_shared>>) offsets(%arg11 : memref<128xi32, #tpu.memory_space<vmem>>) semaphore(%run_scoped3A : memref<!tpu.dma_semaphore, #tpu.memory_space<semaphore_mem>>) {add = true}
          %dma_wait3A_93 = arith.constant 0 : i32
          %dma_wait3A_94 = arith.constant 0 : i32
          %dma_wait3A_95 = tpu.memref_slice %arg16[%dma_wait3A_93, %dma_wait3A_94] : memref<10240x144xf32, #tpu.memory_space<vmem_shared>> -> memref<10240x144xf32, #tpu.memory_space<vmem_shared>>
          tpu.wait_indirect_dma semaphore(%run_scoped3A : memref<!tpu.dma_semaphore, #tpu.memory_space<semaphore_mem>>) src(%arg13 : memref<128x144xf32, #tpu.memory_space<vmem>>) dst(%dma_wait3A_95 : memref<10240x144xf32, #tpu.memory_space<vmem_shared>>)
          tpu.yield
        }) : () -> ()
        %scan3A_89 = arith.constant 0 : i32
        scf.yield %scan3A_89 : i32
      }
      %scan3A_54 = arith.constant 164 : i32
    } else {
    }
    %eq3A_32 = arith.constant 1 : i32
    %eq3A_33 = arith.cmpi eq, %arg0, %eq3A_32 : i32
    %convert_element_type3A_34 = arith.extui %eq3A_33 : i1 to i32
    %cond3A_35 = arith.constant 0 : i32
    %cond3A_36 = arith.cmpi ne, %convert_element_type3A_34, %cond3A_35 : i32
    scf.if %cond3A_36 {
      %scan3A_48 = arith.constant 0 : i32
      %scan3A_49 = arith.constant 0 : i32
      %scan3A_50 = arith.constant 164 : i32
      %scan3A_51 = arith.addi %scan3A_49, %scan3A_50 : i32
      %scan3A_52 = arith.constant 1 : i32
      %scan3A_53 = scf.for %scan3A_55 = %scan3A_49 to %scan3A_51 step %scan3A_52 iter_args(%scan3A_56 = %scan3A_48) -> (i32)  : i32 {
        %mul3A_57 = arith.constant 20992 : i32
        %mul3A_58 = arith.muli %arg1, %mul3A_57 : i32
        %mul3A_59 = arith.constant 128 : i32
        %mul3A_60 = arith.muli %scan3A_55, %mul3A_59 : i32
        %add3A_61 = arith.addi %mul3A_58, %mul3A_60 : i32
        %dma_start3A = tpu.memref_slice %arg2[%add3A_61] : memref<335872xi32, #tpu.memory_space<hbm>> -> memref<128xi32, #tpu.memory_space<hbm>>
        %dma_start3A_62 = tpu.memref_slice %arg2[%add3A_61] : memref<335872xi32, #tpu.memory_space<hbm>> -> memref<128xi32, #tpu.memory_space<hbm>>
        tpu.enqueue_dma source(%dma_start3A_62 : memref<128xi32, #tpu.memory_space<hbm>>) target(%arg10 : memref<128xi32, #tpu.memory_space<vmem>>) target_semaphore(%arg17 : memref<!tpu.dma_semaphore, #tpu.memory_space<semaphore_mem>>)
        %dma_start3A_63 = tpu.memref_slice %arg3[%add3A_61] : memref<335872xi32, #tpu.memory_space<hbm>> -> memref<128xi32, #tpu.memory_space<hbm>>
        %dma_start3A_64 = tpu.memref_slice %arg3[%add3A_61] : memref<335872xi32, #tpu.memory_space<hbm>> -> memref<128xi32, #tpu.memory_space<hbm>>
        tpu.enqueue_dma source(%dma_start3A_64 : memref<128xi32, #tpu.memory_space<hbm>>) target(%arg11 : memref<128xi32, #tpu.memory_space<vmem>>) target_semaphore(%arg17 : memref<!tpu.dma_semaphore, #tpu.memory_space<semaphore_mem>>)
        %dma_start3A_65 = arith.constant 0 : i32
        %dma_start3A_66 = tpu.memref_slice %arg4[%add3A_61, %dma_start3A_65] : memref<335872x16xf32, #tpu.memory_space<hbm>> -> memref<128x16xf32, #tpu.memory_space<hbm>>
        %dma_start3A_67 = arith.constant 0 : i32
        %dma_start3A_68 = tpu.memref_slice %arg4[%add3A_61, %dma_start3A_67] : memref<335872x16xf32, #tpu.memory_space<hbm>> -> memref<128x16xf32, #tpu.memory_space<hbm>>
        tpu.enqueue_dma source(%dma_start3A_68 : memref<128x16xf32, #tpu.memory_space<hbm>>) target(%arg14 : memref<128x16xf32, #tpu.memory_space<vmem>>) target_semaphore(%arg17 : memref<!tpu.dma_semaphore, #tpu.memory_space<semaphore_mem>>)
        %dma_wait3A = tpu.memref_slice %arg2[%add3A_61] : memref<335872xi32, #tpu.memory_space<hbm>> -> memref<128xi32, #tpu.memory_space<hbm>>
        %dma_wait3A_69 = tpu.memref_slice %arg2[%add3A_61] : memref<335872xi32, #tpu.memory_space<hbm>> -> memref<128xi32, #tpu.memory_space<hbm>>
        tpu.wait_dma2 semaphore(%arg17 : memref<!tpu.dma_semaphore, #tpu.memory_space<semaphore_mem>>) src(%dma_wait3A_69 : memref<128xi32, #tpu.memory_space<hbm>>) dst(%arg10 : memref<128xi32, #tpu.memory_space<vmem>>)
        %dma_wait3A_70 = tpu.memref_slice %arg3[%add3A_61] : memref<335872xi32, #tpu.memory_space<hbm>> -> memref<128xi32, #tpu.memory_space<hbm>>
        %dma_wait3A_71 = tpu.memref_slice %arg3[%add3A_61] : memref<335872xi32, #tpu.memory_space<hbm>> -> memref<128xi32, #tpu.memory_space<hbm>>
        tpu.wait_dma2 semaphore(%arg17 : memref<!tpu.dma_semaphore, #tpu.memory_space<semaphore_mem>>) src(%dma_wait3A_71 : memref<128xi32, #tpu.memory_space<hbm>>) dst(%arg11 : memref<128xi32, #tpu.memory_space<vmem>>)
        %dma_wait3A_72 = arith.constant 0 : i32
        %dma_wait3A_73 = tpu.memref_slice %arg4[%add3A_61, %dma_wait3A_72] : memref<335872x16xf32, #tpu.memory_space<hbm>> -> memref<128x16xf32, #tpu.memory_space<hbm>>
        %dma_wait3A_74 = arith.constant 0 : i32
        %dma_wait3A_75 = tpu.memref_slice %arg4[%add3A_61, %dma_wait3A_74] : memref<335872x16xf32, #tpu.memory_space<hbm>> -> memref<128x16xf32, #tpu.memory_space<hbm>>
        tpu.wait_dma2 semaphore(%arg17 : memref<!tpu.dma_semaphore, #tpu.memory_space<semaphore_mem>>) src(%dma_wait3A_75 : memref<128x16xf32, #tpu.memory_space<hbm>>) dst(%arg14 : memref<128x16xf32, #tpu.memory_space<vmem>>)
        %dma_start3A_76 = arith.constant 0 : i32
        %dma_start3A_77 = arith.constant 0 : i32
        %dma_start3A_78 = tpu.memref_slice %arg7[%dma_start3A_76, %dma_start3A_77] : memref<10240x128xf32, #tpu.memory_space<hbm>> -> memref<10240x128xf32, #tpu.memory_space<hbm>>
        tpu.enqueue_indirect_dma source(%dma_start3A_78 : memref<10240x128xf32, #tpu.memory_space<hbm>>) target(%arg12 : memref<128x128xf32, #tpu.memory_space<vmem>>) offsets(%arg10 : memref<128xi32, #tpu.memory_space<vmem>>) semaphore(%arg17 : memref<!tpu.dma_semaphore, #tpu.memory_space<semaphore_mem>>)
        %dma_wait3A_79 = arith.constant 0 : i32
        %dma_wait3A_80 = arith.constant 0 : i32
        %dma_wait3A_81 = tpu.memref_slice %arg7[%dma_wait3A_79, %dma_wait3A_80] : memref<10240x128xf32, #tpu.memory_space<hbm>> -> memref<10240x128xf32, #tpu.memory_space<hbm>>
        tpu.wait_indirect_dma semaphore(%arg17 : memref<!tpu.dma_semaphore, #tpu.memory_space<semaphore_mem>>) src(%dma_wait3A_81 : memref<10240x128xf32, #tpu.memory_space<hbm>>) dst(%arg12 : memref<128x128xf32, #tpu.memory_space<vmem>>)
        %scan3A_82 = arith.constant 0 : i32
        %scan3A_83 = arith.constant 0 : i32
        %scan3A_84 = arith.constant 128 : i32
        %scan3A_85 = arith.addi %scan3A_83, %scan3A_84 : i32
        %scan3A_86 = arith.constant 1 : i32
        %scan3A_87 = scf.for %scan3A_90 = %scan3A_83 to %scan3A_85 step %scan3A_86 iter_args(%scan3A_91 = %scan3A_82) -> (i32)  : i32 {
          %get3A_92 = arith.index_cast %scan3A_90 : i32 to index
          %get3A_93 = arith.constant 0 : index
          %get3A_94 = tpu.vector_load %arg14[%get3A_92, %get3A_93] {strides = array<i32>} : memref<128x16xf32, #tpu.memory_space<vmem>>, vector<16xf32>,
          %sub3A = arith.subf %get3A_94, %get3A_0 : vector<16xf32>
          %exp3A = math.exp %sub3A : vector<16xf32>
          %add3A_95 = arith.addi %add3A_61, %scan3A_90 : i32
          %lt3A_96 = arith.constant 330000 : i32
          %lt3A_97 = arith.cmpi slt, %add3A_95, %lt3A_96 : i32
          %and3A = vector.broadcast %lt3A_97 : i1 to vector<16xi1>
          %and3A_98 = arith.andi %and3A, %lt3A_2 : vector<16xi1>
          %select_n3A = arith.select %and3A_98, %exp3A, %broadcast_in_dim3A_3 : vector<16xi1>, vector<16xf32>
          %slice3A = vector.extract_strided_slice %select_n3A {offsets = [2], sizes = [1], strides = [1]} : vector<16xf32> to vector<1xf32>
          %squeeze3A = vector.extract %slice3A[0] : f32 from vector<1xf32>
          %slice3A_99 = vector.extract_strided_slice %select_n3A {offsets = [3], sizes = [1], strides = [1]} : vector<16xf32> to vector<1xf32>
          %squeeze3A_100 = vector.extract %slice3A_99[0] : f32 from vector<1xf32>
          %get3A_101 = arith.index_cast %scan3A_90 : i32 to index
          %get3A_102 = arith.constant 0 : index
          %get3A_103 = tpu.vector_load %arg12[%get3A_101, %get3A_102] {strides = array<i32>} : memref<128x128xf32, #tpu.memory_space<vmem>>, vector<16xf32>,
          %mul3A_104 = vector.broadcast %squeeze3A : f32 to vector<16xf32>
          %mul3A_105 = arith.mulf %mul3A_104, %get3A_103 : vector<16xf32>
          %swap3A = arith.index_cast %scan3A_90 : i32 to index
          %swap3A_106 = arith.constant 0 : index
          %swap3A_107 = tpu.vector_load %arg13[%swap3A, %swap3A_106] {strides = array<i32>} : memref<128x144xf32, #tpu.memory_space<vmem>>, vector<16xf32>,
          tpu.vector_store %arg13[%swap3A, %swap3A_106], %mul3A_105 {strides = array<i32>} : memref<128x144xf32, #tpu.memory_space<vmem>>, vector<16xf32>,
          %get3A_108 = arith.index_cast %scan3A_90 : i32 to index
          %get3A_109 = arith.constant 16 : index
          %get3A_110 = tpu.vector_load %arg12[%get3A_108, %get3A_109] {strides = array<i32>} : memref<128x128xf32, #tpu.memory_space<vmem>>, vector<16xf32>,
          %mul3A_111 = vector.broadcast %squeeze3A : f32 to vector<16xf32>
          %mul3A_112 = arith.mulf %mul3A_111, %get3A_110 : vector<16xf32>
          %swap3A_113 = arith.index_cast %scan3A_90 : i32 to index
          %swap3A_114 = arith.constant 16 : index
          %swap3A_115 = tpu.vector_load %arg13[%swap3A_113, %swap3A_114] {strides = array<i32>} : memref<128x144xf32, #tpu.memory_space<vmem>>, vector<16xf32>,
          tpu.vector_store %arg13[%swap3A_113, %swap3A_114], %mul3A_112 {strides = array<i32>} : memref<128x144xf32, #tpu.memory_space<vmem>>, vector<16xf32>,
          %get3A_116 = arith.index_cast %scan3A_90 : i32 to index
          %get3A_117 = arith.constant 32 : index
          %get3A_118 = tpu.vector_load %arg12[%get3A_116, %get3A_117] {strides = array<i32>} : memref<128x128xf32, #tpu.memory_space<vmem>>, vector<16xf32>,
          %mul3A_119 = vector.broadcast %squeeze3A : f32 to vector<16xf32>
          %mul3A_120 = arith.mulf %mul3A_119, %get3A_118 : vector<16xf32>
          %swap3A_121 = arith.index_cast %scan3A_90 : i32 to index
          %swap3A_122 = arith.constant 32 : index
          %swap3A_123 = tpu.vector_load %arg13[%swap3A_121, %swap3A_122] {strides = array<i32>} : memref<128x144xf32, #tpu.memory_space<vmem>>, vector<16xf32>,
          tpu.vector_store %arg13[%swap3A_121, %swap3A_122], %mul3A_120 {strides = array<i32>} : memref<128x144xf32, #tpu.memory_space<vmem>>, vector<16xf32>,
          %get3A_124 = arith.index_cast %scan3A_90 : i32 to index
          %get3A_125 = arith.constant 48 : index
          %get3A_126 = tpu.vector_load %arg12[%get3A_124, %get3A_125] {strides = array<i32>} : memref<128x128xf32, #tpu.memory_space<vmem>>, vector<16xf32>,
          %mul3A_127 = vector.broadcast %squeeze3A : f32 to vector<16xf32>
          %mul3A_128 = arith.mulf %mul3A_127, %get3A_126 : vector<16xf32>
          %swap3A_129 = arith.index_cast %scan3A_90 : i32 to index
          %swap3A_130 = arith.constant 48 : index
          %swap3A_131 = tpu.vector_load %arg13[%swap3A_129, %swap3A_130] {strides = array<i32>} : memref<128x144xf32, #tpu.memory_space<vmem>>, vector<16xf32>,
          tpu.vector_store %arg13[%swap3A_129, %swap3A_130], %mul3A_128 {strides = array<i32>} : memref<128x144xf32, #tpu.memory_space<vmem>>, vector<16xf32>,
          %get3A_132 = arith.index_cast %scan3A_90 : i32 to index
          %get3A_133 = arith.constant 64 : index
          %get3A_134 = tpu.vector_load %arg12[%get3A_132, %get3A_133] {strides = array<i32>} : memref<128x128xf32, #tpu.memory_space<vmem>>, vector<16xf32>,
          %mul3A_135 = vector.broadcast %squeeze3A_100 : f32 to vector<16xf32>
          %mul3A_136 = arith.mulf %mul3A_135, %get3A_134 : vector<16xf32>
          %swap3A_137 = arith.index_cast %scan3A_90 : i32 to index
          %swap3A_138 = arith.constant 64 : index
          %swap3A_139 = tpu.vector_load %arg13[%swap3A_137, %swap3A_138] {strides = array<i32>} : memref<128x144xf32, #tpu.memory_space<vmem>>, vector<16xf32>,
          tpu.vector_store %arg13[%swap3A_137, %swap3A_138], %mul3A_136 {strides = array<i32>} : memref<128x144xf32, #tpu.memory_space<vmem>>, vector<16xf32>,
          %get3A_140 = arith.index_cast %scan3A_90 : i32 to index
          %get3A_141 = arith.constant 80 : index
          %get3A_142 = tpu.vector_load %arg12[%get3A_140, %get3A_141] {strides = array<i32>} : memref<128x128xf32, #tpu.memory_space<vmem>>, vector<16xf32>,
          %mul3A_143 = vector.broadcast %squeeze3A_100 : f32 to vector<16xf32>
          %mul3A_144 = arith.mulf %mul3A_143, %get3A_142 : vector<16xf32>
          %swap3A_145 = arith.index_cast %scan3A_90 : i32 to index
          %swap3A_146 = arith.constant 80 : index
          %swap3A_147 = tpu.vector_load %arg13[%swap3A_145, %swap3A_146] {strides = array<i32>} : memref<128x144xf32, #tpu.memory_space<vmem>>, vector<16xf32>,
          tpu.vector_store %arg13[%swap3A_145, %swap3A_146], %mul3A_144 {strides = array<i32>} : memref<128x144xf32, #tpu.memory_space<vmem>>, vector<16xf32>,
          %get3A_148 = arith.index_cast %scan3A_90 : i32 to index
          %get3A_149 = arith.constant 96 : index
          %get3A_150 = tpu.vector_load %arg12[%get3A_148, %get3A_149] {strides = array<i32>} : memref<128x128xf32, #tpu.memory_space<vmem>>, vector<16xf32>,
          %mul3A_151 = vector.broadcast %squeeze3A_100 : f32 to vector<16xf32>
          %mul3A_152 = arith.mulf %mul3A_151, %get3A_150 : vector<16xf32>
          %swap3A_153 = arith.index_cast %scan3A_90 : i32 to index
          %swap3A_154 = arith.constant 96 : index
          %swap3A_155 = tpu.vector_load %arg13[%swap3A_153, %swap3A_154] {strides = array<i32>} : memref<128x144xf32, #tpu.memory_space<vmem>>, vector<16xf32>,
          tpu.vector_store %arg13[%swap3A_153, %swap3A_154], %mul3A_152 {strides = array<i32>} : memref<128x144xf32, #tpu.memory_space<vmem>>, vector<16xf32>,
          %get3A_156 = arith.index_cast %scan3A_90 : i32 to index
          %get3A_157 = arith.constant 112 : index
          %get3A_158 = tpu.vector_load %arg12[%get3A_156, %get3A_157] {strides = array<i32>} : memref<128x128xf32, #tpu.memory_space<vmem>>, vector<16xf32>,
          %mul3A_159 = vector.broadcast %squeeze3A_100 : f32 to vector<16xf32>
          %mul3A_160 = arith.mulf %mul3A_159, %get3A_158 : vector<16xf32>
          %swap3A_161 = arith.index_cast %scan3A_90 : i32 to index
          %swap3A_162 = arith.constant 112 : index
          %swap3A_163 = tpu.vector_load %arg13[%swap3A_161, %swap3A_162] {strides = array<i32>} : memref<128x144xf32, #tpu.memory_space<vmem>>, vector<16xf32>,
          tpu.vector_store %arg13[%swap3A_161, %swap3A_162], %mul3A_160 {strides = array<i32>} : memref<128x144xf32, #tpu.memory_space<vmem>>, vector<16xf32>,
          %swap3A_164 = arith.index_cast %scan3A_90 : i32 to index
          %swap3A_165 = arith.constant 128 : index
          %swap3A_166 = tpu.vector_load %arg13[%swap3A_164, %swap3A_165] {strides = array<i32>} : memref<128x144xf32, #tpu.memory_space<vmem>>, vector<16xf32>,
          tpu.vector_store %arg13[%swap3A_164, %swap3A_165], %select_n3A {strides = array<i32>} : memref<128x144xf32, #tpu.memory_space<vmem>>, vector<16xf32>,
          %scan3A_167 = arith.constant 0 : i32
          scf.yield %scan3A_167 : i32
        }
        %scan3A_88 = arith.constant 128 : i32
        "tpu.region"() ({
          %run_scoped3A = tpu.sem_alloc : memref<!tpu.dma_semaphore, #tpu.memory_space<semaphore_mem>>
          %dma_start3A_90 = arith.constant 0 : i32
          %dma_start3A_91 = arith.constant 0 : i32
          %dma_start3A_92 = tpu.memref_slice %arg16[%dma_start3A_90, %dma_start3A_91] : memref<10240x144xf32, #tpu.memory_space<vmem_shared>> -> memref<10240x144xf32, #tpu.memory_space<vmem_shared>>
          tpu.enqueue_indirect_dma source(%arg13 : memref<128x144xf32, #tpu.memory_space<vmem>>) target(%dma_start3A_92 : memref<10240x144xf32, #tpu.memory_space<vmem_shared>>) offsets(%arg11 : memref<128xi32, #tpu.memory_space<vmem>>) semaphore(%run_scoped3A : memref<!tpu.dma_semaphore, #tpu.memory_space<semaphore_mem>>) {add = true}
          %dma_wait3A_93 = arith.constant 0 : i32
          %dma_wait3A_94 = arith.constant 0 : i32
          %dma_wait3A_95 = tpu.memref_slice %arg16[%dma_wait3A_93, %dma_wait3A_94] : memref<10240x144xf32, #tpu.memory_space<vmem_shared>> -> memref<10240x144xf32, #tpu.memory_space<vmem_shared>>
          tpu.wait_indirect_dma semaphore(%run_scoped3A : memref<!tpu.dma_semaphore, #tpu.memory_space<semaphore_mem>>) src(%arg13 : memref<128x144xf32, #tpu.memory_space<vmem>>) dst(%dma_wait3A_95 : memref<10240x144xf32, #tpu.memory_space<vmem_shared>>)
          tpu.yield
        }) : () -> ()
        %scan3A_89 = arith.constant 0 : i32
        scf.yield %scan3A_89 : i32
      }
      %scan3A_54 = arith.constant 164 : i32
    } else {
    }
    %barrier3A_37 = arith.constant 0 : index
    tpu.barrier barrier_id(%barrier3A_37)
    %eq3A_38 = arith.constant 0 : i32
    %eq3A_39 = arith.cmpi eq, %arg0, %eq3A_38 : i32
    %convert_element_type3A_40 = arith.extui %eq3A_39 : i1 to i32
    %cond3A_41 = arith.constant 0 : i32
    %cond3A_42 = arith.cmpi ne, %convert_element_type3A_40, %cond3A_41 : i32
    scf.if %cond3A_42 {
      %scan3A_48 = arith.constant 0 : i32
      %scan3A_49 = arith.constant 0 : i32
      %scan3A_50 = arith.constant 5 : i32
      %scan3A_51 = arith.addi %scan3A_49, %scan3A_50 : i32
      %scan3A_52 = arith.constant 1 : i32
      %scan3A_53 = scf.for %scan3A_55 = %scan3A_49 to %scan3A_51 step %scan3A_52 iter_args(%scan3A_56 = %scan3A_48) -> (i32)  : i32 {
        %mul3A_57 = arith.constant 640 : i32
        %mul3A_58 = arith.muli %arg1, %mul3A_57 : i32
        %mul3A_59 = arith.constant 128 : i32
        %mul3A_60 = arith.muli %scan3A_55, %mul3A_59 : i32
        %add3A_61 = arith.addi %mul3A_58, %mul3A_60 : i32
        "tpu.region"() ({
          %run_scoped3A = tpu.sem_alloc : memref<!tpu.dma_semaphore, #tpu.memory_space<semaphore_mem>>
          %dma_start3A = arith.constant 0 : i32
          %dma_start3A_70 = tpu.memref_slice %arg16[%add3A_61, %dma_start3A] : memref<10240x144xf32, #tpu.memory_space<vmem_shared>> -> memref<128x144xf32, #tpu.memory_space<vmem_shared>>
          %dma_start3A_71 = arith.constant 0 : i32
          %dma_start3A_72 = tpu.memref_slice %arg16[%add3A_61, %dma_start3A_71] : memref<10240x144xf32, #tpu.memory_space<vmem_shared>> -> memref<128x144xf32, #tpu.memory_space<vmem_shared>>
          tpu.enqueue_dma source(%dma_start3A_72 : memref<128x144xf32, #tpu.memory_space<vmem_shared>>) target(%arg13 : memref<128x144xf32, #tpu.memory_space<vmem>>) target_semaphore(%run_scoped3A : memref<!tpu.dma_semaphore, #tpu.memory_space<semaphore_mem>>)
          %dma_wait3A = arith.constant 0 : i32
          %dma_wait3A_73 = tpu.memref_slice %arg16[%add3A_61, %dma_wait3A] : memref<10240x144xf32, #tpu.memory_space<vmem_shared>> -> memref<128x144xf32, #tpu.memory_space<vmem_shared>>
          %dma_wait3A_74 = arith.constant 0 : i32
          %dma_wait3A_75 = tpu.memref_slice %arg16[%add3A_61, %dma_wait3A_74] : memref<10240x144xf32, #tpu.memory_space<vmem_shared>> -> memref<128x144xf32, #tpu.memory_space<vmem_shared>>
          tpu.wait_dma2 semaphore(%run_scoped3A : memref<!tpu.dma_semaphore, #tpu.memory_space<semaphore_mem>>) src(%dma_wait3A_75 : memref<128x144xf32, #tpu.memory_space<vmem_shared>>) dst(%arg13 : memref<128x144xf32, #tpu.memory_space<vmem>>)
          tpu.yield
        }) : () -> ()
        %scan3A_62 = arith.constant 0 : i32
        %scan3A_63 = arith.constant 0 : i32
        %scan3A_64 = arith.constant 128 : i32
        %scan3A_65 = arith.addi %scan3A_63, %scan3A_64 : i32
        %scan3A_66 = arith.constant 1 : i32
        %scan3A_67 = scf.for %scan3A_70 = %scan3A_63 to %scan3A_65 step %scan3A_66 iter_args(%scan3A_71 = %scan3A_62) -> (i32)  : i32 {
          %get3A_72 = arith.index_cast %scan3A_70 : i32 to index
          %get3A_73 = arith.constant 128 : index
          %get3A_74 = tpu.vector_load %arg13[%get3A_72, %get3A_73] {strides = array<i32>} : memref<128x144xf32, #tpu.memory_space<vmem>>, vector<16xf32>,
          %max3A = arith.constant 1.000000e-30 : f32
          %max3A_75 = vector.broadcast %max3A : f32 to vector<16xf32>
          %max3A_76 = arith.maximumf %get3A_74, %max3A_75 : vector<16xf32>
          %div3A = arith.constant 1.000000e+00 : f32
          %div3A_77 = vector.broadcast %div3A : f32 to vector<16xf32>
          %div3A_78 = arith.divf %div3A_77, %max3A_76 : vector<16xf32>
          %slice3A = vector.extract_strided_slice %div3A_78 {offsets = [0], sizes = [1], strides = [1]} : vector<16xf32> to vector<1xf32>
          %squeeze3A = vector.extract %slice3A[0] : f32 from vector<1xf32>
          %slice3A_79 = vector.extract_strided_slice %div3A_78 {offsets = [1], sizes = [1], strides = [1]} : vector<16xf32> to vector<1xf32>
          %squeeze3A_80 = vector.extract %slice3A_79[0] : f32 from vector<1xf32>
          %get3A_81 = arith.index_cast %scan3A_70 : i32 to index
          %get3A_82 = arith.constant 0 : index
          %get3A_83 = tpu.vector_load %arg13[%get3A_81, %get3A_82] {strides = array<i32>} : memref<128x144xf32, #tpu.memory_space<vmem>>, vector<16xf32>,
          %mul3A_84 = vector.broadcast %squeeze3A : f32 to vector<16xf32>
          %mul3A_85 = arith.mulf %mul3A_84, %get3A_83 : vector<16xf32>
          %swap3A = arith.index_cast %scan3A_70 : i32 to index
          %swap3A_86 = arith.constant 0 : index
          %swap3A_87 = tpu.vector_load %arg12[%swap3A, %swap3A_86] {strides = array<i32>} : memref<128x128xf32, #tpu.memory_space<vmem>>, vector<16xf32>,
          tpu.vector_store %arg12[%swap3A, %swap3A_86], %mul3A_85 {strides = array<i32>} : memref<128x128xf32, #tpu.memory_space<vmem>>, vector<16xf32>,
          %get3A_88 = arith.index_cast %scan3A_70 : i32 to index
          %get3A_89 = arith.constant 16 : index
          %get3A_90 = tpu.vector_load %arg13[%get3A_88, %get3A_89] {strides = array<i32>} : memref<128x144xf32, #tpu.memory_space<vmem>>, vector<16xf32>,
          %mul3A_91 = vector.broadcast %squeeze3A : f32 to vector<16xf32>
          %mul3A_92 = arith.mulf %mul3A_91, %get3A_90 : vector<16xf32>
          %swap3A_93 = arith.index_cast %scan3A_70 : i32 to index
          %swap3A_94 = arith.constant 16 : index
          %swap3A_95 = tpu.vector_load %arg12[%swap3A_93, %swap3A_94] {strides = array<i32>} : memref<128x128xf32, #tpu.memory_space<vmem>>, vector<16xf32>,
          tpu.vector_store %arg12[%swap3A_93, %swap3A_94], %mul3A_92 {strides = array<i32>} : memref<128x128xf32, #tpu.memory_space<vmem>>, vector<16xf32>,
          %get3A_96 = arith.index_cast %scan3A_70 : i32 to index
          %get3A_97 = arith.constant 32 : index
          %get3A_98 = tpu.vector_load %arg13[%get3A_96, %get3A_97] {strides = array<i32>} : memref<128x144xf32, #tpu.memory_space<vmem>>, vector<16xf32>,
          %mul3A_99 = vector.broadcast %squeeze3A : f32 to vector<16xf32>
          %mul3A_100 = arith.mulf %mul3A_99, %get3A_98 : vector<16xf32>
          %swap3A_101 = arith.index_cast %scan3A_70 : i32 to index
          %swap3A_102 = arith.constant 32 : index
          %swap3A_103 = tpu.vector_load %arg12[%swap3A_101, %swap3A_102] {strides = array<i32>} : memref<128x128xf32, #tpu.memory_space<vmem>>, vector<16xf32>,
          tpu.vector_store %arg12[%swap3A_101, %swap3A_102], %mul3A_100 {strides = array<i32>} : memref<128x128xf32, #tpu.memory_space<vmem>>, vector<16xf32>,
          %get3A_104 = arith.index_cast %scan3A_70 : i32 to index
          %get3A_105 = arith.constant 48 : index
          %get3A_106 = tpu.vector_load %arg13[%get3A_104, %get3A_105] {strides = array<i32>} : memref<128x144xf32, #tpu.memory_space<vmem>>, vector<16xf32>,
          %mul3A_107 = vector.broadcast %squeeze3A : f32 to vector<16xf32>
          %mul3A_108 = arith.mulf %mul3A_107, %get3A_106 : vector<16xf32>
          %swap3A_109 = arith.index_cast %scan3A_70 : i32 to index
          %swap3A_110 = arith.constant 48 : index
          %swap3A_111 = tpu.vector_load %arg12[%swap3A_109, %swap3A_110] {strides = array<i32>} : memref<128x128xf32, #tpu.memory_space<vmem>>, vector<16xf32>,
          tpu.vector_store %arg12[%swap3A_109, %swap3A_110], %mul3A_108 {strides = array<i32>} : memref<128x128xf32, #tpu.memory_space<vmem>>, vector<16xf32>,
          %get3A_112 = arith.index_cast %scan3A_70 : i32 to index
          %get3A_113 = arith.constant 64 : index
          %get3A_114 = tpu.vector_load %arg13[%get3A_112, %get3A_113] {strides = array<i32>} : memref<128x144xf32, #tpu.memory_space<vmem>>, vector<16xf32>,
          %mul3A_115 = vector.broadcast %squeeze3A_80 : f32 to vector<16xf32>
          %mul3A_116 = arith.mulf %mul3A_115, %get3A_114 : vector<16xf32>
          %swap3A_117 = arith.index_cast %scan3A_70 : i32 to index
          %swap3A_118 = arith.constant 64 : index
          %swap3A_119 = tpu.vector_load %arg12[%swap3A_117, %swap3A_118] {strides = array<i32>} : memref<128x128xf32, #tpu.memory_space<vmem>>, vector<16xf32>,
          tpu.vector_store %arg12[%swap3A_117, %swap3A_118], %mul3A_116 {strides = array<i32>} : memref<128x128xf32, #tpu.memory_space<vmem>>, vector<16xf32>,
          %get3A_120 = arith.index_cast %scan3A_70 : i32 to index
          %get3A_121 = arith.constant 80 : index
          %get3A_122 = tpu.vector_load %arg13[%get3A_120, %get3A_121] {strides = array<i32>} : memref<128x144xf32, #tpu.memory_space<vmem>>, vector<16xf32>,
          %mul3A_123 = vector.broadcast %squeeze3A_80 : f32 to vector<16xf32>
          %mul3A_124 = arith.mulf %mul3A_123, %get3A_122 : vector<16xf32>
          %swap3A_125 = arith.index_cast %scan3A_70 : i32 to index
          %swap3A_126 = arith.constant 80 : index
          %swap3A_127 = tpu.vector_load %arg12[%swap3A_125, %swap3A_126] {strides = array<i32>} : memref<128x128xf32, #tpu.memory_space<vmem>>, vector<16xf32>,
          tpu.vector_store %arg12[%swap3A_125, %swap3A_126], %mul3A_124 {strides = array<i32>} : memref<128x128xf32, #tpu.memory_space<vmem>>, vector<16xf32>,
          %get3A_128 = arith.index_cast %scan3A_70 : i32 to index
          %get3A_129 = arith.constant 96 : index
          %get3A_130 = tpu.vector_load %arg13[%get3A_128, %get3A_129] {strides = array<i32>} : memref<128x144xf32, #tpu.memory_space<vmem>>, vector<16xf32>,
          %mul3A_131 = vector.broadcast %squeeze3A_80 : f32 to vector<16xf32>
          %mul3A_132 = arith.mulf %mul3A_131, %get3A_130 : vector<16xf32>
          %swap3A_133 = arith.index_cast %scan3A_70 : i32 to index
          %swap3A_134 = arith.constant 96 : index
          %swap3A_135 = tpu.vector_load %arg12[%swap3A_133, %swap3A_134] {strides = array<i32>} : memref<128x128xf32, #tpu.memory_space<vmem>>, vector<16xf32>,
          tpu.vector_store %arg12[%swap3A_133, %swap3A_134], %mul3A_132 {strides = array<i32>} : memref<128x128xf32, #tpu.memory_space<vmem>>, vector<16xf32>,
          %get3A_136 = arith.index_cast %scan3A_70 : i32 to index
          %get3A_137 = arith.constant 112 : index
          %get3A_138 = tpu.vector_load %arg13[%get3A_136, %get3A_137] {strides = array<i32>} : memref<128x144xf32, #tpu.memory_space<vmem>>, vector<16xf32>,
          %mul3A_139 = vector.broadcast %squeeze3A_80 : f32 to vector<16xf32>
          %mul3A_140 = arith.mulf %mul3A_139, %get3A_138 : vector<16xf32>
          %swap3A_141 = arith.index_cast %scan3A_70 : i32 to index
          %swap3A_142 = arith.constant 112 : index
          %swap3A_143 = tpu.vector_load %arg12[%swap3A_141, %swap3A_142] {strides = array<i32>} : memref<128x128xf32, #tpu.memory_space<vmem>>, vector<16xf32>,
          tpu.vector_store %arg12[%swap3A_141, %swap3A_142], %mul3A_140 {strides = array<i32>} : memref<128x128xf32, #tpu.memory_space<vmem>>, vector<16xf32>,
          %scan3A_144 = arith.constant 0 : i32
          scf.yield %scan3A_144 : i32
        }
        %scan3A_68 = arith.constant 128 : i32
        "tpu.region"() ({
          %run_scoped3A = tpu.sem_alloc : memref<!tpu.dma_semaphore, #tpu.memory_space<semaphore_mem>>
          %dma_start3A = arith.constant 0 : i32
          %dma_start3A_70 = tpu.memref_slice %arg8[%add3A_61, %dma_start3A] : memref<10240x128xf32, #tpu.memory_space<hbm>> -> memref<128x128xf32, #tpu.memory_space<hbm>>
          %dma_start3A_71 = arith.constant 0 : i32
          %dma_start3A_72 = tpu.memref_slice %arg8[%add3A_61, %dma_start3A_71] : memref<10240x128xf32, #tpu.memory_space<hbm>> -> memref<128x128xf32, #tpu.memory_space<hbm>>
          tpu.enqueue_dma source(%arg12 : memref<128x128xf32, #tpu.memory_space<vmem>>) target(%dma_start3A_72 : memref<128x128xf32, #tpu.memory_space<hbm>>) target_semaphore(%run_scoped3A : memref<!tpu.dma_semaphore, #tpu.memory_space<semaphore_mem>>)
          %dma_wait3A = arith.constant 0 : i32
          %dma_wait3A_73 = tpu.memref_slice %arg8[%add3A_61, %dma_wait3A] : memref<10240x128xf32, #tpu.memory_space<hbm>> -> memref<128x128xf32, #tpu.memory_space<hbm>>
          %dma_wait3A_74 = arith.constant 0 : i32
          %dma_wait3A_75 = tpu.memref_slice %arg8[%add3A_61, %dma_wait3A_74] : memref<10240x128xf32, #tpu.memory_space<hbm>> -> memref<128x128xf32, #tpu.memory_space<hbm>>
          tpu.wait_dma2 semaphore(%run_scoped3A : memref<!tpu.dma_semaphore, #tpu.memory_space<semaphore_mem>>) src(%arg12 : memref<128x128xf32, #tpu.memory_space<vmem>>) dst(%dma_wait3A_75 : memref<128x128xf32, #tpu.memory_space<hbm>>)
          tpu.yield
        }) : () -> ()
        %scan3A_69 = arith.constant 0 : i32
        scf.yield %scan3A_69 : i32
      }
      %scan3A_54 = arith.constant 5 : i32
    } else {
    }
    %eq3A_43 = arith.constant 1 : i32
    %eq3A_44 = arith.cmpi eq, %arg0, %eq3A_43 : i32
    %convert_element_type3A_45 = arith.extui %eq3A_44 : i1 to i32
    %cond3A_46 = arith.constant 0 : i32
    %cond3A_47 = arith.cmpi ne, %convert_element_type3A_45, %cond3A_46 : i32
    scf.if %cond3A_47 {
      %scan3A_48 = arith.constant 0 : i32
      %scan3A_49 = arith.constant 0 : i32
      %scan3A_50 = arith.constant 5 : i32
      %scan3A_51 = arith.addi %scan3A_49, %scan3A_50 : i32
      %scan3A_52 = arith.constant 1 : i32
      %scan3A_53 = scf.for %scan3A_55 = %scan3A_49 to %scan3A_51 step %scan3A_52 iter_args(%scan3A_56 = %scan3A_48) -> (i32)  : i32 {
        %mul3A_57 = arith.constant 640 : i32
        %mul3A_58 = arith.muli %arg1, %mul3A_57 : i32
        %mul3A_59 = arith.constant 128 : i32
        %mul3A_60 = arith.muli %scan3A_55, %mul3A_59 : i32
        %add3A_61 = arith.addi %mul3A_58, %mul3A_60 : i32
        "tpu.region"() ({
          %run_scoped3A = tpu.sem_alloc : memref<!tpu.dma_semaphore, #tpu.memory_space<semaphore_mem>>
          %dma_start3A = arith.constant 0 : i32
          %dma_start3A_70 = tpu.memref_slice %arg16[%add3A_61, %dma_start3A] : memref<10240x144xf32, #tpu.memory_space<vmem_shared>> -> memref<128x144xf32, #tpu.memory_space<vmem_shared>>
          %dma_start3A_71 = arith.constant 0 : i32
          %dma_start3A_72 = tpu.memref_slice %arg16[%add3A_61, %dma_start3A_71] : memref<10240x144xf32, #tpu.memory_space<vmem_shared>> -> memref<128x144xf32, #tpu.memory_space<vmem_shared>>
          tpu.enqueue_dma source(%dma_start3A_72 : memref<128x144xf32, #tpu.memory_space<vmem_shared>>) target(%arg13 : memref<128x144xf32, #tpu.memory_space<vmem>>) target_semaphore(%run_scoped3A : memref<!tpu.dma_semaphore, #tpu.memory_space<semaphore_mem>>)
          %dma_wait3A = arith.constant 0 : i32
          %dma_wait3A_73 = tpu.memref_slice %arg16[%add3A_61, %dma_wait3A] : memref<10240x144xf32, #tpu.memory_space<vmem_shared>> -> memref<128x144xf32, #tpu.memory_space<vmem_shared>>
          %dma_wait3A_74 = arith.constant 0 : i32
          %dma_wait3A_75 = tpu.memref_slice %arg16[%add3A_61, %dma_wait3A_74] : memref<10240x144xf32, #tpu.memory_space<vmem_shared>> -> memref<128x144xf32, #tpu.memory_space<vmem_shared>>
          tpu.wait_dma2 semaphore(%run_scoped3A : memref<!tpu.dma_semaphore, #tpu.memory_space<semaphore_mem>>) src(%dma_wait3A_75 : memref<128x144xf32, #tpu.memory_space<vmem_shared>>) dst(%arg13 : memref<128x144xf32, #tpu.memory_space<vmem>>)
          tpu.yield
        }) : () -> ()
        %scan3A_62 = arith.constant 0 : i32
        %scan3A_63 = arith.constant 0 : i32
        %scan3A_64 = arith.constant 128 : i32
        %scan3A_65 = arith.addi %scan3A_63, %scan3A_64 : i32
        %scan3A_66 = arith.constant 1 : i32
        %scan3A_67 = scf.for %scan3A_70 = %scan3A_63 to %scan3A_65 step %scan3A_66 iter_args(%scan3A_71 = %scan3A_62) -> (i32)  : i32 {
          %get3A_72 = arith.index_cast %scan3A_70 : i32 to index
          %get3A_73 = arith.constant 128 : index
          %get3A_74 = tpu.vector_load %arg13[%get3A_72, %get3A_73] {strides = array<i32>} : memref<128x144xf32, #tpu.memory_space<vmem>>, vector<16xf32>,
          %max3A = arith.constant 1.000000e-30 : f32
          %max3A_75 = vector.broadcast %max3A : f32 to vector<16xf32>
          %max3A_76 = arith.maximumf %get3A_74, %max3A_75 : vector<16xf32>
          %div3A = arith.constant 1.000000e+00 : f32
          %div3A_77 = vector.broadcast %div3A : f32 to vector<16xf32>
          %div3A_78 = arith.divf %div3A_77, %max3A_76 : vector<16xf32>
          %slice3A = vector.extract_strided_slice %div3A_78 {offsets = [2], sizes = [1], strides = [1]} : vector<16xf32> to vector<1xf32>
          %squeeze3A = vector.extract %slice3A[0] : f32 from vector<1xf32>
          %slice3A_79 = vector.extract_strided_slice %div3A_78 {offsets = [3], sizes = [1], strides = [1]} : vector<16xf32> to vector<1xf32>
          %squeeze3A_80 = vector.extract %slice3A_79[0] : f32 from vector<1xf32>
          %get3A_81 = arith.index_cast %scan3A_70 : i32 to index
          %get3A_82 = arith.constant 0 : index
          %get3A_83 = tpu.vector_load %arg13[%get3A_81, %get3A_82] {strides = array<i32>} : memref<128x144xf32, #tpu.memory_space<vmem>>, vector<16xf32>,
          %mul3A_84 = vector.broadcast %squeeze3A : f32 to vector<16xf32>
          %mul3A_85 = arith.mulf %mul3A_84, %get3A_83 : vector<16xf32>
          %swap3A = arith.index_cast %scan3A_70 : i32 to index
          %swap3A_86 = arith.constant 0 : index
          %swap3A_87 = tpu.vector_load %arg12[%swap3A, %swap3A_86] {strides = array<i32>} : memref<128x128xf32, #tpu.memory_space<vmem>>, vector<16xf32>,
          tpu.vector_store %arg12[%swap3A, %swap3A_86], %mul3A_85 {strides = array<i32>} : memref<128x128xf32, #tpu.memory_space<vmem>>, vector<16xf32>,
          %get3A_88 = arith.index_cast %scan3A_70 : i32 to index
          %get3A_89 = arith.constant 16 : index
          %get3A_90 = tpu.vector_load %arg13[%get3A_88, %get3A_89] {strides = array<i32>} : memref<128x144xf32, #tpu.memory_space<vmem>>, vector<16xf32>,
          %mul3A_91 = vector.broadcast %squeeze3A : f32 to vector<16xf32>
          %mul3A_92 = arith.mulf %mul3A_91, %get3A_90 : vector<16xf32>
          %swap3A_93 = arith.index_cast %scan3A_70 : i32 to index
          %swap3A_94 = arith.constant 16 : index
          %swap3A_95 = tpu.vector_load %arg12[%swap3A_93, %swap3A_94] {strides = array<i32>} : memref<128x128xf32, #tpu.memory_space<vmem>>, vector<16xf32>,
          tpu.vector_store %arg12[%swap3A_93, %swap3A_94], %mul3A_92 {strides = array<i32>} : memref<128x128xf32, #tpu.memory_space<vmem>>, vector<16xf32>,
          %get3A_96 = arith.index_cast %scan3A_70 : i32 to index
          %get3A_97 = arith.constant 32 : index
          %get3A_98 = tpu.vector_load %arg13[%get3A_96, %get3A_97] {strides = array<i32>} : memref<128x144xf32, #tpu.memory_space<vmem>>, vector<16xf32>,
          %mul3A_99 = vector.broadcast %squeeze3A : f32 to vector<16xf32>
          %mul3A_100 = arith.mulf %mul3A_99, %get3A_98 : vector<16xf32>
          %swap3A_101 = arith.index_cast %scan3A_70 : i32 to index
          %swap3A_102 = arith.constant 32 : index
          %swap3A_103 = tpu.vector_load %arg12[%swap3A_101, %swap3A_102] {strides = array<i32>} : memref<128x128xf32, #tpu.memory_space<vmem>>, vector<16xf32>,
          tpu.vector_store %arg12[%swap3A_101, %swap3A_102], %mul3A_100 {strides = array<i32>} : memref<128x128xf32, #tpu.memory_space<vmem>>, vector<16xf32>,
          %get3A_104 = arith.index_cast %scan3A_70 : i32 to index
          %get3A_105 = arith.constant 48 : index
          %get3A_106 = tpu.vector_load %arg13[%get3A_104, %get3A_105] {strides = array<i32>} : memref<128x144xf32, #tpu.memory_space<vmem>>, vector<16xf32>,
          %mul3A_107 = vector.broadcast %squeeze3A : f32 to vector<16xf32>
          %mul3A_108 = arith.mulf %mul3A_107, %get3A_106 : vector<16xf32>
          %swap3A_109 = arith.index_cast %scan3A_70 : i32 to index
          %swap3A_110 = arith.constant 48 : index
          %swap3A_111 = tpu.vector_load %arg12[%swap3A_109, %swap3A_110] {strides = array<i32>} : memref<128x128xf32, #tpu.memory_space<vmem>>, vector<16xf32>,
          tpu.vector_store %arg12[%swap3A_109, %swap3A_110], %mul3A_108 {strides = array<i32>} : memref<128x128xf32, #tpu.memory_space<vmem>>, vector<16xf32>,
          %get3A_112 = arith.index_cast %scan3A_70 : i32 to index
          %get3A_113 = arith.constant 64 : index
          %get3A_114 = tpu.vector_load %arg13[%get3A_112, %get3A_113] {strides = array<i32>} : memref<128x144xf32, #tpu.memory_space<vmem>>, vector<16xf32>,
          %mul3A_115 = vector.broadcast %squeeze3A_80 : f32 to vector<16xf32>
          %mul3A_116 = arith.mulf %mul3A_115, %get3A_114 : vector<16xf32>
          %swap3A_117 = arith.index_cast %scan3A_70 : i32 to index
          %swap3A_118 = arith.constant 64 : index
          %swap3A_119 = tpu.vector_load %arg12[%swap3A_117, %swap3A_118] {strides = array<i32>} : memref<128x128xf32, #tpu.memory_space<vmem>>, vector<16xf32>,
          tpu.vector_store %arg12[%swap3A_117, %swap3A_118], %mul3A_116 {strides = array<i32>} : memref<128x128xf32, #tpu.memory_space<vmem>>, vector<16xf32>,
          %get3A_120 = arith.index_cast %scan3A_70 : i32 to index
          %get3A_121 = arith.constant 80 : index
          %get3A_122 = tpu.vector_load %arg13[%get3A_120, %get3A_121] {strides = array<i32>} : memref<128x144xf32, #tpu.memory_space<vmem>>, vector<16xf32>,
          %mul3A_123 = vector.broadcast %squeeze3A_80 : f32 to vector<16xf32>
          %mul3A_124 = arith.mulf %mul3A_123, %get3A_122 : vector<16xf32>
          %swap3A_125 = arith.index_cast %scan3A_70 : i32 to index
          %swap3A_126 = arith.constant 80 : index
          %swap3A_127 = tpu.vector_load %arg12[%swap3A_125, %swap3A_126] {strides = array<i32>} : memref<128x128xf32, #tpu.memory_space<vmem>>, vector<16xf32>,
          tpu.vector_store %arg12[%swap3A_125, %swap3A_126], %mul3A_124 {strides = array<i32>} : memref<128x128xf32, #tpu.memory_space<vmem>>, vector<16xf32>,
          %get3A_128 = arith.index_cast %scan3A_70 : i32 to index
          %get3A_129 = arith.constant 96 : index
          %get3A_130 = tpu.vector_load %arg13[%get3A_128, %get3A_129] {strides = array<i32>} : memref<128x144xf32, #tpu.memory_space<vmem>>, vector<16xf32>,
          %mul3A_131 = vector.broadcast %squeeze3A_80 : f32 to vector<16xf32>
          %mul3A_132 = arith.mulf %mul3A_131, %get3A_130 : vector<16xf32>
          %swap3A_133 = arith.index_cast %scan3A_70 : i32 to index
          %swap3A_134 = arith.constant 96 : index
          %swap3A_135 = tpu.vector_load %arg12[%swap3A_133, %swap3A_134] {strides = array<i32>} : memref<128x128xf32, #tpu.memory_space<vmem>>, vector<16xf32>,
          tpu.vector_store %arg12[%swap3A_133, %swap3A_134], %mul3A_132 {strides = array<i32>} : memref<128x128xf32, #tpu.memory_space<vmem>>, vector<16xf32>,
          %get3A_136 = arith.index_cast %scan3A_70 : i32 to index
          %get3A_137 = arith.constant 112 : index
          %get3A_138 = tpu.vector_load %arg13[%get3A_136, %get3A_137] {strides = array<i32>} : memref<128x144xf32, #tpu.memory_space<vmem>>, vector<16xf32>,
          %mul3A_139 = vector.broadcast %squeeze3A_80 : f32 to vector<16xf32>
          %mul3A_140 = arith.mulf %mul3A_139, %get3A_138 : vector<16xf32>
          %swap3A_141 = arith.index_cast %scan3A_70 : i32 to index
          %swap3A_142 = arith.constant 112 : index
          %swap3A_143 = tpu.vector_load %arg12[%swap3A_141, %swap3A_142] {strides = array<i32>} : memref<128x128xf32, #tpu.memory_space<vmem>>, vector<16xf32>,
          tpu.vector_store %arg12[%swap3A_141, %swap3A_142], %mul3A_140 {strides = array<i32>} : memref<128x128xf32, #tpu.memory_space<vmem>>, vector<16xf32>,
          %scan3A_144 = arith.constant 0 : i32
          scf.yield %scan3A_144 : i32
        }
        %scan3A_68 = arith.constant 128 : i32
        "tpu.region"() ({
          %run_scoped3A = tpu.sem_alloc : memref<!tpu.dma_semaphore, #tpu.memory_space<semaphore_mem>>
          %dma_start3A = arith.constant 0 : i32
          %dma_start3A_70 = tpu.memref_slice %arg9[%add3A_61, %dma_start3A] : memref<10240x128xf32, #tpu.memory_space<hbm>> -> memref<128x128xf32, #tpu.memory_space<hbm>>
          %dma_start3A_71 = arith.constant 0 : i32
          %dma_start3A_72 = tpu.memref_slice %arg9[%add3A_61, %dma_start3A_71] : memref<10240x128xf32, #tpu.memory_space<hbm>> -> memref<128x128xf32, #tpu.memory_space<hbm>>
          tpu.enqueue_dma source(%arg12 : memref<128x128xf32, #tpu.memory_space<vmem>>) target(%dma_start3A_72 : memref<128x128xf32, #tpu.memory_space<hbm>>) target_semaphore(%run_scoped3A : memref<!tpu.dma_semaphore, #tpu.memory_space<semaphore_mem>>)
          %dma_wait3A = arith.constant 0 : i32
          %dma_wait3A_73 = tpu.memref_slice %arg9[%add3A_61, %dma_wait3A] : memref<10240x128xf32, #tpu.memory_space<hbm>> -> memref<128x128xf32, #tpu.memory_space<hbm>>
          %dma_wait3A_74 = arith.constant 0 : i32
          %dma_wait3A_75 = tpu.memref_slice %arg9[%add3A_61, %dma_wait3A_74] : memref<10240x128xf32, #tpu.memory_space<hbm>> -> memref<128x128xf32, #tpu.memory_space<hbm>>
          tpu.wait_dma2 semaphore(%run_scoped3A : memref<!tpu.dma_semaphore, #tpu.memory_space<semaphore_mem>>) src(%arg12 : memref<128x128xf32, #tpu.memory_space<vmem>>) dst(%dma_wait3A_75 : memref<128x128xf32, #tpu.memory_space<hbm>>)
          tpu.yield
        }) : () -> ()
        %scan3A_69 = arith.constant 0 : i32
        scf.yield %scan3A_69 : i32
      }
      %scan3A_54 = arith.constant 5 : i32
    } else {
    }
    return
  }
}

#map = affine_map<(d0, d1) -> (0)>
#map1 = affine_map<(d0, d1) -> (0, 0)>
module attributes {stable_mosaic.version = 14 : i64} {
  func.func @_logits_body(%arg0: i32, %arg1: i32, %arg2: memref<335872xi32, #tpu.memory_space<hbm>>, %arg3: memref<335872xi32, #tpu.memory_space<hbm>>, %arg4: memref<10240x256xf32, #tpu.memory_space<hbm>>, %arg5: memref<10240x256xf32, #tpu.memory_space<hbm>>, %arg6: memref<335872x256xf32, #tpu.memory_space<hbm>>, %arg7: memref<256xf32, #tpu.memory_space<hbm>>, %arg8: memref<335872x16xf32, #tpu.memory_space<hbm>>, %arg9: memref<512xf32, #tpu.memory_space<hbm>>, %arg10: memref<10496xi32, #tpu.memory_space<vmem>>, %arg11: memref<10496xi32, #tpu.memory_space<vmem>>, %arg12: memref<128x256xf32, #tpu.memory_space<vmem>>, %arg13: memref<128x256xf32, #tpu.memory_space<vmem>>, %arg14: memref<128x256xf32, #tpu.memory_space<vmem>>, %arg15: memref<128x16xf32, #tpu.memory_space<vmem>>, %arg16: memref<256xf32, #tpu.memory_space<vmem>>, %arg17: memref<16xf32, #tpu.memory_space<vmem>>, %arg18: memref<!tpu.dma_semaphore, #tpu.memory_space<semaphore_mem>>) attributes {dimension_semantics = [#tpu.dimension_semantics<core_parallel>, #tpu.dimension_semantics<subcore_parallel>], iteration_bounds = array<i64: 2, 16>, scalar_prefetch = 0 : i64, scratch_operands = 9 : i64, tpu.core_type = #tpu.core_type<sc_vector_subcore>, window_params = [{transform_indices = #map}, {transform_indices = #map}, {transform_indices = #map1}, {transform_indices = #map1}, {transform_indices = #map1}, {transform_indices = #map}, {transform_indices = #map1}, {transform_indices = #map}]} {
    %mul3A = arith.constant 2 : i32
    %mul3A_0 = arith.muli %arg1, %mul3A : i32
    %add3A = arith.addi %mul3A_0, %arg0 : i32
    "tpu.region"() ({
      %run_scoped3A = tpu.sem_alloc : memref<!tpu.dma_semaphore, #tpu.memory_space<semaphore_mem>>
      tpu.enqueue_dma source(%arg7 : memref<256xf32, #tpu.memory_space<hbm>>) target(%arg16 : memref<256xf32, #tpu.memory_space<vmem>>) target_semaphore(%run_scoped3A : memref<!tpu.dma_semaphore, #tpu.memory_space<semaphore_mem>>)
      tpu.wait_dma2 semaphore(%run_scoped3A : memref<!tpu.dma_semaphore, #tpu.memory_space<semaphore_mem>>) src(%arg7 : memref<256xf32, #tpu.memory_space<hbm>>) dst(%arg16 : memref<256xf32, #tpu.memory_space<vmem>>)
      tpu.yield
    }) : () -> ()
    %mul3A_1 = arith.constant 10496 : i32
    %mul3A_2 = arith.muli %add3A, %mul3A_1 : i32
    "tpu.region"() ({
      %run_scoped3A = tpu.sem_alloc : memref<!tpu.dma_semaphore, #tpu.memory_space<semaphore_mem>>
      %dma_start3A = tpu.memref_slice %arg2[%mul3A_2] : memref<335872xi32, #tpu.memory_space<hbm>> -> memref<10496xi32, #tpu.memory_space<hbm>>
      %dma_start3A_74 = tpu.memref_slice %arg2[%mul3A_2] : memref<335872xi32, #tpu.memory_space<hbm>> -> memref<10496xi32, #tpu.memory_space<hbm>>
      tpu.enqueue_dma source(%dma_start3A_74 : memref<10496xi32, #tpu.memory_space<hbm>>) target(%arg10 : memref<10496xi32, #tpu.memory_space<vmem>>) target_semaphore(%run_scoped3A : memref<!tpu.dma_semaphore, #tpu.memory_space<semaphore_mem>>)
      %dma_wait3A = tpu.memref_slice %arg2[%mul3A_2] : memref<335872xi32, #tpu.memory_space<hbm>> -> memref<10496xi32, #tpu.memory_space<hbm>>
      %dma_wait3A_75 = tpu.memref_slice %arg2[%mul3A_2] : memref<335872xi32, #tpu.memory_space<hbm>> -> memref<10496xi32, #tpu.memory_space<hbm>>
      tpu.wait_dma2 semaphore(%run_scoped3A : memref<!tpu.dma_semaphore, #tpu.memory_space<semaphore_mem>>) src(%dma_wait3A_75 : memref<10496xi32, #tpu.memory_space<hbm>>) dst(%arg10 : memref<10496xi32, #tpu.memory_space<vmem>>)
      tpu.yield
    }) : () -> ()
    %mul3A_3 = arith.constant 10496 : i32
    %mul3A_4 = arith.muli %add3A, %mul3A_3 : i32
    "tpu.region"() ({
      %run_scoped3A = tpu.sem_alloc : memref<!tpu.dma_semaphore, #tpu.memory_space<semaphore_mem>>
      %dma_start3A = tpu.memref_slice %arg3[%mul3A_4] : memref<335872xi32, #tpu.memory_space<hbm>> -> memref<10496xi32, #tpu.memory_space<hbm>>
      %dma_start3A_74 = tpu.memref_slice %arg3[%mul3A_4] : memref<335872xi32, #tpu.memory_space<hbm>> -> memref<10496xi32, #tpu.memory_space<hbm>>
      tpu.enqueue_dma source(%dma_start3A_74 : memref<10496xi32, #tpu.memory_space<hbm>>) target(%arg11 : memref<10496xi32, #tpu.memory_space<vmem>>) target_semaphore(%run_scoped3A : memref<!tpu.dma_semaphore, #tpu.memory_space<semaphore_mem>>)
      %dma_wait3A = tpu.memref_slice %arg3[%mul3A_4] : memref<335872xi32, #tpu.memory_space<hbm>> -> memref<10496xi32, #tpu.memory_space<hbm>>
      %dma_wait3A_75 = tpu.memref_slice %arg3[%mul3A_4] : memref<335872xi32, #tpu.memory_space<hbm>> -> memref<10496xi32, #tpu.memory_space<hbm>>
      tpu.wait_dma2 semaphore(%run_scoped3A : memref<!tpu.dma_semaphore, #tpu.memory_space<semaphore_mem>>) src(%dma_wait3A_75 : memref<10496xi32, #tpu.memory_space<hbm>>) dst(%arg11 : memref<10496xi32, #tpu.memory_space<vmem>>)
      tpu.yield
    }) : () -> ()
    %get3A = arith.constant 0 : index
    %get3A_5 = tpu.vector_load %arg16[%get3A] {strides = array<i32>} : memref<256xf32, #tpu.memory_space<vmem>>, vector<16xf32>,
    %get3A_6 = arith.constant 16 : index
    %get3A_7 = tpu.vector_load %arg16[%get3A_6] {strides = array<i32>} : memref<256xf32, #tpu.memory_space<vmem>>, vector<16xf32>,
    %get3A_8 = arith.constant 32 : index
    %get3A_9 = tpu.vector_load %arg16[%get3A_8] {strides = array<i32>} : memref<256xf32, #tpu.memory_space<vmem>>, vector<16xf32>,
    %get3A_10 = arith.constant 48 : index
    %get3A_11 = tpu.vector_load %arg16[%get3A_10] {strides = array<i32>} : memref<256xf32, #tpu.memory_space<vmem>>, vector<16xf32>,
    %get3A_12 = arith.constant 64 : index
    %get3A_13 = tpu.vector_load %arg16[%get3A_12] {strides = array<i32>} : memref<256xf32, #tpu.memory_space<vmem>>, vector<16xf32>,
    %get3A_14 = arith.constant 80 : index
    %get3A_15 = tpu.vector_load %arg16[%get3A_14] {strides = array<i32>} : memref<256xf32, #tpu.memory_space<vmem>>, vector<16xf32>,
    %get3A_16 = arith.constant 96 : index
    %get3A_17 = tpu.vector_load %arg16[%get3A_16] {strides = array<i32>} : memref<256xf32, #tpu.memory_space<vmem>>, vector<16xf32>,
    %get3A_18 = arith.constant 112 : index
    %get3A_19 = tpu.vector_load %arg16[%get3A_18] {strides = array<i32>} : memref<256xf32, #tpu.memory_space<vmem>>, vector<16xf32>,
    %get3A_20 = arith.constant 128 : index
    %get3A_21 = tpu.vector_load %arg16[%get3A_20] {strides = array<i32>} : memref<256xf32, #tpu.memory_space<vmem>>, vector<16xf32>,
    %get3A_22 = arith.constant 144 : index
    %get3A_23 = tpu.vector_load %arg16[%get3A_22] {strides = array<i32>} : memref<256xf32, #tpu.memory_space<vmem>>, vector<16xf32>,
    %get3A_24 = arith.constant 160 : index
    %get3A_25 = tpu.vector_load %arg16[%get3A_24] {strides = array<i32>} : memref<256xf32, #tpu.memory_space<vmem>>, vector<16xf32>,
    %get3A_26 = arith.constant 176 : index
    %get3A_27 = tpu.vector_load %arg16[%get3A_26] {strides = array<i32>} : memref<256xf32, #tpu.memory_space<vmem>>, vector<16xf32>,
    %get3A_28 = arith.constant 192 : index
    %get3A_29 = tpu.vector_load %arg16[%get3A_28] {strides = array<i32>} : memref<256xf32, #tpu.memory_space<vmem>>, vector<16xf32>,
    %get3A_30 = arith.constant 208 : index
    %get3A_31 = tpu.vector_load %arg16[%get3A_30] {strides = array<i32>} : memref<256xf32, #tpu.memory_space<vmem>>, vector<16xf32>,
    %get3A_32 = arith.constant 224 : index
    %get3A_33 = tpu.vector_load %arg16[%get3A_32] {strides = array<i32>} : memref<256xf32, #tpu.memory_space<vmem>>, vector<16xf32>,
    %get3A_34 = arith.constant 240 : index
    %get3A_35 = tpu.vector_load %arg16[%get3A_34] {strides = array<i32>} : memref<256xf32, #tpu.memory_space<vmem>>, vector<16xf32>,
    %iota3A = tpu.iota {dimensions = array<i32: 0>} : vector<16xi32>
    %eq3A = arith.constant 0 : i32
    %eq3A_36 = vector.broadcast %eq3A : i32 to vector<16xi32>
    %eq3A_37 = arith.cmpi eq, %iota3A, %eq3A_36 : vector<16xi32>
    %jit3A = arith.constant 1.000000e+00 : f32
    %jit3A_38 = arith.constant 0.000000e+00 : f32
    %broadcast_in_dim3A = vector.broadcast %jit3A : f32 to vector<16xf32>
    %broadcast_in_dim3A_39 = vector.broadcast %jit3A_38 : f32 to vector<16xf32>
    %select_n3A = arith.select %eq3A_37, %broadcast_in_dim3A, %broadcast_in_dim3A_39 : vector<16xi1>, vector<16xf32>
    %eq3A_40 = arith.constant 1 : i32
    %eq3A_41 = vector.broadcast %eq3A_40 : i32 to vector<16xi32>
    %eq3A_42 = arith.cmpi eq, %iota3A, %eq3A_41 : vector<16xi32>
    %jit3A_43 = arith.constant 1.000000e+00 : f32
    %jit3A_44 = arith.constant 0.000000e+00 : f32
    %broadcast_in_dim3A_45 = vector.broadcast %jit3A_43 : f32 to vector<16xf32>
    %broadcast_in_dim3A_46 = vector.broadcast %jit3A_44 : f32 to vector<16xf32>
    %select_n3A_47 = arith.select %eq3A_42, %broadcast_in_dim3A_45, %broadcast_in_dim3A_46 : vector<16xi1>, vector<16xf32>
    %eq3A_48 = arith.constant 2 : i32
    %eq3A_49 = vector.broadcast %eq3A_48 : i32 to vector<16xi32>
    %eq3A_50 = arith.cmpi eq, %iota3A, %eq3A_49 : vector<16xi32>
    %jit3A_51 = arith.constant 1.000000e+00 : f32
    %jit3A_52 = arith.constant 0.000000e+00 : f32
    %broadcast_in_dim3A_53 = vector.broadcast %jit3A_51 : f32 to vector<16xf32>
    %broadcast_in_dim3A_54 = vector.broadcast %jit3A_52 : f32 to vector<16xf32>
    %select_n3A_55 = arith.select %eq3A_50, %broadcast_in_dim3A_53, %broadcast_in_dim3A_54 : vector<16xi1>, vector<16xf32>
    %eq3A_56 = arith.constant 3 : i32
    %eq3A_57 = vector.broadcast %eq3A_56 : i32 to vector<16xi32>
    %eq3A_58 = arith.cmpi eq, %iota3A, %eq3A_57 : vector<16xi32>
    %jit3A_59 = arith.constant 1.000000e+00 : f32
    %jit3A_60 = arith.constant 0.000000e+00 : f32
    %broadcast_in_dim3A_61 = vector.broadcast %jit3A_59 : f32 to vector<16xf32>
    %broadcast_in_dim3A_62 = vector.broadcast %jit3A_60 : f32 to vector<16xf32>
    %select_n3A_63 = arith.select %eq3A_58, %broadcast_in_dim3A_61, %broadcast_in_dim3A_62 : vector<16xi1>, vector<16xf32>
    %broadcast_in_dim3A_64 = arith.constant -1.000000e+30 : f32
    %broadcast_in_dim3A_65 = vector.broadcast %broadcast_in_dim3A_64 : f32 to vector<16xf32>
    %scan3A = arith.constant 0 : i32
    %scan3A_66 = arith.constant 82 : i32
    %scan3A_67 = arith.addi %scan3A, %scan3A_66 : i32
    %scan3A_68 = arith.constant 1 : i32
    %scan3A_69 = scf.for %scan3A_74 = %scan3A to %scan3A_67 step %scan3A_68 iter_args(%scan3A_75 = %broadcast_in_dim3A_65) -> (vector<16xf32>)  : i32 {
      %mul3A_76 = arith.constant 10496 : i32
      %mul3A_77 = arith.muli %add3A, %mul3A_76 : i32
      %mul3A_78 = arith.constant 128 : i32
      %mul3A_79 = arith.muli %scan3A_74, %mul3A_78 : i32
      %add3A_80 = arith.addi %mul3A_77, %mul3A_79 : i32
      %mul3A_81 = arith.constant 128 : i32
      %mul3A_82 = arith.muli %scan3A_74, %mul3A_81 : i32
      %dma_start3A = tpu.memref_slice %arg10[%mul3A_82] : memref<10496xi32, #tpu.memory_space<vmem>> -> memref<128xi32, #tpu.memory_space<vmem>>
      %dma_start3A_83 = arith.constant 0 : i32
      %dma_start3A_84 = arith.constant 0 : i32
      %dma_start3A_85 = tpu.memref_slice %arg4[%dma_start3A_83, %dma_start3A_84] : memref<10240x256xf32, #tpu.memory_space<hbm>> -> memref<10240x256xf32, #tpu.memory_space<hbm>>
      tpu.enqueue_indirect_dma source(%dma_start3A_85 : memref<10240x256xf32, #tpu.memory_space<hbm>>) target(%arg12 : memref<128x256xf32, #tpu.memory_space<vmem>>) offsets(%dma_start3A : memref<128xi32, #tpu.memory_space<vmem>>) semaphore(%arg18 : memref<!tpu.dma_semaphore, #tpu.memory_space<semaphore_mem>>)
      %mul3A_86 = arith.constant 128 : i32
      %mul3A_87 = arith.muli %scan3A_74, %mul3A_86 : i32
      %dma_start3A_88 = tpu.memref_slice %arg11[%mul3A_87] : memref<10496xi32, #tpu.memory_space<vmem>> -> memref<128xi32, #tpu.memory_space<vmem>>
      %dma_start3A_89 = arith.constant 0 : i32
      %dma_start3A_90 = arith.constant 0 : i32
      %dma_start3A_91 = tpu.memref_slice %arg5[%dma_start3A_89, %dma_start3A_90] : memref<10240x256xf32, #tpu.memory_space<hbm>> -> memref<10240x256xf32, #tpu.memory_space<hbm>>
      tpu.enqueue_indirect_dma source(%dma_start3A_91 : memref<10240x256xf32, #tpu.memory_space<hbm>>) target(%arg13 : memref<128x256xf32, #tpu.memory_space<vmem>>) offsets(%dma_start3A_88 : memref<128xi32, #tpu.memory_space<vmem>>) semaphore(%arg18 : memref<!tpu.dma_semaphore, #tpu.memory_space<semaphore_mem>>)
      %dma_start3A_92 = arith.constant 0 : i32
      %dma_start3A_93 = tpu.memref_slice %arg6[%add3A_80, %dma_start3A_92] : memref<335872x256xf32, #tpu.memory_space<hbm>> -> memref<128x256xf32, #tpu.memory_space<hbm>>
      %dma_start3A_94 = arith.constant 0 : i32
      %dma_start3A_95 = tpu.memref_slice %arg6[%add3A_80, %dma_start3A_94] : memref<335872x256xf32, #tpu.memory_space<hbm>> -> memref<128x256xf32, #tpu.memory_space<hbm>>
      tpu.enqueue_dma source(%dma_start3A_95 : memref<128x256xf32, #tpu.memory_space<hbm>>) target(%arg14 : memref<128x256xf32, #tpu.memory_space<vmem>>) target_semaphore(%arg18 : memref<!tpu.dma_semaphore, #tpu.memory_space<semaphore_mem>>)
      %dma_wait3A = tpu.memref_slice %arg10[%mul3A_82] : memref<10496xi32, #tpu.memory_space<vmem>> -> memref<128xi32, #tpu.memory_space<vmem>>
      %dma_wait3A_96 = arith.constant 0 : i32
      %dma_wait3A_97 = arith.constant 0 : i32
      %dma_wait3A_98 = tpu.memref_slice %arg4[%dma_wait3A_96, %dma_wait3A_97] : memref<10240x256xf32, #tpu.memory_space<hbm>> -> memref<10240x256xf32, #tpu.memory_space<hbm>>
      tpu.wait_indirect_dma semaphore(%arg18 : memref<!tpu.dma_semaphore, #tpu.memory_space<semaphore_mem>>) src(%dma_wait3A_98 : memref<10240x256xf32, #tpu.memory_space<hbm>>) dst(%arg12 : memref<128x256xf32, #tpu.memory_space<vmem>>)
      %dma_wait3A_99 = tpu.memref_slice %arg11[%mul3A_87] : memref<10496xi32, #tpu.memory_space<vmem>> -> memref<128xi32, #tpu.memory_space<vmem>>
      %dma_wait3A_100 = arith.constant 0 : i32
      %dma_wait3A_101 = arith.constant 0 : i32
      %dma_wait3A_102 = tpu.memref_slice %arg5[%dma_wait3A_100, %dma_wait3A_101] : memref<10240x256xf32, #tpu.memory_space<hbm>> -> memref<10240x256xf32, #tpu.memory_space<hbm>>
      tpu.wait_indirect_dma semaphore(%arg18 : memref<!tpu.dma_semaphore, #tpu.memory_space<semaphore_mem>>) src(%dma_wait3A_102 : memref<10240x256xf32, #tpu.memory_space<hbm>>) dst(%arg13 : memref<128x256xf32, #tpu.memory_space<vmem>>)
      %dma_wait3A_103 = arith.constant 0 : i32
      %dma_wait3A_104 = tpu.memref_slice %arg6[%add3A_80, %dma_wait3A_103] : memref<335872x256xf32, #tpu.memory_space<hbm>> -> memref<128x256xf32, #tpu.memory_space<hbm>>
      %dma_wait3A_105 = arith.constant 0 : i32
      %dma_wait3A_106 = tpu.memref_slice %arg6[%add3A_80, %dma_wait3A_105] : memref<335872x256xf32, #tpu.memory_space<hbm>> -> memref<128x256xf32, #tpu.memory_space<hbm>>
      tpu.wait_dma2 semaphore(%arg18 : memref<!tpu.dma_semaphore, #tpu.memory_space<semaphore_mem>>) src(%dma_wait3A_106 : memref<128x256xf32, #tpu.memory_space<hbm>>) dst(%arg14 : memref<128x256xf32, #tpu.memory_space<vmem>>)
      %scan3A_107 = arith.constant 0 : i32
      %scan3A_108 = arith.constant 128 : i32
      %scan3A_109 = arith.addi %scan3A_107, %scan3A_108 : i32
      %scan3A_110 = arith.constant 1 : i32
      %scan3A_111 = scf.for %scan3A_113 = %scan3A_107 to %scan3A_109 step %scan3A_110 iter_args(%scan3A_114 = %scan3A_75) -> (vector<16xf32>)  : i32 {
        %broadcast_in_dim3A_115 = arith.constant 0.000000e+00 : f32
        %broadcast_in_dim3A_116 = vector.broadcast %broadcast_in_dim3A_115 : f32 to vector<16xf32>
        %get3A_117 = arith.index_cast %scan3A_113 : i32 to index
        %get3A_118 = arith.constant 0 : index
        %get3A_119 = tpu.vector_load %arg12[%get3A_117, %get3A_118] {strides = array<i32>} : memref<128x256xf32, #tpu.memory_space<vmem>>, vector<16xf32>,
        %get3A_120 = arith.index_cast %scan3A_113 : i32 to index
        %get3A_121 = arith.constant 0 : index
        %get3A_122 = tpu.vector_load %arg13[%get3A_120, %get3A_121] {strides = array<i32>} : memref<128x256xf32, #tpu.memory_space<vmem>>, vector<16xf32>,
        %add3A_123 = arith.addf %get3A_119, %get3A_122 : vector<16xf32>
        %get3A_124 = arith.index_cast %scan3A_113 : i32 to index
        %get3A_125 = arith.constant 0 : index
        %get3A_126 = tpu.vector_load %arg14[%get3A_124, %get3A_125] {strides = array<i32>} : memref<128x256xf32, #tpu.memory_space<vmem>>, vector<16xf32>,
        %add3A_127 = arith.addf %add3A_123, %get3A_126 : vector<16xf32>
        %mul3A_128 = arith.constant 2.000000e-01 : f32
        %mul3A_129 = vector.broadcast %mul3A_128 : f32 to vector<16xf32>
        %mul3A_130 = arith.mulf %mul3A_129, %add3A_127 : vector<16xf32>
        %max3A = arith.maximumf %add3A_127, %mul3A_130 : vector<16xf32>
        %mul3A_131 = arith.mulf %max3A, %get3A_5 : vector<16xf32>
        %add3A_132 = arith.addf %broadcast_in_dim3A_116, %mul3A_131 : vector<16xf32>
        %get3A_133 = arith.index_cast %scan3A_113 : i32 to index
        %get3A_134 = arith.constant 16 : index
        %get3A_135 = tpu.vector_load %arg12[%get3A_133, %get3A_134] {strides = array<i32>} : memref<128x256xf32, #tpu.memory_space<vmem>>, vector<16xf32>,
        %get3A_136 = arith.index_cast %scan3A_113 : i32 to index
        %get3A_137 = arith.constant 16 : index
        %get3A_138 = tpu.vector_load %arg13[%get3A_136, %get3A_137] {strides = array<i32>} : memref<128x256xf32, #tpu.memory_space<vmem>>, vector<16xf32>,
        %add3A_139 = arith.addf %get3A_135, %get3A_138 : vector<16xf32>
        %get3A_140 = arith.index_cast %scan3A_113 : i32 to index
        %get3A_141 = arith.constant 16 : index
        %get3A_142 = tpu.vector_load %arg14[%get3A_140, %get3A_141] {strides = array<i32>} : memref<128x256xf32, #tpu.memory_space<vmem>>, vector<16xf32>,
        %add3A_143 = arith.addf %add3A_139, %get3A_142 : vector<16xf32>
        %mul3A_144 = arith.constant 2.000000e-01 : f32
        %mul3A_145 = vector.broadcast %mul3A_144 : f32 to vector<16xf32>
        %mul3A_146 = arith.mulf %mul3A_145, %add3A_143 : vector<16xf32>
        %max3A_147 = arith.maximumf %add3A_143, %mul3A_146 : vector<16xf32>
        %mul3A_148 = arith.mulf %max3A_147, %get3A_7 : vector<16xf32>
        %add3A_149 = arith.addf %add3A_132, %mul3A_148 : vector<16xf32>
        %get3A_150 = arith.index_cast %scan3A_113 : i32 to index
        %get3A_151 = arith.constant 32 : index
        %get3A_152 = tpu.vector_load %arg12[%get3A_150, %get3A_151] {strides = array<i32>} : memref<128x256xf32, #tpu.memory_space<vmem>>, vector<16xf32>,
        %get3A_153 = arith.index_cast %scan3A_113 : i32 to index
        %get3A_154 = arith.constant 32 : index
        %get3A_155 = tpu.vector_load %arg13[%get3A_153, %get3A_154] {strides = array<i32>} : memref<128x256xf32, #tpu.memory_space<vmem>>, vector<16xf32>,
        %add3A_156 = arith.addf %get3A_152, %get3A_155 : vector<16xf32>
        %get3A_157 = arith.index_cast %scan3A_113 : i32 to index
        %get3A_158 = arith.constant 32 : index
        %get3A_159 = tpu.vector_load %arg14[%get3A_157, %get3A_158] {strides = array<i32>} : memref<128x256xf32, #tpu.memory_space<vmem>>, vector<16xf32>,
        %add3A_160 = arith.addf %add3A_156, %get3A_159 : vector<16xf32>
        %mul3A_161 = arith.constant 2.000000e-01 : f32
        %mul3A_162 = vector.broadcast %mul3A_161 : f32 to vector<16xf32>
        %mul3A_163 = arith.mulf %mul3A_162, %add3A_160 : vector<16xf32>
        %max3A_164 = arith.maximumf %add3A_160, %mul3A_163 : vector<16xf32>
        %mul3A_165 = arith.mulf %max3A_164, %get3A_9 : vector<16xf32>
        %add3A_166 = arith.addf %add3A_149, %mul3A_165 : vector<16xf32>
        %get3A_167 = arith.index_cast %scan3A_113 : i32 to index
        %get3A_168 = arith.constant 48 : index
        %get3A_169 = tpu.vector_load %arg12[%get3A_167, %get3A_168] {strides = array<i32>} : memref<128x256xf32, #tpu.memory_space<vmem>>, vector<16xf32>,
        %get3A_170 = arith.index_cast %scan3A_113 : i32 to index
        %get3A_171 = arith.constant 48 : index
        %get3A_172 = tpu.vector_load %arg13[%get3A_170, %get3A_171] {strides = array<i32>} : memref<128x256xf32, #tpu.memory_space<vmem>>, vector<16xf32>,
        %add3A_173 = arith.addf %get3A_169, %get3A_172 : vector<16xf32>
        %get3A_174 = arith.index_cast %scan3A_113 : i32 to index
        %get3A_175 = arith.constant 48 : index
        %get3A_176 = tpu.vector_load %arg14[%get3A_174, %get3A_175] {strides = array<i32>} : memref<128x256xf32, #tpu.memory_space<vmem>>, vector<16xf32>,
        %add3A_177 = arith.addf %add3A_173, %get3A_176 : vector<16xf32>
        %mul3A_178 = arith.constant 2.000000e-01 : f32
        %mul3A_179 = vector.broadcast %mul3A_178 : f32 to vector<16xf32>
        %mul3A_180 = arith.mulf %mul3A_179, %add3A_177 : vector<16xf32>
        %max3A_181 = arith.maximumf %add3A_177, %mul3A_180 : vector<16xf32>
        %mul3A_182 = arith.mulf %max3A_181, %get3A_11 : vector<16xf32>
        %add3A_183 = arith.addf %add3A_166, %mul3A_182 : vector<16xf32>
        %broadcast_in_dim3A_184 = arith.constant 0.000000e+00 : f32
        %broadcast_in_dim3A_185 = vector.broadcast %broadcast_in_dim3A_184 : f32 to vector<16xf32>
        %get3A_186 = arith.index_cast %scan3A_113 : i32 to index
        %get3A_187 = arith.constant 64 : index
        %get3A_188 = tpu.vector_load %arg12[%get3A_186, %get3A_187] {strides = array<i32>} : memref<128x256xf32, #tpu.memory_space<vmem>>, vector<16xf32>,
        %get3A_189 = arith.index_cast %scan3A_113 : i32 to index
        %get3A_190 = arith.constant 64 : index
        %get3A_191 = tpu.vector_load %arg13[%get3A_189, %get3A_190] {strides = array<i32>} : memref<128x256xf32, #tpu.memory_space<vmem>>, vector<16xf32>,
        %add3A_192 = arith.addf %get3A_188, %get3A_191 : vector<16xf32>
        %get3A_193 = arith.index_cast %scan3A_113 : i32 to index
        %get3A_194 = arith.constant 64 : index
        %get3A_195 = tpu.vector_load %arg14[%get3A_193, %get3A_194] {strides = array<i32>} : memref<128x256xf32, #tpu.memory_space<vmem>>, vector<16xf32>,
        %add3A_196 = arith.addf %add3A_192, %get3A_195 : vector<16xf32>
        %mul3A_197 = arith.constant 2.000000e-01 : f32
        %mul3A_198 = vector.broadcast %mul3A_197 : f32 to vector<16xf32>
        %mul3A_199 = arith.mulf %mul3A_198, %add3A_196 : vector<16xf32>
        %max3A_200 = arith.maximumf %add3A_196, %mul3A_199 : vector<16xf32>
        %mul3A_201 = arith.mulf %max3A_200, %get3A_13 : vector<16xf32>
        %add3A_202 = arith.addf %broadcast_in_dim3A_185, %mul3A_201 : vector<16xf32>
        %get3A_203 = arith.index_cast %scan3A_113 : i32 to index
        %get3A_204 = arith.constant 80 : index
        %get3A_205 = tpu.vector_load %arg12[%get3A_203, %get3A_204] {strides = array<i32>} : memref<128x256xf32, #tpu.memory_space<vmem>>, vector<16xf32>,
        %get3A_206 = arith.index_cast %scan3A_113 : i32 to index
        %get3A_207 = arith.constant 80 : index
        %get3A_208 = tpu.vector_load %arg13[%get3A_206, %get3A_207] {strides = array<i32>} : memref<128x256xf32, #tpu.memory_space<vmem>>, vector<16xf32>,
        %add3A_209 = arith.addf %get3A_205, %get3A_208 : vector<16xf32>
        %get3A_210 = arith.index_cast %scan3A_113 : i32 to index
        %get3A_211 = arith.constant 80 : index
        %get3A_212 = tpu.vector_load %arg14[%get3A_210, %get3A_211] {strides = array<i32>} : memref<128x256xf32, #tpu.memory_space<vmem>>, vector<16xf32>,
        %add3A_213 = arith.addf %add3A_209, %get3A_212 : vector<16xf32>
        %mul3A_214 = arith.constant 2.000000e-01 : f32
        %mul3A_215 = vector.broadcast %mul3A_214 : f32 to vector<16xf32>
        %mul3A_216 = arith.mulf %mul3A_215, %add3A_213 : vector<16xf32>
        %max3A_217 = arith.maximumf %add3A_213, %mul3A_216 : vector<16xf32>
        %mul3A_218 = arith.mulf %max3A_217, %get3A_15 : vector<16xf32>
        %add3A_219 = arith.addf %add3A_202, %mul3A_218 : vector<16xf32>
        %get3A_220 = arith.index_cast %scan3A_113 : i32 to index
        %get3A_221 = arith.constant 96 : index
        %get3A_222 = tpu.vector_load %arg12[%get3A_220, %get3A_221] {strides = array<i32>} : memref<128x256xf32, #tpu.memory_space<vmem>>, vector<16xf32>,
        %get3A_223 = arith.index_cast %scan3A_113 : i32 to index
        %get3A_224 = arith.constant 96 : index
        %get3A_225 = tpu.vector_load %arg13[%get3A_223, %get3A_224] {strides = array<i32>} : memref<128x256xf32, #tpu.memory_space<vmem>>, vector<16xf32>,
        %add3A_226 = arith.addf %get3A_222, %get3A_225 : vector<16xf32>
        %get3A_227 = arith.index_cast %scan3A_113 : i32 to index
        %get3A_228 = arith.constant 96 : index
        %get3A_229 = tpu.vector_load %arg14[%get3A_227, %get3A_228] {strides = array<i32>} : memref<128x256xf32, #tpu.memory_space<vmem>>, vector<16xf32>,
        %add3A_230 = arith.addf %add3A_226, %get3A_229 : vector<16xf32>
        %mul3A_231 = arith.constant 2.000000e-01 : f32
        %mul3A_232 = vector.broadcast %mul3A_231 : f32 to vector<16xf32>
        %mul3A_233 = arith.mulf %mul3A_232, %add3A_230 : vector<16xf32>
        %max3A_234 = arith.maximumf %add3A_230, %mul3A_233 : vector<16xf32>
        %mul3A_235 = arith.mulf %max3A_234, %get3A_17 : vector<16xf32>
        %add3A_236 = arith.addf %add3A_219, %mul3A_235 : vector<16xf32>
        %get3A_237 = arith.index_cast %scan3A_113 : i32 to index
        %get3A_238 = arith.constant 112 : index
        %get3A_239 = tpu.vector_load %arg12[%get3A_237, %get3A_238] {strides = array<i32>} : memref<128x256xf32, #tpu.memory_space<vmem>>, vector<16xf32>,
        %get3A_240 = arith.index_cast %scan3A_113 : i32 to index
        %get3A_241 = arith.constant 112 : index
        %get3A_242 = tpu.vector_load %arg13[%get3A_240, %get3A_241] {strides = array<i32>} : memref<128x256xf32, #tpu.memory_space<vmem>>, vector<16xf32>,
        %add3A_243 = arith.addf %get3A_239, %get3A_242 : vector<16xf32>
        %get3A_244 = arith.index_cast %scan3A_113 : i32 to index
        %get3A_245 = arith.constant 112 : index
        %get3A_246 = tpu.vector_load %arg14[%get3A_244, %get3A_245] {strides = array<i32>} : memref<128x256xf32, #tpu.memory_space<vmem>>, vector<16xf32>,
        %add3A_247 = arith.addf %add3A_243, %get3A_246 : vector<16xf32>
        %mul3A_248 = arith.constant 2.000000e-01 : f32
        %mul3A_249 = vector.broadcast %mul3A_248 : f32 to vector<16xf32>
        %mul3A_250 = arith.mulf %mul3A_249, %add3A_247 : vector<16xf32>
        %max3A_251 = arith.maximumf %add3A_247, %mul3A_250 : vector<16xf32>
        %mul3A_252 = arith.mulf %max3A_251, %get3A_19 : vector<16xf32>
        %add3A_253 = arith.addf %add3A_236, %mul3A_252 : vector<16xf32>
        %broadcast_in_dim3A_254 = arith.constant 0.000000e+00 : f32
        %broadcast_in_dim3A_255 = vector.broadcast %broadcast_in_dim3A_254 : f32 to vector<16xf32>
        %get3A_256 = arith.index_cast %scan3A_113 : i32 to index
        %get3A_257 = arith.constant 128 : index
        %get3A_258 = tpu.vector_load %arg12[%get3A_256, %get3A_257] {strides = array<i32>} : memref<128x256xf32, #tpu.memory_space<vmem>>, vector<16xf32>,
        %get3A_259 = arith.index_cast %scan3A_113 : i32 to index
        %get3A_260 = arith.constant 128 : index
        %get3A_261 = tpu.vector_load %arg13[%get3A_259, %get3A_260] {strides = array<i32>} : memref<128x256xf32, #tpu.memory_space<vmem>>, vector<16xf32>,
        %add3A_262 = arith.addf %get3A_258, %get3A_261 : vector<16xf32>
        %get3A_263 = arith.index_cast %scan3A_113 : i32 to index
        %get3A_264 = arith.constant 128 : index
        %get3A_265 = tpu.vector_load %arg14[%get3A_263, %get3A_264] {strides = array<i32>} : memref<128x256xf32, #tpu.memory_space<vmem>>, vector<16xf32>,
        %add3A_266 = arith.addf %add3A_262, %get3A_265 : vector<16xf32>
        %mul3A_267 = arith.constant 2.000000e-01 : f32
        %mul3A_268 = vector.broadcast %mul3A_267 : f32 to vector<16xf32>
        %mul3A_269 = arith.mulf %mul3A_268, %add3A_266 : vector<16xf32>
        %max3A_270 = arith.maximumf %add3A_266, %mul3A_269 : vector<16xf32>
        %mul3A_271 = arith.mulf %max3A_270, %get3A_21 : vector<16xf32>
        %add3A_272 = arith.addf %broadcast_in_dim3A_255, %mul3A_271 : vector<16xf32>
        %get3A_273 = arith.index_cast %scan3A_113 : i32 to index
        %get3A_274 = arith.constant 144 : index
        %get3A_275 = tpu.vector_load %arg12[%get3A_273, %get3A_274] {strides = array<i32>} : memref<128x256xf32, #tpu.memory_space<vmem>>, vector<16xf32>,
        %get3A_276 = arith.index_cast %scan3A_113 : i32 to index
        %get3A_277 = arith.constant 144 : index
        %get3A_278 = tpu.vector_load %arg13[%get3A_276, %get3A_277] {strides = array<i32>} : memref<128x256xf32, #tpu.memory_space<vmem>>, vector<16xf32>,
        %add3A_279 = arith.addf %get3A_275, %get3A_278 : vector<16xf32>
        %get3A_280 = arith.index_cast %scan3A_113 : i32 to index
        %get3A_281 = arith.constant 144 : index
        %get3A_282 = tpu.vector_load %arg14[%get3A_280, %get3A_281] {strides = array<i32>} : memref<128x256xf32, #tpu.memory_space<vmem>>, vector<16xf32>,
        %add3A_283 = arith.addf %add3A_279, %get3A_282 : vector<16xf32>
        %mul3A_284 = arith.constant 2.000000e-01 : f32
        %mul3A_285 = vector.broadcast %mul3A_284 : f32 to vector<16xf32>
        %mul3A_286 = arith.mulf %mul3A_285, %add3A_283 : vector<16xf32>
        %max3A_287 = arith.maximumf %add3A_283, %mul3A_286 : vector<16xf32>
        %mul3A_288 = arith.mulf %max3A_287, %get3A_23 : vector<16xf32>
        %add3A_289 = arith.addf %add3A_272, %mul3A_288 : vector<16xf32>
        %get3A_290 = arith.index_cast %scan3A_113 : i32 to index
        %get3A_291 = arith.constant 160 : index
        %get3A_292 = tpu.vector_load %arg12[%get3A_290, %get3A_291] {strides = array<i32>} : memref<128x256xf32, #tpu.memory_space<vmem>>, vector<16xf32>,
        %get3A_293 = arith.index_cast %scan3A_113 : i32 to index
        %get3A_294 = arith.constant 160 : index
        %get3A_295 = tpu.vector_load %arg13[%get3A_293, %get3A_294] {strides = array<i32>} : memref<128x256xf32, #tpu.memory_space<vmem>>, vector<16xf32>,
        %add3A_296 = arith.addf %get3A_292, %get3A_295 : vector<16xf32>
        %get3A_297 = arith.index_cast %scan3A_113 : i32 to index
        %get3A_298 = arith.constant 160 : index
        %get3A_299 = tpu.vector_load %arg14[%get3A_297, %get3A_298] {strides = array<i32>} : memref<128x256xf32, #tpu.memory_space<vmem>>, vector<16xf32>,
        %add3A_300 = arith.addf %add3A_296, %get3A_299 : vector<16xf32>
        %mul3A_301 = arith.constant 2.000000e-01 : f32
        %mul3A_302 = vector.broadcast %mul3A_301 : f32 to vector<16xf32>
        %mul3A_303 = arith.mulf %mul3A_302, %add3A_300 : vector<16xf32>
        %max3A_304 = arith.maximumf %add3A_300, %mul3A_303 : vector<16xf32>
        %mul3A_305 = arith.mulf %max3A_304, %get3A_25 : vector<16xf32>
        %add3A_306 = arith.addf %add3A_289, %mul3A_305 : vector<16xf32>
        %get3A_307 = arith.index_cast %scan3A_113 : i32 to index
        %get3A_308 = arith.constant 176 : index
        %get3A_309 = tpu.vector_load %arg12[%get3A_307, %get3A_308] {strides = array<i32>} : memref<128x256xf32, #tpu.memory_space<vmem>>, vector<16xf32>,
        %get3A_310 = arith.index_cast %scan3A_113 : i32 to index
        %get3A_311 = arith.constant 176 : index
        %get3A_312 = tpu.vector_load %arg13[%get3A_310, %get3A_311] {strides = array<i32>} : memref<128x256xf32, #tpu.memory_space<vmem>>, vector<16xf32>,
        %add3A_313 = arith.addf %get3A_309, %get3A_312 : vector<16xf32>
        %get3A_314 = arith.index_cast %scan3A_113 : i32 to index
        %get3A_315 = arith.constant 176 : index
        %get3A_316 = tpu.vector_load %arg14[%get3A_314, %get3A_315] {strides = array<i32>} : memref<128x256xf32, #tpu.memory_space<vmem>>, vector<16xf32>,
        %add3A_317 = arith.addf %add3A_313, %get3A_316 : vector<16xf32>
        %mul3A_318 = arith.constant 2.000000e-01 : f32
        %mul3A_319 = vector.broadcast %mul3A_318 : f32 to vector<16xf32>
        %mul3A_320 = arith.mulf %mul3A_319, %add3A_317 : vector<16xf32>
        %max3A_321 = arith.maximumf %add3A_317, %mul3A_320 : vector<16xf32>
        %mul3A_322 = arith.mulf %max3A_321, %get3A_27 : vector<16xf32>
        %add3A_323 = arith.addf %add3A_306, %mul3A_322 : vector<16xf32>
        %broadcast_in_dim3A_324 = arith.constant 0.000000e+00 : f32
        %broadcast_in_dim3A_325 = vector.broadcast %broadcast_in_dim3A_324 : f32 to vector<16xf32>
        %get3A_326 = arith.index_cast %scan3A_113 : i32 to index
        %get3A_327 = arith.constant 192 : index
        %get3A_328 = tpu.vector_load %arg12[%get3A_326, %get3A_327] {strides = array<i32>} : memref<128x256xf32, #tpu.memory_space<vmem>>, vector<16xf32>,
        %get3A_329 = arith.index_cast %scan3A_113 : i32 to index
        %get3A_330 = arith.constant 192 : index
        %get3A_331 = tpu.vector_load %arg13[%get3A_329, %get3A_330] {strides = array<i32>} : memref<128x256xf32, #tpu.memory_space<vmem>>, vector<16xf32>,
        %add3A_332 = arith.addf %get3A_328, %get3A_331 : vector<16xf32>
        %get3A_333 = arith.index_cast %scan3A_113 : i32 to index
        %get3A_334 = arith.constant 192 : index
        %get3A_335 = tpu.vector_load %arg14[%get3A_333, %get3A_334] {strides = array<i32>} : memref<128x256xf32, #tpu.memory_space<vmem>>, vector<16xf32>,
        %add3A_336 = arith.addf %add3A_332, %get3A_335 : vector<16xf32>
        %mul3A_337 = arith.constant 2.000000e-01 : f32
        %mul3A_338 = vector.broadcast %mul3A_337 : f32 to vector<16xf32>
        %mul3A_339 = arith.mulf %mul3A_338, %add3A_336 : vector<16xf32>
        %max3A_340 = arith.maximumf %add3A_336, %mul3A_339 : vector<16xf32>
        %mul3A_341 = arith.mulf %max3A_340, %get3A_29 : vector<16xf32>
        %add3A_342 = arith.addf %broadcast_in_dim3A_325, %mul3A_341 : vector<16xf32>
        %get3A_343 = arith.index_cast %scan3A_113 : i32 to index
        %get3A_344 = arith.constant 208 : index
        %get3A_345 = tpu.vector_load %arg12[%get3A_343, %get3A_344] {strides = array<i32>} : memref<128x256xf32, #tpu.memory_space<vmem>>, vector<16xf32>,
        %get3A_346 = arith.index_cast %scan3A_113 : i32 to index
        %get3A_347 = arith.constant 208 : index
        %get3A_348 = tpu.vector_load %arg13[%get3A_346, %get3A_347] {strides = array<i32>} : memref<128x256xf32, #tpu.memory_space<vmem>>, vector<16xf32>,
        %add3A_349 = arith.addf %get3A_345, %get3A_348 : vector<16xf32>
        %get3A_350 = arith.index_cast %scan3A_113 : i32 to index
        %get3A_351 = arith.constant 208 : index
        %get3A_352 = tpu.vector_load %arg14[%get3A_350, %get3A_351] {strides = array<i32>} : memref<128x256xf32, #tpu.memory_space<vmem>>, vector<16xf32>,
        %add3A_353 = arith.addf %add3A_349, %get3A_352 : vector<16xf32>
        %mul3A_354 = arith.constant 2.000000e-01 : f32
        %mul3A_355 = vector.broadcast %mul3A_354 : f32 to vector<16xf32>
        %mul3A_356 = arith.mulf %mul3A_355, %add3A_353 : vector<16xf32>
        %max3A_357 = arith.maximumf %add3A_353, %mul3A_356 : vector<16xf32>
        %mul3A_358 = arith.mulf %max3A_357, %get3A_31 : vector<16xf32>
        %add3A_359 = arith.addf %add3A_342, %mul3A_358 : vector<16xf32>
        %get3A_360 = arith.index_cast %scan3A_113 : i32 to index
        %get3A_361 = arith.constant 224 : index
        %get3A_362 = tpu.vector_load %arg12[%get3A_360, %get3A_361] {strides = array<i32>} : memref<128x256xf32, #tpu.memory_space<vmem>>, vector<16xf32>,
        %get3A_363 = arith.index_cast %scan3A_113 : i32 to index
        %get3A_364 = arith.constant 224 : index
        %get3A_365 = tpu.vector_load %arg13[%get3A_363, %get3A_364] {strides = array<i32>} : memref<128x256xf32, #tpu.memory_space<vmem>>, vector<16xf32>,
        %add3A_366 = arith.addf %get3A_362, %get3A_365 : vector<16xf32>
        %get3A_367 = arith.index_cast %scan3A_113 : i32 to index
        %get3A_368 = arith.constant 224 : index
        %get3A_369 = tpu.vector_load %arg14[%get3A_367, %get3A_368] {strides = array<i32>} : memref<128x256xf32, #tpu.memory_space<vmem>>, vector<16xf32>,
        %add3A_370 = arith.addf %add3A_366, %get3A_369 : vector<16xf32>
        %mul3A_371 = arith.constant 2.000000e-01 : f32
        %mul3A_372 = vector.broadcast %mul3A_371 : f32 to vector<16xf32>
        %mul3A_373 = arith.mulf %mul3A_372, %add3A_370 : vector<16xf32>
        %max3A_374 = arith.maximumf %add3A_370, %mul3A_373 : vector<16xf32>
        %mul3A_375 = arith.mulf %max3A_374, %get3A_33 : vector<16xf32>
        %add3A_376 = arith.addf %add3A_359, %mul3A_375 : vector<16xf32>
        %get3A_377 = arith.index_cast %scan3A_113 : i32 to index
        %get3A_378 = arith.constant 240 : index
        %get3A_379 = tpu.vector_load %arg12[%get3A_377, %get3A_378] {strides = array<i32>} : memref<128x256xf32, #tpu.memory_space<vmem>>, vector<16xf32>,
        %get3A_380 = arith.index_cast %scan3A_113 : i32 to index
        %get3A_381 = arith.constant 240 : index
        %get3A_382 = tpu.vector_load %arg13[%get3A_380, %get3A_381] {strides = array<i32>} : memref<128x256xf32, #tpu.memory_space<vmem>>, vector<16xf32>,
        %add3A_383 = arith.addf %get3A_379, %get3A_382 : vector<16xf32>
        %get3A_384 = arith.index_cast %scan3A_113 : i32 to index
        %get3A_385 = arith.constant 240 : index
        %get3A_386 = tpu.vector_load %arg14[%get3A_384, %get3A_385] {strides = array<i32>} : memref<128x256xf32, #tpu.memory_space<vmem>>, vector<16xf32>,
        %add3A_387 = arith.addf %add3A_383, %get3A_386 : vector<16xf32>
        %mul3A_388 = arith.constant 2.000000e-01 : f32
        %mul3A_389 = vector.broadcast %mul3A_388 : f32 to vector<16xf32>
        %mul3A_390 = arith.mulf %mul3A_389, %add3A_387 : vector<16xf32>
        %max3A_391 = arith.maximumf %add3A_387, %mul3A_390 : vector<16xf32>
        %mul3A_392 = arith.mulf %max3A_391, %get3A_35 : vector<16xf32>
        %add3A_393 = arith.addf %add3A_376, %mul3A_392 : vector<16xf32>
        %broadcast_in_dim3A_394 = arith.constant 0.000000e+00 : f32
        %broadcast_in_dim3A_395 = vector.broadcast %broadcast_in_dim3A_394 : f32 to vector<16xf32>
        %reduce_sum3A = arith.constant true
        %reduce_sum3A_396 = vector.broadcast %reduce_sum3A : i1 to vector<16xi1>
        %reduce_sum3A_397 = tpu.scan <sum>, %add3A_183 masked %reduce_sum3A_396 : vector<16xf32>, vector<16xi1> -> vector<16xf32>
        %reduce_sum3A_398 = vector.extract %reduce_sum3A_397[15] : f32 from vector<16xf32>
        %mul3A_399 = vector.broadcast %reduce_sum3A_398 : f32 to vector<16xf32>
        %mul3A_400 = arith.mulf %mul3A_399, %select_n3A : vector<16xf32>
        %add3A_401 = arith.addf %broadcast_in_dim3A_395, %mul3A_400 : vector<16xf32>
        %reduce_sum3A_402 = arith.constant true
        %reduce_sum3A_403 = vector.broadcast %reduce_sum3A_402 : i1 to vector<16xi1>
        %reduce_sum3A_404 = tpu.scan <sum>, %add3A_253 masked %reduce_sum3A_403 : vector<16xf32>, vector<16xi1> -> vector<16xf32>
        %reduce_sum3A_405 = vector.extract %reduce_sum3A_404[15] : f32 from vector<16xf32>
        %mul3A_406 = vector.broadcast %reduce_sum3A_405 : f32 to vector<16xf32>
        %mul3A_407 = arith.mulf %mul3A_406, %select_n3A_47 : vector<16xf32>
        %add3A_408 = arith.addf %add3A_401, %mul3A_407 : vector<16xf32>
        %reduce_sum3A_409 = arith.constant true
        %reduce_sum3A_410 = vector.broadcast %reduce_sum3A_409 : i1 to vector<16xi1>
        %reduce_sum3A_411 = tpu.scan <sum>, %add3A_323 masked %reduce_sum3A_410 : vector<16xf32>, vector<16xi1> -> vector<16xf32>
        %reduce_sum3A_412 = vector.extract %reduce_sum3A_411[15] : f32 from vector<16xf32>
        %mul3A_413 = vector.broadcast %reduce_sum3A_412 : f32 to vector<16xf32>
        %mul3A_414 = arith.mulf %mul3A_413, %select_n3A_55 : vector<16xf32>
        %add3A_415 = arith.addf %add3A_408, %mul3A_414 : vector<16xf32>
        %reduce_sum3A_416 = arith.constant true
        %reduce_sum3A_417 = vector.broadcast %reduce_sum3A_416 : i1 to vector<16xi1>
        %reduce_sum3A_418 = tpu.scan <sum>, %add3A_393 masked %reduce_sum3A_417 : vector<16xf32>, vector<16xi1> -> vector<16xf32>
        %reduce_sum3A_419 = vector.extract %reduce_sum3A_418[15] : f32 from vector<16xf32>
        %mul3A_420 = vector.broadcast %reduce_sum3A_419 : f32 to vector<16xf32>
        %mul3A_421 = arith.mulf %mul3A_420, %select_n3A_63 : vector<16xf32>
        %add3A_422 = arith.addf %add3A_415, %mul3A_421 : vector<16xf32>
        %swap3A_423 = arith.index_cast %scan3A_113 : i32 to index
        %swap3A_424 = arith.constant 0 : index
        %swap3A_425 = tpu.vector_load %arg15[%swap3A_423, %swap3A_424] {strides = array<i32>} : memref<128x16xf32, #tpu.memory_space<vmem>>, vector<16xf32>,
        tpu.vector_store %arg15[%swap3A_423, %swap3A_424], %add3A_422 {strides = array<i32>} : memref<128x16xf32, #tpu.memory_space<vmem>>, vector<16xf32>,
        %max3A_426 = arith.maximumf %scan3A_114, %add3A_422 : vector<16xf32>
        scf.yield %max3A_426 : vector<16xf32>
      }
      %scan3A_112 = arith.constant 128 : i32
      "tpu.region"() ({
        %run_scoped3A = tpu.sem_alloc : memref<!tpu.dma_semaphore, #tpu.memory_space<semaphore_mem>>
        %dma_start3A_113 = arith.constant 0 : i32
        %dma_start3A_114 = tpu.memref_slice %arg8[%add3A_80, %dma_start3A_113] : memref<335872x16xf32, #tpu.memory_space<hbm>> -> memref<128x16xf32, #tpu.memory_space<hbm>>
        %dma_start3A_115 = arith.constant 0 : i32
        %dma_start3A_116 = tpu.memref_slice %arg8[%add3A_80, %dma_start3A_115] : memref<335872x16xf32, #tpu.memory_space<hbm>> -> memref<128x16xf32, #tpu.memory_space<hbm>>
        tpu.enqueue_dma source(%arg15 : memref<128x16xf32, #tpu.memory_space<vmem>>) target(%dma_start3A_116 : memref<128x16xf32, #tpu.memory_space<hbm>>) target_semaphore(%run_scoped3A : memref<!tpu.dma_semaphore, #tpu.memory_space<semaphore_mem>>)
        %dma_wait3A_117 = arith.constant 0 : i32
        %dma_wait3A_118 = tpu.memref_slice %arg8[%add3A_80, %dma_wait3A_117] : memref<335872x16xf32, #tpu.memory_space<hbm>> -> memref<128x16xf32, #tpu.memory_space<hbm>>
        %dma_wait3A_119 = arith.constant 0 : i32
        %dma_wait3A_120 = tpu.memref_slice %arg8[%add3A_80, %dma_wait3A_119] : memref<335872x16xf32, #tpu.memory_space<hbm>> -> memref<128x16xf32, #tpu.memory_space<hbm>>
        tpu.wait_dma2 semaphore(%run_scoped3A : memref<!tpu.dma_semaphore, #tpu.memory_space<semaphore_mem>>) src(%arg15 : memref<128x16xf32, #tpu.memory_space<vmem>>) dst(%dma_wait3A_120 : memref<128x16xf32, #tpu.memory_space<hbm>>)
        tpu.yield
      }) : () -> ()
      scf.yield %scan3A_111 : vector<16xf32>
    }
    %scan3A_70 = arith.constant 82 : i32
    %swap3A = arith.constant 0 : index
    %swap3A_71 = tpu.vector_load %arg17[%swap3A] {strides = array<i32>} : memref<16xf32, #tpu.memory_space<vmem>>, vector<16xf32>,
    tpu.vector_store %arg17[%swap3A], %scan3A_69 {strides = array<i32>} : memref<16xf32, #tpu.memory_space<vmem>>, vector<16xf32>,
    %mul3A_72 = arith.constant 16 : i32
    %mul3A_73 = arith.muli %add3A, %mul3A_72 : i32
    "tpu.region"() ({
      %run_scoped3A = tpu.sem_alloc : memref<!tpu.dma_semaphore, #tpu.memory_space<semaphore_mem>>
      %dma_start3A = tpu.memref_slice %arg9[%mul3A_73] : memref<512xf32, #tpu.memory_space<hbm>> -> memref<16xf32, #tpu.memory_space<hbm>>
      %dma_start3A_74 = tpu.memref_slice %arg9[%mul3A_73] : memref<512xf32, #tpu.memory_space<hbm>> -> memref<16xf32, #tpu.memory_space<hbm>>
      tpu.enqueue_dma source(%arg17 : memref<16xf32, #tpu.memory_space<vmem>>) target(%dma_start3A_74 : memref<16xf32, #tpu.memory_space<hbm>>) target_semaphore(%run_scoped3A : memref<!tpu.dma_semaphore, #tpu.memory_space<semaphore_mem>>)
      %dma_wait3A = tpu.memref_slice %arg9[%mul3A_73] : memref<512xf32, #tpu.memory_space<hbm>> -> memref<16xf32, #tpu.memory_space<hbm>>
      %dma_wait3A_75 = tpu.memref_slice %arg9[%mul3A_73] : memref<512xf32, #tpu.memory_space<hbm>> -> memref<16xf32, #tpu.memory_space<hbm>>
      tpu.wait_dma2 semaphore(%run_scoped3A : memref<!tpu.dma_semaphore, #tpu.memory_space<semaphore_mem>>) src(%arg17 : memref<16xf32, #tpu.memory_space<vmem>>) dst(%dma_wait3A_75 : memref<16xf32, #tpu.memory_space<hbm>>)
      tpu.yield
    }) : () -> ()
    return
  }
}

#map = affine_map<(d0, d1) -> (0)>
#map1 = affine_map<(d0, d1) -> (0, 0)>
module attributes {stable_mosaic.version = 14 : i64} {
  func.func @_logits_body(%arg0: i32, %arg1: i32, %arg2: memref<335872xi32, #tpu.memory_space<hbm>>, %arg3: memref<335872xi32, #tpu.memory_space<hbm>>, %arg4: memref<10240x256xf32, #tpu.memory_space<hbm>>, %arg5: memref<10240x256xf32, #tpu.memory_space<hbm>>, %arg6: memref<335872x256xf32, #tpu.memory_space<hbm>>, %arg7: memref<256xf32, #tpu.memory_space<hbm>>, %arg8: memref<335872x16xf32, #tpu.memory_space<hbm>>, %arg9: memref<512xf32, #tpu.memory_space<hbm>>, %arg10: memref<10496xi32, #tpu.memory_space<vmem>>, %arg11: memref<10496xi32, #tpu.memory_space<vmem>>, %arg12: memref<128x256xf32, #tpu.memory_space<vmem>>, %arg13: memref<128x256xf32, #tpu.memory_space<vmem>>, %arg14: memref<128x256xf32, #tpu.memory_space<vmem>>, %arg15: memref<128x16xf32, #tpu.memory_space<vmem>>, %arg16: memref<256xf32, #tpu.memory_space<vmem>>, %arg17: memref<16xf32, #tpu.memory_space<vmem>>, %arg18: memref<!tpu.dma_semaphore, #tpu.memory_space<semaphore_mem>>) attributes {dimension_semantics = [#tpu.dimension_semantics<core_parallel>, #tpu.dimension_semantics<subcore_parallel>], iteration_bounds = array<i64: 2, 16>, scalar_prefetch = 0 : i64, scratch_operands = 9 : i64, tpu.core_type = #tpu.core_type<sc_vector_subcore>, window_params = [{transform_indices = #map}, {transform_indices = #map}, {transform_indices = #map1}, {transform_indices = #map1}, {transform_indices = #map1}, {transform_indices = #map}, {transform_indices = #map1}, {transform_indices = #map}]} {
    %mul3A = arith.constant 2 : i32
    %mul3A_0 = arith.muli %arg1, %mul3A : i32
    %add3A = arith.addi %mul3A_0, %arg0 : i32
    "tpu.region"() ({
      %run_scoped3A = tpu.sem_alloc : memref<!tpu.dma_semaphore, #tpu.memory_space<semaphore_mem>>
      tpu.enqueue_dma source(%arg7 : memref<256xf32, #tpu.memory_space<hbm>>) target(%arg16 : memref<256xf32, #tpu.memory_space<vmem>>) target_semaphore(%run_scoped3A : memref<!tpu.dma_semaphore, #tpu.memory_space<semaphore_mem>>)
      tpu.wait_dma2 semaphore(%run_scoped3A : memref<!tpu.dma_semaphore, #tpu.memory_space<semaphore_mem>>) src(%arg7 : memref<256xf32, #tpu.memory_space<hbm>>) dst(%arg16 : memref<256xf32, #tpu.memory_space<vmem>>)
      tpu.yield
    }) : () -> ()
    %mul3A_1 = arith.constant 10496 : i32
    %mul3A_2 = arith.muli %add3A, %mul3A_1 : i32
    "tpu.region"() ({
      %run_scoped3A = tpu.sem_alloc : memref<!tpu.dma_semaphore, #tpu.memory_space<semaphore_mem>>
      %dma_start3A = tpu.memref_slice %arg2[%mul3A_2] : memref<335872xi32, #tpu.memory_space<hbm>> -> memref<10496xi32, #tpu.memory_space<hbm>>
      %dma_start3A_74 = tpu.memref_slice %arg2[%mul3A_2] : memref<335872xi32, #tpu.memory_space<hbm>> -> memref<10496xi32, #tpu.memory_space<hbm>>
      tpu.enqueue_dma source(%dma_start3A_74 : memref<10496xi32, #tpu.memory_space<hbm>>) target(%arg10 : memref<10496xi32, #tpu.memory_space<vmem>>) target_semaphore(%run_scoped3A : memref<!tpu.dma_semaphore, #tpu.memory_space<semaphore_mem>>)
      %dma_wait3A = tpu.memref_slice %arg2[%mul3A_2] : memref<335872xi32, #tpu.memory_space<hbm>> -> memref<10496xi32, #tpu.memory_space<hbm>>
      %dma_wait3A_75 = tpu.memref_slice %arg2[%mul3A_2] : memref<335872xi32, #tpu.memory_space<hbm>> -> memref<10496xi32, #tpu.memory_space<hbm>>
      tpu.wait_dma2 semaphore(%run_scoped3A : memref<!tpu.dma_semaphore, #tpu.memory_space<semaphore_mem>>) src(%dma_wait3A_75 : memref<10496xi32, #tpu.memory_space<hbm>>) dst(%arg10 : memref<10496xi32, #tpu.memory_space<vmem>>)
      tpu.yield
    }) : () -> ()
    %mul3A_3 = arith.constant 10496 : i32
    %mul3A_4 = arith.muli %add3A, %mul3A_3 : i32
    "tpu.region"() ({
      %run_scoped3A = tpu.sem_alloc : memref<!tpu.dma_semaphore, #tpu.memory_space<semaphore_mem>>
      %dma_start3A = tpu.memref_slice %arg3[%mul3A_4] : memref<335872xi32, #tpu.memory_space<hbm>> -> memref<10496xi32, #tpu.memory_space<hbm>>
      %dma_start3A_74 = tpu.memref_slice %arg3[%mul3A_4] : memref<335872xi32, #tpu.memory_space<hbm>> -> memref<10496xi32, #tpu.memory_space<hbm>>
      tpu.enqueue_dma source(%dma_start3A_74 : memref<10496xi32, #tpu.memory_space<hbm>>) target(%arg11 : memref<10496xi32, #tpu.memory_space<vmem>>) target_semaphore(%run_scoped3A : memref<!tpu.dma_semaphore, #tpu.memory_space<semaphore_mem>>)
      %dma_wait3A = tpu.memref_slice %arg3[%mul3A_4] : memref<335872xi32, #tpu.memory_space<hbm>> -> memref<10496xi32, #tpu.memory_space<hbm>>
      %dma_wait3A_75 = tpu.memref_slice %arg3[%mul3A_4] : memref<335872xi32, #tpu.memory_space<hbm>> -> memref<10496xi32, #tpu.memory_space<hbm>>
      tpu.wait_dma2 semaphore(%run_scoped3A : memref<!tpu.dma_semaphore, #tpu.memory_space<semaphore_mem>>) src(%dma_wait3A_75 : memref<10496xi32, #tpu.memory_space<hbm>>) dst(%arg11 : memref<10496xi32, #tpu.memory_space<vmem>>)
      tpu.yield
    }) : () -> ()
    %get3A = arith.constant 0 : index
    %get3A_5 = tpu.vector_load %arg16[%get3A] {strides = array<i32>} : memref<256xf32, #tpu.memory_space<vmem>>, vector<16xf32>,
    %get3A_6 = arith.constant 16 : index
    %get3A_7 = tpu.vector_load %arg16[%get3A_6] {strides = array<i32>} : memref<256xf32, #tpu.memory_space<vmem>>, vector<16xf32>,
    %get3A_8 = arith.constant 32 : index
    %get3A_9 = tpu.vector_load %arg16[%get3A_8] {strides = array<i32>} : memref<256xf32, #tpu.memory_space<vmem>>, vector<16xf32>,
    %get3A_10 = arith.constant 48 : index
    %get3A_11 = tpu.vector_load %arg16[%get3A_10] {strides = array<i32>} : memref<256xf32, #tpu.memory_space<vmem>>, vector<16xf32>,
    %get3A_12 = arith.constant 64 : index
    %get3A_13 = tpu.vector_load %arg16[%get3A_12] {strides = array<i32>} : memref<256xf32, #tpu.memory_space<vmem>>, vector<16xf32>,
    %get3A_14 = arith.constant 80 : index
    %get3A_15 = tpu.vector_load %arg16[%get3A_14] {strides = array<i32>} : memref<256xf32, #tpu.memory_space<vmem>>, vector<16xf32>,
    %get3A_16 = arith.constant 96 : index
    %get3A_17 = tpu.vector_load %arg16[%get3A_16] {strides = array<i32>} : memref<256xf32, #tpu.memory_space<vmem>>, vector<16xf32>,
    %get3A_18 = arith.constant 112 : index
    %get3A_19 = tpu.vector_load %arg16[%get3A_18] {strides = array<i32>} : memref<256xf32, #tpu.memory_space<vmem>>, vector<16xf32>,
    %get3A_20 = arith.constant 128 : index
    %get3A_21 = tpu.vector_load %arg16[%get3A_20] {strides = array<i32>} : memref<256xf32, #tpu.memory_space<vmem>>, vector<16xf32>,
    %get3A_22 = arith.constant 144 : index
    %get3A_23 = tpu.vector_load %arg16[%get3A_22] {strides = array<i32>} : memref<256xf32, #tpu.memory_space<vmem>>, vector<16xf32>,
    %get3A_24 = arith.constant 160 : index
    %get3A_25 = tpu.vector_load %arg16[%get3A_24] {strides = array<i32>} : memref<256xf32, #tpu.memory_space<vmem>>, vector<16xf32>,
    %get3A_26 = arith.constant 176 : index
    %get3A_27 = tpu.vector_load %arg16[%get3A_26] {strides = array<i32>} : memref<256xf32, #tpu.memory_space<vmem>>, vector<16xf32>,
    %get3A_28 = arith.constant 192 : index
    %get3A_29 = tpu.vector_load %arg16[%get3A_28] {strides = array<i32>} : memref<256xf32, #tpu.memory_space<vmem>>, vector<16xf32>,
    %get3A_30 = arith.constant 208 : index
    %get3A_31 = tpu.vector_load %arg16[%get3A_30] {strides = array<i32>} : memref<256xf32, #tpu.memory_space<vmem>>, vector<16xf32>,
    %get3A_32 = arith.constant 224 : index
    %get3A_33 = tpu.vector_load %arg16[%get3A_32] {strides = array<i32>} : memref<256xf32, #tpu.memory_space<vmem>>, vector<16xf32>,
    %get3A_34 = arith.constant 240 : index
    %get3A_35 = tpu.vector_load %arg16[%get3A_34] {strides = array<i32>} : memref<256xf32, #tpu.memory_space<vmem>>, vector<16xf32>,
    %iota3A = tpu.iota {dimensions = array<i32: 0>} : vector<16xi32>
    %eq3A = arith.constant 0 : i32
    %eq3A_36 = vector.broadcast %eq3A : i32 to vector<16xi32>
    %eq3A_37 = arith.cmpi eq, %iota3A, %eq3A_36 : vector<16xi32>
    %jit3A = arith.constant 1.000000e+00 : f32
    %jit3A_38 = arith.constant 0.000000e+00 : f32
    %broadcast_in_dim3A = vector.broadcast %jit3A : f32 to vector<16xf32>
    %broadcast_in_dim3A_39 = vector.broadcast %jit3A_38 : f32 to vector<16xf32>
    %select_n3A = arith.select %eq3A_37, %broadcast_in_dim3A, %broadcast_in_dim3A_39 : vector<16xi1>, vector<16xf32>
    %eq3A_40 = arith.constant 1 : i32
    %eq3A_41 = vector.broadcast %eq3A_40 : i32 to vector<16xi32>
    %eq3A_42 = arith.cmpi eq, %iota3A, %eq3A_41 : vector<16xi32>
    %jit3A_43 = arith.constant 1.000000e+00 : f32
    %jit3A_44 = arith.constant 0.000000e+00 : f32
    %broadcast_in_dim3A_45 = vector.broadcast %jit3A_43 : f32 to vector<16xf32>
    %broadcast_in_dim3A_46 = vector.broadcast %jit3A_44 : f32 to vector<16xf32>
    %select_n3A_47 = arith.select %eq3A_42, %broadcast_in_dim3A_45, %broadcast_in_dim3A_46 : vector<16xi1>, vector<16xf32>
    %eq3A_48 = arith.constant 2 : i32
    %eq3A_49 = vector.broadcast %eq3A_48 : i32 to vector<16xi32>
    %eq3A_50 = arith.cmpi eq, %iota3A, %eq3A_49 : vector<16xi32>
    %jit3A_51 = arith.constant 1.000000e+00 : f32
    %jit3A_52 = arith.constant 0.000000e+00 : f32
    %broadcast_in_dim3A_53 = vector.broadcast %jit3A_51 : f32 to vector<16xf32>
    %broadcast_in_dim3A_54 = vector.broadcast %jit3A_52 : f32 to vector<16xf32>
    %select_n3A_55 = arith.select %eq3A_50, %broadcast_in_dim3A_53, %broadcast_in_dim3A_54 : vector<16xi1>, vector<16xf32>
    %eq3A_56 = arith.constant 3 : i32
    %eq3A_57 = vector.broadcast %eq3A_56 : i32 to vector<16xi32>
    %eq3A_58 = arith.cmpi eq, %iota3A, %eq3A_57 : vector<16xi32>
    %jit3A_59 = arith.constant 1.000000e+00 : f32
    %jit3A_60 = arith.constant 0.000000e+00 : f32
    %broadcast_in_dim3A_61 = vector.broadcast %jit3A_59 : f32 to vector<16xf32>
    %broadcast_in_dim3A_62 = vector.broadcast %jit3A_60 : f32 to vector<16xf32>
    %select_n3A_63 = arith.select %eq3A_58, %broadcast_in_dim3A_61, %broadcast_in_dim3A_62 : vector<16xi1>, vector<16xf32>
    %broadcast_in_dim3A_64 = arith.constant -1.000000e+30 : f32
    %broadcast_in_dim3A_65 = vector.broadcast %broadcast_in_dim3A_64 : f32 to vector<16xf32>
    %scan3A = arith.constant 0 : i32
    %scan3A_66 = arith.constant 82 : i32
    %scan3A_67 = arith.addi %scan3A, %scan3A_66 : i32
    %scan3A_68 = arith.constant 1 : i32
    %scan3A_69 = scf.for %scan3A_74 = %scan3A to %scan3A_67 step %scan3A_68 iter_args(%scan3A_75 = %broadcast_in_dim3A_65) -> (vector<16xf32>)  : i32 {
      %mul3A_76 = arith.constant 10496 : i32
      %mul3A_77 = arith.muli %add3A, %mul3A_76 : i32
      %mul3A_78 = arith.constant 128 : i32
      %mul3A_79 = arith.muli %scan3A_74, %mul3A_78 : i32
      %add3A_80 = arith.addi %mul3A_77, %mul3A_79 : i32
      %mul3A_81 = arith.constant 128 : i32
      %mul3A_82 = arith.muli %scan3A_74, %mul3A_81 : i32
      %dma_start3A = tpu.memref_slice %arg10[%mul3A_82] : memref<10496xi32, #tpu.memory_space<vmem>> -> memref<128xi32, #tpu.memory_space<vmem>>
      %dma_start3A_83 = arith.constant 0 : i32
      %dma_start3A_84 = arith.constant 0 : i32
      %dma_start3A_85 = tpu.memref_slice %arg4[%dma_start3A_83, %dma_start3A_84] : memref<10240x256xf32, #tpu.memory_space<hbm>> -> memref<10240x256xf32, #tpu.memory_space<hbm>>
      tpu.enqueue_indirect_dma source(%dma_start3A_85 : memref<10240x256xf32, #tpu.memory_space<hbm>>) target(%arg12 : memref<128x256xf32, #tpu.memory_space<vmem>>) offsets(%dma_start3A : memref<128xi32, #tpu.memory_space<vmem>>) semaphore(%arg18 : memref<!tpu.dma_semaphore, #tpu.memory_space<semaphore_mem>>)
      %mul3A_86 = arith.constant 128 : i32
      %mul3A_87 = arith.muli %scan3A_74, %mul3A_86 : i32
      %dma_start3A_88 = tpu.memref_slice %arg11[%mul3A_87] : memref<10496xi32, #tpu.memory_space<vmem>> -> memref<128xi32, #tpu.memory_space<vmem>>
      %dma_start3A_89 = arith.constant 0 : i32
      %dma_start3A_90 = arith.constant 0 : i32
      %dma_start3A_91 = tpu.memref_slice %arg5[%dma_start3A_89, %dma_start3A_90] : memref<10240x256xf32, #tpu.memory_space<hbm>> -> memref<10240x256xf32, #tpu.memory_space<hbm>>
      tpu.enqueue_indirect_dma source(%dma_start3A_91 : memref<10240x256xf32, #tpu.memory_space<hbm>>) target(%arg13 : memref<128x256xf32, #tpu.memory_space<vmem>>) offsets(%dma_start3A_88 : memref<128xi32, #tpu.memory_space<vmem>>) semaphore(%arg18 : memref<!tpu.dma_semaphore, #tpu.memory_space<semaphore_mem>>)
      %dma_start3A_92 = arith.constant 0 : i32
      %dma_start3A_93 = tpu.memref_slice %arg6[%add3A_80, %dma_start3A_92] : memref<335872x256xf32, #tpu.memory_space<hbm>> -> memref<128x256xf32, #tpu.memory_space<hbm>>
      %dma_start3A_94 = arith.constant 0 : i32
      %dma_start3A_95 = tpu.memref_slice %arg6[%add3A_80, %dma_start3A_94] : memref<335872x256xf32, #tpu.memory_space<hbm>> -> memref<128x256xf32, #tpu.memory_space<hbm>>
      tpu.enqueue_dma source(%dma_start3A_95 : memref<128x256xf32, #tpu.memory_space<hbm>>) target(%arg14 : memref<128x256xf32, #tpu.memory_space<vmem>>) target_semaphore(%arg18 : memref<!tpu.dma_semaphore, #tpu.memory_space<semaphore_mem>>)
      %dma_wait3A = tpu.memref_slice %arg10[%mul3A_82] : memref<10496xi32, #tpu.memory_space<vmem>> -> memref<128xi32, #tpu.memory_space<vmem>>
      %dma_wait3A_96 = arith.constant 0 : i32
      %dma_wait3A_97 = arith.constant 0 : i32
      %dma_wait3A_98 = tpu.memref_slice %arg4[%dma_wait3A_96, %dma_wait3A_97] : memref<10240x256xf32, #tpu.memory_space<hbm>> -> memref<10240x256xf32, #tpu.memory_space<hbm>>
      tpu.wait_indirect_dma semaphore(%arg18 : memref<!tpu.dma_semaphore, #tpu.memory_space<semaphore_mem>>) src(%dma_wait3A_98 : memref<10240x256xf32, #tpu.memory_space<hbm>>) dst(%arg12 : memref<128x256xf32, #tpu.memory_space<vmem>>)
      %dma_wait3A_99 = tpu.memref_slice %arg11[%mul3A_87] : memref<10496xi32, #tpu.memory_space<vmem>> -> memref<128xi32, #tpu.memory_space<vmem>>
      %dma_wait3A_100 = arith.constant 0 : i32
      %dma_wait3A_101 = arith.constant 0 : i32
      %dma_wait3A_102 = tpu.memref_slice %arg5[%dma_wait3A_100, %dma_wait3A_101] : memref<10240x256xf32, #tpu.memory_space<hbm>> -> memref<10240x256xf32, #tpu.memory_space<hbm>>
      tpu.wait_indirect_dma semaphore(%arg18 : memref<!tpu.dma_semaphore, #tpu.memory_space<semaphore_mem>>) src(%dma_wait3A_102 : memref<10240x256xf32, #tpu.memory_space<hbm>>) dst(%arg13 : memref<128x256xf32, #tpu.memory_space<vmem>>)
      %dma_wait3A_103 = arith.constant 0 : i32
      %dma_wait3A_104 = tpu.memref_slice %arg6[%add3A_80, %dma_wait3A_103] : memref<335872x256xf32, #tpu.memory_space<hbm>> -> memref<128x256xf32, #tpu.memory_space<hbm>>
      %dma_wait3A_105 = arith.constant 0 : i32
      %dma_wait3A_106 = tpu.memref_slice %arg6[%add3A_80, %dma_wait3A_105] : memref<335872x256xf32, #tpu.memory_space<hbm>> -> memref<128x256xf32, #tpu.memory_space<hbm>>
      tpu.wait_dma2 semaphore(%arg18 : memref<!tpu.dma_semaphore, #tpu.memory_space<semaphore_mem>>) src(%dma_wait3A_106 : memref<128x256xf32, #tpu.memory_space<hbm>>) dst(%arg14 : memref<128x256xf32, #tpu.memory_space<vmem>>)
      %scan3A_107 = arith.constant 0 : i32
      %scan3A_108 = arith.constant 128 : i32
      %scan3A_109 = arith.addi %scan3A_107, %scan3A_108 : i32
      %scan3A_110 = arith.constant 1 : i32
      %scan3A_111 = scf.for %scan3A_113 = %scan3A_107 to %scan3A_109 step %scan3A_110 iter_args(%scan3A_114 = %scan3A_75) -> (vector<16xf32>)  : i32 {
        %broadcast_in_dim3A_115 = arith.constant 0.000000e+00 : f32
        %broadcast_in_dim3A_116 = vector.broadcast %broadcast_in_dim3A_115 : f32 to vector<16xf32>
        %get3A_117 = arith.index_cast %scan3A_113 : i32 to index
        %get3A_118 = arith.constant 0 : index
        %get3A_119 = tpu.vector_load %arg12[%get3A_117, %get3A_118] {strides = array<i32>} : memref<128x256xf32, #tpu.memory_space<vmem>>, vector<16xf32>,
        %get3A_120 = arith.index_cast %scan3A_113 : i32 to index
        %get3A_121 = arith.constant 0 : index
        %get3A_122 = tpu.vector_load %arg13[%get3A_120, %get3A_121] {strides = array<i32>} : memref<128x256xf32, #tpu.memory_space<vmem>>, vector<16xf32>,
        %add3A_123 = arith.addf %get3A_119, %get3A_122 : vector<16xf32>
        %get3A_124 = arith.index_cast %scan3A_113 : i32 to index
        %get3A_125 = arith.constant 0 : index
        %get3A_126 = tpu.vector_load %arg14[%get3A_124, %get3A_125] {strides = array<i32>} : memref<128x256xf32, #tpu.memory_space<vmem>>, vector<16xf32>,
        %add3A_127 = arith.addf %add3A_123, %get3A_126 : vector<16xf32>
        %mul3A_128 = arith.constant 2.000000e-01 : f32
        %mul3A_129 = vector.broadcast %mul3A_128 : f32 to vector<16xf32>
        %mul3A_130 = arith.mulf %mul3A_129, %add3A_127 : vector<16xf32>
        %max3A = arith.maximumf %add3A_127, %mul3A_130 : vector<16xf32>
        %mul3A_131 = arith.mulf %max3A, %get3A_5 : vector<16xf32>
        %add3A_132 = arith.addf %broadcast_in_dim3A_116, %mul3A_131 : vector<16xf32>
        %get3A_133 = arith.index_cast %scan3A_113 : i32 to index
        %get3A_134 = arith.constant 16 : index
        %get3A_135 = tpu.vector_load %arg12[%get3A_133, %get3A_134] {strides = array<i32>} : memref<128x256xf32, #tpu.memory_space<vmem>>, vector<16xf32>,
        %get3A_136 = arith.index_cast %scan3A_113 : i32 to index
        %get3A_137 = arith.constant 16 : index
        %get3A_138 = tpu.vector_load %arg13[%get3A_136, %get3A_137] {strides = array<i32>} : memref<128x256xf32, #tpu.memory_space<vmem>>, vector<16xf32>,
        %add3A_139 = arith.addf %get3A_135, %get3A_138 : vector<16xf32>
        %get3A_140 = arith.index_cast %scan3A_113 : i32 to index
        %get3A_141 = arith.constant 16 : index
        %get3A_142 = tpu.vector_load %arg14[%get3A_140, %get3A_141] {strides = array<i32>} : memref<128x256xf32, #tpu.memory_space<vmem>>, vector<16xf32>,
        %add3A_143 = arith.addf %add3A_139, %get3A_142 : vector<16xf32>
        %mul3A_144 = arith.constant 2.000000e-01 : f32
        %mul3A_145 = vector.broadcast %mul3A_144 : f32 to vector<16xf32>
        %mul3A_146 = arith.mulf %mul3A_145, %add3A_143 : vector<16xf32>
        %max3A_147 = arith.maximumf %add3A_143, %mul3A_146 : vector<16xf32>
        %mul3A_148 = arith.mulf %max3A_147, %get3A_7 : vector<16xf32>
        %add3A_149 = arith.addf %add3A_132, %mul3A_148 : vector<16xf32>
        %get3A_150 = arith.index_cast %scan3A_113 : i32 to index
        %get3A_151 = arith.constant 32 : index
        %get3A_152 = tpu.vector_load %arg12[%get3A_150, %get3A_151] {strides = array<i32>} : memref<128x256xf32, #tpu.memory_space<vmem>>, vector<16xf32>,
        %get3A_153 = arith.index_cast %scan3A_113 : i32 to index
        %get3A_154 = arith.constant 32 : index
        %get3A_155 = tpu.vector_load %arg13[%get3A_153, %get3A_154] {strides = array<i32>} : memref<128x256xf32, #tpu.memory_space<vmem>>, vector<16xf32>,
        %add3A_156 = arith.addf %get3A_152, %get3A_155 : vector<16xf32>
        %get3A_157 = arith.index_cast %scan3A_113 : i32 to index
        %get3A_158 = arith.constant 32 : index
        %get3A_159 = tpu.vector_load %arg14[%get3A_157, %get3A_158] {strides = array<i32>} : memref<128x256xf32, #tpu.memory_space<vmem>>, vector<16xf32>,
        %add3A_160 = arith.addf %add3A_156, %get3A_159 : vector<16xf32>
        %mul3A_161 = arith.constant 2.000000e-01 : f32
        %mul3A_162 = vector.broadcast %mul3A_161 : f32 to vector<16xf32>
        %mul3A_163 = arith.mulf %mul3A_162, %add3A_160 : vector<16xf32>
        %max3A_164 = arith.maximumf %add3A_160, %mul3A_163 : vector<16xf32>
        %mul3A_165 = arith.mulf %max3A_164, %get3A_9 : vector<16xf32>
        %add3A_166 = arith.addf %add3A_149, %mul3A_165 : vector<16xf32>
        %get3A_167 = arith.index_cast %scan3A_113 : i32 to index
        %get3A_168 = arith.constant 48 : index
        %get3A_169 = tpu.vector_load %arg12[%get3A_167, %get3A_168] {strides = array<i32>} : memref<128x256xf32, #tpu.memory_space<vmem>>, vector<16xf32>,
        %get3A_170 = arith.index_cast %scan3A_113 : i32 to index
        %get3A_171 = arith.constant 48 : index
        %get3A_172 = tpu.vector_load %arg13[%get3A_170, %get3A_171] {strides = array<i32>} : memref<128x256xf32, #tpu.memory_space<vmem>>, vector<16xf32>,
        %add3A_173 = arith.addf %get3A_169, %get3A_172 : vector<16xf32>
        %get3A_174 = arith.index_cast %scan3A_113 : i32 to index
        %get3A_175 = arith.constant 48 : index
        %get3A_176 = tpu.vector_load %arg14[%get3A_174, %get3A_175] {strides = array<i32>} : memref<128x256xf32, #tpu.memory_space<vmem>>, vector<16xf32>,
        %add3A_177 = arith.addf %add3A_173, %get3A_176 : vector<16xf32>
        %mul3A_178 = arith.constant 2.000000e-01 : f32
        %mul3A_179 = vector.broadcast %mul3A_178 : f32 to vector<16xf32>
        %mul3A_180 = arith.mulf %mul3A_179, %add3A_177 : vector<16xf32>
        %max3A_181 = arith.maximumf %add3A_177, %mul3A_180 : vector<16xf32>
        %mul3A_182 = arith.mulf %max3A_181, %get3A_11 : vector<16xf32>
        %add3A_183 = arith.addf %add3A_166, %mul3A_182 : vector<16xf32>
        %broadcast_in_dim3A_184 = arith.constant 0.000000e+00 : f32
        %broadcast_in_dim3A_185 = vector.broadcast %broadcast_in_dim3A_184 : f32 to vector<16xf32>
        %get3A_186 = arith.index_cast %scan3A_113 : i32 to index
        %get3A_187 = arith.constant 64 : index
        %get3A_188 = tpu.vector_load %arg12[%get3A_186, %get3A_187] {strides = array<i32>} : memref<128x256xf32, #tpu.memory_space<vmem>>, vector<16xf32>,
        %get3A_189 = arith.index_cast %scan3A_113 : i32 to index
        %get3A_190 = arith.constant 64 : index
        %get3A_191 = tpu.vector_load %arg13[%get3A_189, %get3A_190] {strides = array<i32>} : memref<128x256xf32, #tpu.memory_space<vmem>>, vector<16xf32>,
        %add3A_192 = arith.addf %get3A_188, %get3A_191 : vector<16xf32>
        %get3A_193 = arith.index_cast %scan3A_113 : i32 to index
        %get3A_194 = arith.constant 64 : index
        %get3A_195 = tpu.vector_load %arg14[%get3A_193, %get3A_194] {strides = array<i32>} : memref<128x256xf32, #tpu.memory_space<vmem>>, vector<16xf32>,
        %add3A_196 = arith.addf %add3A_192, %get3A_195 : vector<16xf32>
        %mul3A_197 = arith.constant 2.000000e-01 : f32
        %mul3A_198 = vector.broadcast %mul3A_197 : f32 to vector<16xf32>
        %mul3A_199 = arith.mulf %mul3A_198, %add3A_196 : vector<16xf32>
        %max3A_200 = arith.maximumf %add3A_196, %mul3A_199 : vector<16xf32>
        %mul3A_201 = arith.mulf %max3A_200, %get3A_13 : vector<16xf32>
        %add3A_202 = arith.addf %broadcast_in_dim3A_185, %mul3A_201 : vector<16xf32>
        %get3A_203 = arith.index_cast %scan3A_113 : i32 to index
        %get3A_204 = arith.constant 80 : index
        %get3A_205 = tpu.vector_load %arg12[%get3A_203, %get3A_204] {strides = array<i32>} : memref<128x256xf32, #tpu.memory_space<vmem>>, vector<16xf32>,
        %get3A_206 = arith.index_cast %scan3A_113 : i32 to index
        %get3A_207 = arith.constant 80 : index
        %get3A_208 = tpu.vector_load %arg13[%get3A_206, %get3A_207] {strides = array<i32>} : memref<128x256xf32, #tpu.memory_space<vmem>>, vector<16xf32>,
        %add3A_209 = arith.addf %get3A_205, %get3A_208 : vector<16xf32>
        %get3A_210 = arith.index_cast %scan3A_113 : i32 to index
        %get3A_211 = arith.constant 80 : index
        %get3A_212 = tpu.vector_load %arg14[%get3A_210, %get3A_211] {strides = array<i32>} : memref<128x256xf32, #tpu.memory_space<vmem>>, vector<16xf32>,
        %add3A_213 = arith.addf %add3A_209, %get3A_212 : vector<16xf32>
        %mul3A_214 = arith.constant 2.000000e-01 : f32
        %mul3A_215 = vector.broadcast %mul3A_214 : f32 to vector<16xf32>
        %mul3A_216 = arith.mulf %mul3A_215, %add3A_213 : vector<16xf32>
        %max3A_217 = arith.maximumf %add3A_213, %mul3A_216 : vector<16xf32>
        %mul3A_218 = arith.mulf %max3A_217, %get3A_15 : vector<16xf32>
        %add3A_219 = arith.addf %add3A_202, %mul3A_218 : vector<16xf32>
        %get3A_220 = arith.index_cast %scan3A_113 : i32 to index
        %get3A_221 = arith.constant 96 : index
        %get3A_222 = tpu.vector_load %arg12[%get3A_220, %get3A_221] {strides = array<i32>} : memref<128x256xf32, #tpu.memory_space<vmem>>, vector<16xf32>,
        %get3A_223 = arith.index_cast %scan3A_113 : i32 to index
        %get3A_224 = arith.constant 96 : index
        %get3A_225 = tpu.vector_load %arg13[%get3A_223, %get3A_224] {strides = array<i32>} : memref<128x256xf32, #tpu.memory_space<vmem>>, vector<16xf32>,
        %add3A_226 = arith.addf %get3A_222, %get3A_225 : vector<16xf32>
        %get3A_227 = arith.index_cast %scan3A_113 : i32 to index
        %get3A_228 = arith.constant 96 : index
        %get3A_229 = tpu.vector_load %arg14[%get3A_227, %get3A_228] {strides = array<i32>} : memref<128x256xf32, #tpu.memory_space<vmem>>, vector<16xf32>,
        %add3A_230 = arith.addf %add3A_226, %get3A_229 : vector<16xf32>
        %mul3A_231 = arith.constant 2.000000e-01 : f32
        %mul3A_232 = vector.broadcast %mul3A_231 : f32 to vector<16xf32>
        %mul3A_233 = arith.mulf %mul3A_232, %add3A_230 : vector<16xf32>
        %max3A_234 = arith.maximumf %add3A_230, %mul3A_233 : vector<16xf32>
        %mul3A_235 = arith.mulf %max3A_234, %get3A_17 : vector<16xf32>
        %add3A_236 = arith.addf %add3A_219, %mul3A_235 : vector<16xf32>
        %get3A_237 = arith.index_cast %scan3A_113 : i32 to index
        %get3A_238 = arith.constant 112 : index
        %get3A_239 = tpu.vector_load %arg12[%get3A_237, %get3A_238] {strides = array<i32>} : memref<128x256xf32, #tpu.memory_space<vmem>>, vector<16xf32>,
        %get3A_240 = arith.index_cast %scan3A_113 : i32 to index
        %get3A_241 = arith.constant 112 : index
        %get3A_242 = tpu.vector_load %arg13[%get3A_240, %get3A_241] {strides = array<i32>} : memref<128x256xf32, #tpu.memory_space<vmem>>, vector<16xf32>,
        %add3A_243 = arith.addf %get3A_239, %get3A_242 : vector<16xf32>
        %get3A_244 = arith.index_cast %scan3A_113 : i32 to index
        %get3A_245 = arith.constant 112 : index
        %get3A_246 = tpu.vector_load %arg14[%get3A_244, %get3A_245] {strides = array<i32>} : memref<128x256xf32, #tpu.memory_space<vmem>>, vector<16xf32>,
        %add3A_247 = arith.addf %add3A_243, %get3A_246 : vector<16xf32>
        %mul3A_248 = arith.constant 2.000000e-01 : f32
        %mul3A_249 = vector.broadcast %mul3A_248 : f32 to vector<16xf32>
        %mul3A_250 = arith.mulf %mul3A_249, %add3A_247 : vector<16xf32>
        %max3A_251 = arith.maximumf %add3A_247, %mul3A_250 : vector<16xf32>
        %mul3A_252 = arith.mulf %max3A_251, %get3A_19 : vector<16xf32>
        %add3A_253 = arith.addf %add3A_236, %mul3A_252 : vector<16xf32>
        %broadcast_in_dim3A_254 = arith.constant 0.000000e+00 : f32
        %broadcast_in_dim3A_255 = vector.broadcast %broadcast_in_dim3A_254 : f32 to vector<16xf32>
        %get3A_256 = arith.index_cast %scan3A_113 : i32 to index
        %get3A_257 = arith.constant 128 : index
        %get3A_258 = tpu.vector_load %arg12[%get3A_256, %get3A_257] {strides = array<i32>} : memref<128x256xf32, #tpu.memory_space<vmem>>, vector<16xf32>,
        %get3A_259 = arith.index_cast %scan3A_113 : i32 to index
        %get3A_260 = arith.constant 128 : index
        %get3A_261 = tpu.vector_load %arg13[%get3A_259, %get3A_260] {strides = array<i32>} : memref<128x256xf32, #tpu.memory_space<vmem>>, vector<16xf32>,
        %add3A_262 = arith.addf %get3A_258, %get3A_261 : vector<16xf32>
        %get3A_263 = arith.index_cast %scan3A_113 : i32 to index
        %get3A_264 = arith.constant 128 : index
        %get3A_265 = tpu.vector_load %arg14[%get3A_263, %get3A_264] {strides = array<i32>} : memref<128x256xf32, #tpu.memory_space<vmem>>, vector<16xf32>,
        %add3A_266 = arith.addf %add3A_262, %get3A_265 : vector<16xf32>
        %mul3A_267 = arith.constant 2.000000e-01 : f32
        %mul3A_268 = vector.broadcast %mul3A_267 : f32 to vector<16xf32>
        %mul3A_269 = arith.mulf %mul3A_268, %add3A_266 : vector<16xf32>
        %max3A_270 = arith.maximumf %add3A_266, %mul3A_269 : vector<16xf32>
        %mul3A_271 = arith.mulf %max3A_270, %get3A_21 : vector<16xf32>
        %add3A_272 = arith.addf %broadcast_in_dim3A_255, %mul3A_271 : vector<16xf32>
        %get3A_273 = arith.index_cast %scan3A_113 : i32 to index
        %get3A_274 = arith.constant 144 : index
        %get3A_275 = tpu.vector_load %arg12[%get3A_273, %get3A_274] {strides = array<i32>} : memref<128x256xf32, #tpu.memory_space<vmem>>, vector<16xf32>,
        %get3A_276 = arith.index_cast %scan3A_113 : i32 to index
        %get3A_277 = arith.constant 144 : index
        %get3A_278 = tpu.vector_load %arg13[%get3A_276, %get3A_277] {strides = array<i32>} : memref<128x256xf32, #tpu.memory_space<vmem>>, vector<16xf32>,
        %add3A_279 = arith.addf %get3A_275, %get3A_278 : vector<16xf32>
        %get3A_280 = arith.index_cast %scan3A_113 : i32 to index
        %get3A_281 = arith.constant 144 : index
        %get3A_282 = tpu.vector_load %arg14[%get3A_280, %get3A_281] {strides = array<i32>} : memref<128x256xf32, #tpu.memory_space<vmem>>, vector<16xf32>,
        %add3A_283 = arith.addf %add3A_279, %get3A_282 : vector<16xf32>
        %mul3A_284 = arith.constant 2.000000e-01 : f32
        %mul3A_285 = vector.broadcast %mul3A_284 : f32 to vector<16xf32>
        %mul3A_286 = arith.mulf %mul3A_285, %add3A_283 : vector<16xf32>
        %max3A_287 = arith.maximumf %add3A_283, %mul3A_286 : vector<16xf32>
        %mul3A_288 = arith.mulf %max3A_287, %get3A_23 : vector<16xf32>
        %add3A_289 = arith.addf %add3A_272, %mul3A_288 : vector<16xf32>
        %get3A_290 = arith.index_cast %scan3A_113 : i32 to index
        %get3A_291 = arith.constant 160 : index
        %get3A_292 = tpu.vector_load %arg12[%get3A_290, %get3A_291] {strides = array<i32>} : memref<128x256xf32, #tpu.memory_space<vmem>>, vector<16xf32>,
        %get3A_293 = arith.index_cast %scan3A_113 : i32 to index
        %get3A_294 = arith.constant 160 : index
        %get3A_295 = tpu.vector_load %arg13[%get3A_293, %get3A_294] {strides = array<i32>} : memref<128x256xf32, #tpu.memory_space<vmem>>, vector<16xf32>,
        %add3A_296 = arith.addf %get3A_292, %get3A_295 : vector<16xf32>
        %get3A_297 = arith.index_cast %scan3A_113 : i32 to index
        %get3A_298 = arith.constant 160 : index
        %get3A_299 = tpu.vector_load %arg14[%get3A_297, %get3A_298] {strides = array<i32>} : memref<128x256xf32, #tpu.memory_space<vmem>>, vector<16xf32>,
        %add3A_300 = arith.addf %add3A_296, %get3A_299 : vector<16xf32>
        %mul3A_301 = arith.constant 2.000000e-01 : f32
        %mul3A_302 = vector.broadcast %mul3A_301 : f32 to vector<16xf32>
        %mul3A_303 = arith.mulf %mul3A_302, %add3A_300 : vector<16xf32>
        %max3A_304 = arith.maximumf %add3A_300, %mul3A_303 : vector<16xf32>
        %mul3A_305 = arith.mulf %max3A_304, %get3A_25 : vector<16xf32>
        %add3A_306 = arith.addf %add3A_289, %mul3A_305 : vector<16xf32>
        %get3A_307 = arith.index_cast %scan3A_113 : i32 to index
        %get3A_308 = arith.constant 176 : index
        %get3A_309 = tpu.vector_load %arg12[%get3A_307, %get3A_308] {strides = array<i32>} : memref<128x256xf32, #tpu.memory_space<vmem>>, vector<16xf32>,
        %get3A_310 = arith.index_cast %scan3A_113 : i32 to index
        %get3A_311 = arith.constant 176 : index
        %get3A_312 = tpu.vector_load %arg13[%get3A_310, %get3A_311] {strides = array<i32>} : memref<128x256xf32, #tpu.memory_space<vmem>>, vector<16xf32>,
        %add3A_313 = arith.addf %get3A_309, %get3A_312 : vector<16xf32>
        %get3A_314 = arith.index_cast %scan3A_113 : i32 to index
        %get3A_315 = arith.constant 176 : index
        %get3A_316 = tpu.vector_load %arg14[%get3A_314, %get3A_315] {strides = array<i32>} : memref<128x256xf32, #tpu.memory_space<vmem>>, vector<16xf32>,
        %add3A_317 = arith.addf %add3A_313, %get3A_316 : vector<16xf32>
        %mul3A_318 = arith.constant 2.000000e-01 : f32
        %mul3A_319 = vector.broadcast %mul3A_318 : f32 to vector<16xf32>
        %mul3A_320 = arith.mulf %mul3A_319, %add3A_317 : vector<16xf32>
        %max3A_321 = arith.maximumf %add3A_317, %mul3A_320 : vector<16xf32>
        %mul3A_322 = arith.mulf %max3A_321, %get3A_27 : vector<16xf32>
        %add3A_323 = arith.addf %add3A_306, %mul3A_322 : vector<16xf32>
        %broadcast_in_dim3A_324 = arith.constant 0.000000e+00 : f32
        %broadcast_in_dim3A_325 = vector.broadcast %broadcast_in_dim3A_324 : f32 to vector<16xf32>
        %get3A_326 = arith.index_cast %scan3A_113 : i32 to index
        %get3A_327 = arith.constant 192 : index
        %get3A_328 = tpu.vector_load %arg12[%get3A_326, %get3A_327] {strides = array<i32>} : memref<128x256xf32, #tpu.memory_space<vmem>>, vector<16xf32>,
        %get3A_329 = arith.index_cast %scan3A_113 : i32 to index
        %get3A_330 = arith.constant 192 : index
        %get3A_331 = tpu.vector_load %arg13[%get3A_329, %get3A_330] {strides = array<i32>} : memref<128x256xf32, #tpu.memory_space<vmem>>, vector<16xf32>,
        %add3A_332 = arith.addf %get3A_328, %get3A_331 : vector<16xf32>
        %get3A_333 = arith.index_cast %scan3A_113 : i32 to index
        %get3A_334 = arith.constant 192 : index
        %get3A_335 = tpu.vector_load %arg14[%get3A_333, %get3A_334] {strides = array<i32>} : memref<128x256xf32, #tpu.memory_space<vmem>>, vector<16xf32>,
        %add3A_336 = arith.addf %add3A_332, %get3A_335 : vector<16xf32>
        %mul3A_337 = arith.constant 2.000000e-01 : f32
        %mul3A_338 = vector.broadcast %mul3A_337 : f32 to vector<16xf32>
        %mul3A_339 = arith.mulf %mul3A_338, %add3A_336 : vector<16xf32>
        %max3A_340 = arith.maximumf %add3A_336, %mul3A_339 : vector<16xf32>
        %mul3A_341 = arith.mulf %max3A_340, %get3A_29 : vector<16xf32>
        %add3A_342 = arith.addf %broadcast_in_dim3A_325, %mul3A_341 : vector<16xf32>
        %get3A_343 = arith.index_cast %scan3A_113 : i32 to index
        %get3A_344 = arith.constant 208 : index
        %get3A_345 = tpu.vector_load %arg12[%get3A_343, %get3A_344] {strides = array<i32>} : memref<128x256xf32, #tpu.memory_space<vmem>>, vector<16xf32>,
        %get3A_346 = arith.index_cast %scan3A_113 : i32 to index
        %get3A_347 = arith.constant 208 : index
        %get3A_348 = tpu.vector_load %arg13[%get3A_346, %get3A_347] {strides = array<i32>} : memref<128x256xf32, #tpu.memory_space<vmem>>, vector<16xf32>,
        %add3A_349 = arith.addf %get3A_345, %get3A_348 : vector<16xf32>
        %get3A_350 = arith.index_cast %scan3A_113 : i32 to index
        %get3A_351 = arith.constant 208 : index
        %get3A_352 = tpu.vector_load %arg14[%get3A_350, %get3A_351] {strides = array<i32>} : memref<128x256xf32, #tpu.memory_space<vmem>>, vector<16xf32>,
        %add3A_353 = arith.addf %add3A_349, %get3A_352 : vector<16xf32>
        %mul3A_354 = arith.constant 2.000000e-01 : f32
        %mul3A_355 = vector.broadcast %mul3A_354 : f32 to vector<16xf32>
        %mul3A_356 = arith.mulf %mul3A_355, %add3A_353 : vector<16xf32>
        %max3A_357 = arith.maximumf %add3A_353, %mul3A_356 : vector<16xf32>
        %mul3A_358 = arith.mulf %max3A_357, %get3A_31 : vector<16xf32>
        %add3A_359 = arith.addf %add3A_342, %mul3A_358 : vector<16xf32>
        %get3A_360 = arith.index_cast %scan3A_113 : i32 to index
        %get3A_361 = arith.constant 224 : index
        %get3A_362 = tpu.vector_load %arg12[%get3A_360, %get3A_361] {strides = array<i32>} : memref<128x256xf32, #tpu.memory_space<vmem>>, vector<16xf32>,
        %get3A_363 = arith.index_cast %scan3A_113 : i32 to index
        %get3A_364 = arith.constant 224 : index
        %get3A_365 = tpu.vector_load %arg13[%get3A_363, %get3A_364] {strides = array<i32>} : memref<128x256xf32, #tpu.memory_space<vmem>>, vector<16xf32>,
        %add3A_366 = arith.addf %get3A_362, %get3A_365 : vector<16xf32>
        %get3A_367 = arith.index_cast %scan3A_113 : i32 to index
        %get3A_368 = arith.constant 224 : index
        %get3A_369 = tpu.vector_load %arg14[%get3A_367, %get3A_368] {strides = array<i32>} : memref<128x256xf32, #tpu.memory_space<vmem>>, vector<16xf32>,
        %add3A_370 = arith.addf %add3A_366, %get3A_369 : vector<16xf32>
        %mul3A_371 = arith.constant 2.000000e-01 : f32
        %mul3A_372 = vector.broadcast %mul3A_371 : f32 to vector<16xf32>
        %mul3A_373 = arith.mulf %mul3A_372, %add3A_370 : vector<16xf32>
        %max3A_374 = arith.maximumf %add3A_370, %mul3A_373 : vector<16xf32>
        %mul3A_375 = arith.mulf %max3A_374, %get3A_33 : vector<16xf32>
        %add3A_376 = arith.addf %add3A_359, %mul3A_375 : vector<16xf32>
        %get3A_377 = arith.index_cast %scan3A_113 : i32 to index
        %get3A_378 = arith.constant 240 : index
        %get3A_379 = tpu.vector_load %arg12[%get3A_377, %get3A_378] {strides = array<i32>} : memref<128x256xf32, #tpu.memory_space<vmem>>, vector<16xf32>,
        %get3A_380 = arith.index_cast %scan3A_113 : i32 to index
        %get3A_381 = arith.constant 240 : index
        %get3A_382 = tpu.vector_load %arg13[%get3A_380, %get3A_381] {strides = array<i32>} : memref<128x256xf32, #tpu.memory_space<vmem>>, vector<16xf32>,
        %add3A_383 = arith.addf %get3A_379, %get3A_382 : vector<16xf32>
        %get3A_384 = arith.index_cast %scan3A_113 : i32 to index
        %get3A_385 = arith.constant 240 : index
        %get3A_386 = tpu.vector_load %arg14[%get3A_384, %get3A_385] {strides = array<i32>} : memref<128x256xf32, #tpu.memory_space<vmem>>, vector<16xf32>,
        %add3A_387 = arith.addf %add3A_383, %get3A_386 : vector<16xf32>
        %mul3A_388 = arith.constant 2.000000e-01 : f32
        %mul3A_389 = vector.broadcast %mul3A_388 : f32 to vector<16xf32>
        %mul3A_390 = arith.mulf %mul3A_389, %add3A_387 : vector<16xf32>
        %max3A_391 = arith.maximumf %add3A_387, %mul3A_390 : vector<16xf32>
        %mul3A_392 = arith.mulf %max3A_391, %get3A_35 : vector<16xf32>
        %add3A_393 = arith.addf %add3A_376, %mul3A_392 : vector<16xf32>
        %broadcast_in_dim3A_394 = arith.constant 0.000000e+00 : f32
        %broadcast_in_dim3A_395 = vector.broadcast %broadcast_in_dim3A_394 : f32 to vector<16xf32>
        %reduce_sum3A = arith.constant true
        %reduce_sum3A_396 = vector.broadcast %reduce_sum3A : i1 to vector<16xi1>
        %reduce_sum3A_397 = tpu.scan <sum>, %add3A_183 masked %reduce_sum3A_396 : vector<16xf32>, vector<16xi1> -> vector<16xf32>
        %reduce_sum3A_398 = vector.extract %reduce_sum3A_397[15] : f32 from vector<16xf32>
        %mul3A_399 = vector.broadcast %reduce_sum3A_398 : f32 to vector<16xf32>
        %mul3A_400 = arith.mulf %mul3A_399, %select_n3A : vector<16xf32>
        %add3A_401 = arith.addf %broadcast_in_dim3A_395, %mul3A_400 : vector<16xf32>
        %reduce_sum3A_402 = arith.constant true
        %reduce_sum3A_403 = vector.broadcast %reduce_sum3A_402 : i1 to vector<16xi1>
        %reduce_sum3A_404 = tpu.scan <sum>, %add3A_253 masked %reduce_sum3A_403 : vector<16xf32>, vector<16xi1> -> vector<16xf32>
        %reduce_sum3A_405 = vector.extract %reduce_sum3A_404[15] : f32 from vector<16xf32>
        %mul3A_406 = vector.broadcast %reduce_sum3A_405 : f32 to vector<16xf32>
        %mul3A_407 = arith.mulf %mul3A_406, %select_n3A_47 : vector<16xf32>
        %add3A_408 = arith.addf %add3A_401, %mul3A_407 : vector<16xf32>
        %reduce_sum3A_409 = arith.constant true
        %reduce_sum3A_410 = vector.broadcast %reduce_sum3A_409 : i1 to vector<16xi1>
        %reduce_sum3A_411 = tpu.scan <sum>, %add3A_323 masked %reduce_sum3A_410 : vector<16xf32>, vector<16xi1> -> vector<16xf32>
        %reduce_sum3A_412 = vector.extract %reduce_sum3A_411[15] : f32 from vector<16xf32>
        %mul3A_413 = vector.broadcast %reduce_sum3A_412 : f32 to vector<16xf32>
        %mul3A_414 = arith.mulf %mul3A_413, %select_n3A_55 : vector<16xf32>
        %add3A_415 = arith.addf %add3A_408, %mul3A_414 : vector<16xf32>
        %reduce_sum3A_416 = arith.constant true
        %reduce_sum3A_417 = vector.broadcast %reduce_sum3A_416 : i1 to vector<16xi1>
        %reduce_sum3A_418 = tpu.scan <sum>, %add3A_393 masked %reduce_sum3A_417 : vector<16xf32>, vector<16xi1> -> vector<16xf32>
        %reduce_sum3A_419 = vector.extract %reduce_sum3A_418[15] : f32 from vector<16xf32>
        %mul3A_420 = vector.broadcast %reduce_sum3A_419 : f32 to vector<16xf32>
        %mul3A_421 = arith.mulf %mul3A_420, %select_n3A_63 : vector<16xf32>
        %add3A_422 = arith.addf %add3A_415, %mul3A_421 : vector<16xf32>
        %swap3A_423 = arith.index_cast %scan3A_113 : i32 to index
        %swap3A_424 = arith.constant 0 : index
        %swap3A_425 = tpu.vector_load %arg15[%swap3A_423, %swap3A_424] {strides = array<i32>} : memref<128x16xf32, #tpu.memory_space<vmem>>, vector<16xf32>,
        tpu.vector_store %arg15[%swap3A_423, %swap3A_424], %add3A_422 {strides = array<i32>} : memref<128x16xf32, #tpu.memory_space<vmem>>, vector<16xf32>,
        %max3A_426 = arith.maximumf %scan3A_114, %add3A_422 : vector<16xf32>
        scf.yield %max3A_426 : vector<16xf32>
      }
      %scan3A_112 = arith.constant 128 : i32
      "tpu.region"() ({
        %run_scoped3A = tpu.sem_alloc : memref<!tpu.dma_semaphore, #tpu.memory_space<semaphore_mem>>
        %dma_start3A_113 = arith.constant 0 : i32
        %dma_start3A_114 = tpu.memref_slice %arg8[%add3A_80, %dma_start3A_113] : memref<335872x16xf32, #tpu.memory_space<hbm>> -> memref<128x16xf32, #tpu.memory_space<hbm>>
        %dma_start3A_115 = arith.constant 0 : i32
        %dma_start3A_116 = tpu.memref_slice %arg8[%add3A_80, %dma_start3A_115] : memref<335872x16xf32, #tpu.memory_space<hbm>> -> memref<128x16xf32, #tpu.memory_space<hbm>>
        tpu.enqueue_dma source(%arg15 : memref<128x16xf32, #tpu.memory_space<vmem>>) target(%dma_start3A_116 : memref<128x16xf32, #tpu.memory_space<hbm>>) target_semaphore(%run_scoped3A : memref<!tpu.dma_semaphore, #tpu.memory_space<semaphore_mem>>)
        %dma_wait3A_117 = arith.constant 0 : i32
        %dma_wait3A_118 = tpu.memref_slice %arg8[%add3A_80, %dma_wait3A_117] : memref<335872x16xf32, #tpu.memory_space<hbm>> -> memref<128x16xf32, #tpu.memory_space<hbm>>
        %dma_wait3A_119 = arith.constant 0 : i32
        %dma_wait3A_120 = tpu.memref_slice %arg8[%add3A_80, %dma_wait3A_119] : memref<335872x16xf32, #tpu.memory_space<hbm>> -> memref<128x16xf32, #tpu.memory_space<hbm>>
        tpu.wait_dma2 semaphore(%run_scoped3A : memref<!tpu.dma_semaphore, #tpu.memory_space<semaphore_mem>>) src(%arg15 : memref<128x16xf32, #tpu.memory_space<vmem>>) dst(%dma_wait3A_120 : memref<128x16xf32, #tpu.memory_space<hbm>>)
        tpu.yield
      }) : () -> ()
      scf.yield %scan3A_111 : vector<16xf32>
    }
    %scan3A_70 = arith.constant 82 : i32
    %swap3A = arith.constant 0 : index
    %swap3A_71 = tpu.vector_load %arg17[%swap3A] {strides = array<i32>} : memref<16xf32, #tpu.memory_space<vmem>>, vector<16xf32>,
    tpu.vector_store %arg17[%swap3A], %scan3A_69 {strides = array<i32>} : memref<16xf32, #tpu.memory_space<vmem>>, vector<16xf32>,
    %mul3A_72 = arith.constant 16 : i32
    %mul3A_73 = arith.muli %add3A, %mul3A_72 : i32
    "tpu.region"() ({
      %run_scoped3A = tpu.sem_alloc : memref<!tpu.dma_semaphore, #tpu.memory_space<semaphore_mem>>
      %dma_start3A = tpu.memref_slice %arg9[%mul3A_73] : memref<512xf32, #tpu.memory_space<hbm>> -> memref<16xf32, #tpu.memory_space<hbm>>
      %dma_start3A_74 = tpu.memref_slice %arg9[%mul3A_73] : memref<512xf32, #tpu.memory_space<hbm>> -> memref<16xf32, #tpu.memory_space<hbm>>
      tpu.enqueue_dma source(%arg17 : memref<16xf32, #tpu.memory_space<vmem>>) target(%dma_start3A_74 : memref<16xf32, #tpu.memory_space<hbm>>) target_semaphore(%run_scoped3A : memref<!tpu.dma_semaphore, #tpu.memory_space<semaphore_mem>>)
      %dma_wait3A = tpu.memref_slice %arg9[%mul3A_73] : memref<512xf32, #tpu.memory_space<hbm>> -> memref<16xf32, #tpu.memory_space<hbm>>
      %dma_wait3A_75 = tpu.memref_slice %arg9[%mul3A_73] : memref<512xf32, #tpu.memory_space<hbm>> -> memref<16xf32, #tpu.memory_space<hbm>>
      tpu.wait_dma2 semaphore(%run_scoped3A : memref<!tpu.dma_semaphore, #tpu.memory_space<semaphore_mem>>) src(%arg17 : memref<16xf32, #tpu.memory_space<vmem>>) dst(%dma_wait3A_75 : memref<16xf32, #tpu.memory_space<hbm>>)
      tpu.yield
    }) : () -> ()
    return
  }
}

#map = affine_map<(d0, d1) -> (0)>
#map1 = affine_map<(d0, d1) -> (0, 0)>
module attributes {stable_mosaic.version = 14 : i64} {
  func.func @_agg_body(%arg0: i32, %arg1: i32, %arg2: memref<335872xi32, #tpu.memory_space<hbm>>, %arg3: memref<335872xi32, #tpu.memory_space<hbm>>, %arg4: memref<335872x16xf32, #tpu.memory_space<hbm>>, %arg5: memref<16xf32, #tpu.memory_space<hbm>>, %arg6: memref<10240x128xf32, #tpu.memory_space<hbm>>, %arg7: memref<10240x128xf32, #tpu.memory_space<hbm>>, %arg8: memref<10240x128xf32, #tpu.memory_space<hbm>>, %arg9: memref<10240x128xf32, #tpu.memory_space<hbm>>, %arg10: memref<128xi32, #tpu.memory_space<vmem>>, %arg11: memref<128xi32, #tpu.memory_space<vmem>>, %arg12: memref<128x128xf32, #tpu.memory_space<vmem>>, %arg13: memref<128x144xf32, #tpu.memory_space<vmem>>, %arg14: memref<128x16xf32, #tpu.memory_space<vmem>>, %arg15: memref<16xf32, #tpu.memory_space<vmem>>, %arg16: memref<10240x144xf32, #tpu.memory_space<vmem_shared>>, %arg17: memref<!tpu.dma_semaphore, #tpu.memory_space<semaphore_mem>>) attributes {dimension_semantics = [#tpu.dimension_semantics<core_parallel>, #tpu.dimension_semantics<subcore_parallel>], iteration_bounds = array<i64: 2, 16>, scalar_prefetch = 0 : i64, scratch_operands = 8 : i64, tpu.core_type = #tpu.core_type<sc_vector_subcore>, window_params = [{transform_indices = #map}, {transform_indices = #map}, {transform_indices = #map1}, {transform_indices = #map}, {transform_indices = #map1}, {transform_indices = #map1}, {transform_indices = #map1}, {transform_indices = #map1}]} {
    "tpu.region"() ({
      %run_scoped3A = tpu.sem_alloc : memref<!tpu.dma_semaphore, #tpu.memory_space<semaphore_mem>>
      tpu.enqueue_dma source(%arg5 : memref<16xf32, #tpu.memory_space<hbm>>) target(%arg15 : memref<16xf32, #tpu.memory_space<vmem>>) target_semaphore(%run_scoped3A : memref<!tpu.dma_semaphore, #tpu.memory_space<semaphore_mem>>)
      tpu.wait_dma2 semaphore(%run_scoped3A : memref<!tpu.dma_semaphore, #tpu.memory_space<semaphore_mem>>) src(%arg5 : memref<16xf32, #tpu.memory_space<hbm>>) dst(%arg15 : memref<16xf32, #tpu.memory_space<vmem>>)
      tpu.yield
    }) : () -> ()
    %get3A = arith.constant 0 : index
    %get3A_0 = tpu.vector_load %arg15[%get3A] {strides = array<i32>} : memref<16xf32, #tpu.memory_space<vmem>>, vector<16xf32>,
    %iota3A = tpu.iota {dimensions = array<i32: 0>} : vector<16xi32>
    %lt3A = arith.constant 4 : i32
    %lt3A_1 = vector.broadcast %lt3A : i32 to vector<16xi32>
    %lt3A_2 = arith.cmpi slt, %iota3A, %lt3A_1 : vector<16xi32>
    %broadcast_in_dim3A = arith.constant 0.000000e+00 : f32
    %broadcast_in_dim3A_3 = vector.broadcast %broadcast_in_dim3A : f32 to vector<16xf32>
    %broadcast_in_dim3A_4 = arith.constant 0.000000e+00 : f32
    %broadcast_in_dim3A_5 = vector.broadcast %broadcast_in_dim3A_4 : f32 to vector<16xf32>
    %scan3A = arith.constant 0 : i32
    %scan3A_6 = arith.constant 0 : i32
    %scan3A_7 = arith.constant 128 : i32
    %scan3A_8 = arith.addi %scan3A_6, %scan3A_7 : i32
    %scan3A_9 = arith.constant 1 : i32
    %scan3A_10 = scf.for %scan3A_48 = %scan3A_6 to %scan3A_8 step %scan3A_9 iter_args(%scan3A_49 = %scan3A) -> (i32)  : i32 {
      %swap3A = arith.index_cast %scan3A_48 : i32 to index
      %swap3A_50 = arith.constant 0 : index
      %swap3A_51 = tpu.vector_load %arg13[%swap3A, %swap3A_50] {strides = array<i32>} : memref<128x144xf32, #tpu.memory_space<vmem>>, vector<16xf32>,
      tpu.vector_store %arg13[%swap3A, %swap3A_50], %broadcast_in_dim3A_5 {strides = array<i32>} : memref<128x144xf32, #tpu.memory_space<vmem>>, vector<16xf32>,
      %swap3A_52 = arith.index_cast %scan3A_48 : i32 to index
      %swap3A_53 = arith.constant 16 : index
      %swap3A_54 = tpu.vector_load %arg13[%swap3A_52, %swap3A_53] {strides = array<i32>} : memref<128x144xf32, #tpu.memory_space<vmem>>, vector<16xf32>,
      tpu.vector_store %arg13[%swap3A_52, %swap3A_53], %broadcast_in_dim3A_5 {strides = array<i32>} : memref<128x144xf32, #tpu.memory_space<vmem>>, vector<16xf32>,
      %swap3A_55 = arith.index_cast %scan3A_48 : i32 to index
      %swap3A_56 = arith.constant 32 : index
      %swap3A_57 = tpu.vector_load %arg13[%swap3A_55, %swap3A_56] {strides = array<i32>} : memref<128x144xf32, #tpu.memory_space<vmem>>, vector<16xf32>,
      tpu.vector_store %arg13[%swap3A_55, %swap3A_56], %broadcast_in_dim3A_5 {strides = array<i32>} : memref<128x144xf32, #tpu.memory_space<vmem>>, vector<16xf32>,
      %swap3A_58 = arith.index_cast %scan3A_48 : i32 to index
      %swap3A_59 = arith.constant 48 : index
      %swap3A_60 = tpu.vector_load %arg13[%swap3A_58, %swap3A_59] {strides = array<i32>} : memref<128x144xf32, #tpu.memory_space<vmem>>, vector<16xf32>,
      tpu.vector_store %arg13[%swap3A_58, %swap3A_59], %broadcast_in_dim3A_5 {strides = array<i32>} : memref<128x144xf32, #tpu.memory_space<vmem>>, vector<16xf32>,
      %swap3A_61 = arith.index_cast %scan3A_48 : i32 to index
      %swap3A_62 = arith.constant 64 : index
      %swap3A_63 = tpu.vector_load %arg13[%swap3A_61, %swap3A_62] {strides = array<i32>} : memref<128x144xf32, #tpu.memory_space<vmem>>, vector<16xf32>,
      tpu.vector_store %arg13[%swap3A_61, %swap3A_62], %broadcast_in_dim3A_5 {strides = array<i32>} : memref<128x144xf32, #tpu.memory_space<vmem>>, vector<16xf32>,
      %swap3A_64 = arith.index_cast %scan3A_48 : i32 to index
      %swap3A_65 = arith.constant 80 : index
      %swap3A_66 = tpu.vector_load %arg13[%swap3A_64, %swap3A_65] {strides = array<i32>} : memref<128x144xf32, #tpu.memory_space<vmem>>, vector<16xf32>,
      tpu.vector_store %arg13[%swap3A_64, %swap3A_65], %broadcast_in_dim3A_5 {strides = array<i32>} : memref<128x144xf32, #tpu.memory_space<vmem>>, vector<16xf32>,
      %swap3A_67 = arith.index_cast %scan3A_48 : i32 to index
      %swap3A_68 = arith.constant 96 : index
      %swap3A_69 = tpu.vector_load %arg13[%swap3A_67, %swap3A_68] {strides = array<i32>} : memref<128x144xf32, #tpu.memory_space<vmem>>, vector<16xf32>,
      tpu.vector_store %arg13[%swap3A_67, %swap3A_68], %broadcast_in_dim3A_5 {strides = array<i32>} : memref<128x144xf32, #tpu.memory_space<vmem>>, vector<16xf32>,
      %swap3A_70 = arith.index_cast %scan3A_48 : i32 to index
      %swap3A_71 = arith.constant 112 : index
      %swap3A_72 = tpu.vector_load %arg13[%swap3A_70, %swap3A_71] {strides = array<i32>} : memref<128x144xf32, #tpu.memory_space<vmem>>, vector<16xf32>,
      tpu.vector_store %arg13[%swap3A_70, %swap3A_71], %broadcast_in_dim3A_5 {strides = array<i32>} : memref<128x144xf32, #tpu.memory_space<vmem>>, vector<16xf32>,
      %swap3A_73 = arith.index_cast %scan3A_48 : i32 to index
      %swap3A_74 = arith.constant 128 : index
      %swap3A_75 = tpu.vector_load %arg13[%swap3A_73, %swap3A_74] {strides = array<i32>} : memref<128x144xf32, #tpu.memory_space<vmem>>, vector<16xf32>,
      tpu.vector_store %arg13[%swap3A_73, %swap3A_74], %broadcast_in_dim3A_5 {strides = array<i32>} : memref<128x144xf32, #tpu.memory_space<vmem>>, vector<16xf32>,
      %scan3A_76 = arith.constant 0 : i32
      scf.yield %scan3A_76 : i32
    }
    %scan3A_11 = arith.constant 128 : i32
    %mul3A = arith.constant 640 : i32
    %mul3A_12 = arith.muli %arg1, %mul3A : i32
    %add3A = arith.constant 0 : i32
    %add3A_13 = arith.addi %mul3A_12, %add3A : i32
    "tpu.region"() ({
      %run_scoped3A = tpu.sem_alloc : memref<!tpu.dma_semaphore, #tpu.memory_space<semaphore_mem>>
      %dma_start3A = arith.constant 0 : i32
      %dma_start3A_48 = tpu.memref_slice %arg16[%add3A_13, %dma_start3A] : memref<10240x144xf32, #tpu.memory_space<vmem_shared>> -> memref<128x144xf32, #tpu.memory_space<vmem_shared>>
      %dma_start3A_49 = arith.constant 0 : i32
      %dma_start3A_50 = tpu.memref_slice %arg16[%add3A_13, %dma_start3A_49] : memref<10240x144xf32, #tpu.memory_space<vmem_shared>> -> memref<128x144xf32, #tpu.memory_space<vmem_shared>>
      tpu.enqueue_dma source(%arg13 : memref<128x144xf32, #tpu.memory_space<vmem>>) target(%dma_start3A_50 : memref<128x144xf32, #tpu.memory_space<vmem_shared>>) target_semaphore(%run_scoped3A : memref<!tpu.dma_semaphore, #tpu.memory_space<semaphore_mem>>)
      %dma_wait3A = arith.constant 0 : i32
      %dma_wait3A_51 = tpu.memref_slice %arg16[%add3A_13, %dma_wait3A] : memref<10240x144xf32, #tpu.memory_space<vmem_shared>> -> memref<128x144xf32, #tpu.memory_space<vmem_shared>>
      %dma_wait3A_52 = arith.constant 0 : i32
      %dma_wait3A_53 = tpu.memref_slice %arg16[%add3A_13, %dma_wait3A_52] : memref<10240x144xf32, #tpu.memory_space<vmem_shared>> -> memref<128x144xf32, #tpu.memory_space<vmem_shared>>
      tpu.wait_dma2 semaphore(%run_scoped3A : memref<!tpu.dma_semaphore, #tpu.memory_space<semaphore_mem>>) src(%arg13 : memref<128x144xf32, #tpu.memory_space<vmem>>) dst(%dma_wait3A_53 : memref<128x144xf32, #tpu.memory_space<vmem_shared>>)
      tpu.yield
    }) : () -> ()
    %mul3A_14 = arith.constant 640 : i32
    %mul3A_15 = arith.muli %arg1, %mul3A_14 : i32
    %add3A_16 = arith.constant 128 : i32
    %add3A_17 = arith.addi %mul3A_15, %add3A_16 : i32
    "tpu.region"() ({
      %run_scoped3A = tpu.sem_alloc : memref<!tpu.dma_semaphore, #tpu.memory_space<semaphore_mem>>
      %dma_start3A = arith.constant 0 : i32
      %dma_start3A_48 = tpu.memref_slice %arg16[%add3A_17, %dma_start3A] : memref<10240x144xf32, #tpu.memory_space<vmem_shared>> -> memref<128x144xf32, #tpu.memory_space<vmem_shared>>
      %dma_start3A_49 = arith.constant 0 : i32
      %dma_start3A_50 = tpu.memref_slice %arg16[%add3A_17, %dma_start3A_49] : memref<10240x144xf32, #tpu.memory_space<vmem_shared>> -> memref<128x144xf32, #tpu.memory_space<vmem_shared>>
      tpu.enqueue_dma source(%arg13 : memref<128x144xf32, #tpu.memory_space<vmem>>) target(%dma_start3A_50 : memref<128x144xf32, #tpu.memory_space<vmem_shared>>) target_semaphore(%run_scoped3A : memref<!tpu.dma_semaphore, #tpu.memory_space<semaphore_mem>>)
      %dma_wait3A = arith.constant 0 : i32
      %dma_wait3A_51 = tpu.memref_slice %arg16[%add3A_17, %dma_wait3A] : memref<10240x144xf32, #tpu.memory_space<vmem_shared>> -> memref<128x144xf32, #tpu.memory_space<vmem_shared>>
      %dma_wait3A_52 = arith.constant 0 : i32
      %dma_wait3A_53 = tpu.memref_slice %arg16[%add3A_17, %dma_wait3A_52] : memref<10240x144xf32, #tpu.memory_space<vmem_shared>> -> memref<128x144xf32, #tpu.memory_space<vmem_shared>>
      tpu.wait_dma2 semaphore(%run_scoped3A : memref<!tpu.dma_semaphore, #tpu.memory_space<semaphore_mem>>) src(%arg13 : memref<128x144xf32, #tpu.memory_space<vmem>>) dst(%dma_wait3A_53 : memref<128x144xf32, #tpu.memory_space<vmem_shared>>)
      tpu.yield
    }) : () -> ()
    %mul3A_18 = arith.constant 640 : i32
    %mul3A_19 = arith.muli %arg1, %mul3A_18 : i32
    %add3A_20 = arith.constant 256 : i32
    %add3A_21 = arith.addi %mul3A_19, %add3A_20 : i32
    "tpu.region"() ({
      %run_scoped3A = tpu.sem_alloc : memref<!tpu.dma_semaphore, #tpu.memory_space<semaphore_mem>>
      %dma_start3A = arith.constant 0 : i32
      %dma_start3A_48 = tpu.memref_slice %arg16[%add3A_21, %dma_start3A] : memref<10240x144xf32, #tpu.memory_space<vmem_shared>> -> memref<128x144xf32, #tpu.memory_space<vmem_shared>>
      %dma_start3A_49 = arith.constant 0 : i32
      %dma_start3A_50 = tpu.memref_slice %arg16[%add3A_21, %dma_start3A_49] : memref<10240x144xf32, #tpu.memory_space<vmem_shared>> -> memref<128x144xf32, #tpu.memory_space<vmem_shared>>
      tpu.enqueue_dma source(%arg13 : memref<128x144xf32, #tpu.memory_space<vmem>>) target(%dma_start3A_50 : memref<128x144xf32, #tpu.memory_space<vmem_shared>>) target_semaphore(%run_scoped3A : memref<!tpu.dma_semaphore, #tpu.memory_space<semaphore_mem>>)
      %dma_wait3A = arith.constant 0 : i32
      %dma_wait3A_51 = tpu.memref_slice %arg16[%add3A_21, %dma_wait3A] : memref<10240x144xf32, #tpu.memory_space<vmem_shared>> -> memref<128x144xf32, #tpu.memory_space<vmem_shared>>
      %dma_wait3A_52 = arith.constant 0 : i32
      %dma_wait3A_53 = tpu.memref_slice %arg16[%add3A_21, %dma_wait3A_52] : memref<10240x144xf32, #tpu.memory_space<vmem_shared>> -> memref<128x144xf32, #tpu.memory_space<vmem_shared>>
      tpu.wait_dma2 semaphore(%run_scoped3A : memref<!tpu.dma_semaphore, #tpu.memory_space<semaphore_mem>>) src(%arg13 : memref<128x144xf32, #tpu.memory_space<vmem>>) dst(%dma_wait3A_53 : memref<128x144xf32, #tpu.memory_space<vmem_shared>>)
      tpu.yield
    }) : () -> ()
    %mul3A_22 = arith.constant 640 : i32
    %mul3A_23 = arith.muli %arg1, %mul3A_22 : i32
    %add3A_24 = arith.constant 384 : i32
    %add3A_25 = arith.addi %mul3A_23, %add3A_24 : i32
    "tpu.region"() ({
      %run_scoped3A = tpu.sem_alloc : memref<!tpu.dma_semaphore, #tpu.memory_space<semaphore_mem>>
      %dma_start3A = arith.constant 0 : i32
      %dma_start3A_48 = tpu.memref_slice %arg16[%add3A_25, %dma_start3A] : memref<10240x144xf32, #tpu.memory_space<vmem_shared>> -> memref<128x144xf32, #tpu.memory_space<vmem_shared>>
      %dma_start3A_49 = arith.constant 0 : i32
      %dma_start3A_50 = tpu.memref_slice %arg16[%add3A_25, %dma_start3A_49] : memref<10240x144xf32, #tpu.memory_space<vmem_shared>> -> memref<128x144xf32, #tpu.memory_space<vmem_shared>>
      tpu.enqueue_dma source(%arg13 : memref<128x144xf32, #tpu.memory_space<vmem>>) target(%dma_start3A_50 : memref<128x144xf32, #tpu.memory_space<vmem_shared>>) target_semaphore(%run_scoped3A : memref<!tpu.dma_semaphore, #tpu.memory_space<semaphore_mem>>)
      %dma_wait3A = arith.constant 0 : i32
      %dma_wait3A_51 = tpu.memref_slice %arg16[%add3A_25, %dma_wait3A] : memref<10240x144xf32, #tpu.memory_space<vmem_shared>> -> memref<128x144xf32, #tpu.memory_space<vmem_shared>>
      %dma_wait3A_52 = arith.constant 0 : i32
      %dma_wait3A_53 = tpu.memref_slice %arg16[%add3A_25, %dma_wait3A_52] : memref<10240x144xf32, #tpu.memory_space<vmem_shared>> -> memref<128x144xf32, #tpu.memory_space<vmem_shared>>
      tpu.wait_dma2 semaphore(%run_scoped3A : memref<!tpu.dma_semaphore, #tpu.memory_space<semaphore_mem>>) src(%arg13 : memref<128x144xf32, #tpu.memory_space<vmem>>) dst(%dma_wait3A_53 : memref<128x144xf32, #tpu.memory_space<vmem_shared>>)
      tpu.yield
    }) : () -> ()
    %mul3A_26 = arith.constant 640 : i32
    %mul3A_27 = arith.muli %arg1, %mul3A_26 : i32
    %add3A_28 = arith.constant 512 : i32
    %add3A_29 = arith.addi %mul3A_27, %add3A_28 : i32
    "tpu.region"() ({
      %run_scoped3A = tpu.sem_alloc : memref<!tpu.dma_semaphore, #tpu.memory_space<semaphore_mem>>
      %dma_start3A = arith.constant 0 : i32
      %dma_start3A_48 = tpu.memref_slice %arg16[%add3A_29, %dma_start3A] : memref<10240x144xf32, #tpu.memory_space<vmem_shared>> -> memref<128x144xf32, #tpu.memory_space<vmem_shared>>
      %dma_start3A_49 = arith.constant 0 : i32
      %dma_start3A_50 = tpu.memref_slice %arg16[%add3A_29, %dma_start3A_49] : memref<10240x144xf32, #tpu.memory_space<vmem_shared>> -> memref<128x144xf32, #tpu.memory_space<vmem_shared>>
      tpu.enqueue_dma source(%arg13 : memref<128x144xf32, #tpu.memory_space<vmem>>) target(%dma_start3A_50 : memref<128x144xf32, #tpu.memory_space<vmem_shared>>) target_semaphore(%run_scoped3A : memref<!tpu.dma_semaphore, #tpu.memory_space<semaphore_mem>>)
      %dma_wait3A = arith.constant 0 : i32
      %dma_wait3A_51 = tpu.memref_slice %arg16[%add3A_29, %dma_wait3A] : memref<10240x144xf32, #tpu.memory_space<vmem_shared>> -> memref<128x144xf32, #tpu.memory_space<vmem_shared>>
      %dma_wait3A_52 = arith.constant 0 : i32
      %dma_wait3A_53 = tpu.memref_slice %arg16[%add3A_29, %dma_wait3A_52] : memref<10240x144xf32, #tpu.memory_space<vmem_shared>> -> memref<128x144xf32, #tpu.memory_space<vmem_shared>>
      tpu.wait_dma2 semaphore(%run_scoped3A : memref<!tpu.dma_semaphore, #tpu.memory_space<semaphore_mem>>) src(%arg13 : memref<128x144xf32, #tpu.memory_space<vmem>>) dst(%dma_wait3A_53 : memref<128x144xf32, #tpu.memory_space<vmem_shared>>)
      tpu.yield
    }) : () -> ()
    %barrier3A = arith.constant 0 : index
    tpu.barrier barrier_id(%barrier3A)
    %eq3A = arith.constant 0 : i32
    %eq3A_30 = arith.cmpi eq, %arg0, %eq3A : i32
    %convert_element_type3A = arith.extui %eq3A_30 : i1 to i32
    %cond3A = arith.constant 0 : i32
    %cond3A_31 = arith.cmpi ne, %convert_element_type3A, %cond3A : i32
    scf.if %cond3A_31 {
      %scan3A_48 = arith.constant 0 : i32
      %scan3A_49 = arith.constant 0 : i32
      %scan3A_50 = arith.constant 164 : i32
      %scan3A_51 = arith.addi %scan3A_49, %scan3A_50 : i32
      %scan3A_52 = arith.constant 1 : i32
      %scan3A_53 = scf.for %scan3A_55 = %scan3A_49 to %scan3A_51 step %scan3A_52 iter_args(%scan3A_56 = %scan3A_48) -> (i32)  : i32 {
        %mul3A_57 = arith.constant 20992 : i32
        %mul3A_58 = arith.muli %arg1, %mul3A_57 : i32
        %mul3A_59 = arith.constant 128 : i32
        %mul3A_60 = arith.muli %scan3A_55, %mul3A_59 : i32
        %add3A_61 = arith.addi %mul3A_58, %mul3A_60 : i32
        %dma_start3A = tpu.memref_slice %arg2[%add3A_61] : memref<335872xi32, #tpu.memory_space<hbm>> -> memref<128xi32, #tpu.memory_space<hbm>>
        %dma_start3A_62 = tpu.memref_slice %arg2[%add3A_61] : memref<335872xi32, #tpu.memory_space<hbm>> -> memref<128xi32, #tpu.memory_space<hbm>>
        tpu.enqueue_dma source(%dma_start3A_62 : memref<128xi32, #tpu.memory_space<hbm>>) target(%arg10 : memref<128xi32, #tpu.memory_space<vmem>>) target_semaphore(%arg17 : memref<!tpu.dma_semaphore, #tpu.memory_space<semaphore_mem>>)
        %dma_start3A_63 = tpu.memref_slice %arg3[%add3A_61] : memref<335872xi32, #tpu.memory_space<hbm>> -> memref<128xi32, #tpu.memory_space<hbm>>
        %dma_start3A_64 = tpu.memref_slice %arg3[%add3A_61] : memref<335872xi32, #tpu.memory_space<hbm>> -> memref<128xi32, #tpu.memory_space<hbm>>
        tpu.enqueue_dma source(%dma_start3A_64 : memref<128xi32, #tpu.memory_space<hbm>>) target(%arg11 : memref<128xi32, #tpu.memory_space<vmem>>) target_semaphore(%arg17 : memref<!tpu.dma_semaphore, #tpu.memory_space<semaphore_mem>>)
        %dma_start3A_65 = arith.constant 0 : i32
        %dma_start3A_66 = tpu.memref_slice %arg4[%add3A_61, %dma_start3A_65] : memref<335872x16xf32, #tpu.memory_space<hbm>> -> memref<128x16xf32, #tpu.memory_space<hbm>>
        %dma_start3A_67 = arith.constant 0 : i32
        %dma_start3A_68 = tpu.memref_slice %arg4[%add3A_61, %dma_start3A_67] : memref<335872x16xf32, #tpu.memory_space<hbm>> -> memref<128x16xf32, #tpu.memory_space<hbm>>
        tpu.enqueue_dma source(%dma_start3A_68 : memref<128x16xf32, #tpu.memory_space<hbm>>) target(%arg14 : memref<128x16xf32, #tpu.memory_space<vmem>>) target_semaphore(%arg17 : memref<!tpu.dma_semaphore, #tpu.memory_space<semaphore_mem>>)
        %dma_wait3A = tpu.memref_slice %arg2[%add3A_61] : memref<335872xi32, #tpu.memory_space<hbm>> -> memref<128xi32, #tpu.memory_space<hbm>>
        %dma_wait3A_69 = tpu.memref_slice %arg2[%add3A_61] : memref<335872xi32, #tpu.memory_space<hbm>> -> memref<128xi32, #tpu.memory_space<hbm>>
        tpu.wait_dma2 semaphore(%arg17 : memref<!tpu.dma_semaphore, #tpu.memory_space<semaphore_mem>>) src(%dma_wait3A_69 : memref<128xi32, #tpu.memory_space<hbm>>) dst(%arg10 : memref<128xi32, #tpu.memory_space<vmem>>)
        %dma_wait3A_70 = tpu.memref_slice %arg3[%add3A_61] : memref<335872xi32, #tpu.memory_space<hbm>> -> memref<128xi32, #tpu.memory_space<hbm>>
        %dma_wait3A_71 = tpu.memref_slice %arg3[%add3A_61] : memref<335872xi32, #tpu.memory_space<hbm>> -> memref<128xi32, #tpu.memory_space<hbm>>
        tpu.wait_dma2 semaphore(%arg17 : memref<!tpu.dma_semaphore, #tpu.memory_space<semaphore_mem>>) src(%dma_wait3A_71 : memref<128xi32, #tpu.memory_space<hbm>>) dst(%arg11 : memref<128xi32, #tpu.memory_space<vmem>>)
        %dma_wait3A_72 = arith.constant 0 : i32
        %dma_wait3A_73 = tpu.memref_slice %arg4[%add3A_61, %dma_wait3A_72] : memref<335872x16xf32, #tpu.memory_space<hbm>> -> memref<128x16xf32, #tpu.memory_space<hbm>>
        %dma_wait3A_74 = arith.constant 0 : i32
        %dma_wait3A_75 = tpu.memref_slice %arg4[%add3A_61, %dma_wait3A_74] : memref<335872x16xf32, #tpu.memory_space<hbm>> -> memref<128x16xf32, #tpu.memory_space<hbm>>
        tpu.wait_dma2 semaphore(%arg17 : memref<!tpu.dma_semaphore, #tpu.memory_space<semaphore_mem>>) src(%dma_wait3A_75 : memref<128x16xf32, #tpu.memory_space<hbm>>) dst(%arg14 : memref<128x16xf32, #tpu.memory_space<vmem>>)
        %dma_start3A_76 = arith.constant 0 : i32
        %dma_start3A_77 = arith.constant 0 : i32
        %dma_start3A_78 = tpu.memref_slice %arg6[%dma_start3A_76, %dma_start3A_77] : memref<10240x128xf32, #tpu.memory_space<hbm>> -> memref<10240x128xf32, #tpu.memory_space<hbm>>
        tpu.enqueue_indirect_dma source(%dma_start3A_78 : memref<10240x128xf32, #tpu.memory_space<hbm>>) target(%arg12 : memref<128x128xf32, #tpu.memory_space<vmem>>) offsets(%arg10 : memref<128xi32, #tpu.memory_space<vmem>>) semaphore(%arg17 : memref<!tpu.dma_semaphore, #tpu.memory_space<semaphore_mem>>)
        %dma_wait3A_79 = arith.constant 0 : i32
        %dma_wait3A_80 = arith.constant 0 : i32
        %dma_wait3A_81 = tpu.memref_slice %arg6[%dma_wait3A_79, %dma_wait3A_80] : memref<10240x128xf32, #tpu.memory_space<hbm>> -> memref<10240x128xf32, #tpu.memory_space<hbm>>
        tpu.wait_indirect_dma semaphore(%arg17 : memref<!tpu.dma_semaphore, #tpu.memory_space<semaphore_mem>>) src(%dma_wait3A_81 : memref<10240x128xf32, #tpu.memory_space<hbm>>) dst(%arg12 : memref<128x128xf32, #tpu.memory_space<vmem>>)
        %scan3A_82 = arith.constant 0 : i32
        %scan3A_83 = arith.constant 0 : i32
        %scan3A_84 = arith.constant 128 : i32
        %scan3A_85 = arith.addi %scan3A_83, %scan3A_84 : i32
        %scan3A_86 = arith.constant 1 : i32
        %scan3A_87 = scf.for %scan3A_90 = %scan3A_83 to %scan3A_85 step %scan3A_86 iter_args(%scan3A_91 = %scan3A_82) -> (i32)  : i32 {
          %get3A_92 = arith.index_cast %scan3A_90 : i32 to index
          %get3A_93 = arith.constant 0 : index
          %get3A_94 = tpu.vector_load %arg14[%get3A_92, %get3A_93] {strides = array<i32>} : memref<128x16xf32, #tpu.memory_space<vmem>>, vector<16xf32>,
          %sub3A = arith.subf %get3A_94, %get3A_0 : vector<16xf32>
          %exp3A = math.exp %sub3A : vector<16xf32>
          %add3A_95 = arith.addi %add3A_61, %scan3A_90 : i32
          %lt3A_96 = arith.constant 330000 : i32
          %lt3A_97 = arith.cmpi slt, %add3A_95, %lt3A_96 : i32
          %and3A = vector.broadcast %lt3A_97 : i1 to vector<16xi1>
          %and3A_98 = arith.andi %and3A, %lt3A_2 : vector<16xi1>
          %select_n3A = arith.select %and3A_98, %exp3A, %broadcast_in_dim3A_3 : vector<16xi1>, vector<16xf32>
          %slice3A = vector.extract_strided_slice %select_n3A {offsets = [0], sizes = [1], strides = [1]} : vector<16xf32> to vector<1xf32>
          %squeeze3A = vector.extract %slice3A[0] : f32 from vector<1xf32>
          %slice3A_99 = vector.extract_strided_slice %select_n3A {offsets = [1], sizes = [1], strides = [1]} : vector<16xf32> to vector<1xf32>
          %squeeze3A_100 = vector.extract %slice3A_99[0] : f32 from vector<1xf32>
          %get3A_101 = arith.index_cast %scan3A_90 : i32 to index
          %get3A_102 = arith.constant 0 : index
          %get3A_103 = tpu.vector_load %arg12[%get3A_101, %get3A_102] {strides = array<i32>} : memref<128x128xf32, #tpu.memory_space<vmem>>, vector<16xf32>,
          %mul3A_104 = vector.broadcast %squeeze3A : f32 to vector<16xf32>
          %mul3A_105 = arith.mulf %mul3A_104, %get3A_103 : vector<16xf32>
          %swap3A = arith.index_cast %scan3A_90 : i32 to index
          %swap3A_106 = arith.constant 0 : index
          %swap3A_107 = tpu.vector_load %arg13[%swap3A, %swap3A_106] {strides = array<i32>} : memref<128x144xf32, #tpu.memory_space<vmem>>, vector<16xf32>,
          tpu.vector_store %arg13[%swap3A, %swap3A_106], %mul3A_105 {strides = array<i32>} : memref<128x144xf32, #tpu.memory_space<vmem>>, vector<16xf32>,
          %get3A_108 = arith.index_cast %scan3A_90 : i32 to index
          %get3A_109 = arith.constant 16 : index
          %get3A_110 = tpu.vector_load %arg12[%get3A_108, %get3A_109] {strides = array<i32>} : memref<128x128xf32, #tpu.memory_space<vmem>>, vector<16xf32>,
          %mul3A_111 = vector.broadcast %squeeze3A : f32 to vector<16xf32>
          %mul3A_112 = arith.mulf %mul3A_111, %get3A_110 : vector<16xf32>
          %swap3A_113 = arith.index_cast %scan3A_90 : i32 to index
          %swap3A_114 = arith.constant 16 : index
          %swap3A_115 = tpu.vector_load %arg13[%swap3A_113, %swap3A_114] {strides = array<i32>} : memref<128x144xf32, #tpu.memory_space<vmem>>, vector<16xf32>,
          tpu.vector_store %arg13[%swap3A_113, %swap3A_114], %mul3A_112 {strides = array<i32>} : memref<128x144xf32, #tpu.memory_space<vmem>>, vector<16xf32>,
          %get3A_116 = arith.index_cast %scan3A_90 : i32 to index
          %get3A_117 = arith.constant 32 : index
          %get3A_118 = tpu.vector_load %arg12[%get3A_116, %get3A_117] {strides = array<i32>} : memref<128x128xf32, #tpu.memory_space<vmem>>, vector<16xf32>,
          %mul3A_119 = vector.broadcast %squeeze3A : f32 to vector<16xf32>
          %mul3A_120 = arith.mulf %mul3A_119, %get3A_118 : vector<16xf32>
          %swap3A_121 = arith.index_cast %scan3A_90 : i32 to index
          %swap3A_122 = arith.constant 32 : index
          %swap3A_123 = tpu.vector_load %arg13[%swap3A_121, %swap3A_122] {strides = array<i32>} : memref<128x144xf32, #tpu.memory_space<vmem>>, vector<16xf32>,
          tpu.vector_store %arg13[%swap3A_121, %swap3A_122], %mul3A_120 {strides = array<i32>} : memref<128x144xf32, #tpu.memory_space<vmem>>, vector<16xf32>,
          %get3A_124 = arith.index_cast %scan3A_90 : i32 to index
          %get3A_125 = arith.constant 48 : index
          %get3A_126 = tpu.vector_load %arg12[%get3A_124, %get3A_125] {strides = array<i32>} : memref<128x128xf32, #tpu.memory_space<vmem>>, vector<16xf32>,
          %mul3A_127 = vector.broadcast %squeeze3A : f32 to vector<16xf32>
          %mul3A_128 = arith.mulf %mul3A_127, %get3A_126 : vector<16xf32>
          %swap3A_129 = arith.index_cast %scan3A_90 : i32 to index
          %swap3A_130 = arith.constant 48 : index
          %swap3A_131 = tpu.vector_load %arg13[%swap3A_129, %swap3A_130] {strides = array<i32>} : memref<128x144xf32, #tpu.memory_space<vmem>>, vector<16xf32>,
          tpu.vector_store %arg13[%swap3A_129, %swap3A_130], %mul3A_128 {strides = array<i32>} : memref<128x144xf32, #tpu.memory_space<vmem>>, vector<16xf32>,
          %get3A_132 = arith.index_cast %scan3A_90 : i32 to index
          %get3A_133 = arith.constant 64 : index
          %get3A_134 = tpu.vector_load %arg12[%get3A_132, %get3A_133] {strides = array<i32>} : memref<128x128xf32, #tpu.memory_space<vmem>>, vector<16xf32>,
          %mul3A_135 = vector.broadcast %squeeze3A_100 : f32 to vector<16xf32>
          %mul3A_136 = arith.mulf %mul3A_135, %get3A_134 : vector<16xf32>
          %swap3A_137 = arith.index_cast %scan3A_90 : i32 to index
          %swap3A_138 = arith.constant 64 : index
          %swap3A_139 = tpu.vector_load %arg13[%swap3A_137, %swap3A_138] {strides = array<i32>} : memref<128x144xf32, #tpu.memory_space<vmem>>, vector<16xf32>,
          tpu.vector_store %arg13[%swap3A_137, %swap3A_138], %mul3A_136 {strides = array<i32>} : memref<128x144xf32, #tpu.memory_space<vmem>>, vector<16xf32>,
          %get3A_140 = arith.index_cast %scan3A_90 : i32 to index
          %get3A_141 = arith.constant 80 : index
          %get3A_142 = tpu.vector_load %arg12[%get3A_140, %get3A_141] {strides = array<i32>} : memref<128x128xf32, #tpu.memory_space<vmem>>, vector<16xf32>,
          %mul3A_143 = vector.broadcast %squeeze3A_100 : f32 to vector<16xf32>
          %mul3A_144 = arith.mulf %mul3A_143, %get3A_142 : vector<16xf32>
          %swap3A_145 = arith.index_cast %scan3A_90 : i32 to index
          %swap3A_146 = arith.constant 80 : index
          %swap3A_147 = tpu.vector_load %arg13[%swap3A_145, %swap3A_146] {strides = array<i32>} : memref<128x144xf32, #tpu.memory_space<vmem>>, vector<16xf32>,
          tpu.vector_store %arg13[%swap3A_145, %swap3A_146], %mul3A_144 {strides = array<i32>} : memref<128x144xf32, #tpu.memory_space<vmem>>, vector<16xf32>,
          %get3A_148 = arith.index_cast %scan3A_90 : i32 to index
          %get3A_149 = arith.constant 96 : index
          %get3A_150 = tpu.vector_load %arg12[%get3A_148, %get3A_149] {strides = array<i32>} : memref<128x128xf32, #tpu.memory_space<vmem>>, vector<16xf32>,
          %mul3A_151 = vector.broadcast %squeeze3A_100 : f32 to vector<16xf32>
          %mul3A_152 = arith.mulf %mul3A_151, %get3A_150 : vector<16xf32>
          %swap3A_153 = arith.index_cast %scan3A_90 : i32 to index
          %swap3A_154 = arith.constant 96 : index
          %swap3A_155 = tpu.vector_load %arg13[%swap3A_153, %swap3A_154] {strides = array<i32>} : memref<128x144xf32, #tpu.memory_space<vmem>>, vector<16xf32>,
          tpu.vector_store %arg13[%swap3A_153, %swap3A_154], %mul3A_152 {strides = array<i32>} : memref<128x144xf32, #tpu.memory_space<vmem>>, vector<16xf32>,
          %get3A_156 = arith.index_cast %scan3A_90 : i32 to index
          %get3A_157 = arith.constant 112 : index
          %get3A_158 = tpu.vector_load %arg12[%get3A_156, %get3A_157] {strides = array<i32>} : memref<128x128xf32, #tpu.memory_space<vmem>>, vector<16xf32>,
          %mul3A_159 = vector.broadcast %squeeze3A_100 : f32 to vector<16xf32>
          %mul3A_160 = arith.mulf %mul3A_159, %get3A_158 : vector<16xf32>
          %swap3A_161 = arith.index_cast %scan3A_90 : i32 to index
          %swap3A_162 = arith.constant 112 : index
          %swap3A_163 = tpu.vector_load %arg13[%swap3A_161, %swap3A_162] {strides = array<i32>} : memref<128x144xf32, #tpu.memory_space<vmem>>, vector<16xf32>,
          tpu.vector_store %arg13[%swap3A_161, %swap3A_162], %mul3A_160 {strides = array<i32>} : memref<128x144xf32, #tpu.memory_space<vmem>>, vector<16xf32>,
          %swap3A_164 = arith.index_cast %scan3A_90 : i32 to index
          %swap3A_165 = arith.constant 128 : index
          %swap3A_166 = tpu.vector_load %arg13[%swap3A_164, %swap3A_165] {strides = array<i32>} : memref<128x144xf32, #tpu.memory_space<vmem>>, vector<16xf32>,
          tpu.vector_store %arg13[%swap3A_164, %swap3A_165], %select_n3A {strides = array<i32>} : memref<128x144xf32, #tpu.memory_space<vmem>>, vector<16xf32>,
          %scan3A_167 = arith.constant 0 : i32
          scf.yield %scan3A_167 : i32
        }
        %scan3A_88 = arith.constant 128 : i32
        "tpu.region"() ({
          %run_scoped3A = tpu.sem_alloc : memref<!tpu.dma_semaphore, #tpu.memory_space<semaphore_mem>>
          %dma_start3A_90 = arith.constant 0 : i32
          %dma_start3A_91 = arith.constant 0 : i32
          %dma_start3A_92 = tpu.memref_slice %arg16[%dma_start3A_90, %dma_start3A_91] : memref<10240x144xf32, #tpu.memory_space<vmem_shared>> -> memref<10240x144xf32, #tpu.memory_space<vmem_shared>>
          tpu.enqueue_indirect_dma source(%arg13 : memref<128x144xf32, #tpu.memory_space<vmem>>) target(%dma_start3A_92 : memref<10240x144xf32, #tpu.memory_space<vmem_shared>>) offsets(%arg11 : memref<128xi32, #tpu.memory_space<vmem>>) semaphore(%run_scoped3A : memref<!tpu.dma_semaphore, #tpu.memory_space<semaphore_mem>>) {add = true}
          %dma_wait3A_93 = arith.constant 0 : i32
          %dma_wait3A_94 = arith.constant 0 : i32
          %dma_wait3A_95 = tpu.memref_slice %arg16[%dma_wait3A_93, %dma_wait3A_94] : memref<10240x144xf32, #tpu.memory_space<vmem_shared>> -> memref<10240x144xf32, #tpu.memory_space<vmem_shared>>
          tpu.wait_indirect_dma semaphore(%run_scoped3A : memref<!tpu.dma_semaphore, #tpu.memory_space<semaphore_mem>>) src(%arg13 : memref<128x144xf32, #tpu.memory_space<vmem>>) dst(%dma_wait3A_95 : memref<10240x144xf32, #tpu.memory_space<vmem_shared>>)
          tpu.yield
        }) : () -> ()
        %scan3A_89 = arith.constant 0 : i32
        scf.yield %scan3A_89 : i32
      }
      %scan3A_54 = arith.constant 164 : i32
    } else {
    }
    %eq3A_32 = arith.constant 1 : i32
    %eq3A_33 = arith.cmpi eq, %arg0, %eq3A_32 : i32
    %convert_element_type3A_34 = arith.extui %eq3A_33 : i1 to i32
    %cond3A_35 = arith.constant 0 : i32
    %cond3A_36 = arith.cmpi ne, %convert_element_type3A_34, %cond3A_35 : i32
    scf.if %cond3A_36 {
      %scan3A_48 = arith.constant 0 : i32
      %scan3A_49 = arith.constant 0 : i32
      %scan3A_50 = arith.constant 164 : i32
      %scan3A_51 = arith.addi %scan3A_49, %scan3A_50 : i32
      %scan3A_52 = arith.constant 1 : i32
      %scan3A_53 = scf.for %scan3A_55 = %scan3A_49 to %scan3A_51 step %scan3A_52 iter_args(%scan3A_56 = %scan3A_48) -> (i32)  : i32 {
        %mul3A_57 = arith.constant 20992 : i32
        %mul3A_58 = arith.muli %arg1, %mul3A_57 : i32
        %mul3A_59 = arith.constant 128 : i32
        %mul3A_60 = arith.muli %scan3A_55, %mul3A_59 : i32
        %add3A_61 = arith.addi %mul3A_58, %mul3A_60 : i32
        %dma_start3A = tpu.memref_slice %arg2[%add3A_61] : memref<335872xi32, #tpu.memory_space<hbm>> -> memref<128xi32, #tpu.memory_space<hbm>>
        %dma_start3A_62 = tpu.memref_slice %arg2[%add3A_61] : memref<335872xi32, #tpu.memory_space<hbm>> -> memref<128xi32, #tpu.memory_space<hbm>>
        tpu.enqueue_dma source(%dma_start3A_62 : memref<128xi32, #tpu.memory_space<hbm>>) target(%arg10 : memref<128xi32, #tpu.memory_space<vmem>>) target_semaphore(%arg17 : memref<!tpu.dma_semaphore, #tpu.memory_space<semaphore_mem>>)
        %dma_start3A_63 = tpu.memref_slice %arg3[%add3A_61] : memref<335872xi32, #tpu.memory_space<hbm>> -> memref<128xi32, #tpu.memory_space<hbm>>
        %dma_start3A_64 = tpu.memref_slice %arg3[%add3A_61] : memref<335872xi32, #tpu.memory_space<hbm>> -> memref<128xi32, #tpu.memory_space<hbm>>
        tpu.enqueue_dma source(%dma_start3A_64 : memref<128xi32, #tpu.memory_space<hbm>>) target(%arg11 : memref<128xi32, #tpu.memory_space<vmem>>) target_semaphore(%arg17 : memref<!tpu.dma_semaphore, #tpu.memory_space<semaphore_mem>>)
        %dma_start3A_65 = arith.constant 0 : i32
        %dma_start3A_66 = tpu.memref_slice %arg4[%add3A_61, %dma_start3A_65] : memref<335872x16xf32, #tpu.memory_space<hbm>> -> memref<128x16xf32, #tpu.memory_space<hbm>>
        %dma_start3A_67 = arith.constant 0 : i32
        %dma_start3A_68 = tpu.memref_slice %arg4[%add3A_61, %dma_start3A_67] : memref<335872x16xf32, #tpu.memory_space<hbm>> -> memref<128x16xf32, #tpu.memory_space<hbm>>
        tpu.enqueue_dma source(%dma_start3A_68 : memref<128x16xf32, #tpu.memory_space<hbm>>) target(%arg14 : memref<128x16xf32, #tpu.memory_space<vmem>>) target_semaphore(%arg17 : memref<!tpu.dma_semaphore, #tpu.memory_space<semaphore_mem>>)
        %dma_wait3A = tpu.memref_slice %arg2[%add3A_61] : memref<335872xi32, #tpu.memory_space<hbm>> -> memref<128xi32, #tpu.memory_space<hbm>>
        %dma_wait3A_69 = tpu.memref_slice %arg2[%add3A_61] : memref<335872xi32, #tpu.memory_space<hbm>> -> memref<128xi32, #tpu.memory_space<hbm>>
        tpu.wait_dma2 semaphore(%arg17 : memref<!tpu.dma_semaphore, #tpu.memory_space<semaphore_mem>>) src(%dma_wait3A_69 : memref<128xi32, #tpu.memory_space<hbm>>) dst(%arg10 : memref<128xi32, #tpu.memory_space<vmem>>)
        %dma_wait3A_70 = tpu.memref_slice %arg3[%add3A_61] : memref<335872xi32, #tpu.memory_space<hbm>> -> memref<128xi32, #tpu.memory_space<hbm>>
        %dma_wait3A_71 = tpu.memref_slice %arg3[%add3A_61] : memref<335872xi32, #tpu.memory_space<hbm>> -> memref<128xi32, #tpu.memory_space<hbm>>
        tpu.wait_dma2 semaphore(%arg17 : memref<!tpu.dma_semaphore, #tpu.memory_space<semaphore_mem>>) src(%dma_wait3A_71 : memref<128xi32, #tpu.memory_space<hbm>>) dst(%arg11 : memref<128xi32, #tpu.memory_space<vmem>>)
        %dma_wait3A_72 = arith.constant 0 : i32
        %dma_wait3A_73 = tpu.memref_slice %arg4[%add3A_61, %dma_wait3A_72] : memref<335872x16xf32, #tpu.memory_space<hbm>> -> memref<128x16xf32, #tpu.memory_space<hbm>>
        %dma_wait3A_74 = arith.constant 0 : i32
        %dma_wait3A_75 = tpu.memref_slice %arg4[%add3A_61, %dma_wait3A_74] : memref<335872x16xf32, #tpu.memory_space<hbm>> -> memref<128x16xf32, #tpu.memory_space<hbm>>
        tpu.wait_dma2 semaphore(%arg17 : memref<!tpu.dma_semaphore, #tpu.memory_space<semaphore_mem>>) src(%dma_wait3A_75 : memref<128x16xf32, #tpu.memory_space<hbm>>) dst(%arg14 : memref<128x16xf32, #tpu.memory_space<vmem>>)
        %dma_start3A_76 = arith.constant 0 : i32
        %dma_start3A_77 = arith.constant 0 : i32
        %dma_start3A_78 = tpu.memref_slice %arg7[%dma_start3A_76, %dma_start3A_77] : memref<10240x128xf32, #tpu.memory_space<hbm>> -> memref<10240x128xf32, #tpu.memory_space<hbm>>
        tpu.enqueue_indirect_dma source(%dma_start3A_78 : memref<10240x128xf32, #tpu.memory_space<hbm>>) target(%arg12 : memref<128x128xf32, #tpu.memory_space<vmem>>) offsets(%arg10 : memref<128xi32, #tpu.memory_space<vmem>>) semaphore(%arg17 : memref<!tpu.dma_semaphore, #tpu.memory_space<semaphore_mem>>)
        %dma_wait3A_79 = arith.constant 0 : i32
        %dma_wait3A_80 = arith.constant 0 : i32
        %dma_wait3A_81 = tpu.memref_slice %arg7[%dma_wait3A_79, %dma_wait3A_80] : memref<10240x128xf32, #tpu.memory_space<hbm>> -> memref<10240x128xf32, #tpu.memory_space<hbm>>
        tpu.wait_indirect_dma semaphore(%arg17 : memref<!tpu.dma_semaphore, #tpu.memory_space<semaphore_mem>>) src(%dma_wait3A_81 : memref<10240x128xf32, #tpu.memory_space<hbm>>) dst(%arg12 : memref<128x128xf32, #tpu.memory_space<vmem>>)
        %scan3A_82 = arith.constant 0 : i32
        %scan3A_83 = arith.constant 0 : i32
        %scan3A_84 = arith.constant 128 : i32
        %scan3A_85 = arith.addi %scan3A_83, %scan3A_84 : i32
        %scan3A_86 = arith.constant 1 : i32
        %scan3A_87 = scf.for %scan3A_90 = %scan3A_83 to %scan3A_85 step %scan3A_86 iter_args(%scan3A_91 = %scan3A_82) -> (i32)  : i32 {
          %get3A_92 = arith.index_cast %scan3A_90 : i32 to index
          %get3A_93 = arith.constant 0 : index
          %get3A_94 = tpu.vector_load %arg14[%get3A_92, %get3A_93] {strides = array<i32>} : memref<128x16xf32, #tpu.memory_space<vmem>>, vector<16xf32>,
          %sub3A = arith.subf %get3A_94, %get3A_0 : vector<16xf32>
          %exp3A = math.exp %sub3A : vector<16xf32>
          %add3A_95 = arith.addi %add3A_61, %scan3A_90 : i32
          %lt3A_96 = arith.constant 330000 : i32
          %lt3A_97 = arith.cmpi slt, %add3A_95, %lt3A_96 : i32
          %and3A = vector.broadcast %lt3A_97 : i1 to vector<16xi1>
          %and3A_98 = arith.andi %and3A, %lt3A_2 : vector<16xi1>
          %select_n3A = arith.select %and3A_98, %exp3A, %broadcast_in_dim3A_3 : vector<16xi1>, vector<16xf32>
          %slice3A = vector.extract_strided_slice %select_n3A {offsets = [2], sizes = [1], strides = [1]} : vector<16xf32> to vector<1xf32>
          %squeeze3A = vector.extract %slice3A[0] : f32 from vector<1xf32>
          %slice3A_99 = vector.extract_strided_slice %select_n3A {offsets = [3], sizes = [1], strides = [1]} : vector<16xf32> to vector<1xf32>
          %squeeze3A_100 = vector.extract %slice3A_99[0] : f32 from vector<1xf32>
          %get3A_101 = arith.index_cast %scan3A_90 : i32 to index
          %get3A_102 = arith.constant 0 : index
          %get3A_103 = tpu.vector_load %arg12[%get3A_101, %get3A_102] {strides = array<i32>} : memref<128x128xf32, #tpu.memory_space<vmem>>, vector<16xf32>,
          %mul3A_104 = vector.broadcast %squeeze3A : f32 to vector<16xf32>
          %mul3A_105 = arith.mulf %mul3A_104, %get3A_103 : vector<16xf32>
          %swap3A = arith.index_cast %scan3A_90 : i32 to index
          %swap3A_106 = arith.constant 0 : index
          %swap3A_107 = tpu.vector_load %arg13[%swap3A, %swap3A_106] {strides = array<i32>} : memref<128x144xf32, #tpu.memory_space<vmem>>, vector<16xf32>,
          tpu.vector_store %arg13[%swap3A, %swap3A_106], %mul3A_105 {strides = array<i32>} : memref<128x144xf32, #tpu.memory_space<vmem>>, vector<16xf32>,
          %get3A_108 = arith.index_cast %scan3A_90 : i32 to index
          %get3A_109 = arith.constant 16 : index
          %get3A_110 = tpu.vector_load %arg12[%get3A_108, %get3A_109] {strides = array<i32>} : memref<128x128xf32, #tpu.memory_space<vmem>>, vector<16xf32>,
          %mul3A_111 = vector.broadcast %squeeze3A : f32 to vector<16xf32>
          %mul3A_112 = arith.mulf %mul3A_111, %get3A_110 : vector<16xf32>
          %swap3A_113 = arith.index_cast %scan3A_90 : i32 to index
          %swap3A_114 = arith.constant 16 : index
          %swap3A_115 = tpu.vector_load %arg13[%swap3A_113, %swap3A_114] {strides = array<i32>} : memref<128x144xf32, #tpu.memory_space<vmem>>, vector<16xf32>,
          tpu.vector_store %arg13[%swap3A_113, %swap3A_114], %mul3A_112 {strides = array<i32>} : memref<128x144xf32, #tpu.memory_space<vmem>>, vector<16xf32>,
          %get3A_116 = arith.index_cast %scan3A_90 : i32 to index
          %get3A_117 = arith.constant 32 : index
          %get3A_118 = tpu.vector_load %arg12[%get3A_116, %get3A_117] {strides = array<i32>} : memref<128x128xf32, #tpu.memory_space<vmem>>, vector<16xf32>,
          %mul3A_119 = vector.broadcast %squeeze3A : f32 to vector<16xf32>
          %mul3A_120 = arith.mulf %mul3A_119, %get3A_118 : vector<16xf32>
          %swap3A_121 = arith.index_cast %scan3A_90 : i32 to index
          %swap3A_122 = arith.constant 32 : index
          %swap3A_123 = tpu.vector_load %arg13[%swap3A_121, %swap3A_122] {strides = array<i32>} : memref<128x144xf32, #tpu.memory_space<vmem>>, vector<16xf32>,
          tpu.vector_store %arg13[%swap3A_121, %swap3A_122], %mul3A_120 {strides = array<i32>} : memref<128x144xf32, #tpu.memory_space<vmem>>, vector<16xf32>,
          %get3A_124 = arith.index_cast %scan3A_90 : i32 to index
          %get3A_125 = arith.constant 48 : index
          %get3A_126 = tpu.vector_load %arg12[%get3A_124, %get3A_125] {strides = array<i32>} : memref<128x128xf32, #tpu.memory_space<vmem>>, vector<16xf32>,
          %mul3A_127 = vector.broadcast %squeeze3A : f32 to vector<16xf32>
          %mul3A_128 = arith.mulf %mul3A_127, %get3A_126 : vector<16xf32>
          %swap3A_129 = arith.index_cast %scan3A_90 : i32 to index
          %swap3A_130 = arith.constant 48 : index
          %swap3A_131 = tpu.vector_load %arg13[%swap3A_129, %swap3A_130] {strides = array<i32>} : memref<128x144xf32, #tpu.memory_space<vmem>>, vector<16xf32>,
          tpu.vector_store %arg13[%swap3A_129, %swap3A_130], %mul3A_128 {strides = array<i32>} : memref<128x144xf32, #tpu.memory_space<vmem>>, vector<16xf32>,
          %get3A_132 = arith.index_cast %scan3A_90 : i32 to index
          %get3A_133 = arith.constant 64 : index
          %get3A_134 = tpu.vector_load %arg12[%get3A_132, %get3A_133] {strides = array<i32>} : memref<128x128xf32, #tpu.memory_space<vmem>>, vector<16xf32>,
          %mul3A_135 = vector.broadcast %squeeze3A_100 : f32 to vector<16xf32>
          %mul3A_136 = arith.mulf %mul3A_135, %get3A_134 : vector<16xf32>
          %swap3A_137 = arith.index_cast %scan3A_90 : i32 to index
          %swap3A_138 = arith.constant 64 : index
          %swap3A_139 = tpu.vector_load %arg13[%swap3A_137, %swap3A_138] {strides = array<i32>} : memref<128x144xf32, #tpu.memory_space<vmem>>, vector<16xf32>,
          tpu.vector_store %arg13[%swap3A_137, %swap3A_138], %mul3A_136 {strides = array<i32>} : memref<128x144xf32, #tpu.memory_space<vmem>>, vector<16xf32>,
          %get3A_140 = arith.index_cast %scan3A_90 : i32 to index
          %get3A_141 = arith.constant 80 : index
          %get3A_142 = tpu.vector_load %arg12[%get3A_140, %get3A_141] {strides = array<i32>} : memref<128x128xf32, #tpu.memory_space<vmem>>, vector<16xf32>,
          %mul3A_143 = vector.broadcast %squeeze3A_100 : f32 to vector<16xf32>
          %mul3A_144 = arith.mulf %mul3A_143, %get3A_142 : vector<16xf32>
          %swap3A_145 = arith.index_cast %scan3A_90 : i32 to index
          %swap3A_146 = arith.constant 80 : index
          %swap3A_147 = tpu.vector_load %arg13[%swap3A_145, %swap3A_146] {strides = array<i32>} : memref<128x144xf32, #tpu.memory_space<vmem>>, vector<16xf32>,
          tpu.vector_store %arg13[%swap3A_145, %swap3A_146], %mul3A_144 {strides = array<i32>} : memref<128x144xf32, #tpu.memory_space<vmem>>, vector<16xf32>,
          %get3A_148 = arith.index_cast %scan3A_90 : i32 to index
          %get3A_149 = arith.constant 96 : index
          %get3A_150 = tpu.vector_load %arg12[%get3A_148, %get3A_149] {strides = array<i32>} : memref<128x128xf32, #tpu.memory_space<vmem>>, vector<16xf32>,
          %mul3A_151 = vector.broadcast %squeeze3A_100 : f32 to vector<16xf32>
          %mul3A_152 = arith.mulf %mul3A_151, %get3A_150 : vector<16xf32>
          %swap3A_153 = arith.index_cast %scan3A_90 : i32 to index
          %swap3A_154 = arith.constant 96 : index
          %swap3A_155 = tpu.vector_load %arg13[%swap3A_153, %swap3A_154] {strides = array<i32>} : memref<128x144xf32, #tpu.memory_space<vmem>>, vector<16xf32>,
          tpu.vector_store %arg13[%swap3A_153, %swap3A_154], %mul3A_152 {strides = array<i32>} : memref<128x144xf32, #tpu.memory_space<vmem>>, vector<16xf32>,
          %get3A_156 = arith.index_cast %scan3A_90 : i32 to index
          %get3A_157 = arith.constant 112 : index
          %get3A_158 = tpu.vector_load %arg12[%get3A_156, %get3A_157] {strides = array<i32>} : memref<128x128xf32, #tpu.memory_space<vmem>>, vector<16xf32>,
          %mul3A_159 = vector.broadcast %squeeze3A_100 : f32 to vector<16xf32>
          %mul3A_160 = arith.mulf %mul3A_159, %get3A_158 : vector<16xf32>
          %swap3A_161 = arith.index_cast %scan3A_90 : i32 to index
          %swap3A_162 = arith.constant 112 : index
          %swap3A_163 = tpu.vector_load %arg13[%swap3A_161, %swap3A_162] {strides = array<i32>} : memref<128x144xf32, #tpu.memory_space<vmem>>, vector<16xf32>,
          tpu.vector_store %arg13[%swap3A_161, %swap3A_162], %mul3A_160 {strides = array<i32>} : memref<128x144xf32, #tpu.memory_space<vmem>>, vector<16xf32>,
          %swap3A_164 = arith.index_cast %scan3A_90 : i32 to index
          %swap3A_165 = arith.constant 128 : index
          %swap3A_166 = tpu.vector_load %arg13[%swap3A_164, %swap3A_165] {strides = array<i32>} : memref<128x144xf32, #tpu.memory_space<vmem>>, vector<16xf32>,
          tpu.vector_store %arg13[%swap3A_164, %swap3A_165], %select_n3A {strides = array<i32>} : memref<128x144xf32, #tpu.memory_space<vmem>>, vector<16xf32>,
          %scan3A_167 = arith.constant 0 : i32
          scf.yield %scan3A_167 : i32
        }
        %scan3A_88 = arith.constant 128 : i32
        "tpu.region"() ({
          %run_scoped3A = tpu.sem_alloc : memref<!tpu.dma_semaphore, #tpu.memory_space<semaphore_mem>>
          %dma_start3A_90 = arith.constant 0 : i32
          %dma_start3A_91 = arith.constant 0 : i32
          %dma_start3A_92 = tpu.memref_slice %arg16[%dma_start3A_90, %dma_start3A_91] : memref<10240x144xf32, #tpu.memory_space<vmem_shared>> -> memref<10240x144xf32, #tpu.memory_space<vmem_shared>>
          tpu.enqueue_indirect_dma source(%arg13 : memref<128x144xf32, #tpu.memory_space<vmem>>) target(%dma_start3A_92 : memref<10240x144xf32, #tpu.memory_space<vmem_shared>>) offsets(%arg11 : memref<128xi32, #tpu.memory_space<vmem>>) semaphore(%run_scoped3A : memref<!tpu.dma_semaphore, #tpu.memory_space<semaphore_mem>>) {add = true}
          %dma_wait3A_93 = arith.constant 0 : i32
          %dma_wait3A_94 = arith.constant 0 : i32
          %dma_wait3A_95 = tpu.memref_slice %arg16[%dma_wait3A_93, %dma_wait3A_94] : memref<10240x144xf32, #tpu.memory_space<vmem_shared>> -> memref<10240x144xf32, #tpu.memory_space<vmem_shared>>
          tpu.wait_indirect_dma semaphore(%run_scoped3A : memref<!tpu.dma_semaphore, #tpu.memory_space<semaphore_mem>>) src(%arg13 : memref<128x144xf32, #tpu.memory_space<vmem>>) dst(%dma_wait3A_95 : memref<10240x144xf32, #tpu.memory_space<vmem_shared>>)
          tpu.yield
        }) : () -> ()
        %scan3A_89 = arith.constant 0 : i32
        scf.yield %scan3A_89 : i32
      }
      %scan3A_54 = arith.constant 164 : i32
    } else {
    }
    %barrier3A_37 = arith.constant 0 : index
    tpu.barrier barrier_id(%barrier3A_37)
    %eq3A_38 = arith.constant 0 : i32
    %eq3A_39 = arith.cmpi eq, %arg0, %eq3A_38 : i32
    %convert_element_type3A_40 = arith.extui %eq3A_39 : i1 to i32
    %cond3A_41 = arith.constant 0 : i32
    %cond3A_42 = arith.cmpi ne, %convert_element_type3A_40, %cond3A_41 : i32
    scf.if %cond3A_42 {
      %scan3A_48 = arith.constant 0 : i32
      %scan3A_49 = arith.constant 0 : i32
      %scan3A_50 = arith.constant 5 : i32
      %scan3A_51 = arith.addi %scan3A_49, %scan3A_50 : i32
      %scan3A_52 = arith.constant 1 : i32
      %scan3A_53 = scf.for %scan3A_55 = %scan3A_49 to %scan3A_51 step %scan3A_52 iter_args(%scan3A_56 = %scan3A_48) -> (i32)  : i32 {
        %mul3A_57 = arith.constant 640 : i32
        %mul3A_58 = arith.muli %arg1, %mul3A_57 : i32
        %mul3A_59 = arith.constant 128 : i32
        %mul3A_60 = arith.muli %scan3A_55, %mul3A_59 : i32
        %add3A_61 = arith.addi %mul3A_58, %mul3A_60 : i32
        "tpu.region"() ({
          %run_scoped3A = tpu.sem_alloc : memref<!tpu.dma_semaphore, #tpu.memory_space<semaphore_mem>>
          %dma_start3A = arith.constant 0 : i32
          %dma_start3A_70 = tpu.memref_slice %arg16[%add3A_61, %dma_start3A] : memref<10240x144xf32, #tpu.memory_space<vmem_shared>> -> memref<128x144xf32, #tpu.memory_space<vmem_shared>>
          %dma_start3A_71 = arith.constant 0 : i32
          %dma_start3A_72 = tpu.memref_slice %arg16[%add3A_61, %dma_start3A_71] : memref<10240x144xf32, #tpu.memory_space<vmem_shared>> -> memref<128x144xf32, #tpu.memory_space<vmem_shared>>
          tpu.enqueue_dma source(%dma_start3A_72 : memref<128x144xf32, #tpu.memory_space<vmem_shared>>) target(%arg13 : memref<128x144xf32, #tpu.memory_space<vmem>>) target_semaphore(%run_scoped3A : memref<!tpu.dma_semaphore, #tpu.memory_space<semaphore_mem>>)
          %dma_wait3A = arith.constant 0 : i32
          %dma_wait3A_73 = tpu.memref_slice %arg16[%add3A_61, %dma_wait3A] : memref<10240x144xf32, #tpu.memory_space<vmem_shared>> -> memref<128x144xf32, #tpu.memory_space<vmem_shared>>
          %dma_wait3A_74 = arith.constant 0 : i32
          %dma_wait3A_75 = tpu.memref_slice %arg16[%add3A_61, %dma_wait3A_74] : memref<10240x144xf32, #tpu.memory_space<vmem_shared>> -> memref<128x144xf32, #tpu.memory_space<vmem_shared>>
          tpu.wait_dma2 semaphore(%run_scoped3A : memref<!tpu.dma_semaphore, #tpu.memory_space<semaphore_mem>>) src(%dma_wait3A_75 : memref<128x144xf32, #tpu.memory_space<vmem_shared>>) dst(%arg13 : memref<128x144xf32, #tpu.memory_space<vmem>>)
          tpu.yield
        }) : () -> ()
        %scan3A_62 = arith.constant 0 : i32
        %scan3A_63 = arith.constant 0 : i32
        %scan3A_64 = arith.constant 128 : i32
        %scan3A_65 = arith.addi %scan3A_63, %scan3A_64 : i32
        %scan3A_66 = arith.constant 1 : i32
        %scan3A_67 = scf.for %scan3A_70 = %scan3A_63 to %scan3A_65 step %scan3A_66 iter_args(%scan3A_71 = %scan3A_62) -> (i32)  : i32 {
          %get3A_72 = arith.index_cast %scan3A_70 : i32 to index
          %get3A_73 = arith.constant 128 : index
          %get3A_74 = tpu.vector_load %arg13[%get3A_72, %get3A_73] {strides = array<i32>} : memref<128x144xf32, #tpu.memory_space<vmem>>, vector<16xf32>,
          %max3A = arith.constant 1.000000e-30 : f32
          %max3A_75 = vector.broadcast %max3A : f32 to vector<16xf32>
          %max3A_76 = arith.maximumf %get3A_74, %max3A_75 : vector<16xf32>
          %div3A = arith.constant 1.000000e+00 : f32
          %div3A_77 = vector.broadcast %div3A : f32 to vector<16xf32>
          %div3A_78 = arith.divf %div3A_77, %max3A_76 : vector<16xf32>
          %slice3A = vector.extract_strided_slice %div3A_78 {offsets = [0], sizes = [1], strides = [1]} : vector<16xf32> to vector<1xf32>
          %squeeze3A = vector.extract %slice3A[0] : f32 from vector<1xf32>
          %slice3A_79 = vector.extract_strided_slice %div3A_78 {offsets = [1], sizes = [1], strides = [1]} : vector<16xf32> to vector<1xf32>
          %squeeze3A_80 = vector.extract %slice3A_79[0] : f32 from vector<1xf32>
          %get3A_81 = arith.index_cast %scan3A_70 : i32 to index
          %get3A_82 = arith.constant 0 : index
          %get3A_83 = tpu.vector_load %arg13[%get3A_81, %get3A_82] {strides = array<i32>} : memref<128x144xf32, #tpu.memory_space<vmem>>, vector<16xf32>,
          %mul3A_84 = vector.broadcast %squeeze3A : f32 to vector<16xf32>
          %mul3A_85 = arith.mulf %mul3A_84, %get3A_83 : vector<16xf32>
          %swap3A = arith.index_cast %scan3A_70 : i32 to index
          %swap3A_86 = arith.constant 0 : index
          %swap3A_87 = tpu.vector_load %arg12[%swap3A, %swap3A_86] {strides = array<i32>} : memref<128x128xf32, #tpu.memory_space<vmem>>, vector<16xf32>,
          tpu.vector_store %arg12[%swap3A, %swap3A_86], %mul3A_85 {strides = array<i32>} : memref<128x128xf32, #tpu.memory_space<vmem>>, vector<16xf32>,
          %get3A_88 = arith.index_cast %scan3A_70 : i32 to index
          %get3A_89 = arith.constant 16 : index
          %get3A_90 = tpu.vector_load %arg13[%get3A_88, %get3A_89] {strides = array<i32>} : memref<128x144xf32, #tpu.memory_space<vmem>>, vector<16xf32>,
          %mul3A_91 = vector.broadcast %squeeze3A : f32 to vector<16xf32>
          %mul3A_92 = arith.mulf %mul3A_91, %get3A_90 : vector<16xf32>
          %swap3A_93 = arith.index_cast %scan3A_70 : i32 to index
          %swap3A_94 = arith.constant 16 : index
          %swap3A_95 = tpu.vector_load %arg12[%swap3A_93, %swap3A_94] {strides = array<i32>} : memref<128x128xf32, #tpu.memory_space<vmem>>, vector<16xf32>,
          tpu.vector_store %arg12[%swap3A_93, %swap3A_94], %mul3A_92 {strides = array<i32>} : memref<128x128xf32, #tpu.memory_space<vmem>>, vector<16xf32>,
          %get3A_96 = arith.index_cast %scan3A_70 : i32 to index
          %get3A_97 = arith.constant 32 : index
          %get3A_98 = tpu.vector_load %arg13[%get3A_96, %get3A_97] {strides = array<i32>} : memref<128x144xf32, #tpu.memory_space<vmem>>, vector<16xf32>,
          %mul3A_99 = vector.broadcast %squeeze3A : f32 to vector<16xf32>
          %mul3A_100 = arith.mulf %mul3A_99, %get3A_98 : vector<16xf32>
          %swap3A_101 = arith.index_cast %scan3A_70 : i32 to index
          %swap3A_102 = arith.constant 32 : index
          %swap3A_103 = tpu.vector_load %arg12[%swap3A_101, %swap3A_102] {strides = array<i32>} : memref<128x128xf32, #tpu.memory_space<vmem>>, vector<16xf32>,
          tpu.vector_store %arg12[%swap3A_101, %swap3A_102], %mul3A_100 {strides = array<i32>} : memref<128x128xf32, #tpu.memory_space<vmem>>, vector<16xf32>,
          %get3A_104 = arith.index_cast %scan3A_70 : i32 to index
          %get3A_105 = arith.constant 48 : index
          %get3A_106 = tpu.vector_load %arg13[%get3A_104, %get3A_105] {strides = array<i32>} : memref<128x144xf32, #tpu.memory_space<vmem>>, vector<16xf32>,
          %mul3A_107 = vector.broadcast %squeeze3A : f32 to vector<16xf32>
          %mul3A_108 = arith.mulf %mul3A_107, %get3A_106 : vector<16xf32>
          %swap3A_109 = arith.index_cast %scan3A_70 : i32 to index
          %swap3A_110 = arith.constant 48 : index
          %swap3A_111 = tpu.vector_load %arg12[%swap3A_109, %swap3A_110] {strides = array<i32>} : memref<128x128xf32, #tpu.memory_space<vmem>>, vector<16xf32>,
          tpu.vector_store %arg12[%swap3A_109, %swap3A_110], %mul3A_108 {strides = array<i32>} : memref<128x128xf32, #tpu.memory_space<vmem>>, vector<16xf32>,
          %get3A_112 = arith.index_cast %scan3A_70 : i32 to index
          %get3A_113 = arith.constant 64 : index
          %get3A_114 = tpu.vector_load %arg13[%get3A_112, %get3A_113] {strides = array<i32>} : memref<128x144xf32, #tpu.memory_space<vmem>>, vector<16xf32>,
          %mul3A_115 = vector.broadcast %squeeze3A_80 : f32 to vector<16xf32>
          %mul3A_116 = arith.mulf %mul3A_115, %get3A_114 : vector<16xf32>
          %swap3A_117 = arith.index_cast %scan3A_70 : i32 to index
          %swap3A_118 = arith.constant 64 : index
          %swap3A_119 = tpu.vector_load %arg12[%swap3A_117, %swap3A_118] {strides = array<i32>} : memref<128x128xf32, #tpu.memory_space<vmem>>, vector<16xf32>,
          tpu.vector_store %arg12[%swap3A_117, %swap3A_118], %mul3A_116 {strides = array<i32>} : memref<128x128xf32, #tpu.memory_space<vmem>>, vector<16xf32>,
          %get3A_120 = arith.index_cast %scan3A_70 : i32 to index
          %get3A_121 = arith.constant 80 : index
          %get3A_122 = tpu.vector_load %arg13[%get3A_120, %get3A_121] {strides = array<i32>} : memref<128x144xf32, #tpu.memory_space<vmem>>, vector<16xf32>,
          %mul3A_123 = vector.broadcast %squeeze3A_80 : f32 to vector<16xf32>
          %mul3A_124 = arith.mulf %mul3A_123, %get3A_122 : vector<16xf32>
          %swap3A_125 = arith.index_cast %scan3A_70 : i32 to index
          %swap3A_126 = arith.constant 80 : index
          %swap3A_127 = tpu.vector_load %arg12[%swap3A_125, %swap3A_126] {strides = array<i32>} : memref<128x128xf32, #tpu.memory_space<vmem>>, vector<16xf32>,
          tpu.vector_store %arg12[%swap3A_125, %swap3A_126], %mul3A_124 {strides = array<i32>} : memref<128x128xf32, #tpu.memory_space<vmem>>, vector<16xf32>,
          %get3A_128 = arith.index_cast %scan3A_70 : i32 to index
          %get3A_129 = arith.constant 96 : index
          %get3A_130 = tpu.vector_load %arg13[%get3A_128, %get3A_129] {strides = array<i32>} : memref<128x144xf32, #tpu.memory_space<vmem>>, vector<16xf32>,
          %mul3A_131 = vector.broadcast %squeeze3A_80 : f32 to vector<16xf32>
          %mul3A_132 = arith.mulf %mul3A_131, %get3A_130 : vector<16xf32>
          %swap3A_133 = arith.index_cast %scan3A_70 : i32 to index
          %swap3A_134 = arith.constant 96 : index
          %swap3A_135 = tpu.vector_load %arg12[%swap3A_133, %swap3A_134] {strides = array<i32>} : memref<128x128xf32, #tpu.memory_space<vmem>>, vector<16xf32>,
          tpu.vector_store %arg12[%swap3A_133, %swap3A_134], %mul3A_132 {strides = array<i32>} : memref<128x128xf32, #tpu.memory_space<vmem>>, vector<16xf32>,
          %get3A_136 = arith.index_cast %scan3A_70 : i32 to index
          %get3A_137 = arith.constant 112 : index
          %get3A_138 = tpu.vector_load %arg13[%get3A_136, %get3A_137] {strides = array<i32>} : memref<128x144xf32, #tpu.memory_space<vmem>>, vector<16xf32>,
          %mul3A_139 = vector.broadcast %squeeze3A_80 : f32 to vector<16xf32>
          %mul3A_140 = arith.mulf %mul3A_139, %get3A_138 : vector<16xf32>
          %swap3A_141 = arith.index_cast %scan3A_70 : i32 to index
          %swap3A_142 = arith.constant 112 : index
          %swap3A_143 = tpu.vector_load %arg12[%swap3A_141, %swap3A_142] {strides = array<i32>} : memref<128x128xf32, #tpu.memory_space<vmem>>, vector<16xf32>,
          tpu.vector_store %arg12[%swap3A_141, %swap3A_142], %mul3A_140 {strides = array<i32>} : memref<128x128xf32, #tpu.memory_space<vmem>>, vector<16xf32>,
          %scan3A_144 = arith.constant 0 : i32
          scf.yield %scan3A_144 : i32
        }
        %scan3A_68 = arith.constant 128 : i32
        "tpu.region"() ({
          %run_scoped3A = tpu.sem_alloc : memref<!tpu.dma_semaphore, #tpu.memory_space<semaphore_mem>>
          %dma_start3A = arith.constant 0 : i32
          %dma_start3A_70 = tpu.memref_slice %arg8[%add3A_61, %dma_start3A] : memref<10240x128xf32, #tpu.memory_space<hbm>> -> memref<128x128xf32, #tpu.memory_space<hbm>>
          %dma_start3A_71 = arith.constant 0 : i32
          %dma_start3A_72 = tpu.memref_slice %arg8[%add3A_61, %dma_start3A_71] : memref<10240x128xf32, #tpu.memory_space<hbm>> -> memref<128x128xf32, #tpu.memory_space<hbm>>
          tpu.enqueue_dma source(%arg12 : memref<128x128xf32, #tpu.memory_space<vmem>>) target(%dma_start3A_72 : memref<128x128xf32, #tpu.memory_space<hbm>>) target_semaphore(%run_scoped3A : memref<!tpu.dma_semaphore, #tpu.memory_space<semaphore_mem>>)
          %dma_wait3A = arith.constant 0 : i32
          %dma_wait3A_73 = tpu.memref_slice %arg8[%add3A_61, %dma_wait3A] : memref<10240x128xf32, #tpu.memory_space<hbm>> -> memref<128x128xf32, #tpu.memory_space<hbm>>
          %dma_wait3A_74 = arith.constant 0 : i32
          %dma_wait3A_75 = tpu.memref_slice %arg8[%add3A_61, %dma_wait3A_74] : memref<10240x128xf32, #tpu.memory_space<hbm>> -> memref<128x128xf32, #tpu.memory_space<hbm>>
          tpu.wait_dma2 semaphore(%run_scoped3A : memref<!tpu.dma_semaphore, #tpu.memory_space<semaphore_mem>>) src(%arg12 : memref<128x128xf32, #tpu.memory_space<vmem>>) dst(%dma_wait3A_75 : memref<128x128xf32, #tpu.memory_space<hbm>>)
          tpu.yield
        }) : () -> ()
        %scan3A_69 = arith.constant 0 : i32
        scf.yield %scan3A_69 : i32
      }
      %scan3A_54 = arith.constant 5 : i32
    } else {
    }
    %eq3A_43 = arith.constant 1 : i32
    %eq3A_44 = arith.cmpi eq, %arg0, %eq3A_43 : i32
    %convert_element_type3A_45 = arith.extui %eq3A_44 : i1 to i32
    %cond3A_46 = arith.constant 0 : i32
    %cond3A_47 = arith.cmpi ne, %convert_element_type3A_45, %cond3A_46 : i32
    scf.if %cond3A_47 {
      %scan3A_48 = arith.constant 0 : i32
      %scan3A_49 = arith.constant 0 : i32
      %scan3A_50 = arith.constant 5 : i32
      %scan3A_51 = arith.addi %scan3A_49, %scan3A_50 : i32
      %scan3A_52 = arith.constant 1 : i32
      %scan3A_53 = scf.for %scan3A_55 = %scan3A_49 to %scan3A_51 step %scan3A_52 iter_args(%scan3A_56 = %scan3A_48) -> (i32)  : i32 {
        %mul3A_57 = arith.constant 640 : i32
        %mul3A_58 = arith.muli %arg1, %mul3A_57 : i32
        %mul3A_59 = arith.constant 128 : i32
        %mul3A_60 = arith.muli %scan3A_55, %mul3A_59 : i32
        %add3A_61 = arith.addi %mul3A_58, %mul3A_60 : i32
        "tpu.region"() ({
          %run_scoped3A = tpu.sem_alloc : memref<!tpu.dma_semaphore, #tpu.memory_space<semaphore_mem>>
          %dma_start3A = arith.constant 0 : i32
          %dma_start3A_70 = tpu.memref_slice %arg16[%add3A_61, %dma_start3A] : memref<10240x144xf32, #tpu.memory_space<vmem_shared>> -> memref<128x144xf32, #tpu.memory_space<vmem_shared>>
          %dma_start3A_71 = arith.constant 0 : i32
          %dma_start3A_72 = tpu.memref_slice %arg16[%add3A_61, %dma_start3A_71] : memref<10240x144xf32, #tpu.memory_space<vmem_shared>> -> memref<128x144xf32, #tpu.memory_space<vmem_shared>>
          tpu.enqueue_dma source(%dma_start3A_72 : memref<128x144xf32, #tpu.memory_space<vmem_shared>>) target(%arg13 : memref<128x144xf32, #tpu.memory_space<vmem>>) target_semaphore(%run_scoped3A : memref<!tpu.dma_semaphore, #tpu.memory_space<semaphore_mem>>)
          %dma_wait3A = arith.constant 0 : i32
          %dma_wait3A_73 = tpu.memref_slice %arg16[%add3A_61, %dma_wait3A] : memref<10240x144xf32, #tpu.memory_space<vmem_shared>> -> memref<128x144xf32, #tpu.memory_space<vmem_shared>>
          %dma_wait3A_74 = arith.constant 0 : i32
          %dma_wait3A_75 = tpu.memref_slice %arg16[%add3A_61, %dma_wait3A_74] : memref<10240x144xf32, #tpu.memory_space<vmem_shared>> -> memref<128x144xf32, #tpu.memory_space<vmem_shared>>
          tpu.wait_dma2 semaphore(%run_scoped3A : memref<!tpu.dma_semaphore, #tpu.memory_space<semaphore_mem>>) src(%dma_wait3A_75 : memref<128x144xf32, #tpu.memory_space<vmem_shared>>) dst(%arg13 : memref<128x144xf32, #tpu.memory_space<vmem>>)
          tpu.yield
        }) : () -> ()
        %scan3A_62 = arith.constant 0 : i32
        %scan3A_63 = arith.constant 0 : i32
        %scan3A_64 = arith.constant 128 : i32
        %scan3A_65 = arith.addi %scan3A_63, %scan3A_64 : i32
        %scan3A_66 = arith.constant 1 : i32
        %scan3A_67 = scf.for %scan3A_70 = %scan3A_63 to %scan3A_65 step %scan3A_66 iter_args(%scan3A_71 = %scan3A_62) -> (i32)  : i32 {
          %get3A_72 = arith.index_cast %scan3A_70 : i32 to index
          %get3A_73 = arith.constant 128 : index
          %get3A_74 = tpu.vector_load %arg13[%get3A_72, %get3A_73] {strides = array<i32>} : memref<128x144xf32, #tpu.memory_space<vmem>>, vector<16xf32>,
          %max3A = arith.constant 1.000000e-30 : f32
          %max3A_75 = vector.broadcast %max3A : f32 to vector<16xf32>
          %max3A_76 = arith.maximumf %get3A_74, %max3A_75 : vector<16xf32>
          %div3A = arith.constant 1.000000e+00 : f32
          %div3A_77 = vector.broadcast %div3A : f32 to vector<16xf32>
          %div3A_78 = arith.divf %div3A_77, %max3A_76 : vector<16xf32>
          %slice3A = vector.extract_strided_slice %div3A_78 {offsets = [2], sizes = [1], strides = [1]} : vector<16xf32> to vector<1xf32>
          %squeeze3A = vector.extract %slice3A[0] : f32 from vector<1xf32>
          %slice3A_79 = vector.extract_strided_slice %div3A_78 {offsets = [3], sizes = [1], strides = [1]} : vector<16xf32> to vector<1xf32>
          %squeeze3A_80 = vector.extract %slice3A_79[0] : f32 from vector<1xf32>
          %get3A_81 = arith.index_cast %scan3A_70 : i32 to index
          %get3A_82 = arith.constant 0 : index
          %get3A_83 = tpu.vector_load %arg13[%get3A_81, %get3A_82] {strides = array<i32>} : memref<128x144xf32, #tpu.memory_space<vmem>>, vector<16xf32>,
          %mul3A_84 = vector.broadcast %squeeze3A : f32 to vector<16xf32>
          %mul3A_85 = arith.mulf %mul3A_84, %get3A_83 : vector<16xf32>
          %swap3A = arith.index_cast %scan3A_70 : i32 to index
          %swap3A_86 = arith.constant 0 : index
          %swap3A_87 = tpu.vector_load %arg12[%swap3A, %swap3A_86] {strides = array<i32>} : memref<128x128xf32, #tpu.memory_space<vmem>>, vector<16xf32>,
          tpu.vector_store %arg12[%swap3A, %swap3A_86], %mul3A_85 {strides = array<i32>} : memref<128x128xf32, #tpu.memory_space<vmem>>, vector<16xf32>,
          %get3A_88 = arith.index_cast %scan3A_70 : i32 to index
          %get3A_89 = arith.constant 16 : index
          %get3A_90 = tpu.vector_load %arg13[%get3A_88, %get3A_89] {strides = array<i32>} : memref<128x144xf32, #tpu.memory_space<vmem>>, vector<16xf32>,
          %mul3A_91 = vector.broadcast %squeeze3A : f32 to vector<16xf32>
          %mul3A_92 = arith.mulf %mul3A_91, %get3A_90 : vector<16xf32>
          %swap3A_93 = arith.index_cast %scan3A_70 : i32 to index
          %swap3A_94 = arith.constant 16 : index
          %swap3A_95 = tpu.vector_load %arg12[%swap3A_93, %swap3A_94] {strides = array<i32>} : memref<128x128xf32, #tpu.memory_space<vmem>>, vector<16xf32>,
          tpu.vector_store %arg12[%swap3A_93, %swap3A_94], %mul3A_92 {strides = array<i32>} : memref<128x128xf32, #tpu.memory_space<vmem>>, vector<16xf32>,
          %get3A_96 = arith.index_cast %scan3A_70 : i32 to index
          %get3A_97 = arith.constant 32 : index
          %get3A_98 = tpu.vector_load %arg13[%get3A_96, %get3A_97] {strides = array<i32>} : memref<128x144xf32, #tpu.memory_space<vmem>>, vector<16xf32>,
          %mul3A_99 = vector.broadcast %squeeze3A : f32 to vector<16xf32>
          %mul3A_100 = arith.mulf %mul3A_99, %get3A_98 : vector<16xf32>
          %swap3A_101 = arith.index_cast %scan3A_70 : i32 to index
          %swap3A_102 = arith.constant 32 : index
          %swap3A_103 = tpu.vector_load %arg12[%swap3A_101, %swap3A_102] {strides = array<i32>} : memref<128x128xf32, #tpu.memory_space<vmem>>, vector<16xf32>,
          tpu.vector_store %arg12[%swap3A_101, %swap3A_102], %mul3A_100 {strides = array<i32>} : memref<128x128xf32, #tpu.memory_space<vmem>>, vector<16xf32>,
          %get3A_104 = arith.index_cast %scan3A_70 : i32 to index
          %get3A_105 = arith.constant 48 : index
          %get3A_106 = tpu.vector_load %arg13[%get3A_104, %get3A_105] {strides = array<i32>} : memref<128x144xf32, #tpu.memory_space<vmem>>, vector<16xf32>,
          %mul3A_107 = vector.broadcast %squeeze3A : f32 to vector<16xf32>
          %mul3A_108 = arith.mulf %mul3A_107, %get3A_106 : vector<16xf32>
          %swap3A_109 = arith.index_cast %scan3A_70 : i32 to index
          %swap3A_110 = arith.constant 48 : index
          %swap3A_111 = tpu.vector_load %arg12[%swap3A_109, %swap3A_110] {strides = array<i32>} : memref<128x128xf32, #tpu.memory_space<vmem>>, vector<16xf32>,
          tpu.vector_store %arg12[%swap3A_109, %swap3A_110], %mul3A_108 {strides = array<i32>} : memref<128x128xf32, #tpu.memory_space<vmem>>, vector<16xf32>,
          %get3A_112 = arith.index_cast %scan3A_70 : i32 to index
          %get3A_113 = arith.constant 64 : index
          %get3A_114 = tpu.vector_load %arg13[%get3A_112, %get3A_113] {strides = array<i32>} : memref<128x144xf32, #tpu.memory_space<vmem>>, vector<16xf32>,
          %mul3A_115 = vector.broadcast %squeeze3A_80 : f32 to vector<16xf32>
          %mul3A_116 = arith.mulf %mul3A_115, %get3A_114 : vector<16xf32>
          %swap3A_117 = arith.index_cast %scan3A_70 : i32 to index
          %swap3A_118 = arith.constant 64 : index
          %swap3A_119 = tpu.vector_load %arg12[%swap3A_117, %swap3A_118] {strides = array<i32>} : memref<128x128xf32, #tpu.memory_space<vmem>>, vector<16xf32>,
          tpu.vector_store %arg12[%swap3A_117, %swap3A_118], %mul3A_116 {strides = array<i32>} : memref<128x128xf32, #tpu.memory_space<vmem>>, vector<16xf32>,
          %get3A_120 = arith.index_cast %scan3A_70 : i32 to index
          %get3A_121 = arith.constant 80 : index
          %get3A_122 = tpu.vector_load %arg13[%get3A_120, %get3A_121] {strides = array<i32>} : memref<128x144xf32, #tpu.memory_space<vmem>>, vector<16xf32>,
          %mul3A_123 = vector.broadcast %squeeze3A_80 : f32 to vector<16xf32>
          %mul3A_124 = arith.mulf %mul3A_123, %get3A_122 : vector<16xf32>
          %swap3A_125 = arith.index_cast %scan3A_70 : i32 to index
          %swap3A_126 = arith.constant 80 : index
          %swap3A_127 = tpu.vector_load %arg12[%swap3A_125, %swap3A_126] {strides = array<i32>} : memref<128x128xf32, #tpu.memory_space<vmem>>, vector<16xf32>,
          tpu.vector_store %arg12[%swap3A_125, %swap3A_126], %mul3A_124 {strides = array<i32>} : memref<128x128xf32, #tpu.memory_space<vmem>>, vector<16xf32>,
          %get3A_128 = arith.index_cast %scan3A_70 : i32 to index
          %get3A_129 = arith.constant 96 : index
          %get3A_130 = tpu.vector_load %arg13[%get3A_128, %get3A_129] {strides = array<i32>} : memref<128x144xf32, #tpu.memory_space<vmem>>, vector<16xf32>,
          %mul3A_131 = vector.broadcast %squeeze3A_80 : f32 to vector<16xf32>
          %mul3A_132 = arith.mulf %mul3A_131, %get3A_130 : vector<16xf32>
          %swap3A_133 = arith.index_cast %scan3A_70 : i32 to index
          %swap3A_134 = arith.constant 96 : index
          %swap3A_135 = tpu.vector_load %arg12[%swap3A_133, %swap3A_134] {strides = array<i32>} : memref<128x128xf32, #tpu.memory_space<vmem>>, vector<16xf32>,
          tpu.vector_store %arg12[%swap3A_133, %swap3A_134], %mul3A_132 {strides = array<i32>} : memref<128x128xf32, #tpu.memory_space<vmem>>, vector<16xf32>,
          %get3A_136 = arith.index_cast %scan3A_70 : i32 to index
          %get3A_137 = arith.constant 112 : index
          %get3A_138 = tpu.vector_load %arg13[%get3A_136, %get3A_137] {strides = array<i32>} : memref<128x144xf32, #tpu.memory_space<vmem>>, vector<16xf32>,
          %mul3A_139 = vector.broadcast %squeeze3A_80 : f32 to vector<16xf32>
          %mul3A_140 = arith.mulf %mul3A_139, %get3A_138 : vector<16xf32>
          %swap3A_141 = arith.index_cast %scan3A_70 : i32 to index
          %swap3A_142 = arith.constant 112 : index
          %swap3A_143 = tpu.vector_load %arg12[%swap3A_141, %swap3A_142] {strides = array<i32>} : memref<128x128xf32, #tpu.memory_space<vmem>>, vector<16xf32>,
          tpu.vector_store %arg12[%swap3A_141, %swap3A_142], %mul3A_140 {strides = array<i32>} : memref<128x128xf32, #tpu.memory_space<vmem>>, vector<16xf32>,
          %scan3A_144 = arith.constant 0 : i32
          scf.yield %scan3A_144 : i32
        }
        %scan3A_68 = arith.constant 128 : i32
        "tpu.region"() ({
          %run_scoped3A = tpu.sem_alloc : memref<!tpu.dma_semaphore, #tpu.memory_space<semaphore_mem>>
          %dma_start3A = arith.constant 0 : i32
          %dma_start3A_70 = tpu.memref_slice %arg9[%add3A_61, %dma_start3A] : memref<10240x128xf32, #tpu.memory_space<hbm>> -> memref<128x128xf32, #tpu.memory_space<hbm>>
          %dma_start3A_71 = arith.constant 0 : i32
          %dma_start3A_72 = tpu.memref_slice %arg9[%add3A_61, %dma_start3A_71] : memref<10240x128xf32, #tpu.memory_space<hbm>> -> memref<128x128xf32, #tpu.memory_space<hbm>>
          tpu.enqueue_dma source(%arg12 : memref<128x128xf32, #tpu.memory_space<vmem>>) target(%dma_start3A_72 : memref<128x128xf32, #tpu.memory_space<hbm>>) target_semaphore(%run_scoped3A : memref<!tpu.dma_semaphore, #tpu.memory_space<semaphore_mem>>)
          %dma_wait3A = arith.constant 0 : i32
          %dma_wait3A_73 = tpu.memref_slice %arg9[%add3A_61, %dma_wait3A] : memref<10240x128xf32, #tpu.memory_space<hbm>> -> memref<128x128xf32, #tpu.memory_space<hbm>>
          %dma_wait3A_74 = arith.constant 0 : i32
          %dma_wait3A_75 = tpu.memref_slice %arg9[%add3A_61, %dma_wait3A_74] : memref<10240x128xf32, #tpu.memory_space<hbm>> -> memref<128x128xf32, #tpu.memory_space<hbm>>
          tpu.wait_dma2 semaphore(%run_scoped3A : memref<!tpu.dma_semaphore, #tpu.memory_space<semaphore_mem>>) src(%arg12 : memref<128x128xf32, #tpu.memory_space<vmem>>) dst(%dma_wait3A_75 : memref<128x128xf32, #tpu.memory_space<hbm>>)
          tpu.yield
        }) : () -> ()
        %scan3A_69 = arith.constant 0 : i32
        scf.yield %scan3A_69 : i32
      }
      %scan3A_54 = arith.constant 5 : i32
    } else {
    }
    return
  }
}

module attributes {stable_mosaic.version = 14 : i64} {
  func.func @_ef_kernel(%arg0: i32, %arg1: memref<512x16xf32, #tpu.memory_space<vmem>>, %arg2: memref<2x512x32xf32, #tpu.memory_space<vmem>>, %arg3: memref<16x256xf32, #tpu.memory_space<vmem>>, %arg4: memref<512x256xf32, #tpu.memory_space<vmem>>) attributes {dimension_semantics = [#tpu.dimension_semantics<arbitrary>], iteration_bounds = array<i64: 656>, scalar_prefetch = 0 : i64, scratch_operands = 0 : i64, tpu.core_type = #tpu.core_type<tc>, window_params = [{transform_indices = @transform_0, window_bounds = array<i64: 512, 16>}, {transform_indices = @transform_1, window_bounds = array<i64: 2, 512, 32>}, {pipeline_mode = #tpu.pipeline_mode<synchronous>, transform_indices = @transform_2, window_bounds = array<i64: 16, 256>}, {transform_indices = @transform_3, window_bounds = array<i64: 512, 256>}]} {
    %lt3A = arith.constant 625 : i32
    %lt3A_0 = arith.cmpi slt, %arg0, %lt3A : i32
    %convert_element_type3A = arith.extui %lt3A_0 : i1 to i32
    %cond3A = arith.constant 0 : i32
    %cond3A_1 = arith.cmpi ne, %convert_element_type3A, %cond3A : i32
    scf.if %cond3A_1 {
      %get3A = arith.constant 0 : index
      %get3A_6 = arith.constant 0 : index
      %get3A_7 = vector.load %arg1[%get3A, %get3A_6] : memref<512x16xf32, #tpu.memory_space<vmem>>, vector<512x16xf32>
      %get3A_8 = arith.constant 0 : index
      %get3A_9 = arith.constant 0 : index
      %get3A_10 = vector.load %arg3[%get3A_8, %get3A_9] : memref<16x256xf32, #tpu.memory_space<vmem>>, vector<16x256xf32>
      %dot_general3A = arith.constant dense<0.000000e+00> : vector<512x256xf32>
      %dot_general3A_11 = tpu.matmul %get3A_7, %get3A_10, %dot_general3A {dimension_numbers = #tpu.dot_dimension_numbers<[1], [0], [0], [1], [0, 0, 1, 1], [], []>, precision = #tpu.contract_precision<fp32>, transpose_lhs_hint = false} : vector<512x16xf32>, vector<16x256xf32>, vector<512x256xf32> -> vector<512x256xf32>
      %swap3A = arith.constant 0 : index
      %swap3A_12 = arith.constant 0 : index
      %swap3A_13 = vector.load %arg4[%swap3A, %swap3A_12] : memref<512x256xf32, #tpu.memory_space<vmem>>, vector<512x256xf32>
      tpu.vector_store %arg4[%swap3A, %swap3A_12], %dot_general3A_11 {strides = array<i32>} : memref<512x256xf32, #tpu.memory_space<vmem>>, vector<512x256xf32>,
    } else {
    }
    %ge3A = arith.constant 625 : i32
    %ge3A_2 = arith.cmpi sge, %arg0, %ge3A : i32
    %convert_element_type3A_3 = arith.extui %ge3A_2 : i1 to i32
    %cond3A_4 = arith.constant 0 : i32
    %cond3A_5 = arith.cmpi ne, %convert_element_type3A_3, %cond3A_4 : i32
    scf.if %cond3A_5 {
      %get3A = arith.constant 0 : index
      %get3A_6 = arith.constant 0 : index
      %get3A_7 = arith.constant 0 : index
      %get3A_8 = vector.load %arg2[%get3A, %get3A_6, %get3A_7] : memref<2x512x32xf32, #tpu.memory_space<vmem>>, vector<1x512x32xf32>
      %get3A_9 = vector.shape_cast %get3A_8 : vector<1x512x32xf32> to vector<512x32xf32>
      %get3A_10 = arith.constant 1 : index
      %get3A_11 = arith.constant 0 : index
      %get3A_12 = arith.constant 0 : index
      %get3A_13 = vector.load %arg2[%get3A_10, %get3A_11, %get3A_12] : memref<2x512x32xf32, #tpu.memory_space<vmem>>, vector<1x512x32xf32>
      %get3A_14 = vector.shape_cast %get3A_13 : vector<1x512x32xf32> to vector<512x32xf32>
      %add3A = arith.addf %get3A_9, %get3A_14 : vector<512x32xf32>
      %slice3A = vector.extract_strided_slice %add3A {offsets = [0, 16], sizes = [512, 1], strides = [1, 1]} : vector<512x32xf32> to vector<512x1xf32>
      %jit3A = arith.constant 1.000000e+00 : f32
      %max3A = vector.broadcast %jit3A : f32 to vector<512x1xf32>
      %max3A_15 = arith.maximumf %max3A, %slice3A : vector<512x1xf32>
      %slice3A_16 = vector.extract_strided_slice %add3A {offsets = [0, 0], sizes = [512, 16], strides = [1, 1]} : vector<512x32xf32> to vector<512x16xf32>
      %div3A = vector.broadcast %max3A_15 : vector<512x1xf32> to vector<512x16xf32>
      %div3A_17 = arith.divf %slice3A_16, %div3A : vector<512x16xf32>
      %get3A_18 = arith.constant 0 : index
      %get3A_19 = arith.constant 0 : index
      %get3A_20 = vector.load %arg3[%get3A_18, %get3A_19] : memref<16x256xf32, #tpu.memory_space<vmem>>, vector<16x256xf32>
      %dot_general3A = arith.constant dense<0.000000e+00> : vector<512x256xf32>
      %dot_general3A_21 = tpu.matmul %div3A_17, %get3A_20, %dot_general3A {dimension_numbers = #tpu.dot_dimension_numbers<[1], [0], [0], [1], [0, 0, 1, 1], [], []>, precision = #tpu.contract_precision<fp32>, transpose_lhs_hint = false} : vector<512x16xf32>, vector<16x256xf32>, vector<512x256xf32> -> vector<512x256xf32>
      %swap3A = arith.constant 0 : index
      %swap3A_22 = arith.constant 0 : index
      %swap3A_23 = vector.load %arg4[%swap3A, %swap3A_22] : memref<512x256xf32, #tpu.memory_space<vmem>>, vector<512x256xf32>
      tpu.vector_store %arg4[%swap3A, %swap3A_22], %dot_general3A_21 {strides = array<i32>} : memref<512x256xf32, #tpu.memory_space<vmem>>, vector<512x256xf32>,
    } else {
    }
    return
  }
  func.func @transform_0(%arg0: i32) -> (i32, i32) {
    %min3A = arith.constant 624 : i32
    %min3A_0 = arith.minsi %arg0, %min3A : i32
    %c0_i32 = arith.constant 0 : i32
    %c0_i32_1 = arith.constant 0 : i32
    return %min3A_0, %c0_i32 : i32, i32
  }
  func.func @transform_1(%arg0: i32) -> (i32, i32, i32) {
    %sub3A = arith.constant 625 : i32
    %sub3A_0 = arith.subi %arg0, %sub3A : i32
    %jit3A = arith.constant 0 : i32
    %jit3A_1 = arith.constant 19 : i32
    %max3A = arith.maxsi %jit3A, %sub3A_0 : i32
    %min3A = arith.minsi %jit3A_1, %max3A : i32
    %c0_i32 = arith.constant 0 : i32
    %c0_i32_2 = arith.constant 0 : i32
    %c0_i32_3 = arith.constant 0 : i32
    return %c0_i32, %min3A, %c0_i32_2 : i32, i32, i32
  }
  func.func @transform_2(%arg0: i32) -> (i32, i32) {
    %c0_i32 = arith.constant 0 : i32
    %c0_i32_0 = arith.constant 0 : i32
    %c0_i32_1 = arith.constant 0 : i32
    return %c0_i32, %c0_i32_0 : i32, i32
  }
  func.func @transform_3(%arg0: i32) -> (i32, i32) {
    %c0_i32 = arith.constant 0 : i32
    %c0_i32_0 = arith.constant 0 : i32
    return %arg0, %c0_i32 : i32, i32
  }
}

module attributes {stable_mosaic.version = 14 : i64} {
  func.func @_proj_kernel(%arg0: i32, %arg1: memref<1280x128xf32, #tpu.memory_space<vmem>>, %arg2: memref<128x256xf32, #tpu.memory_space<vmem>>, %arg3: memref<1x256xf32, #tpu.memory_space<vmem>>, %arg4: memref<128x256xf32, #tpu.memory_space<vmem>>, %arg5: memref<1x256xf32, #tpu.memory_space<vmem>>, %arg6: memref<1280x128xf32, #tpu.memory_space<vmem>>, %arg7: memref<1280x128xf32, #tpu.memory_space<vmem>>, %arg8: memref<1280x256xf32, #tpu.memory_space<vmem>>) attributes {dimension_semantics = [#tpu.dimension_semantics<arbitrary>], iteration_bounds = array<i64: 8>, scalar_prefetch = 0 : i64, scratch_operands = 0 : i64, tpu.core_type = #tpu.core_type<tc>, window_params = [{transform_indices = @transform_0, window_bounds = array<i64: 1280, 128>}, {pipeline_mode = #tpu.pipeline_mode<synchronous>, transform_indices = @transform_1, window_bounds = array<i64: 128, 256>}, {pipeline_mode = #tpu.pipeline_mode<synchronous>, transform_indices = @transform_2, window_bounds = array<i64: 1, 256>}, {pipeline_mode = #tpu.pipeline_mode<synchronous>, transform_indices = @transform_3, window_bounds = array<i64: 128, 256>}, {pipeline_mode = #tpu.pipeline_mode<synchronous>, transform_indices = @transform_4, window_bounds = array<i64: 1, 256>}, {transform_indices = @transform_5, window_bounds = array<i64: 1280, 128>}, {transform_indices = @transform_6, window_bounds = array<i64: 1280, 128>}, {transform_indices = @transform_7, window_bounds = array<i64: 1280, 256>}]} {
    %get3A = arith.constant 0 : index
    %get3A_0 = arith.constant 0 : index
    %get3A_1 = vector.load %arg1[%get3A, %get3A_0] : memref<1280x128xf32, #tpu.memory_space<vmem>>, vector<1280x128xf32>
    %get3A_2 = arith.constant 0 : index
    %get3A_3 = arith.constant 0 : index
    %get3A_4 = vector.load %arg2[%get3A_2, %get3A_3] : memref<128x256xf32, #tpu.memory_space<vmem>>, vector<128x256xf32>
    %dot_general3A = arith.constant dense<0.000000e+00> : vector<1280x256xf32>
    %dot_general3A_5 = tpu.matmul %get3A_1, %get3A_4, %dot_general3A {dimension_numbers = #tpu.dot_dimension_numbers<[1], [0], [0], [1], [0, 0, 1, 1], [], []>, precision = #tpu.contract_precision<fp32>, transpose_lhs_hint = false} : vector<1280x128xf32>, vector<128x256xf32>, vector<1280x256xf32> -> vector<1280x256xf32>
    %get3A_6 = arith.constant 0 : index
    %get3A_7 = arith.constant 0 : index
    %get3A_8 = vector.load %arg3[%get3A_6, %get3A_7] : memref<1x256xf32, #tpu.memory_space<vmem>>, vector<1x256xf32>
    %add3A = vector.broadcast %get3A_8 : vector<1x256xf32> to vector<1280x256xf32>
    %add3A_9 = arith.addf %dot_general3A_5, %add3A : vector<1280x256xf32>
    %slice3A = vector.extract_strided_slice %add3A_9 {offsets = [0, 0], sizes = [1280, 128], strides = [1, 1]} : vector<1280x256xf32> to vector<1280x128xf32>
    %swap3A = arith.constant 0 : index
    %swap3A_10 = arith.constant 0 : index
    %swap3A_11 = vector.load %arg6[%swap3A, %swap3A_10] : memref<1280x128xf32, #tpu.memory_space<vmem>>, vector<1280x128xf32>
    tpu.vector_store %arg6[%swap3A, %swap3A_10], %slice3A {strides = array<i32>} : memref<1280x128xf32, #tpu.memory_space<vmem>>, vector<1280x128xf32>,
    %slice3A_12 = vector.extract_strided_slice %add3A_9 {offsets = [0, 128], sizes = [1280, 128], strides = [1, 1]} : vector<1280x256xf32> to vector<1280x128xf32>
    %swap3A_13 = arith.constant 0 : index
    %swap3A_14 = arith.constant 0 : index
    %swap3A_15 = vector.load %arg7[%swap3A_13, %swap3A_14] : memref<1280x128xf32, #tpu.memory_space<vmem>>, vector<1280x128xf32>
    tpu.vector_store %arg7[%swap3A_13, %swap3A_14], %slice3A_12 {strides = array<i32>} : memref<1280x128xf32, #tpu.memory_space<vmem>>, vector<1280x128xf32>,
    %get3A_16 = arith.constant 0 : index
    %get3A_17 = arith.constant 0 : index
    %get3A_18 = vector.load %arg1[%get3A_16, %get3A_17] : memref<1280x128xf32, #tpu.memory_space<vmem>>, vector<1280x128xf32>
    %get3A_19 = arith.constant 0 : index
    %get3A_20 = arith.constant 0 : index
    %get3A_21 = vector.load %arg4[%get3A_19, %get3A_20] : memref<128x256xf32, #tpu.memory_space<vmem>>, vector<128x256xf32>
    %dot_general3A_22 = arith.constant dense<0.000000e+00> : vector<1280x256xf32>
    %dot_general3A_23 = tpu.matmul %get3A_18, %get3A_21, %dot_general3A_22 {dimension_numbers = #tpu.dot_dimension_numbers<[1], [0], [0], [1], [0, 0, 1, 1], [], []>, precision = #tpu.contract_precision<fp32>, transpose_lhs_hint = false} : vector<1280x128xf32>, vector<128x256xf32>, vector<1280x256xf32> -> vector<1280x256xf32>
    %get3A_24 = arith.constant 0 : index
    %get3A_25 = arith.constant 0 : index
    %get3A_26 = vector.load %arg5[%get3A_24, %get3A_25] : memref<1x256xf32, #tpu.memory_space<vmem>>, vector<1x256xf32>
    %add3A_27 = vector.broadcast %get3A_26 : vector<1x256xf32> to vector<1280x256xf32>
    %add3A_28 = arith.addf %dot_general3A_23, %add3A_27 : vector<1280x256xf32>
    %swap3A_29 = arith.constant 0 : index
    %swap3A_30 = arith.constant 0 : index
    %swap3A_31 = vector.load %arg8[%swap3A_29, %swap3A_30] : memref<1280x256xf32, #tpu.memory_space<vmem>>, vector<1280x256xf32>
    tpu.vector_store %arg8[%swap3A_29, %swap3A_30], %add3A_28 {strides = array<i32>} : memref<1280x256xf32, #tpu.memory_space<vmem>>, vector<1280x256xf32>,
    return
  }
  func.func @transform_0(%arg0: i32) -> (i32, i32) {
    %c0_i32 = arith.constant 0 : i32
    %c0_i32_0 = arith.constant 0 : i32
    return %arg0, %c0_i32 : i32, i32
  }
  func.func @transform_1(%arg0: i32) -> (i32, i32) {
    %c0_i32 = arith.constant 0 : i32
    %c0_i32_0 = arith.constant 0 : i32
    %c0_i32_1 = arith.constant 0 : i32
    return %c0_i32, %c0_i32_0 : i32, i32
  }
  func.func @transform_2(%arg0: i32) -> (i32, i32) {
    %c0_i32 = arith.constant 0 : i32
    %c0_i32_0 = arith.constant 0 : i32
    %c0_i32_1 = arith.constant 0 : i32
    return %c0_i32, %c0_i32_0 : i32, i32
  }
  func.func @transform_3(%arg0: i32) -> (i32, i32) {
    %c0_i32 = arith.constant 0 : i32
    %c0_i32_0 = arith.constant 0 : i32
    %c0_i32_1 = arith.constant 0 : i32
    return %c0_i32, %c0_i32_0 : i32, i32
  }
  func.func @transform_4(%arg0: i32) -> (i32, i32) {
    %c0_i32 = arith.constant 0 : i32
    %c0_i32_0 = arith.constant 0 : i32
    %c0_i32_1 = arith.constant 0 : i32
    return %c0_i32, %c0_i32_0 : i32, i32
  }
  func.func @transform_5(%arg0: i32) -> (i32, i32) {
    %c0_i32 = arith.constant 0 : i32
    %c0_i32_0 = arith.constant 0 : i32
    return %arg0, %c0_i32 : i32, i32
  }
  func.func @transform_6(%arg0: i32) -> (i32, i32) {
    %c0_i32 = arith.constant 0 : i32
    %c0_i32_0 = arith.constant 0 : i32
    return %arg0, %c0_i32 : i32, i32
  }
  func.func @transform_7(%arg0: i32) -> (i32, i32) {
    %c0_i32 = arith.constant 0 : i32
    %c0_i32_0 = arith.constant 0 : i32
    return %arg0, %c0_i32 : i32, i32
  }
}

module attributes {stable_mosaic.version = 14 : i64} {
  func.func @_gn_kernel(%arg0: memref<10240x128xf32, #tpu.memory_space<vmem>>, %arg1: memref<10240x128xf32, #tpu.memory_space<vmem>>, %arg2: memref<1x256xf32, #tpu.memory_space<vmem>>, %arg3: memref<1x256xf32, #tpu.memory_space<vmem>>, %arg4: memref<1x256xf32, #tpu.memory_space<vmem>>, %arg5: memref<1x256xf32, #tpu.memory_space<vmem>>, %arg6: memref<10240x256xf32, #tpu.memory_space<vmem>>) attributes {dimension_semantics = [], scalar_prefetch = 0 : i64, scratch_operands = 0 : i64, tpu.core_type = #tpu.core_type<tc>} {
    %get3A = arith.constant 0 : index
    %get3A_0 = arith.constant 0 : index
    %get3A_1 = vector.load %arg0[%get3A, %get3A_0] : memref<10240x128xf32, #tpu.memory_space<vmem>>, vector<10240x128xf32>
    %get3A_2 = arith.constant 0 : index
    %get3A_3 = arith.constant 0 : index
    %get3A_4 = vector.load %arg1[%get3A_2, %get3A_3] : memref<10240x128xf32, #tpu.memory_space<vmem>>, vector<10240x128xf32>
    %concatenate3A = tpu.concatenate %get3A_1, %get3A_4 in 1 : vector<10240x128xf32>, vector<10240x128xf32> -> vector<10240x256xf32>
    %get3A_5 = arith.constant 0 : index
    %get3A_6 = arith.constant 0 : index
    %get3A_7 = vector.load %arg2[%get3A_5, %get3A_6] : memref<1x256xf32, #tpu.memory_space<vmem>>, vector<1x256xf32>
    %add3A = vector.broadcast %get3A_7 : vector<1x256xf32> to vector<10240x256xf32>
    %add3A_8 = arith.addf %concatenate3A, %add3A : vector<10240x256xf32>
    %iota3A = tpu.iota {dimensions = array<i32: 0>} : vector<10240x1xi32>
    %lt3A = arith.constant 10000 : i32
    %lt3A_9 = vector.broadcast %lt3A : i32 to vector<10240x1xi32>
    %lt3A_10 = arith.cmpi slt, %iota3A, %lt3A_9 : vector<10240x1xi32>
    %jit3A = arith.constant 0.000000e+00 : f32
    %broadcast_in_dim3A = vector.shape_cast %lt3A_10 : vector<10240x1xi1> to vector<10240x1xi1>
    %broadcast_in_dim3A_11 = vector.broadcast %broadcast_in_dim3A : vector<10240x1xi1> to vector<10240x256xi1>
    %broadcast_in_dim3A_12 = vector.broadcast %jit3A : f32 to vector<10240x256xf32>
    %select_n3A = arith.select %broadcast_in_dim3A_11, %add3A_8, %broadcast_in_dim3A_12 : vector<10240x256xi1>, vector<10240x256xf32>
    %reduce_sum3A = arith.constant dense<0.000000e+00> : vector<256xf32>
    %reduce_sum3A_13 = vector.multi_reduction <add>, %select_n3A, %reduce_sum3A [0] : vector<10240x256xf32> to vector<256xf32>
    %broadcast_in_dim3A_14 = vector.shape_cast %reduce_sum3A_13 : vector<256xf32> to vector<1x256xf32>
    %div3A = arith.constant 1.000000e+04 : f32
    %div3A_15 = vector.broadcast %div3A : f32 to vector<1x256xf32>
    %div3A_16 = arith.divf %broadcast_in_dim3A_14, %div3A_15 : vector<1x256xf32>
    %get3A_17 = arith.constant 0 : index
    %get3A_18 = arith.constant 0 : index
    %get3A_19 = vector.load %arg3[%get3A_17, %get3A_18] : memref<1x256xf32, #tpu.memory_space<vmem>>, vector<1x256xf32>
    %mul3A = arith.mulf %get3A_19, %div3A_16 : vector<1x256xf32>
    %sub3A = vector.broadcast %mul3A : vector<1x256xf32> to vector<10240x256xf32>
    %sub3A_20 = arith.subf %add3A_8, %sub3A : vector<10240x256xf32>
    %mul3A_21 = arith.mulf %sub3A_20, %sub3A_20 : vector<10240x256xf32>
    %jit3A_22 = arith.constant 0.000000e+00 : f32
    %broadcast_in_dim3A_23 = vector.shape_cast %lt3A_10 : vector<10240x1xi1> to vector<10240x1xi1>
    %broadcast_in_dim3A_24 = vector.broadcast %broadcast_in_dim3A_23 : vector<10240x1xi1> to vector<10240x256xi1>
    %broadcast_in_dim3A_25 = vector.broadcast %jit3A_22 : f32 to vector<10240x256xf32>
    %select_n3A_26 = arith.select %broadcast_in_dim3A_24, %mul3A_21, %broadcast_in_dim3A_25 : vector<10240x256xi1>, vector<10240x256xf32>
    %reduce_sum3A_27 = arith.constant dense<0.000000e+00> : vector<256xf32>
    %reduce_sum3A_28 = vector.multi_reduction <add>, %select_n3A_26, %reduce_sum3A_27 [0] : vector<10240x256xf32> to vector<256xf32>
    %broadcast_in_dim3A_29 = vector.shape_cast %reduce_sum3A_28 : vector<256xf32> to vector<1x256xf32>
    %div3A_30 = arith.constant 1.000000e+04 : f32
    %div3A_31 = vector.broadcast %div3A_30 : f32 to vector<1x256xf32>
    %div3A_32 = arith.divf %broadcast_in_dim3A_29, %div3A_31 : vector<1x256xf32>
    %get3A_33 = arith.constant 0 : index
    %get3A_34 = arith.constant 0 : index
    %get3A_35 = vector.load %arg4[%get3A_33, %get3A_34] : memref<1x256xf32, #tpu.memory_space<vmem>>, vector<1x256xf32>
    %add3A_36 = arith.constant 9.99999974E-6 : f32
    %add3A_37 = vector.broadcast %add3A_36 : f32 to vector<1x256xf32>
    %add3A_38 = arith.addf %div3A_32, %add3A_37 : vector<1x256xf32>
    %sqrt3A = math.sqrt %add3A_38 : vector<1x256xf32>
    %div3A_39 = arith.divf %get3A_35, %sqrt3A : vector<1x256xf32>
    %mul3A_40 = vector.broadcast %div3A_39 : vector<1x256xf32> to vector<10240x256xf32>
    %mul3A_41 = arith.mulf %sub3A_20, %mul3A_40 : vector<10240x256xf32>
    %get3A_42 = arith.constant 0 : index
    %get3A_43 = arith.constant 0 : index
    %get3A_44 = vector.load %arg5[%get3A_42, %get3A_43] : memref<1x256xf32, #tpu.memory_space<vmem>>, vector<1x256xf32>
    %add3A_45 = vector.broadcast %get3A_44 : vector<1x256xf32> to vector<10240x256xf32>
    %add3A_46 = arith.addf %mul3A_41, %add3A_45 : vector<10240x256xf32>
    %max3A = arith.constant 0.000000e+00 : f32
    %max3A_47 = vector.broadcast %max3A : f32 to vector<10240x256xf32>
    %max3A_48 = arith.maximumf %add3A_46, %max3A_47 : vector<10240x256xf32>
    %swap3A = arith.constant 0 : index
    %swap3A_49 = arith.constant 0 : index
    %swap3A_50 = vector.load %arg6[%swap3A, %swap3A_49] : memref<10240x256xf32, #tpu.memory_space<vmem>>, vector<10240x256xf32>
    tpu.vector_store %arg6[%swap3A, %swap3A_49], %max3A_48 {strides = array<i32>} : memref<10240x256xf32, #tpu.memory_space<vmem>>, vector<10240x256xf32>,
    return
  }
}

module attributes {stable_mosaic.version = 14 : i64} {
  func.func @_proj_kernel(%arg0: i32, %arg1: memref<1280x256xf32, #tpu.memory_space<vmem>>, %arg2: memref<256x256xf32, #tpu.memory_space<vmem>>, %arg3: memref<1x256xf32, #tpu.memory_space<vmem>>, %arg4: memref<256x256xf32, #tpu.memory_space<vmem>>, %arg5: memref<1x256xf32, #tpu.memory_space<vmem>>, %arg6: memref<1280x128xf32, #tpu.memory_space<vmem>>, %arg7: memref<1280x128xf32, #tpu.memory_space<vmem>>, %arg8: memref<1280x256xf32, #tpu.memory_space<vmem>>) attributes {dimension_semantics = [#tpu.dimension_semantics<arbitrary>], iteration_bounds = array<i64: 8>, scalar_prefetch = 0 : i64, scratch_operands = 0 : i64, tpu.core_type = #tpu.core_type<tc>, window_params = [{transform_indices = @transform_0, window_bounds = array<i64: 1280, 256>}, {pipeline_mode = #tpu.pipeline_mode<synchronous>, transform_indices = @transform_1, window_bounds = array<i64: 256, 256>}, {pipeline_mode = #tpu.pipeline_mode<synchronous>, transform_indices = @transform_2, window_bounds = array<i64: 1, 256>}, {pipeline_mode = #tpu.pipeline_mode<synchronous>, transform_indices = @transform_3, window_bounds = array<i64: 256, 256>}, {pipeline_mode = #tpu.pipeline_mode<synchronous>, transform_indices = @transform_4, window_bounds = array<i64: 1, 256>}, {transform_indices = @transform_5, window_bounds = array<i64: 1280, 128>}, {transform_indices = @transform_6, window_bounds = array<i64: 1280, 128>}, {transform_indices = @transform_7, window_bounds = array<i64: 1280, 256>}]} {
    %get3A = arith.constant 0 : index
    %get3A_0 = arith.constant 0 : index
    %get3A_1 = vector.load %arg1[%get3A, %get3A_0] : memref<1280x256xf32, #tpu.memory_space<vmem>>, vector<1280x256xf32>
    %get3A_2 = arith.constant 0 : index
    %get3A_3 = arith.constant 0 : index
    %get3A_4 = vector.load %arg2[%get3A_2, %get3A_3] : memref<256x256xf32, #tpu.memory_space<vmem>>, vector<256x256xf32>
    %dot_general3A = arith.constant dense<0.000000e+00> : vector<1280x256xf32>
    %dot_general3A_5 = tpu.matmul %get3A_1, %get3A_4, %dot_general3A {dimension_numbers = #tpu.dot_dimension_numbers<[1], [0], [0], [1], [0, 0, 1, 1], [], []>, precision = #tpu.contract_precision<fp32>, transpose_lhs_hint = false} : vector<1280x256xf32>, vector<256x256xf32>, vector<1280x256xf32> -> vector<1280x256xf32>
    %get3A_6 = arith.constant 0 : index
    %get3A_7 = arith.constant 0 : index
    %get3A_8 = vector.load %arg3[%get3A_6, %get3A_7] : memref<1x256xf32, #tpu.memory_space<vmem>>, vector<1x256xf32>
    %add3A = vector.broadcast %get3A_8 : vector<1x256xf32> to vector<1280x256xf32>
    %add3A_9 = arith.addf %dot_general3A_5, %add3A : vector<1280x256xf32>
    %slice3A = vector.extract_strided_slice %add3A_9 {offsets = [0, 0], sizes = [1280, 128], strides = [1, 1]} : vector<1280x256xf32> to vector<1280x128xf32>
    %swap3A = arith.constant 0 : index
    %swap3A_10 = arith.constant 0 : index
    %swap3A_11 = vector.load %arg6[%swap3A, %swap3A_10] : memref<1280x128xf32, #tpu.memory_space<vmem>>, vector<1280x128xf32>
    tpu.vector_store %arg6[%swap3A, %swap3A_10], %slice3A {strides = array<i32>} : memref<1280x128xf32, #tpu.memory_space<vmem>>, vector<1280x128xf32>,
    %slice3A_12 = vector.extract_strided_slice %add3A_9 {offsets = [0, 128], sizes = [1280, 128], strides = [1, 1]} : vector<1280x256xf32> to vector<1280x128xf32>
    %swap3A_13 = arith.constant 0 : index
    %swap3A_14 = arith.constant 0 : index
    %swap3A_15 = vector.load %arg7[%swap3A_13, %swap3A_14] : memref<1280x128xf32, #tpu.memory_space<vmem>>, vector<1280x128xf32>
    tpu.vector_store %arg7[%swap3A_13, %swap3A_14], %slice3A_12 {strides = array<i32>} : memref<1280x128xf32, #tpu.memory_space<vmem>>, vector<1280x128xf32>,
    %get3A_16 = arith.constant 0 : index
    %get3A_17 = arith.constant 0 : index
    %get3A_18 = vector.load %arg1[%get3A_16, %get3A_17] : memref<1280x256xf32, #tpu.memory_space<vmem>>, vector<1280x256xf32>
    %get3A_19 = arith.constant 0 : index
    %get3A_20 = arith.constant 0 : index
    %get3A_21 = vector.load %arg4[%get3A_19, %get3A_20] : memref<256x256xf32, #tpu.memory_space<vmem>>, vector<256x256xf32>
    %dot_general3A_22 = arith.constant dense<0.000000e+00> : vector<1280x256xf32>
    %dot_general3A_23 = tpu.matmul %get3A_18, %get3A_21, %dot_general3A_22 {dimension_numbers = #tpu.dot_dimension_numbers<[1], [0], [0], [1], [0, 0, 1, 1], [], []>, precision = #tpu.contract_precision<fp32>, transpose_lhs_hint = false} : vector<1280x256xf32>, vector<256x256xf32>, vector<1280x256xf32> -> vector<1280x256xf32>
    %get3A_24 = arith.constant 0 : index
    %get3A_25 = arith.constant 0 : index
    %get3A_26 = vector.load %arg5[%get3A_24, %get3A_25] : memref<1x256xf32, #tpu.memory_space<vmem>>, vector<1x256xf32>
    %add3A_27 = vector.broadcast %get3A_26 : vector<1x256xf32> to vector<1280x256xf32>
    %add3A_28 = arith.addf %dot_general3A_23, %add3A_27 : vector<1280x256xf32>
    %swap3A_29 = arith.constant 0 : index
    %swap3A_30 = arith.constant 0 : index
    %swap3A_31 = vector.load %arg8[%swap3A_29, %swap3A_30] : memref<1280x256xf32, #tpu.memory_space<vmem>>, vector<1280x256xf32>
    tpu.vector_store %arg8[%swap3A_29, %swap3A_30], %add3A_28 {strides = array<i32>} : memref<1280x256xf32, #tpu.memory_space<vmem>>, vector<1280x256xf32>,
    return
  }
  func.func @transform_0(%arg0: i32) -> (i32, i32) {
    %c0_i32 = arith.constant 0 : i32
    %c0_i32_0 = arith.constant 0 : i32
    return %arg0, %c0_i32 : i32, i32
  }
  func.func @transform_1(%arg0: i32) -> (i32, i32) {
    %c0_i32 = arith.constant 0 : i32
    %c0_i32_0 = arith.constant 0 : i32
    %c0_i32_1 = arith.constant 0 : i32
    return %c0_i32, %c0_i32_0 : i32, i32
  }
  func.func @transform_2(%arg0: i32) -> (i32, i32) {
    %c0_i32 = arith.constant 0 : i32
    %c0_i32_0 = arith.constant 0 : i32
    %c0_i32_1 = arith.constant 0 : i32
    return %c0_i32, %c0_i32_0 : i32, i32
  }
  func.func @transform_3(%arg0: i32) -> (i32, i32) {
    %c0_i32 = arith.constant 0 : i32
    %c0_i32_0 = arith.constant 0 : i32
    %c0_i32_1 = arith.constant 0 : i32
    return %c0_i32, %c0_i32_0 : i32, i32
  }
  func.func @transform_4(%arg0: i32) -> (i32, i32) {
    %c0_i32 = arith.constant 0 : i32
    %c0_i32_0 = arith.constant 0 : i32
    %c0_i32_1 = arith.constant 0 : i32
    return %c0_i32, %c0_i32_0 : i32, i32
  }
  func.func @transform_5(%arg0: i32) -> (i32, i32) {
    %c0_i32 = arith.constant 0 : i32
    %c0_i32_0 = arith.constant 0 : i32
    return %arg0, %c0_i32 : i32, i32
  }
  func.func @transform_6(%arg0: i32) -> (i32, i32) {
    %c0_i32 = arith.constant 0 : i32
    %c0_i32_0 = arith.constant 0 : i32
    return %arg0, %c0_i32 : i32, i32
  }
  func.func @transform_7(%arg0: i32) -> (i32, i32) {
    %c0_i32 = arith.constant 0 : i32
    %c0_i32_0 = arith.constant 0 : i32
    return %arg0, %c0_i32 : i32, i32
  }
}

module attributes {stable_mosaic.version = 14 : i64} {
  func.func @_mlp_kernel(%arg0: i32, %arg1: memref<1280x256xf32, #tpu.memory_space<vmem>>, %arg2: memref<256x128xf32, #tpu.memory_space<vmem>>, %arg3: memref<1x128xf32, #tpu.memory_space<vmem>>, %arg4: memref<128x128xf32, #tpu.memory_space<vmem>>, %arg5: memref<1x128xf32, #tpu.memory_space<vmem>>, %arg6: memref<128x128xf32, #tpu.memory_space<vmem>>, %arg7: memref<1x128xf32, #tpu.memory_space<vmem>>, %arg8: memref<1280x128xf32, #tpu.memory_space<vmem>>) attributes {dimension_semantics = [#tpu.dimension_semantics<arbitrary>], iteration_bounds = array<i64: 8>, scalar_prefetch = 0 : i64, scratch_operands = 0 : i64, tpu.core_type = #tpu.core_type<tc>, window_params = [{transform_indices = @transform_0, window_bounds = array<i64: 1280, 256>}, {pipeline_mode = #tpu.pipeline_mode<synchronous>, transform_indices = @transform_1, window_bounds = array<i64: 256, 128>}, {pipeline_mode = #tpu.pipeline_mode<synchronous>, transform_indices = @transform_2, window_bounds = array<i64: 1, 128>}, {pipeline_mode = #tpu.pipeline_mode<synchronous>, transform_indices = @transform_3, window_bounds = array<i64: 128, 128>}, {pipeline_mode = #tpu.pipeline_mode<synchronous>, transform_indices = @transform_4, window_bounds = array<i64: 1, 128>}, {pipeline_mode = #tpu.pipeline_mode<synchronous>, transform_indices = @transform_5, window_bounds = array<i64: 128, 128>}, {pipeline_mode = #tpu.pipeline_mode<synchronous>, transform_indices = @transform_6, window_bounds = array<i64: 1, 128>}, {transform_indices = @transform_7, window_bounds = array<i64: 1280, 128>}]} {
    %get3A = arith.constant 0 : index
    %get3A_0 = arith.constant 0 : index
    %get3A_1 = vector.load %arg1[%get3A, %get3A_0] : memref<1280x256xf32, #tpu.memory_space<vmem>>, vector<1280x256xf32>
    %get3A_2 = arith.constant 0 : index
    %get3A_3 = arith.constant 0 : index
    %get3A_4 = vector.load %arg2[%get3A_2, %get3A_3] : memref<256x128xf32, #tpu.memory_space<vmem>>, vector<256x128xf32>
    %dot_general3A = arith.constant dense<0.000000e+00> : vector<1280x128xf32>
    %dot_general3A_5 = tpu.matmul %get3A_1, %get3A_4, %dot_general3A {dimension_numbers = #tpu.dot_dimension_numbers<[1], [0], [0], [1], [0, 0, 1, 1], [], []>, precision = #tpu.contract_precision<fp32>, transpose_lhs_hint = false} : vector<1280x256xf32>, vector<256x128xf32>, vector<1280x128xf32> -> vector<1280x128xf32>
    %get3A_6 = arith.constant 0 : index
    %get3A_7 = arith.constant 0 : index
    %get3A_8 = vector.load %arg3[%get3A_6, %get3A_7] : memref<1x128xf32, #tpu.memory_space<vmem>>, vector<1x128xf32>
    %add3A = vector.broadcast %get3A_8 : vector<1x128xf32> to vector<1280x128xf32>
    %add3A_9 = arith.addf %dot_general3A_5, %add3A : vector<1280x128xf32>
    %max3A = arith.constant 0.000000e+00 : f32
    %max3A_10 = vector.broadcast %max3A : f32 to vector<1280x128xf32>
    %max3A_11 = arith.maximumf %add3A_9, %max3A_10 : vector<1280x128xf32>
    %get3A_12 = arith.constant 0 : index
    %get3A_13 = arith.constant 0 : index
    %get3A_14 = vector.load %arg4[%get3A_12, %get3A_13] : memref<128x128xf32, #tpu.memory_space<vmem>>, vector<128x128xf32>
    %dot_general3A_15 = arith.constant dense<0.000000e+00> : vector<1280x128xf32>
    %dot_general3A_16 = tpu.matmul %max3A_11, %get3A_14, %dot_general3A_15 {dimension_numbers = #tpu.dot_dimension_numbers<[1], [0], [0], [1], [0, 0, 1, 1], [], []>, precision = #tpu.contract_precision<fp32>, transpose_lhs_hint = false} : vector<1280x128xf32>, vector<128x128xf32>, vector<1280x128xf32> -> vector<1280x128xf32>
    %get3A_17 = arith.constant 0 : index
    %get3A_18 = arith.constant 0 : index
    %get3A_19 = vector.load %arg5[%get3A_17, %get3A_18] : memref<1x128xf32, #tpu.memory_space<vmem>>, vector<1x128xf32>
    %add3A_20 = vector.broadcast %get3A_19 : vector<1x128xf32> to vector<1280x128xf32>
    %add3A_21 = arith.addf %dot_general3A_16, %add3A_20 : vector<1280x128xf32>
    %max3A_22 = arith.constant 0.000000e+00 : f32
    %max3A_23 = vector.broadcast %max3A_22 : f32 to vector<1280x128xf32>
    %max3A_24 = arith.maximumf %add3A_21, %max3A_23 : vector<1280x128xf32>
    %get3A_25 = arith.constant 0 : index
    %get3A_26 = arith.constant 0 : index
    %get3A_27 = vector.load %arg6[%get3A_25, %get3A_26] : memref<128x128xf32, #tpu.memory_space<vmem>>, vector<128x128xf32>
    %dot_general3A_28 = arith.constant dense<0.000000e+00> : vector<1280x128xf32>
    %dot_general3A_29 = tpu.matmul %max3A_24, %get3A_27, %dot_general3A_28 {dimension_numbers = #tpu.dot_dimension_numbers<[1], [0], [0], [1], [0, 0, 1, 1], [], []>, precision = #tpu.contract_precision<fp32>, transpose_lhs_hint = false} : vector<1280x128xf32>, vector<128x128xf32>, vector<1280x128xf32> -> vector<1280x128xf32>
    %get3A_30 = arith.constant 0 : index
    %get3A_31 = arith.constant 0 : index
    %get3A_32 = vector.load %arg7[%get3A_30, %get3A_31] : memref<1x128xf32, #tpu.memory_space<vmem>>, vector<1x128xf32>
    %add3A_33 = vector.broadcast %get3A_32 : vector<1x128xf32> to vector<1280x128xf32>
    %add3A_34 = arith.addf %dot_general3A_29, %add3A_33 : vector<1280x128xf32>
    %swap3A = arith.constant 0 : index
    %swap3A_35 = arith.constant 0 : index
    %swap3A_36 = vector.load %arg8[%swap3A, %swap3A_35] : memref<1280x128xf32, #tpu.memory_space<vmem>>, vector<1280x128xf32>
    tpu.vector_store %arg8[%swap3A, %swap3A_35], %add3A_34 {strides = array<i32>} : memref<1280x128xf32, #tpu.memory_space<vmem>>, vector<1280x128xf32>,
    return
  }
  func.func @transform_0(%arg0: i32) -> (i32, i32) {
    %c0_i32 = arith.constant 0 : i32
    %c0_i32_0 = arith.constant 0 : i32
    return %arg0, %c0_i32 : i32, i32
  }
  func.func @transform_1(%arg0: i32) -> (i32, i32) {
    %c0_i32 = arith.constant 0 : i32
    %c0_i32_0 = arith.constant 0 : i32
    %c0_i32_1 = arith.constant 0 : i32
    return %c0_i32, %c0_i32_0 : i32, i32
  }
  func.func @transform_2(%arg0: i32) -> (i32, i32) {
    %c0_i32 = arith.constant 0 : i32
    %c0_i32_0 = arith.constant 0 : i32
    %c0_i32_1 = arith.constant 0 : i32
    return %c0_i32, %c0_i32_0 : i32, i32
  }
  func.func @transform_3(%arg0: i32) -> (i32, i32) {
    %c0_i32 = arith.constant 0 : i32
    %c0_i32_0 = arith.constant 0 : i32
    %c0_i32_1 = arith.constant 0 : i32
    return %c0_i32, %c0_i32_0 : i32, i32
  }
  func.func @transform_4(%arg0: i32) -> (i32, i32) {
    %c0_i32 = arith.constant 0 : i32
    %c0_i32_0 = arith.constant 0 : i32
    %c0_i32_1 = arith.constant 0 : i32
    return %c0_i32, %c0_i32_0 : i32, i32
  }
  func.func @transform_5(%arg0: i32) -> (i32, i32) {
    %c0_i32 = arith.constant 0 : i32
    %c0_i32_0 = arith.constant 0 : i32
    %c0_i32_1 = arith.constant 0 : i32
    return %c0_i32, %c0_i32_0 : i32, i32
  }
  func.func @transform_6(%arg0: i32) -> (i32, i32) {
    %c0_i32 = arith.constant 0 : i32
    %c0_i32_0 = arith.constant 0 : i32
    %c0_i32_1 = arith.constant 0 : i32
    return %c0_i32, %c0_i32_0 : i32, i32
  }
  func.func @transform_7(%arg0: i32) -> (i32, i32) {
    %c0_i32 = arith.constant 0 : i32
    %c0_i32_0 = arith.constant 0 : i32
    return %arg0, %c0_i32 : i32, i32
  }
}

</mosaic_0001>

<sc_bundles>
// kernel: kernel.14.cloned.1.call-start
scs
__scs_entry_jumppad:
0x0: {  	(pc) =	sbr.rel $0x88, $3  }
0x1: {  	(tag) =	ssettag $0x0;
	lr =	simm.s32 $0x1  }
0x2: {  	[smem:$0x3F84] =	sst lr;
	_ =	strace $0xD0000000  }
0x3: {  	_ = 	snop  }
0x4: {  	_ = 	snop  }
0x5: {  	_ = 	snop  }
0x6: {  	_ = 	snop  }
0x7: {  	_ = 	snop  }
__scs_overlays_trampoline_lowered:
0x8: {  	[smem:$0x3F93] =	sst s0  }
0x9: {  	[smem:$0x3F94] =	sst s1  }
0xa: {  	[smem:$0x3F95] =	sst s2  }
0xb: {  	[smem:$0x3F96] =	sst s3  }
0xc: {  	[smem:$0x3F97] =	sst s4  }
0xd: {  	[smem:$0x3F98] =	sst s5  }
0xe: {  	[smem:$0x3F99] =	sst s6  }
0xf: {  	[smem:$0x3F9A] =	sst s7  }
0x10: {  	[smem:$0x3F9B] =	sst s8  }
0x11: {  	[smem:$0x3F9C] =	sst s9;
	s0 =	simm.s32 @!p0 $0x0  }
0x12: {  	s1 =	sld [smem:$0x3F82];
	s0 =	simm.s32 @p0 $0x1  }
0x13: {  	[smem:$0x3F9D] =	sst s0;
	s0 =	simm.s32 @!p1 $0x0  }
0x14: {  	s2 =	sld [smem:$0x3F81];
	s0 =	simm.s32 @p1 $0x1  }
0x15: {  	[smem:$0x3F9E] =	sst s0;
	s0 =	simm.s32 @!p2 $0x0  }
0x16: {  	s3 =	sld [smem:$0x3FDB];
	s0 =	simm.s32 @p2 $0x1  }
0x17: {  	s4 =	simm.s32 $0x1BF5;
	[smem:$0x3FA0] =	sst s0  }
0x18: {  	s0 =	sld [smem:$0x3F83];
	_ =	swait.ge [sflag:s4], $0x0  }
0x19: {  	s7 =	sld [smem:$0x3F84]  }
0x1a: {  	s8 =	sadd.s32 $0xFFFFE003, lr  }
0x1b: {  	s9 =	sadd.s32 $0xFFFFFEF7, lr;
	s5 =	simm.s32 $0xFFFFFFFF;
	p2 =	slt.u32 s8, $0xFFFFF086  }
0x1c: {  	p1 =	slt.u32 s9, $0xF7A;
	s5 =	simm.s32 @!p2 $0x0  }
0x1d: {  	s5 =	simm.s32 @p1 $0x1;
	p0 =	seq.s32 s7, s2  }
0x1e: {  	s7 =	smul.u32 @!p0 $0xF7A, s2;
	p2 =	seq.s32 @!p0 s5, $0x0  }
0x1f: {  	s9 =	smul.u32 $0xF7A, s1;
	s8 =	simm.s32 @!p0 $0x1BF5;
	p2 =	por !p2, p0  }
0x20: {  	[sflag:s8] =	ssyncset.s32 @!p0 $0xFFFFF086;
	s6 =	sadd.s32 @!p0 s3, s7;
	s7 =	simm.s32 @!p0 $0x108  }
0x21: {  	s3 =	sadd.s32 s3, s9;
	s6 =	sadd.s32 @!p0 $0x88, s6;
	s7 =	simm.s32 @p2 $0x1082  }
0x22: {  	[simem:s7], [sflag:s8] =	dma.local @!p0 [hbm:s6], $0xF7A  }
0x23: {  	s9 =	sor.u32 $0xD0000000, s2;
	s6 =	simm.s32 $0x108;
	_ =	swait.ge @!p0 [sflag:s8], $0x0  }
0x24: {  	s3 =	sadd.s32 $0x88, s3;
	s6 =	simm.s32 @!p1 $0x1082;
	[sflag:s4] =	ssyncset.s32 $0xFFFFF086  }
0x25: {  	[simem:s6], [sflag:s4] =	dma.local [hbm:s3], $0xF7A  }
0x26: {  	[smem:$0x3F84] =	sst s1;
	(tag) =	ssettag s2;
	_ =	strace s9  }
0x27: {  	s1 =	sld [smem:$0x3F94]  }
0x28: {  	s2 =	sld [smem:$0x3F95]  }
0x29: {  	s4 =	sld [smem:$0x3F97]  }
0x2a: {  	p0 =	seq.s32 s5, $0x0;
	s5 =	sld [smem:$0x3F98]  }
0x2b: {  	s6 =	sld [smem:$0x3F99]  }
0x2c: {  	s7 =	sld [smem:$0x3F9A]  }
0x2d: {  	s3 =	simm.s32 $0x108;
	s8 =	sld [smem:$0x3F9B]  }
0x2e: {  	s3 =	simm.s32 @!p0 $0x1082;
	s9 =	sld [smem:$0x3F9C]  }
0x2f: {  	lr =	sadd.s32 s0, s3;
	s0 =	sld [smem:$0x3F93]  }
0x30: {  	s3 =	sld [smem:$0x3F96]  }
0x31: {  	[smem:$0x3F9F] =	sst s10  }
0x32: {  	s10 =	sld [smem:$0x3F9D];
	_ =	sdelay $0x3  }
0x33: {  	p0 =	seq.s32 s10, $0x1;
	s10 =	sld [smem:$0x3F9F];
	_ =	sdelay $0x3  }
0x34: {  	[smem:$0x3F9F] =	sst s10  }
0x35: {  	s10 =	sld [smem:$0x3F9E];
	_ =	sdelay $0x3  }
0x36: {  	p1 =	seq.s32 s10, $0x1;
	s10 =	sld [smem:$0x3F9F];
	_ =	sdelay $0x3  }
0x37: {  	[smem:$0x3F9F] =	sst s10  }
0x38: {  	s10 =	sld [smem:$0x3FA0]  }
0x39: {  	_ = 	snop;
	(pc) =	sbr.ind lr, $3  }
0x3a: {  	_ = 	snop  }
0x3b: {  	_ = 	snop  }
0x3c: {  	p2 =	seq.s32 s10, $0x1;
	s10 =	sld [smem:$0x3F9F]  }
0x3d: {  	_ =	shalt  }
0x3e: {  	_ =	shalt  }
0x3f: {  	_ =	shalt  }
0x40: {  	_ =	shalt  }
0x41: {  	_ =	shalt  }
0x42: {  	_ =	shalt  }
0x43: {  	_ =	shalt  }
0x44: {  	_ =	shalt  }
0x45: {  	_ =	shalt  }
0x46: {  	_ =	shalt  }
0x47: {  	_ =	shalt  }
0x48: {  	_ =	shalt  }
0x49: {  	_ =	shalt  }
0x4a: {  	_ =	shalt  }
0x4b: {  	_ =	shalt  }
0x4c: {  	_ =	shalt  }
0x4d: {  	_ =	shalt  }
0x4e: {  	_ =	shalt  }
0x4f: {  	_ =	shalt  }
0x50: {  	_ =	shalt  }
0x51: {  	_ =	shalt  }
0x52: {  	_ =	shalt  }
0x53: {  	_ =	shalt  }
0x54: {  	_ =	shalt  }
0x55: {  	_ =	shalt  }
0x56: {  	_ =	shalt  }
0x57: {  	_ =	shalt  }
0x58: {  	_ =	shalt  }
0x59: {  	_ =	shalt  }
0x5a: {  	_ =	shalt  }
0x5b: {  	_ =	shalt  }
0x5c: {  	_ =	shalt  }
0x5d: {  	_ =	shalt  }
0x5e: {  	_ =	shalt  }
0x5f: {  	_ =	shalt  }
0x60: {  	_ =	shalt  }
0x61: {  	_ =	shalt  }
0x62: {  	_ =	shalt  }
0x63: {  	_ =	shalt  }
0x64: {  	_ =	shalt  }
0x65: {  	_ =	shalt  }
0x66: {  	_ =	shalt  }
0x67: {  	_ =	shalt  }
0x68: {  	_ =	shalt  }
0x69: {  	_ =	shalt  }
0x6a: {  	_ =	shalt  }
0x6b: {  	_ =	shalt  }
0x6c: {  	_ =	shalt  }
0x6d: {  	_ =	shalt  }
0x6e: {  	_ =	shalt  }
0x6f: {  	_ =	shalt  }
0x70: {  	_ =	shalt  }
0x71: {  	_ =	shalt  }
0x72: {  	_ =	shalt  }
0x73: {  	_ =	shalt  }
0x74: {  	_ =	shalt  }
0x75: {  	_ =	shalt  }
0x76: {  	_ =	shalt  }
0x77: {  	_ =	shalt  }
0x78: {  	_ =	shalt  }
0x79: {  	_ =	shalt  }
0x7a: {  	_ =	shalt  }
0x7b: {  	_ =	shalt  }
0x7c: {  	_ =	shalt  }
0x7d: {  	_ =	shalt  }
0x7e: {  	_ =	shalt  }
0x7f: {  	_ =	shalt  }
0x80: {  	_ =	shalt  }
0x81: {  	_ =	shalt  }
0x82: {  	_ =	shalt  }
0x83: {  	_ =	shalt  }
0x84: {  	_ =	shalt  }
0x85: {  	_ =	shalt  }
0x86: {  	_ =	shalt  }
0x87: {  	_ =	shalt  }
.Lfunc_end0:
.L_simem_size_0:
called_computation.3_lowered:
.L_overlay_start_0:
0x88: {  	s2 =	sld [smem:$0x3FD9]  }
0x89: {  	s3 =	sld [smem:$0x3FFE];
	_ =	sdelay $0x1  }
0x8a: {  	s1 =	srdreg.scid  }
0x8b: {  	s0 =	sand.u32 $0x1, s1  }
0x8c: {  	s16 =	sshll.u32 s0, $0xA;
	s2 =	sadd.s32 s3, s2  }
0x8d: {  	s2 =	sadd.s32 s2, s16  }
0x8e: {  	[smem:$0x3FAB] =	sst s2  }
0x8f: {  	_ = 	snop  }
0x90: {  	(tm) =	ssettm $0x1  }
0x91: {  	s17 =	sld [smem:$0x3FFB];
	_ =	sdelay $0x3  }
0x92: {  	_ =	strace s17  }
0x93: {  	s2 =	sld [smem:$0x3FFC];
	_ =	sdelay $0x3  }
0x94: {  	_ =	strace s2  }
0x95: {  	s2 =	sld [smem:$0x3FFD];
	_ =	sdelay $0x3  }
0x96: {  	_ =	strace s2  }
0x97: {  	_ =	strace $0x8FFFFFFF  }
0x98: {  	s18 =	sld [smem:$0x3FDB];
	_ =	sdelay $0x1  }
0x99: {  	s19 =	simm.s32 $_scs_section_size  }
0x9a: {  	s4 =	simm.s32 $_size__tile_overlayer_lowered;
	s5 =	simm.s32 $_tile_overlayer_lowered  }
0x9b: {  	s22 =	simm.s32 $0x1BFF;
	s21 =	sshll.u32 s5, $0x1;
	s2 =	sadd.s32 s19, s18  }
0x9c: {  	s6 =	simm.s32 $0x0;
	s20 =	sshll.u32 s4, $0x1;
	s4 =	sadd.s32 s21, s2  }
0x9d: {  	[timem:s6], [sflag:s22] =	dma.local [hbm:s4], s20  }
0x9e: {  	_ =	swait.ge [sflag:s22], s20  }
0x9f: {  	s3 =	ssub.s32 $0x0, s20;
	[sflag:s22] =	ssyncset.done $0x0  }
0xa0: {  	[sflag:s22] =	ssyncadd.s32 s3;
	_ =	sdelay $0x1  }
0xa1: {  	s23 =	simm.s32 $0x1B8B  }
0xa2: {  	_ =	swait.ge [sflag:s23], $0x1  }
0xa3: {  	[sflag:s23] =	ssyncset.done $0x0  }
0xa4: {  	s25 =	simm.s32 $0x1B8E;
	s24 =	sld [smem:$0x3FFE];
	[sflag:s23] =	ssyncadd.s32 $0xFFFFFFFF  }
0xa5: {  	s26 =	simm.s32 $execute0_lowered;
	[smem:$0x3FD2] =	sst s25  }
0xa6: {  	s4 =	sshll.u32 s26, $0x1;
	_ =	strace $0x80000049;
	[dreg:$0x1] =	wrdreg $0xFFFFFFFF  }
0xa7: {  	s28 =	simm.s32 $_size_execute0_lowered;
	s2 =	sadd.s32 s2, s4;
	[dreg:$0x0] =	wrdreg $0x0  }
0xa8: {  	s4 =	sshll.u32 s28, $0x1;
	[dreg:$0x2] =	wrdreg s2  }
0xa9: {  	[dreg:$0x3] =	wrdreg s4  }
0xaa: {  	[dreg:$0x4] =	wrdreg $0xC0  }
0xab: {  	_ =	task [dreg:s6], $0x5FFFF  }
0xac: {  	[dreg:$0x1] =	wrdreg $0xFFFFFFFF  }
0xad: {  	[dreg:$0x0] =	wrdreg $0x60  }
0xae: {  	[dreg:$0x2] =	wrdreg s24  }
0xaf: {  	[dreg:$0x3] =	wrdreg $0x5A500  }
0xb0: {  	[dreg:$0x4] =	wrdreg $0x9  }
0xb1: {  	_ =	task.clear_ibuf [dreg:s6], $0x5FFFF;
	_ =	strace $0x90000049  }
0xb2: {  	s29 =	simm.s32 $0x9;
	_ =	strace $0x8000004B  }
0xb3: {  	_ =	swait.ge [sflag:s29], $0x1  }
0xb4: {  	[sflag:s29] =	ssyncadd.s32 $0xFFFFFFFF  }
0xb5: {  	_ =	strace $0x9000004B  }
0xb6: {  	_ =	sfence  }
0xb7: {  	s30 =	sld [smem:$0x0];
	_ =	sdelay $0x2  }
0xb8: {  	s31 =	sshll.u32 s1, $0xD;
	s1 =	sshrl.u32 s1, $0x2  }
0xb9: {  	s3 =	sand.u32 $0x4000, s31;
	s1 =	sadd.s32 s1, s30  }
0xba: {  	s0 =	sor.u32 s3, s0;
	s1 =	sshll.u32 s1, $0x11  }
0xbb: {  	s0 =	sor.u32 s1, s0  }
0xbc: {  	s0 =	sadd.s32 $0x8F2B, s0  }
0xbd: {  	[sflag:s0] =	ssyncadd.remote.s32 $0x1  }
0xbe: {  	_ =	sfence.sel $0xFFFF  }
0xbf: {  	[dreg:$0x0] =	wrdreg $0xFFFFFFFF;
	(pc) =	sbr.abs _section_cstart, $3  }
0xc0: {  	[dreg:$0x1] =	wrdreg $0xFFFFFFFF  }
0xc1: {  	_ =	task.clear_ibuf [dreg:s6], $0x2FFFF;
	_ =	strace $0x9FFFFFFF  }
0xc2: {  	(tm) =	ssettm $0x7FFFFFFF  }
0xc3: {  	_ =	shalt  }
tec
execute0_lowered:
.L_overlay_start_1:
0x0: {  	(tag) =	ssettag $0x1  }
0x1: {  	s1 =	srdreg.scid  }
0x2: {  	s0 =	stileid.u32;
	s4 =	rddreg [dreg:$0x0]  }
0x3: {  	s2 =	rddreg [dreg:$0x1];
	s6 =	smul.u32 $0x4E20, s0  }
0x4: {  	s3 =	simm.s32 $0x0;
	s14 =	simm.s32 $0x0;
	s8 =	smul.u32 $0x13880, s0  }
0x5: {  	s5 =	sand.u32 $0x1, s1;
	s1 =	rddreg [dreg:$0x2];
	s24 =	smul.u32 $0x5000, s0  }
0x6: {  	[smem:$0x7FF] =	sst s3;
	s31 =	sshll.u32 s0, $0x6;
	s7 =	smul.u32 $0x2710, s5  }
0x7: {  	s9 =	smul.u32 $0x50000, s5;
	_ =	strace $0x8000004A;
	s26 =	ssub.s32 $0x2, s5  }
0x8: {  	s12 =	smul.u32 $0x9C40, s5;
	s8 =	sadd.s32 s8, s4;
	s11 =	sshrl.u32 s26, $0x1  }
0x9: {  	s6 =	sadd.s32 s7, s6;
	s25 =	sadd.s32 s24, s9;
	s29 =	ssub.s32 s26, s11  }
0xa: {  	s30 =	sadd.s32 s12, s8;
	s9 =	simm.s32 $0xA50;
	s6 =	sshrl.u32 s6, $0x3  }
0xb: {  	s11 =	simm.s32 $0x50;
	s10 =	sadd.s32 s6, s4;
	s6 =	sshrl.u32 s25, $0x3  }
0xc: {  	s12 =	sor.u32 $0x1C01, s31;
	s7 =	sadd.s32 $0x8400, s30;
	s28 =	sadd.s32 s6, s4  }
0xd: {  	s4 =	sadd.s32 s24, s2;
	s6 =	smax.u32 s29, $0x1;
	s8 =	sadd.s32 $0x622C00, s10  }
0xe: {  	v0 =	vimm.f32 $0.0e+00;
	s10 =	simm.s32 $0x1;
	s5 =	sadd.s32 $0x140C00, s28;
	s13 =	sshrl.u32 s4, $0x3  }
.LBB2_1:
0xf: {  	s15 =	simm.s32 $0x80;
	s16 =	simm.s32 $0x0  }
.LBB2_2:
0x10: {  	p0 =	sne.s32 s15, $0x13F80;
	[tilespmem:s16+$0xA50] =	vst v0;
	s17 =	smov.u32 s15;
	s15 =	sadd.s32 $0x80, s15  }
.Ltmp0:
0x11: {  	[tilespmem:s16+$0xA60] =	vst v0;
	(pc) =	sbr.rel @p0 .LBB2_2-.Ltmp0, $2  }
0x12: {  	_ =	sdelay $0x2  }
0x13: {  	s16 =	sshra.s32 s17, $0x2  }
0x14: {  	[tilespmem:s16+$0xA50] =	vst v0  }
0x15: {  	[tilespmem:s16+$0xA60] =	vst v0  }
0x16: {  	[spmem:s4] =	stream.linear.scatter [tilespmem:s9], [sflag:$0x1], $0x5000, $0x38;
	[tilespmem:$0xAA50] =	vst v63  }
0x17: {  	_ =	swait.ge [sflag:s10], $0x5000  }
0x18: {  	[sflag:s10] =	ssyncset.done $0x0  }
0x19: {  	[sflag:s10] =	ssyncadd.s32 $0xFFFFB000  }
0x1a: {  	s15 =	sadd.s32 $0x0, s8;
	[bflag:$0x0] =	sbarrier.arrive $0xFFFF  }
0x1b: {  	[tilespmem:s3], [sflag:$0x1] =	stream.linear.gather [hbm4b:s15+s3], $0x50, $0x38;
	[tilespmem:$0xAA50] =	vst v63  }
0x1c: {  	_ =	swait.ge [sflag:s10], $0x50  }
0x1d: {  	[sflag:s10] =	ssyncset.done $0x0  }
0x1e: {  	[sflag:s10] =	ssyncadd.s32 $0xFFFFFFB0  }
0x1f: {  	[tilespmem:s11], [sflag:$0x1] =	stream.linear.gather [hbm4b:s7+s3], $0xA00, $0x38;
	[tilespmem:$0xAA50] =	vst v63  }
0x20: {  	_ =	swait.ge [sflag:s10], $0xA00  }
0x21: {  	[sflag:s10] =	ssyncset.done $0x0  }
0x22: {  	[sflag:s10] =	ssyncadd.s32 $0xFFFFF600  }
0x23: {  	[spmem:s2] =	stream.indirect.scatter.add.f32 [tilespmem:s11], [sflag:$0x1], $0x20, s3, s11, $0xb8;
	[tilespmem:$0xAA50] =	vst v63  }
0x24: {  	s16 =	simm.s32 $0xA;
	_ =	swait.ge [sflag:s10], $0xA00  }
0x25: {  	s17 =	simm.s32 $0x14;
	s15 =	sadd.s32 $0x140, s7;
	[sflag:s10] =	ssyncset.done $0x0  }
.LBB2_4:
0x26: {  	s18 =	sadd.s32 s16, s8  }
0x27: {  	[sflag:s10] =	ssyncadd.s32 $0xFFFFF600;
	s16 =	smov.u32 s17;
	s19 =	sadd.s32 $0xA, s17  }
0x28: {  	[tilespmem:s3], [sflag:$0x1] =	stream.linear.gather [hbm4b:s18+s3], $0x50, $0x38;
	[tilespmem:$0xAA50] =	vst v63  }
0x29: {  	p0 =	sne.s32 s17, $0x4D8;
	_ =	swait.ge [sflag:s10], $0x50  }
0x2a: {  	[sflag:s10] =	ssyncset.done $0x0  }
0x2b: {  	[sflag:s10] =	ssyncadd.s32 $0xFFFFFFB0  }
0x2c: {  	[tilespmem:s11], [sflag:$0x1] =	stream.linear.gather [hbm4b:s15+s3], $0xA00, $0x38;
	[tilespmem:$0xAA50] =	vst v63  }
0x2d: {  	_ =	swait.ge [sflag:s10], $0xA00  }
.Ltmp1:
0x2e: {  	[sflag:s10] =	ssyncset.done $0x0;
	(pc) =	sbr.rel @p0 .LBB2_4-.Ltmp1, $4  }
0x2f: {  	[sflag:s10] =	ssyncadd.s32 $0xFFFFF600  }
0x30: {  	[spmem:s2] =	stream.indirect.scatter.add.f32 [tilespmem:s11], [sflag:$0x1], $0x20, s3, s11, $0xb8;
	[tilespmem:$0xAA50] =	vst v63  }
0x31: {  	_ =	swait.ge [sflag:s10], $0xA00  }
0x32: {  	s17 =	smov.u32 s19;
	s15 =	sadd.s32 $0x140, s15;
	[sflag:s10] =	ssyncset.done $0x0  }
0x33: {  	s16 =	sadd.s32 s16, s8;
	[sflag:s10] =	ssyncadd.s32 $0xFFFFF600  }
0x34: {  	[tilespmem:s3], [sflag:$0x1] =	stream.linear.gather [hbm4b:s16+s3], $0x50, $0x38;
	[tilespmem:$0xAA50] =	vst v63  }
0x35: {  	_ =	swait.ge [sflag:s10], $0x50  }
0x36: {  	[sflag:s10] =	ssyncset.done $0x0  }
0x37: {  	[sflag:s10] =	ssyncadd.s32 $0xFFFFFFB0  }
0x38: {  	[tilespmem:s11], [sflag:$0x1] =	stream.linear.gather [hbm4b:s15+s3], $0xA00, $0x38;
	[tilespmem:$0xAA50] =	vst v63  }
0x39: {  	_ =	swait.ge [sflag:s10], $0xA00  }
0x3a: {  	[sflag:s10] =	ssyncset.done $0x0  }
0x3b: {  	[sflag:s10] =	ssyncadd.s32 $0xFFFFF600  }
0x3c: {  	[spmem:s2] =	stream.indirect.scatter.add.f32 [tilespmem:s11], [sflag:$0x1], $0x20, s3, s11, $0xb8;
	[tilespmem:$0xAA50] =	vst v63  }
0x3d: {  	_ =	swait.ge [sflag:s10], $0xA00  }
0x3e: {  	s14 =	sadd.s32 $0x1, s14;
	[sflag:s10] =	ssyncset.done $0x0  }
0x3f: {  	p0 =	sne.s32 s14, s6;
	[sflag:s10] =	ssyncadd.s32 $0xFFFFF600  }
.Ltmp2:
0x40: {  	[bflag:$0x0] =	sbarrier.arrive $0xFFFF;
	(pc) =	sbr.rel @p0 .LBB2_1-.Ltmp2, $4  }
0x41: {  	[hbm:s5], [sflag:s12] =	dma.local [spmem:s13], $0xA00  }
0x42: {  	_ =	swait.ge [sflag:s10], $0xA00  }
0x43: {  	[sflag:s10] =	ssyncset.done $0x0  }
0x44: {  	[sflag:s10] =	ssyncadd.s32 $0xFFFFF600  }
0x45: {  	_ =	sfence.sel $0x180000  }
0x46: {  	[bflag:$0x0] =	sbarrier.arrive $0xFFFF  }
0x47: {  	p0 =	sne.s32 s0, $0x0;
	_ =	strace $0x9000004A  }
0x48: {  	s0 =	sadd.s32 @!p0 $0x100000, s1;
	[bflag:$0x2] =	sbarrier.arrive $0xFFFF  }
0x49: {  	[sflag:s0] =	ssyncadd.tile.s32 @!p0 $0x1;
	_ =	shalt  }
.Lfunc_end2:
_tile_overlayer_lowered:
.L_overlay_start_2:
0x4a: {  	(tag) =	ssettag $0x2  }
0x4b: {  	s0 =	rddreg [dreg:$0x0];
	s2 =	stileid.u32  }
0x4c: {  	s1 =	rddreg [dreg:$0x1];
	p0 =	sne.s32 s2, $0x0  }
0x4d: {  	s3 =	rddreg [dreg:$0x2];
	[bflag:$0x3] =	sbarrier.arrive $0xFFFF;
	s2 =	simm.s32 @!p0 $0x1C01  }
0x4e: {  	[timem:s3], [sflag:s2] =	dma.local @!p0 [hbm:s0], s1  }
0x4f: {  	s0 =	simm.s32 @!p0 $0x1  }
0x50: {  	_ =	swait.ge @!p0 [sflag:s0], s1  }
0x51: {  	s1 =	ssub.s32 @!p0 $0x0, s1;
	[sflag:s0] =	ssyncset.done @!p0 $0x0  }
0x52: {  	[sflag:s0] =	ssyncadd.s32 @!p0 s1  }
0x53: {  	[bflag:$0x3] =	sbarrier.arrive $0xFFFF  }
0x54: {  	_ =	shalt  }

// kernel: kernel.17.cloned.1.call-start
scs
__scs_entry_jumppad:
0x0: {  	(pc) =	sbr.rel $0x88, $3  }
0x1: {  	(tag) =	ssettag $0x0;
	lr =	simm.s32 $0x1  }
0x2: {  	[smem:$0x3F84] =	sst lr;
	_ =	strace $0xD0000000  }
0x3: {  	_ = 	snop  }
0x4: {  	_ = 	snop  }
0x5: {  	_ = 	snop  }
0x6: {  	_ = 	snop  }
0x7: {  	_ = 	snop  }
__scs_overlays_trampoline_lowered:
0x8: {  	[smem:$0x3F93] =	sst s0  }
0x9: {  	[smem:$0x3F94] =	sst s1  }
0xa: {  	[smem:$0x3F95] =	sst s2  }
0xb: {  	[smem:$0x3F96] =	sst s3  }
0xc: {  	[smem:$0x3F97] =	sst s4  }
0xd: {  	[smem:$0x3F98] =	sst s5  }
0xe: {  	[smem:$0x3F99] =	sst s6  }
0xf: {  	[smem:$0x3F9A] =	sst s7  }
0x10: {  	[smem:$0x3F9B] =	sst s8  }
0x11: {  	[smem:$0x3F9C] =	sst s9;
	s0 =	simm.s32 @!p0 $0x0  }
0x12: {  	s1 =	sld [smem:$0x3F82];
	s0 =	simm.s32 @p0 $0x1  }
0x13: {  	[smem:$0x3F9D] =	sst s0;
	s0 =	simm.s32 @!p1 $0x0  }
0x14: {  	s2 =	sld [smem:$0x3F81];
	s0 =	simm.s32 @p1 $0x1  }
0x15: {  	[smem:$0x3F9E] =	sst s0;
	s0 =	simm.s32 @!p2 $0x0  }
0x16: {  	s3 =	sld [smem:$0x3FDB];
	s0 =	simm.s32 @p2 $0x1  }
0x17: {  	s4 =	simm.s32 $0x1BF5;
	[smem:$0x3FA0] =	sst s0  }
0x18: {  	s0 =	sld [smem:$0x3F83];
	_ =	swait.ge [sflag:s4], $0x0  }
0x19: {  	s7 =	sld [smem:$0x3F84]  }
0x1a: {  	s8 =	sadd.s32 $0xFFFFE003, lr  }
0x1b: {  	s9 =	sadd.s32 $0xFFFFFEF7, lr;
	s5 =	simm.s32 $0xFFFFFFFF;
	p2 =	slt.u32 s8, $0xFFFFF086  }
0x1c: {  	p1 =	slt.u32 s9, $0xF7A;
	s5 =	simm.s32 @!p2 $0x0  }
0x1d: {  	s5 =	simm.s32 @p1 $0x1;
	p0 =	seq.s32 s7, s2  }
0x1e: {  	s7 =	smul.u32 @!p0 $0xF7A, s2;
	p2 =	seq.s32 @!p0 s5, $0x0  }
0x1f: {  	s9 =	smul.u32 $0xF7A, s1;
	s8 =	simm.s32 @!p0 $0x1BF5;
	p2 =	por !p2, p0  }
0x20: {  	[sflag:s8] =	ssyncset.s32 @!p0 $0xFFFFF086;
	s6 =	sadd.s32 @!p0 s3, s7;
	s7 =	simm.s32 @!p0 $0x108  }
0x21: {  	s3 =	sadd.s32 s3, s9;
	s6 =	sadd.s32 @!p0 $0x88, s6;
	s7 =	simm.s32 @p2 $0x1082  }
0x22: {  	[simem:s7], [sflag:s8] =	dma.local @!p0 [hbm:s6], $0xF7A  }
0x23: {  	s9 =	sor.u32 $0xD0000000, s2;
	s6 =	simm.s32 $0x108;
	_ =	swait.ge @!p0 [sflag:s8], $0x0  }
0x24: {  	s3 =	sadd.s32 $0x88, s3;
	s6 =	simm.s32 @!p1 $0x1082;
	[sflag:s4] =	ssyncset.s32 $0xFFFFF086  }
0x25: {  	[simem:s6], [sflag:s4] =	dma.local [hbm:s3], $0xF7A  }
0x26: {  	[smem:$0x3F84] =	sst s1;
	(tag) =	ssettag s2;
	_ =	strace s9  }
0x27: {  	s1 =	sld [smem:$0x3F94]  }
0x28: {  	s2 =	sld [smem:$0x3F95]  }
0x29: {  	s4 =	sld [smem:$0x3F97]  }
0x2a: {  	p0 =	seq.s32 s5, $0x0;
	s5 =	sld [smem:$0x3F98]  }
0x2b: {  	s6 =	sld [smem:$0x3F99]  }
0x2c: {  	s7 =	sld [smem:$0x3F9A]  }
0x2d: {  	s3 =	simm.s32 $0x108;
	s8 =	sld [smem:$0x3F9B]  }
0x2e: {  	s3 =	simm.s32 @!p0 $0x1082;
	s9 =	sld [smem:$0x3F9C]  }
0x2f: {  	lr =	sadd.s32 s0, s3;
	s0 =	sld [smem:$0x3F93]  }
0x30: {  	s3 =	sld [smem:$0x3F96]  }
0x31: {  	[smem:$0x3F9F] =	sst s10  }
0x32: {  	s10 =	sld [smem:$0x3F9D];
	_ =	sdelay $0x3  }
0x33: {  	p0 =	seq.s32 s10, $0x1;
	s10 =	sld [smem:$0x3F9F];
	_ =	sdelay $0x3  }
0x34: {  	[smem:$0x3F9F] =	sst s10  }
0x35: {  	s10 =	sld [smem:$0x3F9E];
	_ =	sdelay $0x3  }
0x36: {  	p1 =	seq.s32 s10, $0x1;
	s10 =	sld [smem:$0x3F9F];
	_ =	sdelay $0x3  }
0x37: {  	[smem:$0x3F9F] =	sst s10  }
0x38: {  	s10 =	sld [smem:$0x3FA0]  }
0x39: {  	_ = 	snop;
	(pc) =	sbr.ind lr, $3  }
0x3a: {  	_ = 	snop  }
0x3b: {  	_ = 	snop  }
0x3c: {  	p2 =	seq.s32 s10, $0x1;
	s10 =	sld [smem:$0x3F9F]  }
0x3d: {  	_ =	shalt  }
0x3e: {  	_ =	shalt  }
0x3f: {  	_ =	shalt  }
0x40: {  	_ =	shalt  }
0x41: {  	_ =	shalt  }
0x42: {  	_ =	shalt  }
0x43: {  	_ =	shalt  }
0x44: {  	_ =	shalt  }
0x45: {  	_ =	shalt  }
0x46: {  	_ =	shalt  }
0x47: {  	_ =	shalt  }
0x48: {  	_ =	shalt  }
0x49: {  	_ =	shalt  }
0x4a: {  	_ =	shalt  }
0x4b: {  	_ =	shalt  }
0x4c: {  	_ =	shalt  }
0x4d: {  	_ =	shalt  }
0x4e: {  	_ =	shalt  }
0x4f: {  	_ =	shalt  }
0x50: {  	_ =	shalt  }
0x51: {  	_ =	shalt  }
0x52: {  	_ =	shalt  }
0x53: {  	_ =	shalt  }
0x54: {  	_ =	shalt  }
0x55: {  	_ =	shalt  }
0x56: {  	_ =	shalt  }
0x57: {  	_ =	shalt  }
0x58: {  	_ =	shalt  }
0x59: {  	_ =	shalt  }
0x5a: {  	_ =	shalt  }
0x5b: {  	_ =	shalt  }
0x5c: {  	_ =	shalt  }
0x5d: {  	_ =	shalt  }
0x5e: {  	_ =	shalt  }
0x5f: {  	_ =	shalt  }
0x60: {  	_ =	shalt  }
0x61: {  	_ =	shalt  }
0x62: {  	_ =	shalt  }
0x63: {  	_ =	shalt  }
0x64: {  	_ =	shalt  }
0x65: {  	_ =	shalt  }
0x66: {  	_ =	shalt  }
0x67: {  	_ =	shalt  }
0x68: {  	_ =	shalt  }
0x69: {  	_ =	shalt  }
0x6a: {  	_ =	shalt  }
0x6b: {  	_ =	shalt  }
0x6c: {  	_ =	shalt  }
0x6d: {  	_ =	shalt  }
0x6e: {  	_ =	shalt  }
0x6f: {  	_ =	shalt  }
0x70: {  	_ =	shalt  }
0x71: {  	_ =	shalt  }
0x72: {  	_ =	shalt  }
0x73: {  	_ =	shalt  }
0x74: {  	_ =	shalt  }
0x75: {  	_ =	shalt  }
0x76: {  	_ =	shalt  }
0x77: {  	_ =	shalt  }
0x78: {  	_ =	shalt  }
0x79: {  	_ =	shalt  }
0x7a: {  	_ =	shalt  }
0x7b: {  	_ =	shalt  }
0x7c: {  	_ =	shalt  }
0x7d: {  	_ =	shalt  }
0x7e: {  	_ =	shalt  }
0x7f: {  	_ =	shalt  }
0x80: {  	_ =	shalt  }
0x81: {  	_ =	shalt  }
0x82: {  	_ =	shalt  }
0x83: {  	_ =	shalt  }
0x84: {  	_ =	shalt  }
0x85: {  	_ =	shalt  }
0x86: {  	_ =	shalt  }
0x87: {  	_ =	shalt  }
.Lfunc_end0:
.L_simem_size_0:
called_computation.4_lowered:
.L_overlay_start_0:
0x88: {  	s2 =	sld [smem:$0x3FD9]  }
0x89: {  	s3 =	sld [smem:$0x3FFE];
	_ =	sdelay $0x1  }
0x8a: {  	s1 =	srdreg.scid  }
0x8b: {  	s0 =	sand.u32 $0x1, s1  }
0x8c: {  	s17 =	sshll.u32 s0, $0xA;
	s2 =	sadd.s32 s3, s2  }
0x8d: {  	s2 =	sadd.s32 s2, s17  }
0x8e: {  	[smem:$0x3FAB] =	sst s2  }
0x8f: {  	_ = 	snop  }
0x90: {  	s2 =	sld [smem:$0x3FD0];
	(tm) =	ssettm $0x1  }
0x91: {  	s18 =	sld [smem:$0x3FFB];
	_ =	sdelay $0x3  }
0x92: {  	_ =	strace s18  }
0x93: {  	s3 =	sld [smem:$0x3FFC];
	_ =	sdelay $0x3  }
0x94: {  	_ =	strace s3  }
0x95: {  	s3 =	sld [smem:$0x3FFD];
	_ =	sdelay $0x3  }
0x96: {  	_ =	strace s3  }
0x97: {  	_ =	strace $0x8FFFFFFF  }
0x98: {  	s19 =	sld [smem:$0x3FDB];
	_ =	sdelay $0x1  }
0x99: {  	s4 =	simm.s32 $_scs_section_size  }
0x9a: {  	s5 =	simm.s32 $_size__tile_overlayer_lowered;
	s6 =	simm.s32 $_tile_overlayer_lowered  }
0x9b: {  	s22 =	simm.s32 $0x1BFF;
	s21 =	sshll.u32 s6, $0x1;
	s3 =	sadd.s32 s4, s19  }
0x9c: {  	s7 =	simm.s32 $0x0;
	s20 =	sshll.u32 s5, $0x1;
	s5 =	sadd.s32 s21, s3  }
0x9d: {  	[timem:s7], [sflag:s22] =	dma.local [hbm:s5], s20  }
0x9e: {  	_ =	swait.ge [sflag:s22], s20  }
0x9f: {  	s4 =	ssub.s32 $0x0, s20;
	[sflag:s22] =	ssyncset.done $0x0  }
0xa0: {  	[sflag:s22] =	ssyncadd.s32 s4;
	_ =	sdelay $0x1  }
0xa1: {  	s23 =	simm.s32 $0x1B8B  }
0xa2: {  	_ =	swait.ge [sflag:s23], $0x1  }
0xa3: {  	[sflag:s23] =	ssyncset.done $0x0  }
0xa4: {  	s25 =	simm.s32 $0x1B8E;
	s24 =	sld [smem:$0x3FFE];
	[sflag:s23] =	ssyncadd.s32 $0xFFFFFFFF  }
0xa5: {  	s26 =	simm.s32 $execute0_lowered;
	[smem:$0x3FD2] =	sst s25  }
0xa6: {  	s5 =	sshll.u32 s26, $0x1;
	_ =	strace $0x8000004F;
	[dreg:$0x1] =	wrdreg $0xFFFFFFFF  }
0xa7: {  	s28 =	simm.s32 $_size_execute0_lowered;
	s3 =	sadd.s32 s3, s5;
	[dreg:$0x0] =	wrdreg $0x0  }
0xa8: {  	s5 =	sshll.u32 s28, $0x1;
	[dreg:$0x2] =	wrdreg s3  }
0xa9: {  	[dreg:$0x3] =	wrdreg s5  }
0xaa: {  	[dreg:$0x4] =	wrdreg $0xC0  }
0xab: {  	_ =	task [dreg:s7], $0x5FFFF  }
0xac: {  	[dreg:$0x1] =	wrdreg $0xFFFFFFFF  }
0xad: {  	[dreg:$0x0] =	wrdreg $0x60  }
0xae: {  	[dreg:$0x2] =	wrdreg s24  }
0xaf: {  	[dreg:$0x3] =	wrdreg s2  }
0xb0: {  	[dreg:$0x4] =	wrdreg $0x9  }
0xb1: {  	_ =	task.clear_ibuf [dreg:s7], $0x5FFFF;
	_ =	strace $0x9000004F  }
0xb2: {  	s29 =	simm.s32 $0x9;
	_ =	strace $0x80000051  }
0xb3: {  	_ =	swait.ge [sflag:s29], $0x1  }
0xb4: {  	[sflag:s29] =	ssyncadd.s32 $0xFFFFFFFF  }
0xb5: {  	_ =	strace $0x90000051  }
0xb6: {  	_ =	sfence  }
0xb7: {  	s30 =	sld [smem:$0x0];
	_ =	sdelay $0x2  }
0xb8: {  	s31 =	sshll.u32 s1, $0xD;
	s1 =	sshrl.u32 s1, $0x2  }
0xb9: {  	s3 =	sand.u32 $0x4000, s31;
	s1 =	sadd.s32 s1, s30  }
0xba: {  	s0 =	sor.u32 s3, s0;
	s1 =	sshll.u32 s1, $0x11  }
0xbb: {  	s0 =	sor.u32 s1, s0  }
0xbc: {  	s0 =	sadd.s32 $0x8F2B, s0  }
0xbd: {  	[sflag:s0] =	ssyncadd.remote.s32 $0x1  }
0xbe: {  	_ =	sfence.sel $0xFFFF  }
0xbf: {  	[dreg:$0x0] =	wrdreg $0xFFFFFFFF;
	(pc) =	sbr.abs _section_cstart, $3  }
0xc0: {  	[dreg:$0x1] =	wrdreg $0xFFFFFFFF  }
0xc1: {  	_ =	task.clear_ibuf [dreg:s7], $0x2FFFF;
	_ =	strace $0x9FFFFFFF  }
0xc2: {  	(tm) =	ssettm $0x7FFFFFFF  }
0xc3: {  	_ =	shalt  }
tec
execute0_lowered:
.L_overlay_start_1:
0x0: {  	(tag) =	ssettag $0x1  }
0x1: {  	s1 =	srdreg.scid;
	s8 =	rddreg [dreg:$0x0]  }
0x2: {  	s0 =	stileid.u32;
	s11 =	rddreg [dreg:$0x1];
	s3 =	simm.s32 $0x0  }
0x3: {  	s14 =	simm.s32 $0x2;
	s15 =	simm.s32 $0x2900;
	s16 =	simm.s32 $0x80  }
0x4: {  	s17 =	simm.s32 $0x5200;
	s18 =	simm.s32 $0xD200;
	s19 =	simm.s32 $0x15200  }
0x5: {  	s20 =	simm.s32 $0x1;
	s21 =	simm.s32 $0x1D200;
	s22 =	simm.s32 $0x1DB00  }
0x6: {  	s23 =	simm.s32 $0x0;
	s6 =	sand.u32 $0x1, s1;
	s1 =	rddreg [dreg:$0x2]  }
0x7: {  	s30 =	sshll.u32 s0, $0x1;
	[smem:$0x7FF] =	sst s3;
	s5 =	sadd.s32 $0x6CC00, s8  }
0x8: {  	s7 =	sadd.s32 $0x15CC00, s8;
	s9 =	sor.u32 s6, s30;
	s12 =	ssub.s32 $0x2, s6  }
0x9: {  	_ =	strace $0x80000050;
	s2 =	smul.u32 $0x2900, s9;
	s13 =	sshrl.u32 s12, $0x1  }
0xa: {  	s6 =	sadd.s32 $0x1558800, s8;
	s31 =	sshll.u32 s9, $0x1;
	s12 =	ssub.s32 s12, s13  }
0xb: {  	vm0 =	vcmask $0x300;
	v3 =	vimm.f32 $0.0e+00;
	vm15 =	vcmask $0x704;
	s11 =	sadd.s32 s11, s31;
	s13 =	simm.s32 $0x1DA00;
	s4 =	sshrl.u32 s2, $0x3  }
0xc: {  	vm1 =	vcmask $0xB08;
	vm2 =	vcmask $0xF0C;
	v0 =	vsel vm0, $0x3F800000, v3;
	s12 =	smax.u32 s12, $0x1;
	s10 =	sadd.s32 s4, s8;
	s4 =	sadd.s32 $0x10CC00, s8  }
0xd: {  	v1 =	vsel vm15, $0x3F800000, v3;
	v2 =	vsel vm1, $0x3F800000, v3;
	v3 =	vsel vm2, $0x3F800000, v3;
	s8 =	sadd.s32 $0x15CE00, s8;
	s9 =	sadd.s32 $0x62800, s10;
	s10 =	sadd.s32 $0x58400, s10  }
.LBB2_1:
0xe: {  	[tilespmem:s13], [sflag:$0x2] =	stream.linear.gather [hbm4b:s7+s3], $0x100, $0x38;
	[tilespmem:$0x1DB10] =	vst v63  }
0xf: {  	_ =	swait.ge [sflag:s14], $0x100  }
0x10: {  	[sflag:s14] =	ssyncset.done $0x0  }
0x11: {  	[sflag:s14] =	ssyncadd.s32 $0xFFFFFF00  }
0x12: {  	[tilespmem:s3], [sflag:$0x2] =	stream.linear.gather [hbm4b:s9+s3], $0x2900, $0x38;
	[tilespmem:$0x1DB10] =	vst v63  }
0x13: {  	_ =	swait.ge [sflag:s14], $0x2900  }
0x14: {  	[sflag:s14] =	ssyncset.done $0x0  }
0x15: {  	[sflag:s14] =	ssyncadd.s32 $0xFFFFD700  }
0x16: {  	[tilespmem:s15], [sflag:$0x2] =	stream.linear.gather [hbm4b:s10+s3], $0x2900, $0x38;
	[tilespmem:$0x1DB10] =	vst v63  }
0x17: {  	_ =	swait.ge [sflag:s14], $0x2900  }
0x18: {  	[sflag:s14] =	ssyncset.done $0x0  }
0x19: {  	[sflag:s14] =	ssyncadd.s32 $0xFFFFD700  }
0x1a: {  	v4 =	vld [tilespmem:$0x1DA00]  }
0x1b: {  	v5 =	vld [tilespmem:$0x1DA10]  }
0x1c: {  	v6 =	vld [tilespmem:$0x1DA20]  }
0x1d: {  	v7 =	vld [tilespmem:$0x1DA30]  }
0x1e: {  	v8 =	vld [tilespmem:$0x1DA40]  }
0x1f: {  	v9 =	vld [tilespmem:$0x1DA50]  }
0x20: {  	v10 =	vld [tilespmem:$0x1DA60]  }
0x21: {  	v11 =	vld [tilespmem:$0x1DA70]  }
0x22: {  	v12 =	vld [tilespmem:$0x1DA80]  }
0x23: {  	v13 =	vld [tilespmem:$0x1DA90]  }
0x24: {  	v14 =	vld [tilespmem:$0x1DAA0]  }
0x25: {  	v15 =	vld [tilespmem:$0x1DAB0]  }
0x26: {  	v16 =	vld [tilespmem:$0x1DAC0]  }
0x27: {  	v17 =	vld [tilespmem:$0x1DAD0]  }
0x28: {  	v19 =	vld [tilespmem:$0x1DAE0]  }
0x29: {  	v18 =	vimm.f32 $-1.000000020e+30;
	s24 =	simm.s32 $0x0;
	v20 =	vld [tilespmem:$0x1DAF0]  }
.LBB2_2:
0x2a: {  	s26 =	sshll.u32 s24, $0x7  }
0x2b: {  	[tilespmem:s17], [sflag:$0x1] =	stream.indirect.gather [hbm4b:s4+s16], $0x100, s26, s16, $0xb8;
	[tilespmem:$0x1DB10] =	vst v63  }
0x2c: {  	s25 =	sadd.s32 s2, s26  }
0x2d: {  	s26 =	sadd.s32 $0x2900, s26;
	s31 =	sshll.u32 s25, $0x5  }
0x2e: {  	[tilespmem:s18], [sflag:$0x1] =	stream.indirect.gather [hbm4b:s5+s16], $0x100, s26, s16, $0xb8;
	[tilespmem:$0x1DB10] =	vst v63  }
0x2f: {  	s28 =	simm.s32 $0x0;
	s26 =	sadd.s32 s6, s31  }
0x30: {  	[tilespmem:s19], [sflag:$0x1] =	stream.linear.gather [hbm4b:s26+s28], $0x8000, $0x38;
	[tilespmem:$0x1DB10] =	vst v63  }
0x31: {  	_ =	swait.ge [sflag:s20], $0x8000  }
0x32: {  	[sflag:s20] =	ssyncset.done $0x0  }
0x33: {  	[sflag:s20] =	ssyncadd.s32 $0xFFFF8000  }
0x34: {  	_ =	swait.ge [sflag:s20], $0x8000  }
0x35: {  	[sflag:s20] =	ssyncset.done $0x0  }
0x36: {  	[sflag:s20] =	ssyncadd.s32 $0xFFFF8000  }
0x37: {  	_ =	swait.ge [sflag:s20], $0x8000  }
0x38: {  	[sflag:s20] =	ssyncset.done $0x0  }
0x39: {  	s28 =	simm.s32 $0x0;
	[sflag:s20] =	ssyncadd.s32 $0xFFFF8000  }
0x3a: {  	v25 =	vld [tilespmem:s28+$0xD2E0]  }
0x3b: {  	v22 =	vld [tilespmem:s28+$0x15290]  }
0x3c: {  	v21 =	vld [tilespmem:s28+$0x152A0]  }
0x3d: {  	v24 =	vld [tilespmem:s28+$0x5290]  }
0x3e: {  	v27 =	vld [tilespmem:s28+$0xD2A0]  }
0x3f: {  	v28 =	vld [tilespmem:s28+$0x15270]  }
0x40: {  	v29 =	vld [tilespmem:s28+$0x52A0]  }
0x41: {  	v30 =	vld [tilespmem:s28+$0x15230]  }
0x42: {  	v31 =	vld [tilespmem:s28+$0xD270]  }
0x43: {  	v32 =	vld [tilespmem:s28+$0x5230]  }
0x44: {  	v33 =	vld [tilespmem:s28+$0xD290]  }
0x45: {  	v34 =	vld [tilespmem:s28+$0x5270]  }
0x46: {  	v35 =	vld [tilespmem:s28+$0x15280]  }
0x47: {  	v36 =	vld [tilespmem:s28+$0x5280]  }
0x48: {  	v37 =	vld [tilespmem:s28+$0xD280]  }
0x49: {  	v38 =	vld [tilespmem:s28+$0x15220]  }
0x4a: {  	v39 =	vld [tilespmem:s28+$0xD230]  }
0x4b: {  	v40 =	vld [tilespmem:s28+$0x5220]  }
0x4c: {  	v41 =	vld [tilespmem:s28+$0xD220]  }
0x4d: {  	v42 =	vld [tilespmem:s28+$0x15260]  }
0x4e: {  	v43 =	vld [tilespmem:s28+$0xD260]  }
0x4f: {  	v44 =	vld [tilespmem:s28+$0x5260]  }
0x50: {  	v62 =	vld [tilespmem:s28+$0xD250]  }
0x51: {  	v63 =	vld [tilespmem:s28+$0x5250]  }
0x52: {  	v48 =	vld [tilespmem:s28+$0x5200]  }
0x53: {  	v53 =	vld [tilespmem:s28+$0xD200]  }
0x54: {  	v55 =	vld [tilespmem:s28+$0x52E0];
	v27 =	vadd.f32 v27, v29  }
0x55: {  	v60 =	vld [tilespmem:s28+$0x5210];
	v36 =	vadd.f32 v37, v36;
	v40 =	vadd.f32 v41, v40  }
0x56: {  	v47 =	vld [tilespmem:s28+$0xD240];
	v32 =	vadd.f32 v39, v32;
	v31 =	vadd.f32 v31, v34  }
0x57: {  	v50 =	vld [tilespmem:s28+$0x5240];
	v46 =	vadd.f32 v43, v44;
	v24 =	vadd.f32 v33, v24  }
0x58: {  	v34 =	vadd.f32 v62, v63;
	v21 =	vadd.f32 v21, v27;
	v27 =	vld [tilespmem:s28+$0xD210]  }
0x59: {  	v26 =	vld [tilespmem:s28+$0x15200];
	v59 =	vadd.f32 v53, v48;
	v25 =	vadd.f32 v25, v55  }
0x5a: {  	v29 =	vld [tilespmem:s28+$0x15210];
	v35 =	vadd.f32 v35, v36;
	v30 =	vadd.f32 v30, v32  }
0x5b: {  	v38 =	vadd.f32 v38, v40;
	v28 =	vadd.f32 v28, v31  }
0x5c: {  	v45 =	vld [tilespmem:s28+$0x15240];
	v36 =	vadd.f32 v42, v46;
	v24 =	vadd.f32 v22, v24  }
0x5d: {  	v32 =	vadd.f32 v47, v50;
	v61 =	vmul.f32 $2.000000030e-01, v21;
	v27 =	vadd.f32 v27, v60  }
0x5e: {  	v23 =	vld [tilespmem:s28+$0x52B0];
	v37 =	vadd.f32 v26, v59;
	v49 =	vmul.f32 $2.000000030e-01, v30;
	v52 =	vmul.f32 $2.000000030e-01, v28  }
0x5f: {  	v31 =	vmul.f32 $2.000000030e-01, v35;
	v51 =	vmul.f32 $2.000000030e-01, v38;
	v27 =	vadd.f32 v29, v27;
	v29 =	vld [tilespmem:s28+$0xD2B0]  }
0x60: {  	v58 =	vld [tilespmem:s28+$0x152B0];
	v21 =	vmax.f32 v21, v61;
	v41 =	vmax.f32 v30, v49;
	v22 =	vmax.f32 v28, v52  }
0x61: {  	v28 =	vmax.f32 v35, v31;
	v31 =	vmul.f32 $2.000000030e-01, v24;
	v61 =	vadd.f32 v45, v32;
	v60 =	vld [tilespmem:s28+$0x15250]  }
0x62: {  	v56 =	vld [tilespmem:s28+$0x152E0];
	v30 =	vmul.f32 $2.000000030e-01, v36;
	v54 =	vmax.f32 v38, v51;
	v38 =	vmul.f32 $2.000000030e-01, v37  }
0x63: {  	v33 =	vld [tilespmem:s28+$0x52C0];
	v28 =	vmul.f32 v28, v12;
	v24 =	vmax.f32 v24, v31;
	v63 =	vmul.f32 $2.000000030e-01, v61  }
0x64: {  	v35 =	vld [tilespmem:s28+$0x152D0];
	v62 =	vmul.f32 v24, v13;
	v24 =	vmax.f32 v36, v30;
	v30 =	vadd.f32 v29, v23  }
0x65: {  	v22 =	vmul.f32 v22, v11;
	v31 =	vadd.f32 $0.0e+00, v28;
	v28 =	vld [tilespmem:s28+$0xD2D0];
	v57 =	vmul.f32 $2.000000030e-01, v27  }
0x66: {  	v40 =	vmax.f32 v61, v63;
	v32 =	vadd.f32 v60, v34;
	v29 =	vld [tilespmem:s28+$0xD2C0];
	v36 =	vadd.f32 v58, v30  }
0x67: {  	v26 =	vmax.f32 v27, v57;
	v27 =	vmul.f32 v54, v6;
	v23 =	vadd.f32 v62, v31;
	v31 =	vld [tilespmem:s28+$0x52D0]  }
0x68: {  	s29 =	simm.s32 $0x1D200;
	s30 =	simm.s32 $0x400;
	s26 =	simm.s32 $0x1D200;
	v34 =	vld [tilespmem:s28+$0x152C0];
	v30 =	vadd.f32 v56, v25;
	v25 =	vmul.f32 v41, v7;
	v39 =	vmul.f32 $2.000000030e-01, v36  }
.LBB2_3:
0x69: {  	p0 =	sne.s32 s30, $0x1FC00  }
0x6a: {  	v37 =	vmax.f32 v37, v38;
	v38 =	vmul.f32 $2.000000030e-01, v32;
	v41 =	vmul.f32 $2.000000030e-01, v30;
	s29 =	sadd.s32 $0x10, s29;
	s31 =	smov.u32 s30;
	s30 =	sadd.s32 $0x400, s30  }
0x6b: {  	v40 =	vmul.f32 v40, v8;
	v36 =	vmax.f32 v36, v39;
	v29 =	vadd.f32 v29, v33;
	v33 =	vld [tilespmem:s28+$0xD2F0]  }
0x6c: {  	v37 =	vmul.f32 v37, v4;
	v28 =	vadd.f32 v28, v31;
	v30 =	vmax.f32 v30, v41;
	v31 =	vld [tilespmem:s28+$0x52F0]  }
0x6d: {  	v39 =	vadd.f32 $0.0e+00, v40;
	v32 =	vmax.f32 v32, v38;
	v29 =	vadd.f32 v34, v29  }
0x6e: {  	v34 =	vadd.f32 $0.0e+00, v37;
	v32 =	vmul.f32 v32, v9;
	v28 =	vadd.f32 v35, v28;
	v35 =	vld [tilespmem:s28+$0x152F0]  }
0x6f: {  	v26 =	vmul.f32 v26, v5;
	v37 =	vmul.f32 $2.000000030e-01, v29  }
0x70: {  	v24 =	vmul.f32 v24, v10;
	v32 =	vadd.f32 v32, v39;
	v38 =	vmul.f32 $2.000000030e-01, v28  }
0x71: {  	v26 =	vadd.f32 v26, v34;
	v29 =	vmax.f32 v29, v37;
	v31 =	vadd.f32 v33, v31  }
0x72: {  	v24 =	vadd.f32 v24, v32;
	v29 =	vmul.f32 v29, v16;
	v28 =	vmax.f32 v28, v38  }
0x73: {  	v21 =	vmul.f32 v21, v14;
	v26 =	vadd.f32 v27, v26;
	v27 =	vadd.f32 v35, v31  }
0x74: {  	v22 =	vadd.f32 v22, v24;
	v28 =	vmul.f32 v28, v17;
	v24 =	vadd.f32 $0.0e+00, v29  }
0x75: {  	v21 =	vadd.f32 v21, v23;
	v25 =	vadd.f32 v25, v26;
	v23 =	vmul.f32 $2.000000030e-01, v27  }
0x76: {  	v26 =	vmul.f32 v36, v15;
	v24 =	vadd.f32 v28, v24;
	v28 =	vmul.f32 v30, v19  }
0x77: {  	v23 =	vmax.f32 v27, v23;
	(xrf2) =	vadd.scan.msk.f32 $0xffff, v25  }
0x78: {  	v21 =	vadd.f32 v26, v21;
	v24 =	vadd.f32 v28, v24;
	v23 =	vmul.f32 v23, v20;
	_ =	sdelay $0x1  }
0x79: {  	v23 =	vadd.f32 v23, v24;
	(xrf2) =	vadd.scan.msk.f32 $0xffff, v22;
	_ =	sdelay $0x2  }
0x7a: {  	(xrf2) =	vadd.scan.msk.f32 $0xffff, v21;
	_ =	sdelay $0x2  }
0x7b: {  	(xrf2) =	vadd.scan.msk.f32 $0xffff, v23  }
0x7c: {  	v21, _, _ =	vpop (xrf2)  }
0x7d: {  	v21 =	vbroadcast v21, $0xF;
	_ =	sdelay $0x1  }
0x7e: {  	v21 =	vmul.f32 v0, v21;
	v22, _, _ =	vpop (xrf2)  }
0x7f: {  	v22 =	vbroadcast v22, $0xF;
	_ =	sdelay $0x1  }
0x80: {  	v23, _, _ =	vpop (xrf2)  }
0x81: {  	v23 =	vbroadcast v23, $0xF  }
0x82: {  	v21 =	vadd.f32 $0.0e+00, v21;
	v22 =	vmul.f32 v1, v22  }
0x83: {  	v24, _, _ =	vpop (xrf2)  }
0x84: {  	v21 =	vadd.f32 v22, v21;
	v22 =	vmul.f32 v2, v23;
	v23 =	vbroadcast v24, $0xF;
	_ =	sdelay $0x1  }
0x85: {  	v21 =	vadd.f32 v22, v21;
	v22 =	vmul.f32 v3, v23;
	_ =	sdelay $0x1  }
0x86: {  	v21 =	vadd.f32 v22, v21;
	_ =	sdelay $0x1  }
0x87: {  	s28 =	sshra.s32 s31, $0x2;
	[tilespmem:s26+$0x0] =	vst v21;
	v18 =	vmax.f32 v18, v21;
	s26 =	smov.u32 s29  }
0x88: {  	v23 =	vld [tilespmem:s28+$0x52B0]  }
0x89: {  	v25 =	vld [tilespmem:s28+$0xD2E0]  }
0x8a: {  	v22 =	vld [tilespmem:s28+$0x15290]  }
0x8b: {  	v21 =	vld [tilespmem:s28+$0x152A0]  }
0x8c: {  	v24 =	vld [tilespmem:s28+$0x5290]  }
0x8d: {  	v26 =	vld [tilespmem:s28+$0x15200]  }
0x8e: {  	v27 =	vld [tilespmem:s28+$0xD2A0]  }
0x8f: {  	v28 =	vld [tilespmem:s28+$0x15270]  }
0x90: {  	v29 =	vld [tilespmem:s28+$0x52A0]  }
0x91: {  	v30 =	vld [tilespmem:s28+$0x15230]  }
0x92: {  	v31 =	vld [tilespmem:s28+$0xD270]  }
0x93: {  	v32 =	vld [tilespmem:s28+$0x5230]  }
0x94: {  	v33 =	vld [tilespmem:s28+$0xD290]  }
0x95: {  	v34 =	vld [tilespmem:s28+$0x5270];
	v27 =	vadd.f32 v27, v29  }
0x96: {  	v29 =	vld [tilespmem:s28+$0x15280]  }
0x97: {  	v35 =	vld [tilespmem:s28+$0x5280];
	v21 =	vadd.f32 v21, v27  }
0x98: {  	v27 =	vld [tilespmem:s28+$0xD280]  }
0x99: {  	v36 =	vld [tilespmem:s28+$0x15220];
	v37 =	vmul.f32 $2.000000030e-01, v21  }
0x9a: {  	v38 =	vld [tilespmem:s28+$0xD230]  }
0x9b: {  	v39 =	vld [tilespmem:s28+$0x5220];
	v21 =	vmax.f32 v21, v37  }
0x9c: {  	v37 =	vld [tilespmem:s28+$0xD220]  }
0x9d: {  	v40 =	vld [tilespmem:s28+$0x15260]  }
0x9e: {  	v41 =	vld [tilespmem:s28+$0xD260]  }
0x9f: {  	v42 =	vld [tilespmem:s28+$0x5260]  }
0xa0: {  	v27 =	vadd.f32 v27, v35;
	v43 =	vld [tilespmem:s28+$0x15210]  }
0xa1: {  	v35 =	vadd.f32 v37, v39;
	v37 =	vld [tilespmem:s28+$0x15240]  }
0xa2: {  	v39 =	vld [tilespmem:s28+$0xD210]  }
0xa3: {  	v32 =	vadd.f32 v38, v32;
	v27 =	vadd.f32 v29, v27;
	v44 =	vld [tilespmem:s28+$0x5210]  }
0xa4: {  	v31 =	vadd.f32 v31, v34;
	v29 =	vld [tilespmem:s28+$0xD250];
	v38 =	vadd.f32 v41, v42  }
0xa5: {  	v30 =	vadd.f32 v30, v32;
	v34 =	vadd.f32 v36, v35;
	v32 =	vld [tilespmem:s28+$0x5250]  }
0xa6: {  	v28 =	vadd.f32 v28, v31;
	v31 =	vmul.f32 $2.000000030e-01, v27;
	v35 =	vld [tilespmem:s28+$0xD240]  }
0xa7: {  	v24 =	vadd.f32 v33, v24;
	v41 =	vmul.f32 $2.000000030e-01, v30;
	v38 =	vadd.f32 v40, v38;
	v36 =	vld [tilespmem:s28+$0x5200]  }
0xa8: {  	v42 =	vmul.f32 $2.000000030e-01, v28;
	v33 =	vadd.f32 v39, v44;
	v39 =	vmul.f32 $2.000000030e-01, v34;
	v40 =	vld [tilespmem:s28+$0x5240]  }
0xa9: {  	v41 =	vmax.f32 v30, v41;
	v30 =	vadd.f32 v22, v24;
	v44 =	vld [tilespmem:s28+$0xD200]  }
0xaa: {  	v22 =	vmax.f32 v28, v42;
	v24 =	vmul.f32 $2.000000030e-01, v38;
	v33 =	vadd.f32 v43, v33;
	v42 =	vld [tilespmem:s28+$0xD2B0]  }
0xab: {  	v27 =	vmax.f32 v27, v31;
	v22 =	vmul.f32 v22, v11;
	v39 =	vmax.f32 v34, v39;
	v31 =	vld [tilespmem:s28+$0x52E0]  }
0xac: {  	v28 =	vmul.f32 $2.000000030e-01, v30;
	v32 =	vadd.f32 v29, v32;
	v34 =	vmul.f32 $2.000000030e-01, v33;
	v43 =	vld [tilespmem:s28+$0x152E0]  }
0xad: {  	v27 =	vmul.f32 v27, v12;
	v29 =	vadd.f32 v35, v40;
	v35 =	vld [tilespmem:s28+$0x152B0]  }
0xae: {  	v24 =	vmax.f32 v38, v24;
	v28 =	vmax.f32 v30, v28;
	v36 =	vadd.f32 v44, v36;
	v40 =	vld [tilespmem:s28+$0x15250]  }
0xaf: {  	v27 =	vadd.f32 $0.0e+00, v27;
	v30 =	vmul.f32 v28, v13;
	v44 =	vadd.f32 v37, v29;
	v28 =	vld [tilespmem:s28+$0xD2D0]  }
.Ltmp0:
0xb0: {  	v38 =	vadd.f32 v42, v23;
	v29 =	vld [tilespmem:s28+$0xD2C0];
	v25 =	vadd.f32 v25, v31;
	(pc) =	sbr.rel @p0 .LBB2_3-.Ltmp0, $4  }
0xb1: {  	v23 =	vadd.f32 v30, v27;
	v37 =	vadd.f32 v26, v36;
	v26 =	vmax.f32 v33, v34;
	v33 =	vld [tilespmem:s28+$0x52C0]  }
0xb2: {  	v42 =	vmul.f32 $2.000000030e-01, v44;
	v36 =	vadd.f32 v35, v38;
	v31 =	vld [tilespmem:s28+$0x52D0];
	v30 =	vadd.f32 v43, v25  }
0xb3: {  	v38 =	vmul.f32 $2.000000030e-01, v37;
	v25 =	vmul.f32 v41, v7;
	v32 =	vadd.f32 v40, v32;
	v34 =	vld [tilespmem:s28+$0x152C0]  }
0xb4: {  	v27 =	vmul.f32 v39, v6;
	v40 =	vmax.f32 v44, v42;
	v39 =	vmul.f32 $2.000000030e-01, v36;
	v35 =	vld [tilespmem:s28+$0x152D0]  }
0xb5: {  	v37 =	vmax.f32 v37, v38;
	v49 =	vmul.f32 $2.000000030e-01, v32;
	v41 =	vmul.f32 $2.000000030e-01, v30  }
0xb6: {  	v40 =	vmul.f32 v40, v8;
	v50 =	vld [tilespmem:s28+$0xD2F0];
	v26 =	vmul.f32 v26, v5;
	v29 =	vadd.f32 v29, v33  }
0xb7: {  	v51 =	vld [tilespmem:s28+$0x52F0];
	v24 =	vmul.f32 v24, v10;
	v37 =	vmul.f32 v37, v4  }
0xb8: {  	v28 =	vadd.f32 v28, v31;
	v32 =	vmax.f32 v32, v49;
	v29 =	vadd.f32 v34, v29  }
0xb9: {  	v54 =	vld [tilespmem:s28+$0x152F0];
	v52 =	vadd.f32 $0.0e+00, v40;
	v53 =	vadd.f32 $0.0e+00, v37;
	v32 =	vmul.f32 v32, v9  }
0xba: {  	v21 =	vmul.f32 v21, v14;
	v28 =	vadd.f32 v35, v28;
	v55 =	vmul.f32 $2.000000030e-01, v29  }
0xbb: {  	v36 =	vmax.f32 v36, v39;
	v32 =	vadd.f32 v32, v52;
	v26 =	vadd.f32 v26, v53  }
0xbc: {  	v31 =	vadd.f32 v50, v51;
	v56 =	vmul.f32 $2.000000030e-01, v28;
	v29 =	vmax.f32 v29, v55  }
0xbd: {  	v30 =	vmax.f32 v30, v41;
	v26 =	vadd.f32 v27, v26;
	v29 =	vmul.f32 v29, v16  }
0xbe: {  	v24 =	vadd.f32 v24, v32;
	v58 =	vadd.f32 v54, v31;
	v57 =	vmax.f32 v28, v56  }
0xbf: {  	v27 =	vmul.f32 v57, v17;
	v25 =	vadd.f32 v25, v26;
	v29 =	vadd.f32 $0.0e+00, v29  }
0xc0: {  	v21 =	vadd.f32 v21, v23;
	v59 =	vmul.f32 v36, v15;
	v23 =	vmul.f32 $2.000000030e-01, v58  }
0xc1: {  	v61 =	vmul.f32 v30, v19;
	v22 =	vadd.f32 v22, v24;
	(xrf2) =	vadd.scan.msk.f32 $0xffff, v25;
	v60 =	vadd.f32 v27, v29  }
0xc2: {  	v23 =	vmax.f32 v58, v23  }
0xc3: {  	v21 =	vadd.f32 v59, v21;
	v23 =	vmul.f32 v23, v20;
	(xrf2) =	vadd.scan.msk.f32 $0xffff, v22;
	v62 =	vadd.f32 v61, v60;
	_ =	sdelay $0x1  }
0xc4: {  	(xrf2) =	vadd.scan.msk.f32 $0xffff, v21;
	v22 =	vadd.f32 v23, v62;
	_ =	sdelay $0x1  }
0xc5: {  	(xrf2) =	vadd.scan.msk.f32 $0xffff, v22;
	_ =	sdelay $0x3  }
0xc6: {  	v21, _, _ =	vpop (xrf2)  }
0xc7: {  	v21 =	vbroadcast v21, $0xF  }
0xc8: {  	v22, _, _ =	vpop (xrf2)  }
0xc9: {  	v22 =	vbroadcast v22, $0xF;
	v21 =	vmul.f32 v0, v21  }
0xca: {  	v23, _, _ =	vpop (xrf2)  }
0xcb: {  	v23 =	vbroadcast v23, $0xF;
	v22 =	vmul.f32 v1, v22;
	v21 =	vadd.f32 $0.0e+00, v21  }
0xcc: {  	v63, _, _ =	vpop (xrf2)  }
0xcd: {  	v21 =	vadd.f32 v22, v21;
	v22 =	vmul.f32 v2, v23;
	v23 =	vbroadcast v63, $0xF;
	_ =	sdelay $0x1  }
0xce: {  	v21 =	vadd.f32 v22, v21;
	v22 =	vmul.f32 v3, v23;
	_ =	sdelay $0x1  }
0xcf: {  	s24 =	sadd.s32 $0x1, s24;
	v21 =	vadd.f32 v22, v21  }
0xd0: {  	s25 =	sshll.u32 s25, $0x1;
	p0 =	sne.s32 s24, $0x52  }
.Ltmp1:
0xd1: {  	s25 =	sadd.s32 s8, s25;
	[tilespmem:s26+$0x0] =	vst v21;
	(pc) =	sbr.rel @p0 .LBB2_2-.Ltmp1, $4  }
0xd2: {  	[hbm4b:s25+s3] =	stream.linear.scatter [tilespmem:s21], [sflag:$0x2], $0x800, $0x38;
	[tilespmem:$0x1DB10] =	vst v63  }
0xd3: {  	_ =	swait.ge [sflag:s14], $0x800  }
0xd4: {  	[sflag:s14] =	ssyncset.done $0x0  }
0xd5: {  	v18 =	vmax.f32 v18, v21;
	[sflag:s14] =	ssyncadd.s32 $0xFFFFF800  }
0xd6: {  	s23 =	sadd.s32 $0x1, s23  }
0xd7: {  	p0 =	sne.s32 s23, s12  }
.Ltmp2:
0xd8: {  	[tilespmem:$0x1DB00] =	vst v18;
	(pc) =	sbr.rel @p0 .LBB2_1-.Ltmp2, $4  }
0xd9: {  	[hbm4b:s11+s3] =	stream.linear.scatter [tilespmem:s22], [sflag:$0x2], $0x10, $0x38;
	[tilespmem:$0x1DB10] =	vst v63  }
0xda: {  	_ =	swait.ge [sflag:s14], $0x10  }
0xdb: {  	[sflag:s14] =	ssyncset.done $0x0  }
0xdc: {  	[sflag:s14] =	ssyncadd.s32 $0xFFFFFFF0  }
0xdd: {  	_ =	sfence.sel $0x180000  }
0xde: {  	[bflag:$0x0] =	sbarrier.arrive $0xFFFF  }
0xdf: {  	p0 =	sne.s32 s0, $0x0;
	_ =	strace $0x90000050  }
0xe0: {  	s0 =	sadd.s32 @!p0 $0x100000, s1;
	[bflag:$0x2] =	sbarrier.arrive $0xFFFF  }
0xe1: {  	[sflag:s0] =	ssyncadd.tile.s32 @!p0 $0x1;
	_ =	shalt  }
.Lfunc_end2:
_tile_overlayer_lowered:
.L_overlay_start_2:
0xe2: {  	(tag) =	ssettag $0x2  }
0xe3: {  	s0 =	rddreg [dreg:$0x0];
	s2 =	stileid.u32  }
0xe4: {  	s1 =	rddreg [dreg:$0x1];
	p0 =	sne.s32 s2, $0x0  }
0xe5: {  	s3 =	rddreg [dreg:$0x2];
	[bflag:$0x3] =	sbarrier.arrive $0xFFFF;
	s2 =	simm.s32 @!p0 $0x1C02  }
0xe6: {  	[timem:s3], [sflag:s2] =	dma.local @!p0 [hbm:s0], s1  }
0xe7: {  	s0 =	simm.s32 @!p0 $0x2  }
0xe8: {  	_ =	swait.ge @!p0 [sflag:s0], s1  }
0xe9: {  	s1 =	ssub.s32 @!p0 $0x0, s1;
	[sflag:s0] =	ssyncset.done @!p0 $0x0  }
0xea: {  	[sflag:s0] =	ssyncadd.s32 @!p0 s1  }
0xeb: {  	[bflag:$0x3] =	sbarrier.arrive $0xFFFF  }
0xec: {  	_ =	shalt  }

// kernel: kernel.20.cloned.1.call-start
scs
__scs_entry_jumppad:
0x0: {  	(pc) =	sbr.rel $0x88, $3  }
0x1: {  	(tag) =	ssettag $0x0;
	lr =	simm.s32 $0x1  }
0x2: {  	[smem:$0x3F84] =	sst lr;
	_ =	strace $0xD0000000  }
0x3: {  	_ = 	snop  }
0x4: {  	_ = 	snop  }
0x5: {  	_ = 	snop  }
0x6: {  	_ = 	snop  }
0x7: {  	_ = 	snop  }
__scs_overlays_trampoline_lowered:
0x8: {  	[smem:$0x3F93] =	sst s0  }
0x9: {  	[smem:$0x3F94] =	sst s1  }
0xa: {  	[smem:$0x3F95] =	sst s2  }
0xb: {  	[smem:$0x3F96] =	sst s3  }
0xc: {  	[smem:$0x3F97] =	sst s4  }
0xd: {  	[smem:$0x3F98] =	sst s5  }
0xe: {  	[smem:$0x3F99] =	sst s6  }
0xf: {  	[smem:$0x3F9A] =	sst s7  }
0x10: {  	[smem:$0x3F9B] =	sst s8  }
0x11: {  	[smem:$0x3F9C] =	sst s9;
	s0 =	simm.s32 @!p0 $0x0  }
0x12: {  	s1 =	sld [smem:$0x3F82];
	s0 =	simm.s32 @p0 $0x1  }
0x13: {  	[smem:$0x3F9D] =	sst s0;
	s0 =	simm.s32 @!p1 $0x0  }
0x14: {  	s2 =	sld [smem:$0x3F81];
	s0 =	simm.s32 @p1 $0x1  }
0x15: {  	[smem:$0x3F9E] =	sst s0;
	s0 =	simm.s32 @!p2 $0x0  }
0x16: {  	s3 =	sld [smem:$0x3FDB];
	s0 =	simm.s32 @p2 $0x1  }
0x17: {  	s4 =	simm.s32 $0x1BF5;
	[smem:$0x3FA0] =	sst s0  }
0x18: {  	s0 =	sld [smem:$0x3F83];
	_ =	swait.ge [sflag:s4], $0x0  }
0x19: {  	s7 =	sld [smem:$0x3F84]  }
0x1a: {  	s8 =	sadd.s32 $0xFFFFE003, lr  }
0x1b: {  	s9 =	sadd.s32 $0xFFFFFEF7, lr;
	s5 =	simm.s32 $0xFFFFFFFF;
	p2 =	slt.u32 s8, $0xFFFFF086  }
0x1c: {  	p1 =	slt.u32 s9, $0xF7A;
	s5 =	simm.s32 @!p2 $0x0  }
0x1d: {  	s5 =	simm.s32 @p1 $0x1;
	p0 =	seq.s32 s7, s2  }
0x1e: {  	s7 =	smul.u32 @!p0 $0xF7A, s2;
	p2 =	seq.s32 @!p0 s5, $0x0  }
0x1f: {  	s9 =	smul.u32 $0xF7A, s1;
	s8 =	simm.s32 @!p0 $0x1BF5;
	p2 =	por !p2, p0  }
0x20: {  	[sflag:s8] =	ssyncset.s32 @!p0 $0xFFFFF086;
	s6 =	sadd.s32 @!p0 s3, s7;
	s7 =	simm.s32 @!p0 $0x108  }
0x21: {  	s3 =	sadd.s32 s3, s9;
	s6 =	sadd.s32 @!p0 $0x88, s6;
	s7 =	simm.s32 @p2 $0x1082  }
0x22: {  	[simem:s7], [sflag:s8] =	dma.local @!p0 [hbm:s6], $0xF7A  }
0x23: {  	s9 =	sor.u32 $0xD0000000, s2;
	s6 =	simm.s32 $0x108;
	_ =	swait.ge @!p0 [sflag:s8], $0x0  }
0x24: {  	s3 =	sadd.s32 $0x88, s3;
	s6 =	simm.s32 @!p1 $0x1082;
	[sflag:s4] =	ssyncset.s32 $0xFFFFF086  }
0x25: {  	[simem:s6], [sflag:s4] =	dma.local [hbm:s3], $0xF7A  }
0x26: {  	[smem:$0x3F84] =	sst s1;
	(tag) =	ssettag s2;
	_ =	strace s9  }
0x27: {  	s1 =	sld [smem:$0x3F94]  }
0x28: {  	s2 =	sld [smem:$0x3F95]  }
0x29: {  	s4 =	sld [smem:$0x3F97]  }
0x2a: {  	p0 =	seq.s32 s5, $0x0;
	s5 =	sld [smem:$0x3F98]  }
0x2b: {  	s6 =	sld [smem:$0x3F99]  }
0x2c: {  	s7 =	sld [smem:$0x3F9A]  }
0x2d: {  	s3 =	simm.s32 $0x108;
	s8 =	sld [smem:$0x3F9B]  }
0x2e: {  	s3 =	simm.s32 @!p0 $0x1082;
	s9 =	sld [smem:$0x3F9C]  }
0x2f: {  	lr =	sadd.s32 s0, s3;
	s0 =	sld [smem:$0x3F93]  }
0x30: {  	s3 =	sld [smem:$0x3F96]  }
0x31: {  	[smem:$0x3F9F] =	sst s10  }
0x32: {  	s10 =	sld [smem:$0x3F9D];
	_ =	sdelay $0x3  }
0x33: {  	p0 =	seq.s32 s10, $0x1;
	s10 =	sld [smem:$0x3F9F];
	_ =	sdelay $0x3  }
0x34: {  	[smem:$0x3F9F] =	sst s10  }
0x35: {  	s10 =	sld [smem:$0x3F9E];
	_ =	sdelay $0x3  }
0x36: {  	p1 =	seq.s32 s10, $0x1;
	s10 =	sld [smem:$0x3F9F];
	_ =	sdelay $0x3  }
0x37: {  	[smem:$0x3F9F] =	sst s10  }
0x38: {  	s10 =	sld [smem:$0x3FA0]  }
0x39: {  	_ = 	snop;
	(pc) =	sbr.ind lr, $3  }
0x3a: {  	_ = 	snop  }
0x3b: {  	_ = 	snop  }
0x3c: {  	p2 =	seq.s32 s10, $0x1;
	s10 =	sld [smem:$0x3F9F]  }
0x3d: {  	_ =	shalt  }
0x3e: {  	_ =	shalt  }
0x3f: {  	_ =	shalt  }
0x40: {  	_ =	shalt  }
0x41: {  	_ =	shalt  }
0x42: {  	_ =	shalt  }
0x43: {  	_ =	shalt  }
0x44: {  	_ =	shalt  }
0x45: {  	_ =	shalt  }
0x46: {  	_ =	shalt  }
0x47: {  	_ =	shalt  }
0x48: {  	_ =	shalt  }
0x49: {  	_ =	shalt  }
0x4a: {  	_ =	shalt  }
0x4b: {  	_ =	shalt  }
0x4c: {  	_ =	shalt  }
0x4d: {  	_ =	shalt  }
0x4e: {  	_ =	shalt  }
0x4f: {  	_ =	shalt  }
0x50: {  	_ =	shalt  }
0x51: {  	_ =	shalt  }
0x52: {  	_ =	shalt  }
0x53: {  	_ =	shalt  }
0x54: {  	_ =	shalt  }
0x55: {  	_ =	shalt  }
0x56: {  	_ =	shalt  }
0x57: {  	_ =	shalt  }
0x58: {  	_ =	shalt  }
0x59: {  	_ =	shalt  }
0x5a: {  	_ =	shalt  }
0x5b: {  	_ =	shalt  }
0x5c: {  	_ =	shalt  }
0x5d: {  	_ =	shalt  }
0x5e: {  	_ =	shalt  }
0x5f: {  	_ =	shalt  }
0x60: {  	_ =	shalt  }
0x61: {  	_ =	shalt  }
0x62: {  	_ =	shalt  }
0x63: {  	_ =	shalt  }
0x64: {  	_ =	shalt  }
0x65: {  	_ =	shalt  }
0x66: {  	_ =	shalt  }
0x67: {  	_ =	shalt  }
0x68: {  	_ =	shalt  }
0x69: {  	_ =	shalt  }
0x6a: {  	_ =	shalt  }
0x6b: {  	_ =	shalt  }
0x6c: {  	_ =	shalt  }
0x6d: {  	_ =	shalt  }
0x6e: {  	_ =	shalt  }
0x6f: {  	_ =	shalt  }
0x70: {  	_ =	shalt  }
0x71: {  	_ =	shalt  }
0x72: {  	_ =	shalt  }
0x73: {  	_ =	shalt  }
0x74: {  	_ =	shalt  }
0x75: {  	_ =	shalt  }
0x76: {  	_ =	shalt  }
0x77: {  	_ =	shalt  }
0x78: {  	_ =	shalt  }
0x79: {  	_ =	shalt  }
0x7a: {  	_ =	shalt  }
0x7b: {  	_ =	shalt  }
0x7c: {  	_ =	shalt  }
0x7d: {  	_ =	shalt  }
0x7e: {  	_ =	shalt  }
0x7f: {  	_ =	shalt  }
0x80: {  	_ =	shalt  }
0x81: {  	_ =	shalt  }
0x82: {  	_ =	shalt  }
0x83: {  	_ =	shalt  }
0x84: {  	_ =	shalt  }
0x85: {  	_ =	shalt  }
0x86: {  	_ =	shalt  }
0x87: {  	_ =	shalt  }
.Lfunc_end0:
.L_simem_size_0:
called_computation.5_lowered:
.L_overlay_start_0:
0x88: {  	s2 =	sld [smem:$0x3FD9]  }
0x89: {  	s3 =	sld [smem:$0x3FFE];
	_ =	sdelay $0x1  }
0x8a: {  	s1 =	srdreg.scid  }
0x8b: {  	s0 =	sand.u32 $0x1, s1  }
0x8c: {  	s17 =	sshll.u32 s0, $0xA;
	s2 =	sadd.s32 s3, s2  }
0x8d: {  	s2 =	sadd.s32 s2, s17  }
0x8e: {  	[smem:$0x3FAB] =	sst s2  }
0x8f: {  	_ = 	snop  }
0x90: {  	s2 =	sld [smem:$0x3FD0];
	(tm) =	ssettm $0x1  }
0x91: {  	s18 =	sld [smem:$0x3FFB];
	_ =	sdelay $0x3  }
0x92: {  	_ =	strace s18  }
0x93: {  	s3 =	sld [smem:$0x3FFC];
	_ =	sdelay $0x3  }
0x94: {  	_ =	strace s3  }
0x95: {  	s3 =	sld [smem:$0x3FFD];
	_ =	sdelay $0x3  }
0x96: {  	_ =	strace s3  }
0x97: {  	_ =	strace $0x8FFFFFFF  }
0x98: {  	s19 =	sld [smem:$0x3FDB];
	_ =	sdelay $0x1  }
0x99: {  	s4 =	simm.s32 $_scs_section_size  }
0x9a: {  	s5 =	simm.s32 $_size__tile_overlayer_lowered;
	s6 =	simm.s32 $_tile_overlayer_lowered  }
0x9b: {  	s22 =	simm.s32 $0x1BFF;
	s21 =	sshll.u32 s6, $0x1;
	s3 =	sadd.s32 s4, s19  }
0x9c: {  	s7 =	simm.s32 $0x0;
	s20 =	sshll.u32 s5, $0x1;
	s5 =	sadd.s32 s21, s3  }
0x9d: {  	[timem:s7], [sflag:s22] =	dma.local [hbm:s5], s20  }
0x9e: {  	_ =	swait.ge [sflag:s22], s20  }
0x9f: {  	s4 =	ssub.s32 $0x0, s20;
	[sflag:s22] =	ssyncset.done $0x0  }
0xa0: {  	[sflag:s22] =	ssyncadd.s32 s4;
	_ =	sdelay $0x1  }
0xa1: {  	s23 =	simm.s32 $0x1B8B  }
0xa2: {  	_ =	swait.ge [sflag:s23], $0x1  }
0xa3: {  	[sflag:s23] =	ssyncset.done $0x0  }
0xa4: {  	s25 =	simm.s32 $0x1B8E;
	s24 =	sld [smem:$0x3FFE];
	[sflag:s23] =	ssyncadd.s32 $0xFFFFFFFF  }
0xa5: {  	s26 =	simm.s32 $execute0_lowered;
	[smem:$0x3FD2] =	sst s25  }
0xa6: {  	s5 =	sshll.u32 s26, $0x1;
	_ =	strace $0x80000052;
	[dreg:$0x1] =	wrdreg $0xFFFFFFFF  }
0xa7: {  	s28 =	simm.s32 $_size_execute0_lowered;
	s3 =	sadd.s32 s3, s5;
	[dreg:$0x0] =	wrdreg $0x0  }
0xa8: {  	s5 =	sshll.u32 s28, $0x1;
	[dreg:$0x2] =	wrdreg s3  }
0xa9: {  	[dreg:$0x3] =	wrdreg s5  }
0xaa: {  	[dreg:$0x4] =	wrdreg $0xC0  }
0xab: {  	_ =	task [dreg:s7], $0x5FFFF  }
0xac: {  	[dreg:$0x1] =	wrdreg $0xFFFFFFFF  }
0xad: {  	[dreg:$0x0] =	wrdreg $0x60  }
0xae: {  	[dreg:$0x2] =	wrdreg s24  }
0xaf: {  	[dreg:$0x3] =	wrdreg s2  }
0xb0: {  	[dreg:$0x4] =	wrdreg $0x91100  }
0xb1: {  	[dreg:$0x5] =	wrdreg $0xA  }
0xb2: {  	_ =	task.clear_ibuf [dreg:s7], $0x6FFFF;
	_ =	strace $0x90000052  }
0xb3: {  	s29 =	simm.s32 $0xA;
	_ =	strace $0x80000054  }
0xb4: {  	_ =	swait.ge [sflag:s29], $0x1  }
0xb5: {  	[sflag:s29] =	ssyncadd.s32 $0xFFFFFFFF  }
0xb6: {  	_ =	strace $0x90000054  }
0xb7: {  	_ =	sfence  }
0xb8: {  	s30 =	sld [smem:$0x0];
	_ =	sdelay $0x2  }
0xb9: {  	s31 =	sshll.u32 s1, $0xD;
	s1 =	sshrl.u32 s1, $0x2  }
0xba: {  	s3 =	sand.u32 $0x4000, s31;
	s1 =	sadd.s32 s1, s30  }
0xbb: {  	s0 =	sor.u32 s3, s0;
	s1 =	sshll.u32 s1, $0x11  }
0xbc: {  	s0 =	sor.u32 s1, s0  }
0xbd: {  	s0 =	sadd.s32 $0x8F2B, s0  }
0xbe: {  	[sflag:s0] =	ssyncadd.remote.s32 $0x1  }
0xbf: {  	_ =	sfence.sel $0xFFFF  }
0xc0: {  	[dreg:$0x0] =	wrdreg $0xFFFFFFFF;
	(pc) =	sbr.abs _section_cstart, $3  }
0xc1: {  	[dreg:$0x1] =	wrdreg $0xFFFFFFFF  }
0xc2: {  	_ =	task.clear_ibuf [dreg:s7], $0x2FFFF;
	_ =	strace $0x9FFFFFFF  }
0xc3: {  	(tm) =	ssettm $0x7FFFFFFF  }
tec
execute0_lowered:
.L_overlay_start_1:
0x0: {  	(tag) =	ssettag $0x1  }
0x1: {  	s0 =	rddreg [dreg:$0x0]  }
0x2: {  	s2 =	rddreg [dreg:$0x2]  }
0x3: {  	s3 =	simm.s32 $0x0;
	s1 =	srdreg.scid;
	s14 =	stileid.u32  }
0x4: {  	s21 =	simm.s32 $0x2;
	s22 =	simm.s32 $0x4100;
	s23 =	simm.s32 $0x80  }
0x5: {  	s24 =	simm.s32 $0x8900;
	s25 =	simm.s32 $0x1;
	s26 =	simm.s32 $0x100  }
0x6: {  	s28 =	simm.s32 $0x0;
	[smem:$0x7FF] =	sst s3;
	s5 =	sadd.s32 $0x62800, s0  }
0x7: {  	s6 =	sadd.s32 $0x58400, s0;
	s7 =	sadd.s32 $0x15CE00, s0;
	s8 =	sadd.s32 $0xBCC00, s0  }
0x8: {  	s4 =	sand.u32 $0x1, s1;
	s30 =	smul.u32 $0x5A000, s14;
	s9 =	sadd.s32 $0xE4C00, s0  }
0x9: {  	s10 =	sadd.s32 $0x6CC00, s0;
	s11 =	sadd.s32 $0x94C00, s0;
	_ =	strace $0x80000053  }
.Ltmp0:
0xa: {  	s12 =	ssub.s32 $0x2, s4;
	s1 =	sshrl.u32 s30, $0x2;
	(pc) =	sbr.rel .LBB2_1-.Ltmp0, $4  }
0xb: {  	p0 =	sne.s32 s4, $0x0;
	s31 =	sshrl.u32 s12, $0x1;
	s13 =	sadd.s32 s1, s2  }
0xc: {  	s0 =	ssub.s32 s12, s31;
	s12 =	smul.u32 $0x280, s14;
	s1 =	sadd.s32 $0x4800, s13  }
0xd: {  	s15 =	sadd.s32 $0x9000, s13;
	s16 =	sadd.s32 $0xD800, s13;
	s17 =	sadd.s32 $0x12000, s13  }
0xe: {  	v0 =	vimm.f32 $0.0e+00;
	vm0 =	vmxor vm0, vm0;
	vm1 =	vmmov $0xf;
	s19 =	smax.u32 s0, $0x1;
	[dreg:$0x4] =	wrdreg s1;
	s1 =	smul.u32 $0x5200, s14  }
.LBB2_18:
0xf: {  	s28 =	sadd.s32 $0x1, s28  }
0x10: {  	p1 =	sne.s32 s28, s19  }
.Ltmp1:
0x11: {  	_ = 	snop;
	(pc) =	sbr.rel @!p1 .LBB2_19-.Ltmp1, $1  }
0x12: {  	_ =	sdelay $0x3  }
.LBB2_1:
0x13: {  	s0 =	rddreg [dreg:$0x1];
	s4 =	simm.s32 $0x9100  }
0x14: {  	[tilespmem:s4], [sflag:$0x2] =	stream.linear.gather [hbm4b:s0+s3], $0x10, $0x38;
	[tilespmem:$0x1F910] =	vst v63  }
0x15: {  	_ =	swait.ge [sflag:s21], $0x10  }
0x16: {  	[sflag:s21] =	ssyncset.done $0x0  }
0x17: {  	[sflag:s21] =	ssyncadd.s32 $0xFFFFFFF0  }
0x18: {  	s0 =	simm.s32 $0x0;
	s4 =	simm.s32 $0x240;
	v1 =	vld [tilespmem:$0x9100]  }
.LBB2_2:
0x19: {  	p1 =	sne.s32 s4, $0x11DC0;
	[tilespmem:s0+$0x4180] =	vst v0  }
0x1a: {  	[tilespmem:s0+$0x4100] =	vst v0  }
0x1b: {  	[tilespmem:s0+$0x4110] =	vst v0  }
0x1c: {  	[tilespmem:s0+$0x4120] =	vst v0  }
.Ltmp2:
0x1d: {  	[tilespmem:s0+$0x4130] =	vst v0;
	(pc) =	sbr.rel @p1 .LBB2_2-.Ltmp2, $4  }
0x1e: {  	[tilespmem:s0+$0x4140] =	vst v0  }
0x1f: {  	[tilespmem:s0+$0x4150] =	vst v0  }
0x20: {  	[tilespmem:s0+$0x4160] =	vst v0  }
0x21: {  	[tilespmem:s0+$0x4170] =	vst v0;
	s0 =	sshra.s32 s4, $0x2;
	s4 =	sadd.s32 $0x240, s4  }
0x22: {  	[tilespmem:s0+$0x4180] =	vst v0  }
0x23: {  	[tilespmem:s0+$0x4100] =	vst v0  }
0x24: {  	[tilespmem:s0+$0x4110] =	vst v0  }
0x25: {  	[tilespmem:s0+$0x4120] =	vst v0  }
0x26: {  	[tilespmem:s0+$0x4130] =	vst v0  }
0x27: {  	[tilespmem:s0+$0x4140] =	vst v0  }
0x28: {  	[tilespmem:s0+$0x4150] =	vst v0  }
0x29: {  	[tilespmem:s0+$0x4160] =	vst v0  }
0x2a: {  	[tilespmem:s0+$0x4170] =	vst v0  }
0x2b: {  	[spmem:s13] =	stream.linear.scatter [tilespmem:s22], [sflag:$0x2], $0x4800, $0x38;
	[tilespmem:$0x1F910] =	vst v63  }
0x2c: {  	_ =	swait.ge [sflag:s21], $0x4800  }
0x2d: {  	[sflag:s21] =	ssyncset.done $0x0  }
0x2e: {  	s30 =	rddreg [dreg:$0x4];
	[sflag:s21] =	ssyncadd.s32 $0xFFFFB800  }
0x2f: {  	[spmem:s30] =	stream.linear.scatter [tilespmem:s22], [sflag:$0x2], $0x4800, $0x38;
	[tilespmem:$0x1F910] =	vst v63  }
0x30: {  	_ =	swait.ge [sflag:s21], $0x4800  }
0x31: {  	[sflag:s21] =	ssyncset.done $0x0  }
0x32: {  	[sflag:s21] =	ssyncadd.s32 $0xFFFFB800  }
0x33: {  	[spmem:s15] =	stream.linear.scatter [tilespmem:s22], [sflag:$0x2], $0x4800, $0x38;
	[tilespmem:$0x1F910] =	vst v63  }
0x34: {  	_ =	swait.ge [sflag:s21], $0x4800  }
0x35: {  	[sflag:s21] =	ssyncset.done $0x0  }
0x36: {  	[sflag:s21] =	ssyncadd.s32 $0xFFFFB800  }
0x37: {  	[spmem:s16] =	stream.linear.scatter [tilespmem:s22], [sflag:$0x2], $0x4800, $0x38;
	[tilespmem:$0x1F910] =	vst v63  }
0x38: {  	_ =	swait.ge [sflag:s21], $0x4800  }
0x39: {  	[sflag:s21] =	ssyncset.done $0x0  }
0x3a: {  	[sflag:s21] =	ssyncadd.s32 $0xFFFFB800  }
0x3b: {  	[spmem:s17] =	stream.linear.scatter [tilespmem:s22], [sflag:$0x2], $0x4800, $0x38;
	[tilespmem:$0x1F910] =	vst v63  }
.Ltmp3:
0x3c: {  	_ =	swait.ge [sflag:s21], $0x4800;
	(pc) =	sbr.rel @p0 .LBB2_11-.Ltmp3, $4  }
0x3d: {  	[sflag:s21] =	ssyncset.done $0x0  }
0x3e: {  	[sflag:s21] =	ssyncadd.s32 $0xFFFFB800  }
0x3f: {  	s29 =	simm.s32 $0x0;
	s0 =	smov.u32 s1;
	[bflag:$0x0] =	sbarrier.arrive $0xFFFF  }
0x40: {  	s31 =	simm.s32 $0x0;
	s18 =	smov.u32 s1;
	s4 =	simm.s32 $0x0  }
.LBB2_4:
0x41: {  	s4 =	sshll.u32 s31, $0x7  }
0x42: {  	s4 =	sadd.s32 s1, s4  }
0x43: {  	s14 =	sshrl.u32 s4, $0x3  }
0x44: {  	s18 =	sadd.s32 s5, s14  }
0x45: {  	[tilespmem:s29], [sflag:$0x1] =	stream.linear.gather [hbm4b:s18+s29], $0x80, $0x38;
	[tilespmem:$0x1F910] =	vst v63  }
0x46: {  	s4 =	sshll.u32 s4, $0x1;
	s14 =	sadd.s32 s6, s14  }
0x47: {  	[tilespmem:s23], [sflag:$0x1] =	stream.linear.gather [hbm4b:s14+s29], $0x80, $0x38;
	[tilespmem:$0x1F910] =	vst v63  }
0x48: {  	s4 =	sadd.s32 s7, s4  }
0x49: {  	[tilespmem:s24], [sflag:$0x1] =	stream.linear.gather [hbm4b:s4+s29], $0x800, $0x38;
	[tilespmem:$0x1F910] =	vst v63  }
0x4a: {  	_ =	swait.ge [sflag:s25], $0x80  }
0x4b: {  	[sflag:s25] =	ssyncset.done $0x0  }
0x4c: {  	[sflag:s25] =	ssyncadd.s32 $0xFFFFFF80  }
0x4d: {  	_ =	swait.ge [sflag:s25], $0x80  }
0x4e: {  	[sflag:s25] =	ssyncset.done $0x0  }
0x4f: {  	[sflag:s25] =	ssyncadd.s32 $0xFFFFFF80  }
0x50: {  	_ =	swait.ge [sflag:s25], $0x800  }
0x51: {  	[sflag:s25] =	ssyncset.done $0x0  }
0x52: {  	[sflag:s25] =	ssyncadd.s32 $0xFFFFF800  }
0x53: {  	[tilespmem:s26], [sflag:$0x1] =	stream.indirect.gather [hbm4b:s8+s23], $0x80, s29, s23, $0xb8;
	[tilespmem:$0x1F910] =	vst v63  }
0x54: {  	_ =	swait.ge [sflag:s25], $0x4000  }
0x55: {  	[sflag:s25] =	ssyncset.done $0x0  }
0x56: {  	s20 =	simm.s32 $0x0;
	[sflag:s25] =	ssyncadd.s32 $0xFFFFC000  }
0x57: {  	v2 =	vld [tilespmem:s20+$0x8900];
	_ =	sdelay $0x4  }
0x58: {  	v2 =	vsub.f32 v2, v1;
	_ =	sdelay $0x1  }
0x59: {  	v2 =	vmul.f32 $1.442695020e+00, v2;
	_ =	sdelay $0x1  }
0x5a: {  	(erf) = vpow2.f32 v2;
	_ =	sdelay $0x6  }
0x5b: {  	p1 =	slt.u32 s0, $0x50910;
	vm2 =	vmmov vm0;
	s4 =	simm.s32 $0x140  }
0x5c: {  	vm2 =	vmneg @p1 vm2;
	v2 =	vld [tilespmem:s4+$0xFFFFFFC0]  }
0x5d: {  	vm2 =	vmand vm2, vm1;
	v3 =	vpop (erf)  }
0x5e: {  	v3 =	vnsel vm2, $0x0, v3  }
0x5f: {  	v4 =	vbroadcast v3, $0x0;
	_ =	sdelay $0x1  }
0x60: {  	v2 =	vmul.f32 v4, v2  }
0x61: {  	s18 =	simm.s32 $0x4140  }
0x62: {  	[tilespmem:s18+$0xFFFFFFC0] =	vst v2  }
0x63: {  	v2 =	vld [tilespmem:s4+$0xFFFFFFD0];
	_ =	sdelay $0x4  }
0x64: {  	v2 =	vmul.f32 v4, v2;
	_ =	sdelay $0x1  }
0x65: {  	[tilespmem:s18+$0xFFFFFFD0] =	vst v2  }
0x66: {  	v2 =	vld [tilespmem:s4+$0xFFFFFFE0];
	_ =	sdelay $0x4  }
0x67: {  	v2 =	vmul.f32 v2, v4;
	_ =	sdelay $0x1  }
0x68: {  	[tilespmem:s18+$0xFFFFFFE0] =	vst v2  }
0x69: {  	v2 =	vld [tilespmem:s4+$0xFFFFFFF0];
	_ =	sdelay $0x4  }
0x6a: {  	v2 =	vmul.f32 v2, v4;
	_ =	sdelay $0x1  }
0x6b: {  	[tilespmem:s18+$0xFFFFFFF0] =	vst v2  }
0x6c: {  	v2 =	vld [tilespmem:s4+$0x0];
	_ =	sdelay $0x2  }
0x6d: {  	v63 =	vbroadcast v3, $0x1;
	_ =	sdelay $0x1  }
0x6e: {  	v2 =	vmul.f32 v2, v63;
	_ =	sdelay $0x1  }
0x6f: {  	[tilespmem:s18+$0x0] =	vst v2  }
0x70: {  	v2 =	vld [tilespmem:s4+$0x10];
	_ =	sdelay $0x4  }
0x71: {  	v2 =	vmul.f32 v2, v63;
	_ =	sdelay $0x1  }
0x72: {  	[tilespmem:s18+$0x10] =	vst v2  }
0x73: {  	v2 =	vld [tilespmem:s4+$0x20];
	_ =	sdelay $0x4  }
0x74: {  	v2 =	vmul.f32 v2, v63;
	_ =	sdelay $0x1  }
0x75: {  	[tilespmem:s18+$0x20] =	vst v2  }
0x76: {  	v2 =	vld [tilespmem:s4+$0x30];
	_ =	sdelay $0x4  }
0x77: {  	v2 =	vmul.f32 v2, v63  }
0x78: {  	[tilespmem:s18+$0x40] =	vst v3  }
0x79: {  	s30 =	smov.u32 s0;
	s14 =	simm.s32 $0x10;
	s20 =	simm.s32 $0x80;
	[tilespmem:s18+$0x30] =	vst v2  }
.LBB2_5:
0x7a: {  	p1 =	sne.s32 s20, $0x1FC0;
	v2 =	vld [tilespmem:s14+$0x8900];
	_ =	sdelay $0x4  }
0x7b: {  	v2 =	vsub.f32 v2, v1;
	_ =	sdelay $0x1  }
0x7c: {  	v2 =	vmul.f32 $1.442695020e+00, v2;
	_ =	sdelay $0x1  }
0x7d: {  	(erf) = vpow2.f32 v2;
	_ =	sdelay $0x5  }
0x7e: {  	s30 =	sadd.s32 $0x1, s30  }
0x7f: {  	s4 =	sadd.s32 $0x80, s4;
	vm2 =	vmmov vm0;
	p2 =	slt.u32 s30, $0x50910  }
0x80: {  	vm2 =	vmneg @p2 vm2;
	v2 =	vld [tilespmem:s4+$0xFFFFFFC0]  }
0x81: {  	vm2 =	vmand vm2, vm1;
	v3 =	vpop (erf)  }
0x82: {  	v3 =	vnsel vm2, $0x0, v3  }
0x83: {  	v4 =	vbroadcast v3, $0x0;
	_ =	sdelay $0x1  }
0x84: {  	v2 =	vmul.f32 v4, v2  }
0x85: {  	s18 =	sadd.s32 $0x90, s18  }
0x86: {  	[tilespmem:s18+$0xFFFFFFC0] =	vst v2  }
0x87: {  	v2 =	vld [tilespmem:s4+$0xFFFFFFD0];
	_ =	sdelay $0x4  }
0x88: {  	v2 =	vmul.f32 v4, v2;
	_ =	sdelay $0x1  }
0x89: {  	[tilespmem:s18+$0xFFFFFFD0] =	vst v2  }
0x8a: {  	v2 =	vld [tilespmem:s4+$0xFFFFFFE0];
	_ =	sdelay $0x4  }
0x8b: {  	v2 =	vmul.f32 v2, v4;
	_ =	sdelay $0x1  }
0x8c: {  	[tilespmem:s18+$0xFFFFFFE0] =	vst v2  }
0x8d: {  	v2 =	vld [tilespmem:s4+$0xFFFFFFF0];
	_ =	sdelay $0x4  }
0x8e: {  	v2 =	vmul.f32 v2, v4;
	_ =	sdelay $0x1  }
0x8f: {  	[tilespmem:s18+$0xFFFFFFF0] =	vst v2  }
0x90: {  	v2 =	vld [tilespmem:s4+$0x0];
	_ =	sdelay $0x2  }
0x91: {  	v4 =	vbroadcast v3, $0x1;
	_ =	sdelay $0x1  }
0x92: {  	v2 =	vmul.f32 v2, v4;
	_ =	sdelay $0x1  }
0x93: {  	[tilespmem:s18+$0x0] =	vst v2  }
0x94: {  	v2 =	vld [tilespmem:s4+$0x10];
	_ =	sdelay $0x4  }
0x95: {  	v2 =	vmul.f32 v2, v4;
	_ =	sdelay $0x1  }
0x96: {  	[tilespmem:s18+$0x10] =	vst v2  }
0x97: {  	v2 =	vld [tilespmem:s4+$0x20];
	_ =	sdelay $0x4  }
0x98: {  	v2 =	vmul.f32 v2, v4;
	_ =	sdelay $0x1  }
0x99: {  	[tilespmem:s18+$0x20] =	vst v2  }
0x9a: {  	v2 =	vld [tilespmem:s4+$0x30];
	[tilespmem:s18+$0x40] =	vst v3;
	_ =	sdelay $0x2  }
.Ltmp4:
0x9b: {  	(pc) =	sbr.rel @p1 .LBB2_5-.Ltmp4, $3  }
0x9c: {  	_ = 	snop  }
0x9d: {  	v2 =	vmul.f32 v2, v4;
	_ =	sdelay $0x1  }
0x9e: {  	s14 =	sshra.s32 s20, $0x2;
	s20 =	sadd.s32 $0x40, s20;
	[tilespmem:s18+$0x30] =	vst v2  }
0x9f: {  	v2 =	vld [tilespmem:s14+$0x8900];
	_ =	sdelay $0x4  }
0xa0: {  	v2 =	vsub.f32 v2, v1;
	_ =	sdelay $0x1  }
0xa1: {  	v2 =	vmul.f32 $1.442695020e+00, v2;
	_ =	sdelay $0x1  }
0xa2: {  	(erf) = vpow2.f32 v2;
	_ =	sdelay $0x5  }
0xa3: {  	s20 =	sadd.s32 $0x1, s30  }
0xa4: {  	s4 =	sadd.s32 $0x80, s4;
	vm2 =	vmmov vm0;
	p1 =	slt.u32 s20, $0x50910  }
0xa5: {  	vm2 =	vmneg @p1 vm2;
	v2 =	vld [tilespmem:s4+$0xFFFFFFC0]  }
0xa6: {  	vm2 =	vmand vm2, vm1;
	v3 =	vpop (erf)  }
0xa7: {  	v3 =	vnsel vm2, $0x0, v3  }
0xa8: {  	v4 =	vbroadcast v3, $0x0;
	_ =	sdelay $0x1  }
0xa9: {  	v2 =	vmul.f32 v4, v2  }
0xaa: {  	s30 =	sadd.s32 $0x90, s18  }
0xab: {  	[tilespmem:s30+$0xFFFFFFC0] =	vst v2  }
0xac: {  	v2 =	vld [tilespmem:s4+$0xFFFFFFD0];
	_ =	sdelay $0x4  }
0xad: {  	v2 =	vmul.f32 v4, v2;
	_ =	sdelay $0x1  }
0xae: {  	[tilespmem:s30+$0xFFFFFFD0] =	vst v2  }
0xaf: {  	v2 =	vld [tilespmem:s4+$0xFFFFFFE0];
	_ =	sdelay $0x4  }
0xb0: {  	v2 =	vmul.f32 v2, v4;
	_ =	sdelay $0x1  }
0xb1: {  	[tilespmem:s30+$0xFFFFFFE0] =	vst v2  }
0xb2: {  	v2 =	vld [tilespmem:s4+$0xFFFFFFF0];
	_ =	sdelay $0x4  }
0xb3: {  	v2 =	vmul.f32 v2, v4;
	_ =	sdelay $0x1  }
0xb4: {  	[tilespmem:s30+$0xFFFFFFF0] =	vst v2  }
0xb5: {  	v2 =	vld [tilespmem:s4+$0x0];
	_ =	sdelay $0x2  }
0xb6: {  	v63 =	vbroadcast v3, $0x1;
	_ =	sdelay $0x1  }
0xb7: {  	v2 =	vmul.f32 v2, v63;
	_ =	sdelay $0x1  }
0xb8: {  	[tilespmem:s30+$0x0] =	vst v2  }
0xb9: {  	v2 =	vld [tilespmem:s4+$0x10];
	_ =	sdelay $0x4  }
0xba: {  	v2 =	vmul.f32 v2, v63;
	_ =	sdelay $0x1  }
0xbb: {  	[tilespmem:s30+$0x10] =	vst v2  }
0xbc: {  	v2 =	vld [tilespmem:s4+$0x20];
	_ =	sdelay $0x4  }
0xbd: {  	v2 =	vmul.f32 v2, v63;
	_ =	sdelay $0x1  }
0xbe: {  	[tilespmem:s30+$0x20] =	vst v2  }
0xbf: {  	v2 =	vld [tilespmem:s4+$0x30];
	_ =	sdelay $0x4  }
0xc0: {  	s31 =	sadd.s32 $0x1, s31;
	v2 =	vmul.f32 v2, v63  }
0xc1: {  	p1 =	seq.s32 s31, $0xA4;
	[tilespmem:s30+$0x40] =	vst v3  }
.Ltmp5:
0xc2: {  	[tilespmem:s30+$0x30] =	vst v2;
	(pc) =	sbr.rel @!p1 .LBB2_4-.Ltmp5, $4  }
0xc3: {  	[spmem:s2] =	stream.indirect.scatter.add.f32 [tilespmem:s22], [sflag:$0x2], $0x90, s23, s23, $0xb8;
	[tilespmem:$0x1F910] =	vst v63  }
0xc4: {  	_ =	swait.ge [sflag:s21], $0x4800  }
0xc5: {  	[sflag:s21] =	ssyncset.done $0x0  }
0xc6: {  	s0 =	sadd.s32 $0x80, s0;
	[sflag:s21] =	ssyncadd.s32 $0xFFFFB800  }
0xc7: {  	[bflag:$0x0] =	sbarrier.arrive $0xFFFF;
	s4 =	simm.s32 $0x0  }
.LBB2_8:
0xc8: {  	s0 =	sshll.u32 s4, $0x7  }
0xc9: {  	s18 =	sadd.s32 s12, s0  }
0xca: {  	s0 =	smul.u32 $0x240, s18;
	_ =	sdelay $0x1  }
0xcb: {  	s0 =	sshra.s32 s0, $0x2  }
0xcc: {  	s0 =	sadd.s32 s0, s2  }
0xcd: {  	[tilespmem:s22], [sflag:$0x2] =	stream.linear.gather [spmem:s0], $0x4800, $0x38;
	[tilespmem:$0x1F910] =	vst v63  }
0xce: {  	_ =	swait.ge [sflag:s21], $0x4800  }
0xcf: {  	[sflag:s21] =	ssyncset.done $0x0  }
0xd0: {  	s29 =	simm.s32 $0x4140;
	[sflag:s21] =	ssyncadd.s32 $0xFFFFB800  }
0xd1: {  	s20 =	simm.s32 $0x200;
	s0 =	simm.s32 $0x0;
	v1 =	vld [tilespmem:s29+$0x40]  }
.LBB2_9:
0xd2: {  	p1 =	sne.s32 s20, $0xFE00;
	v2 =	vld [tilespmem:s29+$0xFFFFFFC0];
	_ =	sdelay $0x3  }
0xd3: {  	v1 =	vmax.f32 v1, $1.000000000e-30  }
0xd4: {  	(erf) = vrcp.f32 v1;
	_ =	sdelay $0x8  }
0xd5: {  	v1 =	vpop (erf)  }
0xd6: {  	v3 =	vbroadcast v1, $0x0;
	_ =	sdelay $0x1  }
0xd7: {  	v2 =	vmul.f32 v3, v2  }
0xd8: {  	s30 =	sshra.s32 s0, $0x2;
	s0 =	smov.u32 s20  }
0xd9: {  	[tilespmem:s30+$0x100] =	vst v2  }
0xda: {  	v2 =	vld [tilespmem:s29+$0xFFFFFFD0];
	_ =	sdelay $0x4  }
0xdb: {  	v2 =	vmul.f32 v2, v3;
	_ =	sdelay $0x1  }
0xdc: {  	[tilespmem:s30+$0x110] =	vst v2  }
0xdd: {  	v2 =	vld [tilespmem:s29+$0xFFFFFFE0];
	_ =	sdelay $0x4  }
0xde: {  	v2 =	vmul.f32 v2, v3;
	_ =	sdelay $0x1  }
0xdf: {  	[tilespmem:s30+$0x120] =	vst v2  }
0xe0: {  	v2 =	vld [tilespmem:s29+$0xFFFFFFF0];
	_ =	sdelay $0x4  }
0xe1: {  	v2 =	vmul.f32 v2, v3;
	_ =	sdelay $0x1  }
0xe2: {  	[tilespmem:s30+$0x130] =	vst v2  }
0xe3: {  	v2 =	vld [tilespmem:s29+$0x0];
	_ =	sdelay $0x2  }
0xe4: {  	v1 =	vbroadcast v1, $0x1;
	_ =	sdelay $0x1  }
0xe5: {  	v2 =	vmul.f32 v2, v1;
	_ =	sdelay $0x1  }
0xe6: {  	[tilespmem:s30+$0x140] =	vst v2  }
0xe7: {  	v2 =	vld [tilespmem:s29+$0x10];
	_ =	sdelay $0x4  }
0xe8: {  	v2 =	vmul.f32 v2, v1;
	_ =	sdelay $0x1  }
0xe9: {  	[tilespmem:s30+$0x150] =	vst v2  }
0xea: {  	v2 =	vld [tilespmem:s29+$0x20];
	_ =	sdelay $0x4  }
0xeb: {  	v2 =	vmul.f32 v2, v1;
	_ =	sdelay $0x1  }
0xec: {  	[tilespmem:s30+$0x160] =	vst v2  }
0xed: {  	v2 =	vld [tilespmem:s29+$0x30];
	_ =	sdelay $0x3  }
.Ltmp6:
0xee: {  	(pc) =	sbr.rel @p1 .LBB2_9-.Ltmp6, $3  }
0xef: {  	v1 =	vmul.f32 v2, v1;
	_ =	sdelay $0x1  }
0xf0: {  	s29 =	sadd.s32 $0x90, s29;
	[tilespmem:s30+$0x170] =	vst v1  }
0xf1: {  	s20 =	sadd.s32 $0x200, s20;
	v1 =	vld [tilespmem:s29+$0x40]  }
0xf2: {  	_ =	sdelay $0x3  }
0xf3: {  	v1 =	vmax.f32 v1, $1.000000000e-30  }
0xf4: {  	(erf) = vrcp.f32 v1;
	_ =	sdelay $0x6  }
0xf5: {  	v1 =	vld [tilespmem:s29+$0xFFFFFFC0];
	_ =	sdelay $0x1  }
0xf6: {  	v2 =	vpop (erf)  }
0xf7: {  	v3 =	vbroadcast v2, $0x0;
	_ =	sdelay $0x1  }
0xf8: {  	v1 =	vmul.f32 v3, v1  }
0xf9: {  	s0 =	sshra.s32 s0, $0x2  }
0xfa: {  	[tilespmem:s0+$0x100] =	vst v1  }
0xfb: {  	v1 =	vld [tilespmem:s29+$0xFFFFFFD0];
	_ =	sdelay $0x4  }
0xfc: {  	v1 =	vmul.f32 v1, v3;
	_ =	sdelay $0x1  }
0xfd: {  	[tilespmem:s0+$0x110] =	vst v1  }
0xfe: {  	v1 =	vld [tilespmem:s29+$0xFFFFFFE0];
	_ =	sdelay $0x4  }
0xff: {  	v1 =	vmul.f32 v1, v3;
	_ =	sdelay $0x1  }
0x100: {  	[tilespmem:s0+$0x120] =	vst v1  }
0x101: {  	v1 =	vld [tilespmem:s29+$0xFFFFFFF0];
	_ =	sdelay $0x4  }
0x102: {  	v1 =	vmul.f32 v1, v3;
	_ =	sdelay $0x1  }
0x103: {  	[tilespmem:s0+$0x130] =	vst v1  }
0x104: {  	v1 =	vld [tilespmem:s29+$0x0];
	_ =	sdelay $0x2  }
0x105: {  	v2 =	vbroadcast v2, $0x1;
	_ =	sdelay $0x1  }
0x106: {  	v1 =	vmul.f32 v1, v2;
	_ =	sdelay $0x1  }
0x107: {  	[tilespmem:s0+$0x140] =	vst v1  }
0x108: {  	v1 =	vld [tilespmem:s29+$0x10];
	_ =	sdelay $0x4  }
0x109: {  	v1 =	vmul.f32 v1, v2;
	_ =	sdelay $0x1  }
0x10a: {  	[tilespmem:s0+$0x150] =	vst v1  }
0x10b: {  	v1 =	vld [tilespmem:s29+$0x20];
	_ =	sdelay $0x4  }
0x10c: {  	v1 =	vmul.f32 v1, v2;
	_ =	sdelay $0x1  }
0x10d: {  	[tilespmem:s0+$0x160] =	vst v1  }
0x10e: {  	v1 =	vld [tilespmem:s29+$0x30];
	_ =	sdelay $0x4  }
0x10f: {  	v1 =	vmul.f32 v1, v2  }
0x110: {  	s14 =	sshll.u32 s18, $0x4;
	s4 =	sadd.s32 $0x1, s4  }
0x111: {  	s31 =	sadd.s32 s10, s14;
	p1 =	seq.s32 s4, $0x5;
	[tilespmem:s0+$0x170] =	vst v1  }
0x112: {  	[hbm4b:s31+s3] =	stream.linear.scatter [tilespmem:s26], [sflag:$0x2], $0x4000, $0x38;
	[tilespmem:$0x1F910] =	vst v63  }
.Ltmp7:
0x113: {  	_ = 	snop;
	(pc) =	sbr.rel @!p1 .LBB2_8-.Ltmp7, $4  }
.Ltmp8:
0x114: {  	_ = 	snop;
	(pc) =	sbr.rel @p1 .LBB2_18-.Ltmp8, $4  }
0x115: {  	_ =	swait.ge [sflag:s21], $0x4000  }
0x116: {  	[sflag:s21] =	ssyncset.done $0x0  }
0x117: {  	[sflag:s21] =	ssyncadd.s32 $0xFFFFC000  }
0x118: {  	_ = 	snop  }
.LBB2_11:
0x119: {  	s0 =	sshll.u32 s4, $0x7  }
0x11a: {  	s0 =	sadd.s32 s1, s0  }
0x11b: {  	s14 =	sshrl.u32 s0, $0x3  }
0x11c: {  	s20 =	sadd.s32 s5, s14  }
0x11d: {  	[tilespmem:s29], [sflag:$0x1] =	stream.linear.gather [hbm4b:s20+s29], $0x80, $0x38;
	[tilespmem:$0x1F910] =	vst v63  }
0x11e: {  	s0 =	sshll.u32 s0, $0x1;
	s14 =	sadd.s32 s6, s14  }
0x11f: {  	[tilespmem:s23], [sflag:$0x1] =	stream.linear.gather [hbm4b:s14+s29], $0x80, $0x38;
	[tilespmem:$0x1F910] =	vst v63  }
0x120: {  	s0 =	sadd.s32 s7, s0  }
0x121: {  	[tilespmem:s24], [sflag:$0x1] =	stream.linear.gather [hbm4b:s0+s29], $0x800, $0x38;
	[tilespmem:$0x1F910] =	vst v63  }
0x122: {  	_ =	swait.ge [sflag:s25], $0x80  }
0x123: {  	[sflag:s25] =	ssyncset.done $0x0  }
0x124: {  	[sflag:s25] =	ssyncadd.s32 $0xFFFFFF80  }
0x125: {  	_ =	swait.ge [sflag:s25], $0x80  }
0x126: {  	[sflag:s25] =	ssyncset.done $0x0  }
0x127: {  	[sflag:s25] =	ssyncadd.s32 $0xFFFFFF80  }
0x128: {  	_ =	swait.ge [sflag:s25], $0x800  }
0x129: {  	[sflag:s25] =	ssyncset.done $0x0  }
0x12a: {  	[sflag:s25] =	ssyncadd.s32 $0xFFFFF800  }
0x12b: {  	[tilespmem:s26], [sflag:$0x1] =	stream.indirect.gather [hbm4b:s9+s23], $0x80, s29, s23, $0xb8;
	[tilespmem:$0x1F910] =	vst v63  }
0x12c: {  	_ =	swait.ge [sflag:s25], $0x4000  }
0x12d: {  	[sflag:s25] =	ssyncset.done $0x0  }
0x12e: {  	s20 =	simm.s32 $0x0;
	[sflag:s25] =	ssyncadd.s32 $0xFFFFC000  }
0x12f: {  	v2 =	vld [tilespmem:s20+$0x8900];
	_ =	sdelay $0x4  }
0x130: {  	v2 =	vsub.f32 v2, v1;
	_ =	sdelay $0x1  }
0x131: {  	v2 =	vmul.f32 $1.442695020e+00, v2;
	_ =	sdelay $0x1  }
0x132: {  	(erf) = vpow2.f32 v2;
	_ =	sdelay $0x6  }
0x133: {  	s30 =	simm.s32 $0x140;
	p1 =	slt.u32 s18, $0x50910;
	vm2 =	vmmov vm0  }
0x134: {  	vm2 =	vmneg @p1 vm2;
	v2 =	vld [tilespmem:s30+$0xFFFFFFC0]  }
0x135: {  	vm2 =	vmand vm2, vm1;
	v3 =	vpop (erf)  }
0x136: {  	v3 =	vnsel vm2, $0x0, v3  }
0x137: {  	v4 =	vbroadcast v3, $0x2;
	_ =	sdelay $0x1  }
0x138: {  	v2 =	vmul.f32 v4, v2  }
0x139: {  	s31 =	simm.s32 $0x4140  }
0x13a: {  	[tilespmem:s31+$0xFFFFFFC0] =	vst v2  }
0x13b: {  	v2 =	vld [tilespmem:s30+$0xFFFFFFD0];
	_ =	sdelay $0x4  }
0x13c: {  	v2 =	vmul.f32 v4, v2;
	_ =	sdelay $0x1  }
0x13d: {  	[tilespmem:s31+$0xFFFFFFD0] =	vst v2  }
0x13e: {  	v2 =	vld [tilespmem:s30+$0xFFFFFFE0];
	_ =	sdelay $0x4  }
0x13f: {  	v2 =	vmul.f32 v2, v4;
	_ =	sdelay $0x1  }
0x140: {  	[tilespmem:s31+$0xFFFFFFE0] =	vst v2  }
0x141: {  	v2 =	vld [tilespmem:s30+$0xFFFFFFF0];
	_ =	sdelay $0x4  }
0x142: {  	v2 =	vmul.f32 v2, v4;
	_ =	sdelay $0x1  }
0x143: {  	[tilespmem:s31+$0xFFFFFFF0] =	vst v2  }
0x144: {  	v2 =	vld [tilespmem:s30+$0x0];
	_ =	sdelay $0x2  }
0x145: {  	v63 =	vbroadcast v3, $0x3;
	_ =	sdelay $0x1  }
0x146: {  	v2 =	vmul.f32 v2, v63;
	_ =	sdelay $0x1  }
0x147: {  	[tilespmem:s31+$0x0] =	vst v2  }
0x148: {  	v2 =	vld [tilespmem:s30+$0x10];
	_ =	sdelay $0x4  }
0x149: {  	v2 =	vmul.f32 v2, v63;
	_ =	sdelay $0x1  }
0x14a: {  	[tilespmem:s31+$0x10] =	vst v2  }
0x14b: {  	v2 =	vld [tilespmem:s30+$0x20];
	_ =	sdelay $0x4  }
0x14c: {  	v2 =	vmul.f32 v2, v63;
	_ =	sdelay $0x1  }
0x14d: {  	[tilespmem:s31+$0x20] =	vst v2  }
0x14e: {  	v2 =	vld [tilespmem:s30+$0x30];
	_ =	sdelay $0x4  }
0x14f: {  	v2 =	vmul.f32 v2, v63  }
0x150: {  	[tilespmem:s31+$0x40] =	vst v3  }
0x151: {  	s14 =	simm.s32 $0x10;
	s0 =	smov.u32 s18;
	s20 =	simm.s32 $0x80;
	[tilespmem:s31+$0x30] =	vst v2  }
.LBB2_12:
0x152: {  	p1 =	sne.s32 s20, $0x1FC0;
	v2 =	vld [tilespmem:s14+$0x8900];
	_ =	sdelay $0x4  }
0x153: {  	v2 =	vsub.f32 v2, v1;
	_ =	sdelay $0x1  }
0x154: {  	v2 =	vmul.f32 $1.442695020e+00, v2;
	_ =	sdelay $0x1  }
0x155: {  	(erf) = vpow2.f32 v2;
	_ =	sdelay $0x5  }
0x156: {  	s0 =	sadd.s32 $0x1, s0  }
0x157: {  	s30 =	sadd.s32 $0x80, s30;
	vm2 =	vmmov vm0;
	p2 =	slt.u32 s0, $0x50910  }
0x158: {  	vm2 =	vmneg @p2 vm2;
	v2 =	vld [tilespmem:s30+$0xFFFFFFC0]  }
0x159: {  	vm2 =	vmand vm2, vm1;
	v3 =	vpop (erf)  }
0x15a: {  	v3 =	vnsel vm2, $0x0, v3  }
0x15b: {  	v4 =	vbroadcast v3, $0x2;
	_ =	sdelay $0x1  }
0x15c: {  	v2 =	vmul.f32 v4, v2  }
0x15d: {  	s31 =	sadd.s32 $0x90, s31  }
0x15e: {  	[tilespmem:s31+$0xFFFFFFC0] =	vst v2  }
0x15f: {  	v2 =	vld [tilespmem:s30+$0xFFFFFFD0];
	_ =	sdelay $0x4  }
0x160: {  	v2 =	vmul.f32 v4, v2;
	_ =	sdelay $0x1  }
0x161: {  	[tilespmem:s31+$0xFFFFFFD0] =	vst v2  }
0x162: {  	v2 =	vld [tilespmem:s30+$0xFFFFFFE0];
	_ =	sdelay $0x4  }
0x163: {  	v2 =	vmul.f32 v2, v4;
	_ =	sdelay $0x1  }
0x164: {  	[tilespmem:s31+$0xFFFFFFE0] =	vst v2  }
0x165: {  	v2 =	vld [tilespmem:s30+$0xFFFFFFF0];
	_ =	sdelay $0x4  }
0x166: {  	v2 =	vmul.f32 v2, v4;
	_ =	sdelay $0x1  }
0x167: {  	[tilespmem:s31+$0xFFFFFFF0] =	vst v2  }
0x168: {  	v2 =	vld [tilespmem:s30+$0x0];
	_ =	sdelay $0x2  }
0x169: {  	v4 =	vbroadcast v3, $0x3;
	_ =	sdelay $0x1  }
0x16a: {  	v2 =	vmul.f32 v2, v4;
	_ =	sdelay $0x1  }
0x16b: {  	[tilespmem:s31+$0x0] =	vst v2  }
0x16c: {  	v2 =	vld [tilespmem:s30+$0x10];
	_ =	sdelay $0x4  }
0x16d: {  	v2 =	vmul.f32 v2, v4;
	_ =	sdelay $0x1  }
0x16e: {  	[tilespmem:s31+$0x10] =	vst v2  }
0x16f: {  	v2 =	vld [tilespmem:s30+$0x20];
	_ =	sdelay $0x4  }
0x170: {  	v2 =	vmul.f32 v2, v4;
	_ =	sdelay $0x1  }
0x171: {  	[tilespmem:s31+$0x20] =	vst v2  }
0x172: {  	v2 =	vld [tilespmem:s30+$0x30];
	[tilespmem:s31+$0x40] =	vst v3;
	_ =	sdelay $0x2  }
.Ltmp9:
0x173: {  	(pc) =	sbr.rel @p1 .LBB2_12-.Ltmp9, $3  }
0x174: {  	_ = 	snop  }
0x175: {  	v2 =	vmul.f32 v2, v4;
	_ =	sdelay $0x1  }
0x176: {  	s14 =	sshra.s32 s20, $0x2;
	s20 =	sadd.s32 $0x40, s20;
	[tilespmem:s31+$0x30] =	vst v2  }
0x177: {  	v2 =	vld [tilespmem:s14+$0x8900];
	_ =	sdelay $0x4  }
0x178: {  	v2 =	vsub.f32 v2, v1;
	_ =	sdelay $0x1  }
0x179: {  	v2 =	vmul.f32 $1.442695020e+00, v2;
	_ =	sdelay $0x1  }
0x17a: {  	(erf) = vpow2.f32 v2;
	_ =	sdelay $0x5  }
0x17b: {  	s0 =	sadd.s32 $0x1, s0  }
0x17c: {  	s30 =	sadd.s32 $0x80, s30;
	vm2 =	vmmov vm0;
	p1 =	slt.u32 s0, $0x50910  }
0x17d: {  	vm2 =	vmneg @p1 vm2;
	v2 =	vld [tilespmem:s30+$0xFFFFFFC0]  }
0x17e: {  	vm2 =	vmand vm2, vm1;
	v3 =	vpop (erf)  }
0x17f: {  	v3 =	vnsel vm2, $0x0, v3  }
0x180: {  	v4 =	vbroadcast v3, $0x2;
	_ =	sdelay $0x1  }
0x181: {  	v2 =	vmul.f32 v4, v2  }
0x182: {  	s31 =	sadd.s32 $0x90, s31  }
0x183: {  	[tilespmem:s31+$0xFFFFFFC0] =	vst v2  }
0x184: {  	v2 =	vld [tilespmem:s30+$0xFFFFFFD0];
	_ =	sdelay $0x4  }
0x185: {  	v2 =	vmul.f32 v4, v2;
	_ =	sdelay $0x1  }
0x186: {  	[tilespmem:s31+$0xFFFFFFD0] =	vst v2  }
0x187: {  	v2 =	vld [tilespmem:s30+$0xFFFFFFE0];
	_ =	sdelay $0x4  }
0x188: {  	v2 =	vmul.f32 v2, v4;
	_ =	sdelay $0x1  }
0x189: {  	[tilespmem:s31+$0xFFFFFFE0] =	vst v2  }
0x18a: {  	v2 =	vld [tilespmem:s30+$0xFFFFFFF0];
	_ =	sdelay $0x4  }
0x18b: {  	v2 =	vmul.f32 v2, v4;
	_ =	sdelay $0x1  }
0x18c: {  	[tilespmem:s31+$0xFFFFFFF0] =	vst v2  }
0x18d: {  	v2 =	vld [tilespmem:s30+$0x0];
	_ =	sdelay $0x2  }
0x18e: {  	v63 =	vbroadcast v3, $0x3;
	_ =	sdelay $0x1  }
0x18f: {  	v2 =	vmul.f32 v2, v63;
	_ =	sdelay $0x1  }
0x190: {  	[tilespmem:s31+$0x0] =	vst v2  }
0x191: {  	v2 =	vld [tilespmem:s30+$0x10];
	_ =	sdelay $0x4  }
0x192: {  	v2 =	vmul.f32 v2, v63;
	_ =	sdelay $0x1  }
0x193: {  	[tilespmem:s31+$0x10] =	vst v2  }
0x194: {  	v2 =	vld [tilespmem:s30+$0x20];
	_ =	sdelay $0x4  }
0x195: {  	v2 =	vmul.f32 v2, v63;
	_ =	sdelay $0x1  }
0x196: {  	[tilespmem:s31+$0x20] =	vst v2  }
0x197: {  	v2 =	vld [tilespmem:s30+$0x30];
	_ =	sdelay $0x4  }
0x198: {  	s4 =	sadd.s32 $0x1, s4;
	v2 =	vmul.f32 v2, v63  }
0x199: {  	p1 =	seq.s32 s4, $0xA4;
	[tilespmem:s31+$0x40] =	vst v3  }
.Ltmp10:
0x19a: {  	[tilespmem:s31+$0x30] =	vst v2;
	(pc) =	sbr.rel @!p1 .LBB2_11-.Ltmp10, $4  }
0x19b: {  	[spmem:s2] =	stream.indirect.scatter.add.f32 [tilespmem:s22], [sflag:$0x2], $0x90, s23, s23, $0xb8;
	[tilespmem:$0x1F910] =	vst v63  }
0x19c: {  	_ =	swait.ge [sflag:s21], $0x4800  }
0x19d: {  	[sflag:s21] =	ssyncset.done $0x0  }
0x19e: {  	s18 =	sadd.s32 $0x80, s18;
	[sflag:s21] =	ssyncadd.s32 $0xFFFFB800  }
0x19f: {  	[bflag:$0x0] =	sbarrier.arrive $0xFFFF;
	s4 =	simm.s32 $0x0  }
.LBB2_15:
0x1a0: {  	s0 =	sshll.u32 s4, $0x7  }
0x1a1: {  	s18 =	sadd.s32 s12, s0  }
0x1a2: {  	s0 =	smul.u32 $0x240, s18;
	_ =	sdelay $0x1  }
0x1a3: {  	s0 =	sshra.s32 s0, $0x2  }
0x1a4: {  	s0 =	sadd.s32 s0, s2  }
0x1a5: {  	[tilespmem:s22], [sflag:$0x2] =	stream.linear.gather [spmem:s0], $0x4800, $0x38;
	[tilespmem:$0x1F910] =	vst v63  }
0x1a6: {  	_ =	swait.ge [sflag:s21], $0x4800  }
0x1a7: {  	[sflag:s21] =	ssyncset.done $0x0  }
0x1a8: {  	s29 =	simm.s32 $0x4140;
	[sflag:s21] =	ssyncadd.s32 $0xFFFFB800  }
0x1a9: {  	s20 =	simm.s32 $0x200;
	s0 =	simm.s32 $0x0;
	v1 =	vld [tilespmem:s29+$0x40]  }
.LBB2_16:
0x1aa: {  	p1 =	sne.s32 s20, $0xFE00;
	v2 =	vld [tilespmem:s29+$0xFFFFFFC0];
	_ =	sdelay $0x3  }
0x1ab: {  	v1 =	vmax.f32 v1, $1.000000000e-30  }
0x1ac: {  	(erf) = vrcp.f32 v1;
	_ =	sdelay $0x8  }
0x1ad: {  	v1 =	vpop (erf)  }
0x1ae: {  	v3 =	vbroadcast v1, $0x2;
	_ =	sdelay $0x1  }
0x1af: {  	v2 =	vmul.f32 v3, v2  }
0x1b0: {  	s30 =	sshra.s32 s0, $0x2;
	s0 =	smov.u32 s20  }
0x1b1: {  	[tilespmem:s30+$0x100] =	vst v2  }
0x1b2: {  	v2 =	vld [tilespmem:s29+$0xFFFFFFD0];
	_ =	sdelay $0x4  }
0x1b3: {  	v2 =	vmul.f32 v2, v3;
	_ =	sdelay $0x1  }
0x1b4: {  	[tilespmem:s30+$0x110] =	vst v2  }
0x1b5: {  	v2 =	vld [tilespmem:s29+$0xFFFFFFE0];
	_ =	sdelay $0x4  }
0x1b6: {  	v2 =	vmul.f32 v2, v3;
	_ =	sdelay $0x1  }
0x1b7: {  	[tilespmem:s30+$0x120] =	vst v2  }
0x1b8: {  	v2 =	vld [tilespmem:s29+$0xFFFFFFF0];
	_ =	sdelay $0x4  }
0x1b9: {  	v2 =	vmul.f32 v2, v3;
	_ =	sdelay $0x1  }
0x1ba: {  	[tilespmem:s30+$0x130] =	vst v2  }
0x1bb: {  	v2 =	vld [tilespmem:s29+$0x0];
	_ =	sdelay $0x2  }
0x1bc: {  	v1 =	vbroadcast v1, $0x3;
	_ =	sdelay $0x1  }
0x1bd: {  	v2 =	vmul.f32 v2, v1;
	_ =	sdelay $0x1  }
0x1be: {  	[tilespmem:s30+$0x140] =	vst v2  }
0x1bf: {  	v2 =	vld [tilespmem:s29+$0x10];
	_ =	sdelay $0x4  }
0x1c0: {  	v2 =	vmul.f32 v2, v1;
	_ =	sdelay $0x1  }
0x1c1: {  	[tilespmem:s30+$0x150] =	vst v2  }
0x1c2: {  	v2 =	vld [tilespmem:s29+$0x20];
	_ =	sdelay $0x4  }
0x1c3: {  	v2 =	vmul.f32 v2, v1;
	_ =	sdelay $0x1  }
0x1c4: {  	[tilespmem:s30+$0x160] =	vst v2  }
0x1c5: {  	v2 =	vld [tilespmem:s29+$0x30];
	_ =	sdelay $0x3  }
.Ltmp11:
0x1c6: {  	(pc) =	sbr.rel @p1 .LBB2_16-.Ltmp11, $3  }
0x1c7: {  	v1 =	vmul.f32 v2, v1;
	_ =	sdelay $0x1  }
0x1c8: {  	s29 =	sadd.s32 $0x90, s29;
	[tilespmem:s30+$0x170] =	vst v1  }
0x1c9: {  	s20 =	sadd.s32 $0x200, s20;
	v1 =	vld [tilespmem:s29+$0x40]  }
0x1ca: {  	_ =	sdelay $0x3  }
0x1cb: {  	v1 =	vmax.f32 v1, $1.000000000e-30  }
0x1cc: {  	(erf) = vrcp.f32 v1;
	_ =	sdelay $0x6  }
0x1cd: {  	v1 =	vld [tilespmem:s29+$0xFFFFFFC0];
	_ =	sdelay $0x1  }
0x1ce: {  	v2 =	vpop (erf)  }
0x1cf: {  	v3 =	vbroadcast v2, $0x2;
	_ =	sdelay $0x1  }
0x1d0: {  	v1 =	vmul.f32 v3, v1  }
0x1d1: {  	s0 =	sshra.s32 s0, $0x2  }
0x1d2: {  	[tilespmem:s0+$0x100] =	vst v1  }
0x1d3: {  	v1 =	vld [tilespmem:s29+$0xFFFFFFD0];
	_ =	sdelay $0x4  }
0x1d4: {  	v1 =	vmul.f32 v1, v3;
	_ =	sdelay $0x1  }
0x1d5: {  	[tilespmem:s0+$0x110] =	vst v1  }
0x1d6: {  	v1 =	vld [tilespmem:s29+$0xFFFFFFE0];
	_ =	sdelay $0x4  }
0x1d7: {  	v1 =	vmul.f32 v1, v3;
	_ =	sdelay $0x1  }
0x1d8: {  	[tilespmem:s0+$0x120] =	vst v1  }
0x1d9: {  	v1 =	vld [tilespmem:s29+$0xFFFFFFF0];
	_ =	sdelay $0x4  }
0x1da: {  	v1 =	vmul.f32 v1, v3;
	_ =	sdelay $0x1  }
0x1db: {  	[tilespmem:s0+$0x130] =	vst v1  }
0x1dc: {  	v1 =	vld [tilespmem:s29+$0x0];
	_ =	sdelay $0x2  }
0x1dd: {  	v2 =	vbroadcast v2, $0x3;
	_ =	sdelay $0x1  }
0x1de: {  	v1 =	vmul.f32 v1, v2;
	_ =	sdelay $0x1  }
0x1df: {  	[tilespmem:s0+$0x140] =	vst v1  }
0x1e0: {  	v1 =	vld [tilespmem:s29+$0x10];
	_ =	sdelay $0x4  }
0x1e1: {  	v1 =	vmul.f32 v1, v2;
	_ =	sdelay $0x1  }
0x1e2: {  	[tilespmem:s0+$0x150] =	vst v1  }
0x1e3: {  	v1 =	vld [tilespmem:s29+$0x20];
	_ =	sdelay $0x4  }
0x1e4: {  	v1 =	vmul.f32 v1, v2;
	_ =	sdelay $0x1  }
0x1e5: {  	[tilespmem:s0+$0x160] =	vst v1  }
0x1e6: {  	v1 =	vld [tilespmem:s29+$0x30];
	_ =	sdelay $0x4  }
0x1e7: {  	v1 =	vmul.f32 v1, v2  }
0x1e8: {  	s14 =	sshll.u32 s18, $0x4;
	s4 =	sadd.s32 $0x1, s4  }
0x1e9: {  	s31 =	sadd.s32 s11, s14;
	p1 =	sne.s32 s4, $0x5;
	[tilespmem:s0+$0x170] =	vst v1  }
0x1ea: {  	[hbm4b:s31+s3] =	stream.linear.scatter [tilespmem:s26], [sflag:$0x2], $0x4000, $0x38;
	[tilespmem:$0x1F910] =	vst v63  }
.Ltmp12:
0x1eb: {  	_ = 	snop;
	(pc) =	sbr.rel @p1 .LBB2_15-.Ltmp12, $4  }
.Ltmp13:
0x1ec: {  	_ = 	snop;
	(pc) =	sbr.rel @!p1 .LBB2_18-.Ltmp13, $4  }
0x1ed: {  	_ =	swait.ge [sflag:s21], $0x4000  }
0x1ee: {  	[sflag:s21] =	ssyncset.done $0x0  }
0x1ef: {  	[sflag:s21] =	ssyncadd.s32 $0xFFFFC000  }
0x1f0: {  	_ = 	snop  }
.LBB2_19:
0x1f1: {  	_ =	sfence.sel $0x180000  }
0x1f2: {  	[bflag:$0x0] =	sbarrier.arrive $0xFFFF  }
0x1f3: {  	_ =	strace $0x90000053  }
0x1f4: {  	s0 =	stileid.u32;
	[bflag:$0x2] =	sbarrier.arrive $0xFFFF  }
0x1f5: {  	p0 =	sne.s32 s0, $0x0;
	s0 =	rddreg [dreg:$0x3]  }
0x1f6: {  	s0 =	sadd.s32 @!p0 $0x100000, s0  }
0x1f7: {  	[sflag:s0] =	ssyncadd.tile.s32 @!p0 $0x1;
	_ =	shalt  }
.Lfunc_end2:
_tile_overlayer_lowered:
.L_overlay_start_2:
0x1f8: {  	(tag) =	ssettag $0x2  }
0x1f9: {  	s0 =	rddreg [dreg:$0x0];
	s2 =	stileid.u32  }
0x1fa: {  	s1 =	rddreg [dreg:$0x1];
	p0 =	sne.s32 s2, $0x0  }
0x1fb: {  	s3 =	rddreg [dreg:$0x2];
	[bflag:$0x3] =	sbarrier.arrive $0xFFFF;
	s2 =	simm.s32 @!p0 $0x1C02  }
0x1fc: {  	[timem:s3], [sflag:s2] =	dma.local @!p0 [hbm:s0], s1  }
0x1fd: {  	s0 =	simm.s32 @!p0 $0x2  }
0x1fe: {  	_ =	swait.ge @!p0 [sflag:s0], s1  }
0x1ff: {  	s1 =	ssub.s32 @!p0 $0x0, s1;
	[sflag:s0] =	ssyncset.done @!p0 $0x0  }
0x200: {  	[sflag:s0] =	ssyncadd.s32 @!p0 s1  }
0x201: {  	[bflag:$0x3] =	sbarrier.arrive $0xFFFF  }
0x202: {  	_ =	shalt  }

// kernel: kernel.23.cloned.1.call-start
scs
__scs_entry_jumppad:
0x0: {  	(pc) =	sbr.rel $0x88, $3  }
0x1: {  	(tag) =	ssettag $0x0;
	lr =	simm.s32 $0x1  }
0x2: {  	[smem:$0x3F84] =	sst lr;
	_ =	strace $0xD0000000  }
0x3: {  	_ = 	snop  }
0x4: {  	_ = 	snop  }
0x5: {  	_ = 	snop  }
0x6: {  	_ = 	snop  }
0x7: {  	_ = 	snop  }
__scs_overlays_trampoline_lowered:
0x8: {  	[smem:$0x3F93] =	sst s0  }
0x9: {  	[smem:$0x3F94] =	sst s1  }
0xa: {  	[smem:$0x3F95] =	sst s2  }
0xb: {  	[smem:$0x3F96] =	sst s3  }
0xc: {  	[smem:$0x3F97] =	sst s4  }
0xd: {  	[smem:$0x3F98] =	sst s5  }
0xe: {  	[smem:$0x3F99] =	sst s6  }
0xf: {  	[smem:$0x3F9A] =	sst s7  }
0x10: {  	[smem:$0x3F9B] =	sst s8  }
0x11: {  	[smem:$0x3F9C] =	sst s9;
	s0 =	simm.s32 @!p0 $0x0  }
0x12: {  	s1 =	sld [smem:$0x3F82];
	s0 =	simm.s32 @p0 $0x1  }
0x13: {  	[smem:$0x3F9D] =	sst s0;
	s0 =	simm.s32 @!p1 $0x0  }
0x14: {  	s2 =	sld [smem:$0x3F81];
	s0 =	simm.s32 @p1 $0x1  }
0x15: {  	[smem:$0x3F9E] =	sst s0;
	s0 =	simm.s32 @!p2 $0x0  }
0x16: {  	s3 =	sld [smem:$0x3FDB];
	s0 =	simm.s32 @p2 $0x1  }
0x17: {  	s4 =	simm.s32 $0x1BF5;
	[smem:$0x3FA0] =	sst s0  }
0x18: {  	s0 =	sld [smem:$0x3F83];
	_ =	swait.ge [sflag:s4], $0x0  }
0x19: {  	s7 =	sld [smem:$0x3F84]  }
0x1a: {  	s8 =	sadd.s32 $0xFFFFE003, lr  }
0x1b: {  	s9 =	sadd.s32 $0xFFFFFEF7, lr;
	s5 =	simm.s32 $0xFFFFFFFF;
	p2 =	slt.u32 s8, $0xFFFFF086  }
0x1c: {  	p1 =	slt.u32 s9, $0xF7A;
	s5 =	simm.s32 @!p2 $0x0  }
0x1d: {  	s5 =	simm.s32 @p1 $0x1;
	p0 =	seq.s32 s7, s2  }
0x1e: {  	s7 =	smul.u32 @!p0 $0xF7A, s2;
	p2 =	seq.s32 @!p0 s5, $0x0  }
0x1f: {  	s9 =	smul.u32 $0xF7A, s1;
	s8 =	simm.s32 @!p0 $0x1BF5;
	p2 =	por !p2, p0  }
0x20: {  	[sflag:s8] =	ssyncset.s32 @!p0 $0xFFFFF086;
	s6 =	sadd.s32 @!p0 s3, s7;
	s7 =	simm.s32 @!p0 $0x108  }
0x21: {  	s3 =	sadd.s32 s3, s9;
	s6 =	sadd.s32 @!p0 $0x88, s6;
	s7 =	simm.s32 @p2 $0x1082  }
0x22: {  	[simem:s7], [sflag:s8] =	dma.local @!p0 [hbm:s6], $0xF7A  }
0x23: {  	s9 =	sor.u32 $0xD0000000, s2;
	s6 =	simm.s32 $0x108;
	_ =	swait.ge @!p0 [sflag:s8], $0x0  }
0x24: {  	s3 =	sadd.s32 $0x88, s3;
	s6 =	simm.s32 @!p1 $0x1082;
	[sflag:s4] =	ssyncset.s32 $0xFFFFF086  }
0x25: {  	[simem:s6], [sflag:s4] =	dma.local [hbm:s3], $0xF7A  }
0x26: {  	[smem:$0x3F84] =	sst s1;
	(tag) =	ssettag s2;
	_ =	strace s9  }
0x27: {  	s1 =	sld [smem:$0x3F94]  }
0x28: {  	s2 =	sld [smem:$0x3F95]  }
0x29: {  	s4 =	sld [smem:$0x3F97]  }
0x2a: {  	p0 =	seq.s32 s5, $0x0;
	s5 =	sld [smem:$0x3F98]  }
0x2b: {  	s6 =	sld [smem:$0x3F99]  }
0x2c: {  	s7 =	sld [smem:$0x3F9A]  }
0x2d: {  	s3 =	simm.s32 $0x108;
	s8 =	sld [smem:$0x3F9B]  }
0x2e: {  	s3 =	simm.s32 @!p0 $0x1082;
	s9 =	sld [smem:$0x3F9C]  }
0x2f: {  	lr =	sadd.s32 s0, s3;
	s0 =	sld [smem:$0x3F93]  }
0x30: {  	s3 =	sld [smem:$0x3F96]  }
0x31: {  	[smem:$0x3F9F] =	sst s10  }
0x32: {  	s10 =	sld [smem:$0x3F9D];
	_ =	sdelay $0x3  }
0x33: {  	p0 =	seq.s32 s10, $0x1;
	s10 =	sld [smem:$0x3F9F];
	_ =	sdelay $0x3  }
0x34: {  	[smem:$0x3F9F] =	sst s10  }
0x35: {  	s10 =	sld [smem:$0x3F9E];
	_ =	sdelay $0x3  }
0x36: {  	p1 =	seq.s32 s10, $0x1;
	s10 =	sld [smem:$0x3F9F];
	_ =	sdelay $0x3  }
0x37: {  	[smem:$0x3F9F] =	sst s10  }
0x38: {  	s10 =	sld [smem:$0x3FA0]  }
0x39: {  	_ = 	snop;
	(pc) =	sbr.ind lr, $3  }
0x3a: {  	_ = 	snop  }
0x3b: {  	_ = 	snop  }
0x3c: {  	p2 =	seq.s32 s10, $0x1;
	s10 =	sld [smem:$0x3F9F]  }
0x3d: {  	_ =	shalt  }
0x3e: {  	_ =	shalt  }
0x3f: {  	_ =	shalt  }
0x40: {  	_ =	shalt  }
0x41: {  	_ =	shalt  }
0x42: {  	_ =	shalt  }
0x43: {  	_ =	shalt  }
0x44: {  	_ =	shalt  }
0x45: {  	_ =	shalt  }
0x46: {  	_ =	shalt  }
0x47: {  	_ =	shalt  }
0x48: {  	_ =	shalt  }
0x49: {  	_ =	shalt  }
0x4a: {  	_ =	shalt  }
0x4b: {  	_ =	shalt  }
0x4c: {  	_ =	shalt  }
0x4d: {  	_ =	shalt  }
0x4e: {  	_ =	shalt  }
0x4f: {  	_ =	shalt  }
0x50: {  	_ =	shalt  }
0x51: {  	_ =	shalt  }
0x52: {  	_ =	shalt  }
0x53: {  	_ =	shalt  }
0x54: {  	_ =	shalt  }
0x55: {  	_ =	shalt  }
0x56: {  	_ =	shalt  }
0x57: {  	_ =	shalt  }
0x58: {  	_ =	shalt  }
0x59: {  	_ =	shalt  }
0x5a: {  	_ =	shalt  }
0x5b: {  	_ =	shalt  }
0x5c: {  	_ =	shalt  }
0x5d: {  	_ =	shalt  }
0x5e: {  	_ =	shalt  }
0x5f: {  	_ =	shalt  }
0x60: {  	_ =	shalt  }
0x61: {  	_ =	shalt  }
0x62: {  	_ =	shalt  }
0x63: {  	_ =	shalt  }
0x64: {  	_ =	shalt  }
0x65: {  	_ =	shalt  }
0x66: {  	_ =	shalt  }
0x67: {  	_ =	shalt  }
0x68: {  	_ =	shalt  }
0x69: {  	_ =	shalt  }
0x6a: {  	_ =	shalt  }
0x6b: {  	_ =	shalt  }
0x6c: {  	_ =	shalt  }
0x6d: {  	_ =	shalt  }
0x6e: {  	_ =	shalt  }
0x6f: {  	_ =	shalt  }
0x70: {  	_ =	shalt  }
0x71: {  	_ =	shalt  }
0x72: {  	_ =	shalt  }
0x73: {  	_ =	shalt  }
0x74: {  	_ =	shalt  }
0x75: {  	_ =	shalt  }
0x76: {  	_ =	shalt  }
0x77: {  	_ =	shalt  }
0x78: {  	_ =	shalt  }
0x79: {  	_ =	shalt  }
0x7a: {  	_ =	shalt  }
0x7b: {  	_ =	shalt  }
0x7c: {  	_ =	shalt  }
0x7d: {  	_ =	shalt  }
0x7e: {  	_ =	shalt  }
0x7f: {  	_ =	shalt  }
0x80: {  	_ =	shalt  }
0x81: {  	_ =	shalt  }
0x82: {  	_ =	shalt  }
0x83: {  	_ =	shalt  }
0x84: {  	_ =	shalt  }
0x85: {  	_ =	shalt  }
0x86: {  	_ =	shalt  }
0x87: {  	_ =	shalt  }
.Lfunc_end0:
.L_simem_size_0:
called_computation.6_lowered:
.L_overlay_start_0:
0x88: {  	s2 =	sld [smem:$0x3FD9]  }
0x89: {  	s3 =	sld [smem:$0x3FFE];
	_ =	sdelay $0x1  }
0x8a: {  	s1 =	srdreg.scid  }
0x8b: {  	s0 =	sand.u32 $0x1, s1  }
0x8c: {  	s17 =	sshll.u32 s0, $0xA;
	s2 =	sadd.s32 s3, s2  }
0x8d: {  	s2 =	sadd.s32 s2, s17  }
0x8e: {  	[smem:$0x3FAB] =	sst s2  }
0x8f: {  	_ = 	snop  }
0x90: {  	s2 =	sld [smem:$0x3FD0];
	(tm) =	ssettm $0x1  }
0x91: {  	s18 =	sld [smem:$0x3FFB];
	_ =	sdelay $0x3  }
0x92: {  	_ =	strace s18  }
0x93: {  	s3 =	sld [smem:$0x3FFC];
	_ =	sdelay $0x3  }
0x94: {  	_ =	strace s3  }
0x95: {  	s3 =	sld [smem:$0x3FFD];
	_ =	sdelay $0x3  }
0x96: {  	_ =	strace s3  }
0x97: {  	_ =	strace $0x8FFFFFFF  }
0x98: {  	s19 =	sld [smem:$0x3FDB];
	_ =	sdelay $0x1  }
0x99: {  	s4 =	simm.s32 $_scs_section_size  }
0x9a: {  	s5 =	simm.s32 $_size__tile_overlayer_lowered;
	s6 =	simm.s32 $_tile_overlayer_lowered  }
0x9b: {  	s22 =	simm.s32 $0x1BFF;
	s21 =	sshll.u32 s6, $0x1;
	s3 =	sadd.s32 s4, s19  }
0x9c: {  	s7 =	simm.s32 $0x0;
	s20 =	sshll.u32 s5, $0x1;
	s5 =	sadd.s32 s21, s3  }
0x9d: {  	[timem:s7], [sflag:s22] =	dma.local [hbm:s5], s20  }
0x9e: {  	_ =	swait.ge [sflag:s22], s20  }
0x9f: {  	s4 =	ssub.s32 $0x0, s20;
	[sflag:s22] =	ssyncset.done $0x0  }
0xa0: {  	[sflag:s22] =	ssyncadd.s32 s4;
	_ =	sdelay $0x1  }
0xa1: {  	s23 =	simm.s32 $0x1B8B  }
0xa2: {  	_ =	swait.ge [sflag:s23], $0x1  }
0xa3: {  	[sflag:s23] =	ssyncset.done $0x0  }
0xa4: {  	s25 =	simm.s32 $0x1B8E;
	s24 =	sld [smem:$0x3FFE];
	[sflag:s23] =	ssyncadd.s32 $0xFFFFFFFF  }
0xa5: {  	s26 =	simm.s32 $execute0_lowered;
	[smem:$0x3FD2] =	sst s25  }
0xa6: {  	s5 =	sshll.u32 s26, $0x1;
	_ =	strace $0x80000058;
	[dreg:$0x1] =	wrdreg $0xFFFFFFFF  }
0xa7: {  	s28 =	simm.s32 $_size_execute0_lowered;
	s3 =	sadd.s32 s3, s5;
	[dreg:$0x0] =	wrdreg $0x0  }
0xa8: {  	s5 =	sshll.u32 s28, $0x1;
	[dreg:$0x2] =	wrdreg s3  }
0xa9: {  	[dreg:$0x3] =	wrdreg s5  }
0xaa: {  	[dreg:$0x4] =	wrdreg $0xC0  }
0xab: {  	_ =	task [dreg:s7], $0x5FFFF  }
0xac: {  	[dreg:$0x1] =	wrdreg $0xFFFFFFFF  }
0xad: {  	[dreg:$0x0] =	wrdreg $0x60  }
0xae: {  	[dreg:$0x2] =	wrdreg s24  }
0xaf: {  	[dreg:$0x3] =	wrdreg s2  }
0xb0: {  	[dreg:$0x4] =	wrdreg $0x9  }
0xb1: {  	_ =	task.clear_ibuf [dreg:s7], $0x5FFFF;
	_ =	strace $0x90000058  }
0xb2: {  	s29 =	simm.s32 $0x9;
	_ =	strace $0x8000005A  }
0xb3: {  	_ =	swait.ge [sflag:s29], $0x1  }
0xb4: {  	[sflag:s29] =	ssyncadd.s32 $0xFFFFFFFF  }
0xb5: {  	_ =	strace $0x9000005A  }
0xb6: {  	_ =	sfence  }
0xb7: {  	s30 =	sld [smem:$0x0];
	_ =	sdelay $0x2  }
0xb8: {  	s31 =	sshll.u32 s1, $0xD;
	s1 =	sshrl.u32 s1, $0x2  }
0xb9: {  	s3 =	sand.u32 $0x4000, s31;
	s1 =	sadd.s32 s1, s30  }
0xba: {  	s0 =	sor.u32 s3, s0;
	s1 =	sshll.u32 s1, $0x11  }
0xbb: {  	s0 =	sor.u32 s1, s0  }
0xbc: {  	s0 =	sadd.s32 $0x8F2B, s0  }
0xbd: {  	[sflag:s0] =	ssyncadd.remote.s32 $0x1  }
0xbe: {  	_ =	sfence.sel $0xFFFF  }
0xbf: {  	[dreg:$0x0] =	wrdreg $0xFFFFFFFF;
	(pc) =	sbr.abs _section_cstart, $3  }
0xc0: {  	[dreg:$0x1] =	wrdreg $0xFFFFFFFF  }
0xc1: {  	_ =	task.clear_ibuf [dreg:s7], $0x2FFFF;
	_ =	strace $0x9FFFFFFF  }
0xc2: {  	(tm) =	ssettm $0x7FFFFFFF  }
0xc3: {  	_ =	shalt  }
tec
execute0_lowered:
.L_overlay_start_1:
0x0: {  	(tag) =	ssettag $0x1  }
0x1: {  	s1 =	srdreg.scid;
	s8 =	rddreg [dreg:$0x0]  }
0x2: {  	s0 =	stileid.u32;
	s11 =	rddreg [dreg:$0x1];
	s3 =	simm.s32 $0x0  }
0x3: {  	s14 =	simm.s32 $0x2;
	s15 =	simm.s32 $0x2900;
	s16 =	simm.s32 $0x80  }
0x4: {  	s17 =	simm.s32 $0x5200;
	s18 =	simm.s32 $0xD200;
	s19 =	simm.s32 $0x15200  }
0x5: {  	s20 =	simm.s32 $0x1;
	s21 =	simm.s32 $0x1D200;
	s22 =	simm.s32 $0x1DB00  }
0x6: {  	s23 =	simm.s32 $0x0;
	s6 =	sand.u32 $0x1, s1;
	s1 =	rddreg [dreg:$0x2]  }
0x7: {  	s30 =	sshll.u32 s0, $0x1;
	[smem:$0x7FF] =	sst s3;
	s5 =	sadd.s32 $0xE4C00, s8  }
0x8: {  	s7 =	sadd.s32 $0x8400, s8;
	s9 =	sor.u32 s6, s30;
	s12 =	ssub.s32 $0x2, s6  }
0x9: {  	_ =	strace $0x80000059;
	s2 =	smul.u32 $0x2900, s9;
	s13 =	sshrl.u32 s12, $0x1  }
0xa: {  	s6 =	sadd.s32 $0x1558800, s8;
	s31 =	sshll.u32 s9, $0x1;
	s12 =	ssub.s32 s12, s13  }
0xb: {  	vm0 =	vcmask $0x300;
	v3 =	vimm.f32 $0.0e+00;
	vm15 =	vcmask $0x704;
	s11 =	sadd.s32 s11, s31;
	s13 =	simm.s32 $0x1DA00;
	s4 =	sshrl.u32 s2, $0x3  }
0xc: {  	vm1 =	vcmask $0xB08;
	vm2 =	vcmask $0xF0C;
	v0 =	vsel vm0, $0x3F800000, v3;
	s12 =	smax.u32 s12, $0x1;
	s10 =	sadd.s32 s4, s8;
	s4 =	sadd.s32 $0x94C00, s8  }
0xd: {  	v1 =	vsel vm15, $0x3F800000, v3;
	v2 =	vsel vm1, $0x3F800000, v3;
	v3 =	vsel vm2, $0x3F800000, v3;
	s8 =	sadd.s32 $0x134C00, s8;
	s9 =	sadd.s32 $0x62800, s10;
	s10 =	sadd.s32 $0x58400, s10  }
.LBB2_1:
0xe: {  	[tilespmem:s13], [sflag:$0x2] =	stream.linear.gather [hbm4b:s7+s3], $0x100, $0x38;
	[tilespmem:$0x1DB10] =	vst v63  }
0xf: {  	_ =	swait.ge [sflag:s14], $0x100  }
0x10: {  	[sflag:s14] =	ssyncset.done $0x0  }
0x11: {  	[sflag:s14] =	ssyncadd.s32 $0xFFFFFF00  }
0x12: {  	[tilespmem:s3], [sflag:$0x2] =	stream.linear.gather [hbm4b:s9+s3], $0x2900, $0x38;
	[tilespmem:$0x1DB10] =	vst v63  }
0x13: {  	_ =	swait.ge [sflag:s14], $0x2900  }
0x14: {  	[sflag:s14] =	ssyncset.done $0x0  }
0x15: {  	[sflag:s14] =	ssyncadd.s32 $0xFFFFD700  }
0x16: {  	[tilespmem:s15], [sflag:$0x2] =	stream.linear.gather [hbm4b:s10+s3], $0x2900, $0x38;
	[tilespmem:$0x1DB10] =	vst v63  }
0x17: {  	_ =	swait.ge [sflag:s14], $0x2900  }
0x18: {  	[sflag:s14] =	ssyncset.done $0x0  }
0x19: {  	[sflag:s14] =	ssyncadd.s32 $0xFFFFD700  }
0x1a: {  	v4 =	vld [tilespmem:$0x1DA00]  }
0x1b: {  	v5 =	vld [tilespmem:$0x1DA10]  }
0x1c: {  	v6 =	vld [tilespmem:$0x1DA20]  }
0x1d: {  	v7 =	vld [tilespmem:$0x1DA30]  }
0x1e: {  	v8 =	vld [tilespmem:$0x1DA40]  }
0x1f: {  	v9 =	vld [tilespmem:$0x1DA50]  }
0x20: {  	v10 =	vld [tilespmem:$0x1DA60]  }
0x21: {  	v11 =	vld [tilespmem:$0x1DA70]  }
0x22: {  	v12 =	vld [tilespmem:$0x1DA80]  }
0x23: {  	v13 =	vld [tilespmem:$0x1DA90]  }
0x24: {  	v14 =	vld [tilespmem:$0x1DAA0]  }
0x25: {  	v15 =	vld [tilespmem:$0x1DAB0]  }
0x26: {  	v16 =	vld [tilespmem:$0x1DAC0]  }
0x27: {  	v17 =	vld [tilespmem:$0x1DAD0]  }
0x28: {  	v19 =	vld [tilespmem:$0x1DAE0]  }
0x29: {  	v18 =	vimm.f32 $-1.000000020e+30;
	s24 =	simm.s32 $0x0;
	v20 =	vld [tilespmem:$0x1DAF0]  }
.LBB2_2:
0x2a: {  	s26 =	sshll.u32 s24, $0x7  }
0x2b: {  	[tilespmem:s17], [sflag:$0x1] =	stream.indirect.gather [hbm4b:s4+s16], $0x100, s26, s16, $0xb8;
	[tilespmem:$0x1DB10] =	vst v63  }
0x2c: {  	s25 =	sadd.s32 s2, s26  }
0x2d: {  	s26 =	sadd.s32 $0x2900, s26;
	s31 =	sshll.u32 s25, $0x5  }
0x2e: {  	[tilespmem:s18], [sflag:$0x1] =	stream.indirect.gather [hbm4b:s5+s16], $0x100, s26, s16, $0xb8;
	[tilespmem:$0x1DB10] =	vst v63  }
0x2f: {  	s28 =	simm.s32 $0x0;
	s26 =	sadd.s32 s6, s31  }
0x30: {  	[tilespmem:s19], [sflag:$0x1] =	stream.linear.gather [hbm4b:s26+s28], $0x8000, $0x38;
	[tilespmem:$0x1DB10] =	vst v63  }
0x31: {  	_ =	swait.ge [sflag:s20], $0x8000  }
0x32: {  	[sflag:s20] =	ssyncset.done $0x0  }
0x33: {  	[sflag:s20] =	ssyncadd.s32 $0xFFFF8000  }
0x34: {  	_ =	swait.ge [sflag:s20], $0x8000  }
0x35: {  	[sflag:s20] =	ssyncset.done $0x0  }
0x36: {  	[sflag:s20] =	ssyncadd.s32 $0xFFFF8000  }
0x37: {  	_ =	swait.ge [sflag:s20], $0x8000  }
0x38: {  	[sflag:s20] =	ssyncset.done $0x0  }
0x39: {  	s28 =	simm.s32 $0x0;
	[sflag:s20] =	ssyncadd.s32 $0xFFFF8000  }
0x3a: {  	v25 =	vld [tilespmem:s28+$0xD2E0]  }
0x3b: {  	v22 =	vld [tilespmem:s28+$0x15290]  }
0x3c: {  	v21 =	vld [tilespmem:s28+$0x152A0]  }
0x3d: {  	v24 =	vld [tilespmem:s28+$0x5290]  }
0x3e: {  	v27 =	vld [tilespmem:s28+$0xD2A0]  }
0x3f: {  	v28 =	vld [tilespmem:s28+$0x15270]  }
0x40: {  	v29 =	vld [tilespmem:s28+$0x52A0]  }
0x41: {  	v30 =	vld [tilespmem:s28+$0x15230]  }
0x42: {  	v31 =	vld [tilespmem:s28+$0xD270]  }
0x43: {  	v32 =	vld [tilespmem:s28+$0x5230]  }
0x44: {  	v33 =	vld [tilespmem:s28+$0xD290]  }
0x45: {  	v34 =	vld [tilespmem:s28+$0x5270]  }
0x46: {  	v35 =	vld [tilespmem:s28+$0x15280]  }
0x47: {  	v36 =	vld [tilespmem:s28+$0x5280]  }
0x48: {  	v37 =	vld [tilespmem:s28+$0xD280]  }
0x49: {  	v38 =	vld [tilespmem:s28+$0x15220]  }
0x4a: {  	v39 =	vld [tilespmem:s28+$0xD230]  }
0x4b: {  	v40 =	vld [tilespmem:s28+$0x5220]  }
0x4c: {  	v41 =	vld [tilespmem:s28+$0xD220]  }
0x4d: {  	v42 =	vld [tilespmem:s28+$0x15260]  }
0x4e: {  	v43 =	vld [tilespmem:s28+$0xD260]  }
0x4f: {  	v44 =	vld [tilespmem:s28+$0x5260]  }
0x50: {  	v62 =	vld [tilespmem:s28+$0xD250]  }
0x51: {  	v63 =	vld [tilespmem:s28+$0x5250]  }
0x52: {  	v48 =	vld [tilespmem:s28+$0x5200]  }
0x53: {  	v53 =	vld [tilespmem:s28+$0xD200]  }
0x54: {  	v55 =	vld [tilespmem:s28+$0x52E0];
	v27 =	vadd.f32 v27, v29  }
0x55: {  	v60 =	vld [tilespmem:s28+$0x5210];
	v36 =	vadd.f32 v37, v36;
	v40 =	vadd.f32 v41, v40  }
0x56: {  	v47 =	vld [tilespmem:s28+$0xD240];
	v32 =	vadd.f32 v39, v32;
	v31 =	vadd.f32 v31, v34  }
0x57: {  	v50 =	vld [tilespmem:s28+$0x5240];
	v46 =	vadd.f32 v43, v44;
	v24 =	vadd.f32 v33, v24  }
0x58: {  	v34 =	vadd.f32 v62, v63;
	v21 =	vadd.f32 v21, v27;
	v27 =	vld [tilespmem:s28+$0xD210]  }
0x59: {  	v26 =	vld [tilespmem:s28+$0x15200];
	v59 =	vadd.f32 v53, v48;
	v25 =	vadd.f32 v25, v55  }
0x5a: {  	v29 =	vld [tilespmem:s28+$0x15210];
	v35 =	vadd.f32 v35, v36;
	v30 =	vadd.f32 v30, v32  }
0x5b: {  	v38 =	vadd.f32 v38, v40;
	v28 =	vadd.f32 v28, v31  }
0x5c: {  	v45 =	vld [tilespmem:s28+$0x15240];
	v36 =	vadd.f32 v42, v46;
	v24 =	vadd.f32 v22, v24  }
0x5d: {  	v32 =	vadd.f32 v47, v50;
	v61 =	vmul.f32 $2.000000030e-01, v21;
	v27 =	vadd.f32 v27, v60  }
0x5e: {  	v23 =	vld [tilespmem:s28+$0x52B0];
	v37 =	vadd.f32 v26, v59;
	v49 =	vmul.f32 $2.000000030e-01, v30;
	v52 =	vmul.f32 $2.000000030e-01, v28  }
0x5f: {  	v31 =	vmul.f32 $2.000000030e-01, v35;
	v51 =	vmul.f32 $2.000000030e-01, v38;
	v27 =	vadd.f32 v29, v27;
	v29 =	vld [tilespmem:s28+$0xD2B0]  }
0x60: {  	v58 =	vld [tilespmem:s28+$0x152B0];
	v21 =	vmax.f32 v21, v61;
	v41 =	vmax.f32 v30, v49;
	v22 =	vmax.f32 v28, v52  }
0x61: {  	v28 =	vmax.f32 v35, v31;
	v31 =	vmul.f32 $2.000000030e-01, v24;
	v61 =	vadd.f32 v45, v32;
	v60 =	vld [tilespmem:s28+$0x15250]  }
0x62: {  	v56 =	vld [tilespmem:s28+$0x152E0];
	v30 =	vmul.f32 $2.000000030e-01, v36;
	v54 =	vmax.f32 v38, v51;
	v38 =	vmul.f32 $2.000000030e-01, v37  }
0x63: {  	v33 =	vld [tilespmem:s28+$0x52C0];
	v28 =	vmul.f32 v28, v12;
	v24 =	vmax.f32 v24, v31;
	v63 =	vmul.f32 $2.000000030e-01, v61  }
0x64: {  	v35 =	vld [tilespmem:s28+$0x152D0];
	v62 =	vmul.f32 v24, v13;
	v24 =	vmax.f32 v36, v30;
	v30 =	vadd.f32 v29, v23  }
0x65: {  	v22 =	vmul.f32 v22, v11;
	v31 =	vadd.f32 $0.0e+00, v28;
	v28 =	vld [tilespmem:s28+$0xD2D0];
	v57 =	vmul.f32 $2.000000030e-01, v27  }
0x66: {  	v40 =	vmax.f32 v61, v63;
	v32 =	vadd.f32 v60, v34;
	v29 =	vld [tilespmem:s28+$0xD2C0];
	v36 =	vadd.f32 v58, v30  }
0x67: {  	v26 =	vmax.f32 v27, v57;
	v27 =	vmul.f32 v54, v6;
	v23 =	vadd.f32 v62, v31;
	v31 =	vld [tilespmem:s28+$0x52D0]  }
0x68: {  	s29 =	simm.s32 $0x1D200;
	s30 =	simm.s32 $0x400;
	s26 =	simm.s32 $0x1D200;
	v34 =	vld [tilespmem:s28+$0x152C0];
	v30 =	vadd.f32 v56, v25;
	v25 =	vmul.f32 v41, v7;
	v39 =	vmul.f32 $2.000000030e-01, v36  }
.LBB2_3:
0x69: {  	p0 =	sne.s32 s30, $0x1FC00  }
0x6a: {  	v37 =	vmax.f32 v37, v38;
	v38 =	vmul.f32 $2.000000030e-01, v32;
	v41 =	vmul.f32 $2.000000030e-01, v30;
	s29 =	sadd.s32 $0x10, s29;
	s31 =	smov.u32 s30;
	s30 =	sadd.s32 $0x400, s30  }
0x6b: {  	v40 =	vmul.f32 v40, v8;
	v36 =	vmax.f32 v36, v39;
	v29 =	vadd.f32 v29, v33;
	v33 =	vld [tilespmem:s28+$0xD2F0]  }
0x6c: {  	v37 =	vmul.f32 v37, v4;
	v28 =	vadd.f32 v28, v31;
	v30 =	vmax.f32 v30, v41;
	v31 =	vld [tilespmem:s28+$0x52F0]  }
0x6d: {  	v39 =	vadd.f32 $0.0e+00, v40;
	v32 =	vmax.f32 v32, v38;
	v29 =	vadd.f32 v34, v29  }
0x6e: {  	v34 =	vadd.f32 $0.0e+00, v37;
	v32 =	vmul.f32 v32, v9;
	v28 =	vadd.f32 v35, v28;
	v35 =	vld [tilespmem:s28+$0x152F0]  }
0x6f: {  	v26 =	vmul.f32 v26, v5;
	v37 =	vmul.f32 $2.000000030e-01, v29  }
0x70: {  	v24 =	vmul.f32 v24, v10;
	v32 =	vadd.f32 v32, v39;
	v38 =	vmul.f32 $2.000000030e-01, v28  }
0x71: {  	v26 =	vadd.f32 v26, v34;
	v29 =	vmax.f32 v29, v37;
	v31 =	vadd.f32 v33, v31  }
0x72: {  	v24 =	vadd.f32 v24, v32;
	v29 =	vmul.f32 v29, v16;
	v28 =	vmax.f32 v28, v38  }
0x73: {  	v21 =	vmul.f32 v21, v14;
	v26 =	vadd.f32 v27, v26;
	v27 =	vadd.f32 v35, v31  }
0x74: {  	v22 =	vadd.f32 v22, v24;
	v28 =	vmul.f32 v28, v17;
	v24 =	vadd.f32 $0.0e+00, v29  }
0x75: {  	v21 =	vadd.f32 v21, v23;
	v25 =	vadd.f32 v25, v26;
	v23 =	vmul.f32 $2.000000030e-01, v27  }
0x76: {  	v26 =	vmul.f32 v36, v15;
	v24 =	vadd.f32 v28, v24;
	v28 =	vmul.f32 v30, v19  }
0x77: {  	v23 =	vmax.f32 v27, v23;
	(xrf2) =	vadd.scan.msk.f32 $0xffff, v25  }
0x78: {  	v21 =	vadd.f32 v26, v21;
	v24 =	vadd.f32 v28, v24;
	v23 =	vmul.f32 v23, v20;
	_ =	sdelay $0x1  }
0x79: {  	v23 =	vadd.f32 v23, v24;
	(xrf2) =	vadd.scan.msk.f32 $0xffff, v22;
	_ =	sdelay $0x2  }
0x7a: {  	(xrf2) =	vadd.scan.msk.f32 $0xffff, v21;
	_ =	sdelay $0x2  }
0x7b: {  	(xrf2) =	vadd.scan.msk.f32 $0xffff, v23  }
0x7c: {  	v21, _, _ =	vpop (xrf2)  }
0x7d: {  	v21 =	vbroadcast v21, $0xF;
	_ =	sdelay $0x1  }
0x7e: {  	v21 =	vmul.f32 v0, v21;
	v22, _, _ =	vpop (xrf2)  }
0x7f: {  	v22 =	vbroadcast v22, $0xF;
	_ =	sdelay $0x1  }
0x80: {  	v23, _, _ =	vpop (xrf2)  }
0x81: {  	v23 =	vbroadcast v23, $0xF  }
0x82: {  	v21 =	vadd.f32 $0.0e+00, v21;
	v22 =	vmul.f32 v1, v22  }
0x83: {  	v24, _, _ =	vpop (xrf2)  }
0x84: {  	v21 =	vadd.f32 v22, v21;
	v22 =	vmul.f32 v2, v23;
	v23 =	vbroadcast v24, $0xF;
	_ =	sdelay $0x1  }
0x85: {  	v21 =	vadd.f32 v22, v21;
	v22 =	vmul.f32 v3, v23;
	_ =	sdelay $0x1  }
0x86: {  	v21 =	vadd.f32 v22, v21;
	_ =	sdelay $0x1  }
0x87: {  	s28 =	sshra.s32 s31, $0x2;
	[tilespmem:s26+$0x0] =	vst v21;
	v18 =	vmax.f32 v18, v21;
	s26 =	smov.u32 s29  }
0x88: {  	v23 =	vld [tilespmem:s28+$0x52B0]  }
0x89: {  	v25 =	vld [tilespmem:s28+$0xD2E0]  }
0x8a: {  	v22 =	vld [tilespmem:s28+$0x15290]  }
0x8b: {  	v21 =	vld [tilespmem:s28+$0x152A0]  }
0x8c: {  	v24 =	vld [tilespmem:s28+$0x5290]  }
0x8d: {  	v26 =	vld [tilespmem:s28+$0x15200]  }
0x8e: {  	v27 =	vld [tilespmem:s28+$0xD2A0]  }
0x8f: {  	v28 =	vld [tilespmem:s28+$0x15270]  }
0x90: {  	v29 =	vld [tilespmem:s28+$0x52A0]  }
0x91: {  	v30 =	vld [tilespmem:s28+$0x15230]  }
0x92: {  	v31 =	vld [tilespmem:s28+$0xD270]  }
0x93: {  	v32 =	vld [tilespmem:s28+$0x5230]  }
0x94: {  	v33 =	vld [tilespmem:s28+$0xD290]  }
0x95: {  	v34 =	vld [tilespmem:s28+$0x5270];
	v27 =	vadd.f32 v27, v29  }
0x96: {  	v29 =	vld [tilespmem:s28+$0x15280]  }
0x97: {  	v35 =	vld [tilespmem:s28+$0x5280];
	v21 =	vadd.f32 v21, v27  }
0x98: {  	v27 =	vld [tilespmem:s28+$0xD280]  }
0x99: {  	v36 =	vld [tilespmem:s28+$0x15220];
	v37 =	vmul.f32 $2.000000030e-01, v21  }
0x9a: {  	v38 =	vld [tilespmem:s28+$0xD230]  }
0x9b: {  	v39 =	vld [tilespmem:s28+$0x5220];
	v21 =	vmax.f32 v21, v37  }
0x9c: {  	v37 =	vld [tilespmem:s28+$0xD220]  }
0x9d: {  	v40 =	vld [tilespmem:s28+$0x15260]  }
0x9e: {  	v41 =	vld [tilespmem:s28+$0xD260]  }
0x9f: {  	v42 =	vld [tilespmem:s28+$0x5260]  }
0xa0: {  	v27 =	vadd.f32 v27, v35;
	v43 =	vld [tilespmem:s28+$0x15210]  }
0xa1: {  	v35 =	vadd.f32 v37, v39;
	v37 =	vld [tilespmem:s28+$0x15240]  }
0xa2: {  	v39 =	vld [tilespmem:s28+$0xD210]  }
0xa3: {  	v32 =	vadd.f32 v38, v32;
	v27 =	vadd.f32 v29, v27;
	v44 =	vld [tilespmem:s28+$0x5210]  }
0xa4: {  	v31 =	vadd.f32 v31, v34;
	v29 =	vld [tilespmem:s28+$0xD250];
	v38 =	vadd.f32 v41, v42  }
0xa5: {  	v30 =	vadd.f32 v30, v32;
	v34 =	vadd.f32 v36, v35;
	v32 =	vld [tilespmem:s28+$0x5250]  }
0xa6: {  	v28 =	vadd.f32 v28, v31;
	v31 =	vmul.f32 $2.000000030e-01, v27;
	v35 =	vld [tilespmem:s28+$0xD240]  }
0xa7: {  	v24 =	vadd.f32 v33, v24;
	v41 =	vmul.f32 $2.000000030e-01, v30;
	v38 =	vadd.f32 v40, v38;
	v36 =	vld [tilespmem:s28+$0x5200]  }
0xa8: {  	v42 =	vmul.f32 $2.000000030e-01, v28;
	v33 =	vadd.f32 v39, v44;
	v39 =	vmul.f32 $2.000000030e-01, v34;
	v40 =	vld [tilespmem:s28+$0x5240]  }
0xa9: {  	v41 =	vmax.f32 v30, v41;
	v30 =	vadd.f32 v22, v24;
	v44 =	vld [tilespmem:s28+$0xD200]  }
0xaa: {  	v22 =	vmax.f32 v28, v42;
	v24 =	vmul.f32 $2.000000030e-01, v38;
	v33 =	vadd.f32 v43, v33;
	v42 =	vld [tilespmem:s28+$0xD2B0]  }
0xab: {  	v27 =	vmax.f32 v27, v31;
	v22 =	vmul.f32 v22, v11;
	v39 =	vmax.f32 v34, v39;
	v31 =	vld [tilespmem:s28+$0x52E0]  }
0xac: {  	v28 =	vmul.f32 $2.000000030e-01, v30;
	v32 =	vadd.f32 v29, v32;
	v34 =	vmul.f32 $2.000000030e-01, v33;
	v43 =	vld [tilespmem:s28+$0x152E0]  }
0xad: {  	v27 =	vmul.f32 v27, v12;
	v29 =	vadd.f32 v35, v40;
	v35 =	vld [tilespmem:s28+$0x152B0]  }
0xae: {  	v24 =	vmax.f32 v38, v24;
	v28 =	vmax.f32 v30, v28;
	v36 =	vadd.f32 v44, v36;
	v40 =	vld [tilespmem:s28+$0x15250]  }
0xaf: {  	v27 =	vadd.f32 $0.0e+00, v27;
	v30 =	vmul.f32 v28, v13;
	v44 =	vadd.f32 v37, v29;
	v28 =	vld [tilespmem:s28+$0xD2D0]  }
.Ltmp0:
0xb0: {  	v38 =	vadd.f32 v42, v23;
	v29 =	vld [tilespmem:s28+$0xD2C0];
	v25 =	vadd.f32 v25, v31;
	(pc) =	sbr.rel @p0 .LBB2_3-.Ltmp0, $4  }
0xb1: {  	v23 =	vadd.f32 v30, v27;
	v37 =	vadd.f32 v26, v36;
	v26 =	vmax.f32 v33, v34;
	v33 =	vld [tilespmem:s28+$0x52C0]  }
0xb2: {  	v42 =	vmul.f32 $2.000000030e-01, v44;
	v36 =	vadd.f32 v35, v38;
	v31 =	vld [tilespmem:s28+$0x52D0];
	v30 =	vadd.f32 v43, v25  }
0xb3: {  	v38 =	vmul.f32 $2.000000030e-01, v37;
	v25 =	vmul.f32 v41, v7;
	v32 =	vadd.f32 v40, v32;
	v34 =	vld [tilespmem:s28+$0x152C0]  }
0xb4: {  	v27 =	vmul.f32 v39, v6;
	v40 =	vmax.f32 v44, v42;
	v39 =	vmul.f32 $2.000000030e-01, v36;
	v35 =	vld [tilespmem:s28+$0x152D0]  }
0xb5: {  	v37 =	vmax.f32 v37, v38;
	v49 =	vmul.f32 $2.000000030e-01, v32;
	v41 =	vmul.f32 $2.000000030e-01, v30  }
0xb6: {  	v40 =	vmul.f32 v40, v8;
	v50 =	vld [tilespmem:s28+$0xD2F0];
	v26 =	vmul.f32 v26, v5;
	v29 =	vadd.f32 v29, v33  }
0xb7: {  	v51 =	vld [tilespmem:s28+$0x52F0];
	v24 =	vmul.f32 v24, v10;
	v37 =	vmul.f32 v37, v4  }
0xb8: {  	v28 =	vadd.f32 v28, v31;
	v32 =	vmax.f32 v32, v49;
	v29 =	vadd.f32 v34, v29  }
0xb9: {  	v54 =	vld [tilespmem:s28+$0x152F0];
	v52 =	vadd.f32 $0.0e+00, v40;
	v53 =	vadd.f32 $0.0e+00, v37;
	v32 =	vmul.f32 v32, v9  }
0xba: {  	v21 =	vmul.f32 v21, v14;
	v28 =	vadd.f32 v35, v28;
	v55 =	vmul.f32 $2.000000030e-01, v29  }
0xbb: {  	v36 =	vmax.f32 v36, v39;
	v32 =	vadd.f32 v32, v52;
	v26 =	vadd.f32 v26, v53  }
0xbc: {  	v31 =	vadd.f32 v50, v51;
	v56 =	vmul.f32 $2.000000030e-01, v28;
	v29 =	vmax.f32 v29, v55  }
0xbd: {  	v30 =	vmax.f32 v30, v41;
	v26 =	vadd.f32 v27, v26;
	v29 =	vmul.f32 v29, v16  }
0xbe: {  	v24 =	vadd.f32 v24, v32;
	v58 =	vadd.f32 v54, v31;
	v57 =	vmax.f32 v28, v56  }
0xbf: {  	v27 =	vmul.f32 v57, v17;
	v25 =	vadd.f32 v25, v26;
	v29 =	vadd.f32 $0.0e+00, v29  }
0xc0: {  	v21 =	vadd.f32 v21, v23;
	v59 =	vmul.f32 v36, v15;
	v23 =	vmul.f32 $2.000000030e-01, v58  }
0xc1: {  	v61 =	vmul.f32 v30, v19;
	v22 =	vadd.f32 v22, v24;
	(xrf2) =	vadd.scan.msk.f32 $0xffff, v25;
	v60 =	vadd.f32 v27, v29  }
0xc2: {  	v23 =	vmax.f32 v58, v23  }
0xc3: {  	v21 =	vadd.f32 v59, v21;
	v23 =	vmul.f32 v23, v20;
	(xrf2) =	vadd.scan.msk.f32 $0xffff, v22;
	v62 =	vadd.f32 v61, v60;
	_ =	sdelay $0x1  }
0xc4: {  	(xrf2) =	vadd.scan.msk.f32 $0xffff, v21;
	v22 =	vadd.f32 v23, v62;
	_ =	sdelay $0x1  }
0xc5: {  	(xrf2) =	vadd.scan.msk.f32 $0xffff, v22;
	_ =	sdelay $0x3  }
0xc6: {  	v21, _, _ =	vpop (xrf2)  }
0xc7: {  	v21 =	vbroadcast v21, $0xF  }
0xc8: {  	v22, _, _ =	vpop (xrf2)  }
0xc9: {  	v22 =	vbroadcast v22, $0xF;
	v21 =	vmul.f32 v0, v21  }
0xca: {  	v23, _, _ =	vpop (xrf2)  }
0xcb: {  	v23 =	vbroadcast v23, $0xF;
	v22 =	vmul.f32 v1, v22;
	v21 =	vadd.f32 $0.0e+00, v21  }
0xcc: {  	v63, _, _ =	vpop (xrf2)  }
0xcd: {  	v21 =	vadd.f32 v22, v21;
	v22 =	vmul.f32 v2, v23;
	v23 =	vbroadcast v63, $0xF;
	_ =	sdelay $0x1  }
0xce: {  	v21 =	vadd.f32 v22, v21;
	v22 =	vmul.f32 v3, v23;
	_ =	sdelay $0x1  }
0xcf: {  	s24 =	sadd.s32 $0x1, s24;
	v21 =	vadd.f32 v22, v21  }
0xd0: {  	s25 =	sshll.u32 s25, $0x1;
	p0 =	sne.s32 s24, $0x52  }
.Ltmp1:
0xd1: {  	s25 =	sadd.s32 s8, s25;
	[tilespmem:s26+$0x0] =	vst v21;
	(pc) =	sbr.rel @p0 .LBB2_2-.Ltmp1, $4  }
0xd2: {  	[hbm4b:s25+s3] =	stream.linear.scatter [tilespmem:s21], [sflag:$0x2], $0x800, $0x38;
	[tilespmem:$0x1DB10] =	vst v63  }
0xd3: {  	_ =	swait.ge [sflag:s14], $0x800  }
0xd4: {  	[sflag:s14] =	ssyncset.done $0x0  }
0xd5: {  	v18 =	vmax.f32 v18, v21;
	[sflag:s14] =	ssyncadd.s32 $0xFFFFF800  }
0xd6: {  	s23 =	sadd.s32 $0x1, s23  }
0xd7: {  	p0 =	sne.s32 s23, s12  }
.Ltmp2:
0xd8: {  	[tilespmem:$0x1DB00] =	vst v18;
	(pc) =	sbr.rel @p0 .LBB2_1-.Ltmp2, $4  }
0xd9: {  	[hbm4b:s11+s3] =	stream.linear.scatter [tilespmem:s22], [sflag:$0x2], $0x10, $0x38;
	[tilespmem:$0x1DB10] =	vst v63  }
0xda: {  	_ =	swait.ge [sflag:s14], $0x10  }
0xdb: {  	[sflag:s14] =	ssyncset.done $0x0  }
0xdc: {  	[sflag:s14] =	ssyncadd.s32 $0xFFFFFFF0  }
0xdd: {  	_ =	sfence.sel $0x180000  }
0xde: {  	[bflag:$0x0] =	sbarrier.arrive $0xFFFF  }
0xdf: {  	p0 =	sne.s32 s0, $0x0;
	_ =	strace $0x90000059  }
0xe0: {  	s0 =	sadd.s32 @!p0 $0x100000, s1;
	[bflag:$0x2] =	sbarrier.arrive $0xFFFF  }
0xe1: {  	[sflag:s0] =	ssyncadd.tile.s32 @!p0 $0x1;
	_ =	shalt  }
.Lfunc_end2:
_tile_overlayer_lowered:
.L_overlay_start_2:
0xe2: {  	(tag) =	ssettag $0x2  }
0xe3: {  	s0 =	rddreg [dreg:$0x0];
	s2 =	stileid.u32  }
0xe4: {  	s1 =	rddreg [dreg:$0x1];
	p0 =	sne.s32 s2, $0x0  }
0xe5: {  	s3 =	rddreg [dreg:$0x2];
	[bflag:$0x3] =	sbarrier.arrive $0xFFFF;
	s2 =	simm.s32 @!p0 $0x1C02  }
0xe6: {  	[timem:s3], [sflag:s2] =	dma.local @!p0 [hbm:s0], s1  }
0xe7: {  	s0 =	simm.s32 @!p0 $0x2  }
0xe8: {  	_ =	swait.ge @!p0 [sflag:s0], s1  }
0xe9: {  	s1 =	ssub.s32 @!p0 $0x0, s1;
	[sflag:s0] =	ssyncset.done @!p0 $0x0  }
0xea: {  	[sflag:s0] =	ssyncadd.s32 @!p0 s1  }
0xeb: {  	[bflag:$0x3] =	sbarrier.arrive $0xFFFF  }
0xec: {  	_ =	shalt  }

// kernel: kernel.26.cloned.1.call-start
scs
__scs_entry_jumppad:
0x0: {  	(pc) =	sbr.rel $0x88, $3  }
0x1: {  	(tag) =	ssettag $0x0;
	lr =	simm.s32 $0x1  }
0x2: {  	[smem:$0x3F84] =	sst lr;
	_ =	strace $0xD0000000  }
0x3: {  	_ = 	snop  }
0x4: {  	_ = 	snop  }
0x5: {  	_ = 	snop  }
0x6: {  	_ = 	snop  }
0x7: {  	_ = 	snop  }
__scs_overlays_trampoline_lowered:
0x8: {  	[smem:$0x3F93] =	sst s0  }
0x9: {  	[smem:$0x3F94] =	sst s1  }
0xa: {  	[smem:$0x3F95] =	sst s2  }
0xb: {  	[smem:$0x3F96] =	sst s3  }
0xc: {  	[smem:$0x3F97] =	sst s4  }
0xd: {  	[smem:$0x3F98] =	sst s5  }
0xe: {  	[smem:$0x3F99] =	sst s6  }
0xf: {  	[smem:$0x3F9A] =	sst s7  }
0x10: {  	[smem:$0x3F9B] =	sst s8  }
0x11: {  	[smem:$0x3F9C] =	sst s9;
	s0 =	simm.s32 @!p0 $0x0  }
0x12: {  	s1 =	sld [smem:$0x3F82];
	s0 =	simm.s32 @p0 $0x1  }
0x13: {  	[smem:$0x3F9D] =	sst s0;
	s0 =	simm.s32 @!p1 $0x0  }
0x14: {  	s2 =	sld [smem:$0x3F81];
	s0 =	simm.s32 @p1 $0x1  }
0x15: {  	[smem:$0x3F9E] =	sst s0;
	s0 =	simm.s32 @!p2 $0x0  }
0x16: {  	s3 =	sld [smem:$0x3FDB];
	s0 =	simm.s32 @p2 $0x1  }
0x17: {  	s4 =	simm.s32 $0x1BF5;
	[smem:$0x3FA0] =	sst s0  }
0x18: {  	s0 =	sld [smem:$0x3F83];
	_ =	swait.ge [sflag:s4], $0x0  }
0x19: {  	s7 =	sld [smem:$0x3F84]  }
0x1a: {  	s8 =	sadd.s32 $0xFFFFE003, lr  }
0x1b: {  	s9 =	sadd.s32 $0xFFFFFEF7, lr;
	s5 =	simm.s32 $0xFFFFFFFF;
	p2 =	slt.u32 s8, $0xFFFFF086  }
0x1c: {  	p1 =	slt.u32 s9, $0xF7A;
	s5 =	simm.s32 @!p2 $0x0  }
0x1d: {  	s5 =	simm.s32 @p1 $0x1;
	p0 =	seq.s32 s7, s2  }
0x1e: {  	s7 =	smul.u32 @!p0 $0xF7A, s2;
	p2 =	seq.s32 @!p0 s5, $0x0  }
0x1f: {  	s9 =	smul.u32 $0xF7A, s1;
	s8 =	simm.s32 @!p0 $0x1BF5;
	p2 =	por !p2, p0  }
0x20: {  	[sflag:s8] =	ssyncset.s32 @!p0 $0xFFFFF086;
	s6 =	sadd.s32 @!p0 s3, s7;
	s7 =	simm.s32 @!p0 $0x108  }
0x21: {  	s3 =	sadd.s32 s3, s9;
	s6 =	sadd.s32 @!p0 $0x88, s6;
	s7 =	simm.s32 @p2 $0x1082  }
0x22: {  	[simem:s7], [sflag:s8] =	dma.local @!p0 [hbm:s6], $0xF7A  }
0x23: {  	s9 =	sor.u32 $0xD0000000, s2;
	s6 =	simm.s32 $0x108;
	_ =	swait.ge @!p0 [sflag:s8], $0x0  }
0x24: {  	s3 =	sadd.s32 $0x88, s3;
	s6 =	simm.s32 @!p1 $0x1082;
	[sflag:s4] =	ssyncset.s32 $0xFFFFF086  }
0x25: {  	[simem:s6], [sflag:s4] =	dma.local [hbm:s3], $0xF7A  }
0x26: {  	[smem:$0x3F84] =	sst s1;
	(tag) =	ssettag s2;
	_ =	strace s9  }
0x27: {  	s1 =	sld [smem:$0x3F94]  }
0x28: {  	s2 =	sld [smem:$0x3F95]  }
0x29: {  	s4 =	sld [smem:$0x3F97]  }
0x2a: {  	p0 =	seq.s32 s5, $0x0;
	s5 =	sld [smem:$0x3F98]  }
0x2b: {  	s6 =	sld [smem:$0x3F99]  }
0x2c: {  	s7 =	sld [smem:$0x3F9A]  }
0x2d: {  	s3 =	simm.s32 $0x108;
	s8 =	sld [smem:$0x3F9B]  }
0x2e: {  	s3 =	simm.s32 @!p0 $0x1082;
	s9 =	sld [smem:$0x3F9C]  }
0x2f: {  	lr =	sadd.s32 s0, s3;
	s0 =	sld [smem:$0x3F93]  }
0x30: {  	s3 =	sld [smem:$0x3F96]  }
0x31: {  	[smem:$0x3F9F] =	sst s10  }
0x32: {  	s10 =	sld [smem:$0x3F9D];
	_ =	sdelay $0x3  }
0x33: {  	p0 =	seq.s32 s10, $0x1;
	s10 =	sld [smem:$0x3F9F];
	_ =	sdelay $0x3  }
0x34: {  	[smem:$0x3F9F] =	sst s10  }
0x35: {  	s10 =	sld [smem:$0x3F9E];
	_ =	sdelay $0x3  }
0x36: {  	p1 =	seq.s32 s10, $0x1;
	s10 =	sld [smem:$0x3F9F];
	_ =	sdelay $0x3  }
0x37: {  	[smem:$0x3F9F] =	sst s10  }
0x38: {  	s10 =	sld [smem:$0x3FA0]  }
0x39: {  	_ = 	snop;
	(pc) =	sbr.ind lr, $3  }
0x3a: {  	_ = 	snop  }
0x3b: {  	_ = 	snop  }
0x3c: {  	p2 =	seq.s32 s10, $0x1;
	s10 =	sld [smem:$0x3F9F]  }
0x3d: {  	_ =	shalt  }
0x3e: {  	_ =	shalt  }
0x3f: {  	_ =	shalt  }
0x40: {  	_ =	shalt  }
0x41: {  	_ =	shalt  }
0x42: {  	_ =	shalt  }
0x43: {  	_ =	shalt  }
0x44: {  	_ =	shalt  }
0x45: {  	_ =	shalt  }
0x46: {  	_ =	shalt  }
0x47: {  	_ =	shalt  }
0x48: {  	_ =	shalt  }
0x49: {  	_ =	shalt  }
0x4a: {  	_ =	shalt  }
0x4b: {  	_ =	shalt  }
0x4c: {  	_ =	shalt  }
0x4d: {  	_ =	shalt  }
0x4e: {  	_ =	shalt  }
0x4f: {  	_ =	shalt  }
0x50: {  	_ =	shalt  }
0x51: {  	_ =	shalt  }
0x52: {  	_ =	shalt  }
0x53: {  	_ =	shalt  }
0x54: {  	_ =	shalt  }
0x55: {  	_ =	shalt  }
0x56: {  	_ =	shalt  }
0x57: {  	_ =	shalt  }
0x58: {  	_ =	shalt  }
0x59: {  	_ =	shalt  }
0x5a: {  	_ =	shalt  }
0x5b: {  	_ =	shalt  }
0x5c: {  	_ =	shalt  }
0x5d: {  	_ =	shalt  }
0x5e: {  	_ =	shalt  }
0x5f: {  	_ =	shalt  }
0x60: {  	_ =	shalt  }
0x61: {  	_ =	shalt  }
0x62: {  	_ =	shalt  }
0x63: {  	_ =	shalt  }
0x64: {  	_ =	shalt  }
0x65: {  	_ =	shalt  }
0x66: {  	_ =	shalt  }
0x67: {  	_ =	shalt  }
0x68: {  	_ =	shalt  }
0x69: {  	_ =	shalt  }
0x6a: {  	_ =	shalt  }
0x6b: {  	_ =	shalt  }
0x6c: {  	_ =	shalt  }
0x6d: {  	_ =	shalt  }
0x6e: {  	_ =	shalt  }
0x6f: {  	_ =	shalt  }
0x70: {  	_ =	shalt  }
0x71: {  	_ =	shalt  }
0x72: {  	_ =	shalt  }
0x73: {  	_ =	shalt  }
0x74: {  	_ =	shalt  }
0x75: {  	_ =	shalt  }
0x76: {  	_ =	shalt  }
0x77: {  	_ =	shalt  }
0x78: {  	_ =	shalt  }
0x79: {  	_ =	shalt  }
0x7a: {  	_ =	shalt  }
0x7b: {  	_ =	shalt  }
0x7c: {  	_ =	shalt  }
0x7d: {  	_ =	shalt  }
0x7e: {  	_ =	shalt  }
0x7f: {  	_ =	shalt  }
0x80: {  	_ =	shalt  }
0x81: {  	_ =	shalt  }
0x82: {  	_ =	shalt  }
0x83: {  	_ =	shalt  }
0x84: {  	_ =	shalt  }
0x85: {  	_ =	shalt  }
0x86: {  	_ =	shalt  }
0x87: {  	_ =	shalt  }
.Lfunc_end0:
.L_simem_size_0:
called_computation.7_lowered:
.L_overlay_start_0:
0x88: {  	s2 =	sld [smem:$0x3FD9]  }
0x89: {  	s3 =	sld [smem:$0x3FFE];
	_ =	sdelay $0x1  }
0x8a: {  	s1 =	srdreg.scid  }
0x8b: {  	s0 =	sand.u32 $0x1, s1  }
0x8c: {  	s17 =	sshll.u32 s0, $0xA;
	s2 =	sadd.s32 s3, s2  }
0x8d: {  	s2 =	sadd.s32 s2, s17  }
0x8e: {  	[smem:$0x3FAB] =	sst s2  }
0x8f: {  	_ = 	snop  }
0x90: {  	s2 =	sld [smem:$0x3FD0];
	(tm) =	ssettm $0x1  }
0x91: {  	s18 =	sld [smem:$0x3FFB];
	_ =	sdelay $0x3  }
0x92: {  	_ =	strace s18  }
0x93: {  	s3 =	sld [smem:$0x3FFC];
	_ =	sdelay $0x3  }
0x94: {  	_ =	strace s3  }
0x95: {  	s3 =	sld [smem:$0x3FFD];
	_ =	sdelay $0x3  }
0x96: {  	_ =	strace s3  }
0x97: {  	_ =	strace $0x8FFFFFFF  }
0x98: {  	s19 =	sld [smem:$0x3FDB];
	_ =	sdelay $0x1  }
0x99: {  	s4 =	simm.s32 $_scs_section_size  }
0x9a: {  	s5 =	simm.s32 $_size__tile_overlayer_lowered;
	s6 =	simm.s32 $_tile_overlayer_lowered  }
0x9b: {  	s22 =	simm.s32 $0x1BFF;
	s21 =	sshll.u32 s6, $0x1;
	s3 =	sadd.s32 s4, s19  }
0x9c: {  	s7 =	simm.s32 $0x0;
	s20 =	sshll.u32 s5, $0x1;
	s5 =	sadd.s32 s21, s3  }
0x9d: {  	[timem:s7], [sflag:s22] =	dma.local [hbm:s5], s20  }
0x9e: {  	_ =	swait.ge [sflag:s22], s20  }
0x9f: {  	s4 =	ssub.s32 $0x0, s20;
	[sflag:s22] =	ssyncset.done $0x0  }
0xa0: {  	[sflag:s22] =	ssyncadd.s32 s4;
	_ =	sdelay $0x1  }
0xa1: {  	s23 =	simm.s32 $0x1B8B  }
0xa2: {  	_ =	swait.ge [sflag:s23], $0x1  }
0xa3: {  	[sflag:s23] =	ssyncset.done $0x0  }
0xa4: {  	s25 =	simm.s32 $0x1B8E;
	s24 =	sld [smem:$0x3FFE];
	[sflag:s23] =	ssyncadd.s32 $0xFFFFFFFF  }
0xa5: {  	s26 =	simm.s32 $execute0_lowered;
	[smem:$0x3FD2] =	sst s25  }
0xa6: {  	s5 =	sshll.u32 s26, $0x1;
	_ =	strace $0x8000005B;
	[dreg:$0x1] =	wrdreg $0xFFFFFFFF  }
0xa7: {  	s28 =	simm.s32 $_size_execute0_lowered;
	s3 =	sadd.s32 s3, s5;
	[dreg:$0x0] =	wrdreg $0x0  }
0xa8: {  	s5 =	sshll.u32 s28, $0x1;
	[dreg:$0x2] =	wrdreg s3  }
0xa9: {  	[dreg:$0x3] =	wrdreg s5  }
0xaa: {  	[dreg:$0x4] =	wrdreg $0xC0  }
0xab: {  	_ =	task [dreg:s7], $0x5FFFF  }
0xac: {  	[dreg:$0x1] =	wrdreg $0xFFFFFFFF  }
0xad: {  	[dreg:$0x0] =	wrdreg $0x60  }
0xae: {  	[dreg:$0x2] =	wrdreg s24  }
0xaf: {  	[dreg:$0x3] =	wrdreg s2  }
0xb0: {  	[dreg:$0x4] =	wrdreg $0x91100  }
0xb1: {  	[dreg:$0x5] =	wrdreg $0x9  }
0xb2: {  	_ =	task.clear_ibuf [dreg:s7], $0x6FFFF;
	_ =	strace $0x9000005B  }
0xb3: {  	s29 =	simm.s32 $0x9;
	_ =	strace $0x8000005D  }
0xb4: {  	_ =	swait.ge [sflag:s29], $0x1  }
0xb5: {  	[sflag:s29] =	ssyncadd.s32 $0xFFFFFFFF  }
0xb6: {  	_ =	strace $0x9000005D  }
0xb7: {  	_ =	sfence  }
0xb8: {  	s30 =	sld [smem:$0x0];
	_ =	sdelay $0x2  }
0xb9: {  	s31 =	sshll.u32 s1, $0xD;
	s1 =	sshrl.u32 s1, $0x2  }
0xba: {  	s3 =	sand.u32 $0x4000, s31;
	s1 =	sadd.s32 s1, s30  }
0xbb: {  	s0 =	sor.u32 s3, s0;
	s1 =	sshll.u32 s1, $0x11  }
0xbc: {  	s0 =	sor.u32 s1, s0  }
0xbd: {  	s0 =	sadd.s32 $0x8F2B, s0  }
0xbe: {  	[sflag:s0] =	ssyncadd.remote.s32 $0x1  }
0xbf: {  	_ =	sfence.sel $0xFFFF  }
0xc0: {  	[dreg:$0x0] =	wrdreg $0xFFFFFFFF;
	(pc) =	sbr.abs _section_cstart, $3  }
0xc1: {  	[dreg:$0x1] =	wrdreg $0xFFFFFFFF  }
0xc2: {  	_ =	task.clear_ibuf [dreg:s7], $0x2FFFF;
	_ =	strace $0x9FFFFFFF  }
0xc3: {  	(tm) =	ssettm $0x7FFFFFFF  }
tec
execute0_lowered:
.L_overlay_start_1:
0x0: {  	(tag) =	ssettag $0x1  }
0x1: {  	s0 =	rddreg [dreg:$0x0]  }
0x2: {  	s2 =	rddreg [dreg:$0x2]  }
0x3: {  	s3 =	simm.s32 $0x0;
	s1 =	srdreg.scid;
	s14 =	stileid.u32  }
0x4: {  	s21 =	simm.s32 $0x2;
	s22 =	simm.s32 $0x4100;
	s23 =	simm.s32 $0x80  }
0x5: {  	s24 =	simm.s32 $0x8900;
	s25 =	simm.s32 $0x1;
	s26 =	simm.s32 $0x100  }
0x6: {  	s28 =	simm.s32 $0x0;
	[smem:$0x7FF] =	sst s3;
	s5 =	sadd.s32 $0x62800, s0  }
0x7: {  	s6 =	sadd.s32 $0x58400, s0;
	s7 =	sadd.s32 $0x134C00, s0;
	s8 =	sadd.s32 $0x8600, s0  }
0x8: {  	s4 =	sand.u32 $0x1, s1;
	s30 =	smul.u32 $0x5A000, s14;
	s9 =	sadd.s32 $0x6CC00, s0  }
0x9: {  	s10 =	sadd.s32 $0x94C00, s0;
	s11 =	sadd.s32 $0xBCC00, s0;
	_ =	strace $0x8000005C  }
.Ltmp0:
0xa: {  	s12 =	ssub.s32 $0x2, s4;
	s1 =	sshrl.u32 s30, $0x2;
	(pc) =	sbr.rel .LBB2_1-.Ltmp0, $4  }
0xb: {  	p0 =	sne.s32 s4, $0x0;
	s31 =	sshrl.u32 s12, $0x1;
	s13 =	sadd.s32 s1, s2  }
0xc: {  	s0 =	ssub.s32 s12, s31;
	s12 =	smul.u32 $0x280, s14;
	s1 =	sadd.s32 $0x4800, s13  }
0xd: {  	s15 =	sadd.s32 $0x9000, s13;
	s16 =	sadd.s32 $0xD800, s13;
	s17 =	sadd.s32 $0x12000, s13  }
0xe: {  	v0 =	vimm.f32 $0.0e+00;
	vm0 =	vmxor vm0, vm0;
	vm1 =	vmmov $0xf;
	s19 =	smax.u32 s0, $0x1;
	[dreg:$0x4] =	wrdreg s1;
	s1 =	smul.u32 $0x5200, s14  }
.LBB2_18:
0xf: {  	s28 =	sadd.s32 $0x1, s28  }
0x10: {  	p1 =	sne.s32 s28, s19  }
.Ltmp1:
0x11: {  	_ = 	snop;
	(pc) =	sbr.rel @!p1 .LBB2_19-.Ltmp1, $1  }
0x12: {  	_ =	sdelay $0x3  }
.LBB2_1:
0x13: {  	s0 =	rddreg [dreg:$0x1];
	s4 =	simm.s32 $0x9100  }
0x14: {  	[tilespmem:s4], [sflag:$0x2] =	stream.linear.gather [hbm4b:s0+s3], $0x10, $0x38;
	[tilespmem:$0x1F910] =	vst v63  }
0x15: {  	_ =	swait.ge [sflag:s21], $0x10  }
0x16: {  	[sflag:s21] =	ssyncset.done $0x0  }
0x17: {  	[sflag:s21] =	ssyncadd.s32 $0xFFFFFFF0  }
0x18: {  	s0 =	simm.s32 $0x0;
	s4 =	simm.s32 $0x240;
	v1 =	vld [tilespmem:$0x9100]  }
.LBB2_2:
0x19: {  	p1 =	sne.s32 s4, $0x11DC0;
	[tilespmem:s0+$0x4180] =	vst v0  }
0x1a: {  	[tilespmem:s0+$0x4100] =	vst v0  }
0x1b: {  	[tilespmem:s0+$0x4110] =	vst v0  }
0x1c: {  	[tilespmem:s0+$0x4120] =	vst v0  }
.Ltmp2:
0x1d: {  	[tilespmem:s0+$0x4130] =	vst v0;
	(pc) =	sbr.rel @p1 .LBB2_2-.Ltmp2, $4  }
0x1e: {  	[tilespmem:s0+$0x4140] =	vst v0  }
0x1f: {  	[tilespmem:s0+$0x4150] =	vst v0  }
0x20: {  	[tilespmem:s0+$0x4160] =	vst v0  }
0x21: {  	[tilespmem:s0+$0x4170] =	vst v0;
	s0 =	sshra.s32 s4, $0x2;
	s4 =	sadd.s32 $0x240, s4  }
0x22: {  	[tilespmem:s0+$0x4180] =	vst v0  }
0x23: {  	[tilespmem:s0+$0x4100] =	vst v0  }
0x24: {  	[tilespmem:s0+$0x4110] =	vst v0  }
0x25: {  	[tilespmem:s0+$0x4120] =	vst v0  }
0x26: {  	[tilespmem:s0+$0x4130] =	vst v0  }
0x27: {  	[tilespmem:s0+$0x4140] =	vst v0  }
0x28: {  	[tilespmem:s0+$0x4150] =	vst v0  }
0x29: {  	[tilespmem:s0+$0x4160] =	vst v0  }
0x2a: {  	[tilespmem:s0+$0x4170] =	vst v0  }
0x2b: {  	[spmem:s13] =	stream.linear.scatter [tilespmem:s22], [sflag:$0x2], $0x4800, $0x38;
	[tilespmem:$0x1F910] =	vst v63  }
0x2c: {  	_ =	swait.ge [sflag:s21], $0x4800  }
0x2d: {  	[sflag:s21] =	ssyncset.done $0x0  }
0x2e: {  	s30 =	rddreg [dreg:$0x4];
	[sflag:s21] =	ssyncadd.s32 $0xFFFFB800  }
0x2f: {  	[spmem:s30] =	stream.linear.scatter [tilespmem:s22], [sflag:$0x2], $0x4800, $0x38;
	[tilespmem:$0x1F910] =	vst v63  }
0x30: {  	_ =	swait.ge [sflag:s21], $0x4800  }
0x31: {  	[sflag:s21] =	ssyncset.done $0x0  }
0x32: {  	[sflag:s21] =	ssyncadd.s32 $0xFFFFB800  }
0x33: {  	[spmem:s15] =	stream.linear.scatter [tilespmem:s22], [sflag:$0x2], $0x4800, $0x38;
	[tilespmem:$0x1F910] =	vst v63  }
0x34: {  	_ =	swait.ge [sflag:s21], $0x4800  }
0x35: {  	[sflag:s21] =	ssyncset.done $0x0  }
0x36: {  	[sflag:s21] =	ssyncadd.s32 $0xFFFFB800  }
0x37: {  	[spmem:s16] =	stream.linear.scatter [tilespmem:s22], [sflag:$0x2], $0x4800, $0x38;
	[tilespmem:$0x1F910] =	vst v63  }
0x38: {  	_ =	swait.ge [sflag:s21], $0x4800  }
0x39: {  	[sflag:s21] =	ssyncset.done $0x0  }
0x3a: {  	[sflag:s21] =	ssyncadd.s32 $0xFFFFB800  }
0x3b: {  	[spmem:s17] =	stream.linear.scatter [tilespmem:s22], [sflag:$0x2], $0x4800, $0x38;
	[tilespmem:$0x1F910] =	vst v63  }
.Ltmp3:
0x3c: {  	_ =	swait.ge [sflag:s21], $0x4800;
	(pc) =	sbr.rel @p0 .LBB2_11-.Ltmp3, $4  }
0x3d: {  	[sflag:s21] =	ssyncset.done $0x0  }
0x3e: {  	[sflag:s21] =	ssyncadd.s32 $0xFFFFB800  }
0x3f: {  	s29 =	simm.s32 $0x0;
	s0 =	smov.u32 s1;
	[bflag:$0x0] =	sbarrier.arrive $0xFFFF  }
0x40: {  	s31 =	simm.s32 $0x0;
	s18 =	smov.u32 s1;
	s4 =	simm.s32 $0x0  }
.LBB2_4:
0x41: {  	s4 =	sshll.u32 s31, $0x7  }
0x42: {  	s4 =	sadd.s32 s1, s4  }
0x43: {  	s14 =	sshrl.u32 s4, $0x3  }
0x44: {  	s18 =	sadd.s32 s5, s14  }
0x45: {  	[tilespmem:s29], [sflag:$0x1] =	stream.linear.gather [hbm4b:s18+s29], $0x80, $0x38;
	[tilespmem:$0x1F910] =	vst v63  }
0x46: {  	s4 =	sshll.u32 s4, $0x1;
	s14 =	sadd.s32 s6, s14  }
0x47: {  	[tilespmem:s23], [sflag:$0x1] =	stream.linear.gather [hbm4b:s14+s29], $0x80, $0x38;
	[tilespmem:$0x1F910] =	vst v63  }
0x48: {  	s4 =	sadd.s32 s7, s4  }
0x49: {  	[tilespmem:s24], [sflag:$0x1] =	stream.linear.gather [hbm4b:s4+s29], $0x800, $0x38;
	[tilespmem:$0x1F910] =	vst v63  }
0x4a: {  	_ =	swait.ge [sflag:s25], $0x80  }
0x4b: {  	[sflag:s25] =	ssyncset.done $0x0  }
0x4c: {  	[sflag:s25] =	ssyncadd.s32 $0xFFFFFF80  }
0x4d: {  	_ =	swait.ge [sflag:s25], $0x80  }
0x4e: {  	[sflag:s25] =	ssyncset.done $0x0  }
0x4f: {  	[sflag:s25] =	ssyncadd.s32 $0xFFFFFF80  }
0x50: {  	_ =	swait.ge [sflag:s25], $0x800  }
0x51: {  	[sflag:s25] =	ssyncset.done $0x0  }
0x52: {  	[sflag:s25] =	ssyncadd.s32 $0xFFFFF800  }
0x53: {  	[tilespmem:s26], [sflag:$0x1] =	stream.indirect.gather [hbm4b:s8+s23], $0x80, s29, s23, $0xb8;
	[tilespmem:$0x1F910] =	vst v63  }
0x54: {  	_ =	swait.ge [sflag:s25], $0x4000  }
0x55: {  	[sflag:s25] =	ssyncset.done $0x0  }
0x56: {  	s20 =	simm.s32 $0x0;
	[sflag:s25] =	ssyncadd.s32 $0xFFFFC000  }
0x57: {  	v2 =	vld [tilespmem:s20+$0x8900];
	_ =	sdelay $0x4  }
0x58: {  	v2 =	vsub.f32 v2, v1;
	_ =	sdelay $0x1  }
0x59: {  	v2 =	vmul.f32 $1.442695020e+00, v2;
	_ =	sdelay $0x1  }
0x5a: {  	(erf) = vpow2.f32 v2;
	_ =	sdelay $0x6  }
0x5b: {  	p1 =	slt.u32 s0, $0x50910;
	vm2 =	vmmov vm0;
	s4 =	simm.s32 $0x140  }
0x5c: {  	vm2 =	vmneg @p1 vm2;
	v2 =	vld [tilespmem:s4+$0xFFFFFFC0]  }
0x5d: {  	vm2 =	vmand vm2, vm1;
	v3 =	vpop (erf)  }
0x5e: {  	v3 =	vnsel vm2, $0x0, v3  }
0x5f: {  	v4 =	vbroadcast v3, $0x0;
	_ =	sdelay $0x1  }
0x60: {  	v2 =	vmul.f32 v4, v2  }
0x61: {  	s18 =	simm.s32 $0x4140  }
0x62: {  	[tilespmem:s18+$0xFFFFFFC0] =	vst v2  }
0x63: {  	v2 =	vld [tilespmem:s4+$0xFFFFFFD0];
	_ =	sdelay $0x4  }
0x64: {  	v2 =	vmul.f32 v4, v2;
	_ =	sdelay $0x1  }
0x65: {  	[tilespmem:s18+$0xFFFFFFD0] =	vst v2  }
0x66: {  	v2 =	vld [tilespmem:s4+$0xFFFFFFE0];
	_ =	sdelay $0x4  }
0x67: {  	v2 =	vmul.f32 v2, v4;
	_ =	sdelay $0x1  }
0x68: {  	[tilespmem:s18+$0xFFFFFFE0] =	vst v2  }
0x69: {  	v2 =	vld [tilespmem:s4+$0xFFFFFFF0];
	_ =	sdelay $0x4  }
0x6a: {  	v2 =	vmul.f32 v2, v4;
	_ =	sdelay $0x1  }
0x6b: {  	[tilespmem:s18+$0xFFFFFFF0] =	vst v2  }
0x6c: {  	v2 =	vld [tilespmem:s4+$0x0];
	_ =	sdelay $0x2  }
0x6d: {  	v63 =	vbroadcast v3, $0x1;
	_ =	sdelay $0x1  }
0x6e: {  	v2 =	vmul.f32 v2, v63;
	_ =	sdelay $0x1  }
0x6f: {  	[tilespmem:s18+$0x0] =	vst v2  }
0x70: {  	v2 =	vld [tilespmem:s4+$0x10];
	_ =	sdelay $0x4  }
0x71: {  	v2 =	vmul.f32 v2, v63;
	_ =	sdelay $0x1  }
0x72: {  	[tilespmem:s18+$0x10] =	vst v2  }
0x73: {  	v2 =	vld [tilespmem:s4+$0x20];
	_ =	sdelay $0x4  }
0x74: {  	v2 =	vmul.f32 v2, v63;
	_ =	sdelay $0x1  }
0x75: {  	[tilespmem:s18+$0x20] =	vst v2  }
0x76: {  	v2 =	vld [tilespmem:s4+$0x30];
	_ =	sdelay $0x4  }
0x77: {  	v2 =	vmul.f32 v2, v63  }
0x78: {  	[tilespmem:s18+$0x40] =	vst v3  }
0x79: {  	s30 =	smov.u32 s0;
	s14 =	simm.s32 $0x10;
	s20 =	simm.s32 $0x80;
	[tilespmem:s18+$0x30] =	vst v2  }
.LBB2_5:
0x7a: {  	p1 =	sne.s32 s20, $0x1FC0;
	v2 =	vld [tilespmem:s14+$0x8900];
	_ =	sdelay $0x4  }
0x7b: {  	v2 =	vsub.f32 v2, v1;
	_ =	sdelay $0x1  }
0x7c: {  	v2 =	vmul.f32 $1.442695020e+00, v2;
	_ =	sdelay $0x1  }
0x7d: {  	(erf) = vpow2.f32 v2;
	_ =	sdelay $0x5  }
0x7e: {  	s30 =	sadd.s32 $0x1, s30  }
0x7f: {  	s4 =	sadd.s32 $0x80, s4;
	vm2 =	vmmov vm0;
	p2 =	slt.u32 s30, $0x50910  }
0x80: {  	vm2 =	vmneg @p2 vm2;
	v2 =	vld [tilespmem:s4+$0xFFFFFFC0]  }
0x81: {  	vm2 =	vmand vm2, vm1;
	v3 =	vpop (erf)  }
0x82: {  	v3 =	vnsel vm2, $0x0, v3  }
0x83: {  	v4 =	vbroadcast v3, $0x0;
	_ =	sdelay $0x1  }
0x84: {  	v2 =	vmul.f32 v4, v2  }
0x85: {  	s18 =	sadd.s32 $0x90, s18  }
0x86: {  	[tilespmem:s18+$0xFFFFFFC0] =	vst v2  }
0x87: {  	v2 =	vld [tilespmem:s4+$0xFFFFFFD0];
	_ =	sdelay $0x4  }
0x88: {  	v2 =	vmul.f32 v4, v2;
	_ =	sdelay $0x1  }
0x89: {  	[tilespmem:s18+$0xFFFFFFD0] =	vst v2  }
0x8a: {  	v2 =	vld [tilespmem:s4+$0xFFFFFFE0];
	_ =	sdelay $0x4  }
0x8b: {  	v2 =	vmul.f32 v2, v4;
	_ =	sdelay $0x1  }
0x8c: {  	[tilespmem:s18+$0xFFFFFFE0] =	vst v2  }
0x8d: {  	v2 =	vld [tilespmem:s4+$0xFFFFFFF0];
	_ =	sdelay $0x4  }
0x8e: {  	v2 =	vmul.f32 v2, v4;
	_ =	sdelay $0x1  }
0x8f: {  	[tilespmem:s18+$0xFFFFFFF0] =	vst v2  }
0x90: {  	v2 =	vld [tilespmem:s4+$0x0];
	_ =	sdelay $0x2  }
0x91: {  	v4 =	vbroadcast v3, $0x1;
	_ =	sdelay $0x1  }
0x92: {  	v2 =	vmul.f32 v2, v4;
	_ =	sdelay $0x1  }
0x93: {  	[tilespmem:s18+$0x0] =	vst v2  }
0x94: {  	v2 =	vld [tilespmem:s4+$0x10];
	_ =	sdelay $0x4  }
0x95: {  	v2 =	vmul.f32 v2, v4;
	_ =	sdelay $0x1  }
0x96: {  	[tilespmem:s18+$0x10] =	vst v2  }
0x97: {  	v2 =	vld [tilespmem:s4+$0x20];
	_ =	sdelay $0x4  }
0x98: {  	v2 =	vmul.f32 v2, v4;
	_ =	sdelay $0x1  }
0x99: {  	[tilespmem:s18+$0x20] =	vst v2  }
0x9a: {  	v2 =	vld [tilespmem:s4+$0x30];
	[tilespmem:s18+$0x40] =	vst v3;
	_ =	sdelay $0x2  }
.Ltmp4:
0x9b: {  	(pc) =	sbr.rel @p1 .LBB2_5-.Ltmp4, $3  }
0x9c: {  	_ = 	snop  }
0x9d: {  	v2 =	vmul.f32 v2, v4;
	_ =	sdelay $0x1  }
0x9e: {  	s14 =	sshra.s32 s20, $0x2;
	s20 =	sadd.s32 $0x40, s20;
	[tilespmem:s18+$0x30] =	vst v2  }
0x9f: {  	v2 =	vld [tilespmem:s14+$0x8900];
	_ =	sdelay $0x4  }
0xa0: {  	v2 =	vsub.f32 v2, v1;
	_ =	sdelay $0x1  }
0xa1: {  	v2 =	vmul.f32 $1.442695020e+00, v2;
	_ =	sdelay $0x1  }
0xa2: {  	(erf) = vpow2.f32 v2;
	_ =	sdelay $0x5  }
0xa3: {  	s20 =	sadd.s32 $0x1, s30  }
0xa4: {  	s4 =	sadd.s32 $0x80, s4;
	vm2 =	vmmov vm0;
	p1 =	slt.u32 s20, $0x50910  }
0xa5: {  	vm2 =	vmneg @p1 vm2;
	v2 =	vld [tilespmem:s4+$0xFFFFFFC0]  }
0xa6: {  	vm2 =	vmand vm2, vm1;
	v3 =	vpop (erf)  }
0xa7: {  	v3 =	vnsel vm2, $0x0, v3  }
0xa8: {  	v4 =	vbroadcast v3, $0x0;
	_ =	sdelay $0x1  }
0xa9: {  	v2 =	vmul.f32 v4, v2  }
0xaa: {  	s30 =	sadd.s32 $0x90, s18  }
0xab: {  	[tilespmem:s30+$0xFFFFFFC0] =	vst v2  }
0xac: {  	v2 =	vld [tilespmem:s4+$0xFFFFFFD0];
	_ =	sdelay $0x4  }
0xad: {  	v2 =	vmul.f32 v4, v2;
	_ =	sdelay $0x1  }
0xae: {  	[tilespmem:s30+$0xFFFFFFD0] =	vst v2  }
0xaf: {  	v2 =	vld [tilespmem:s4+$0xFFFFFFE0];
	_ =	sdelay $0x4  }
0xb0: {  	v2 =	vmul.f32 v2, v4;
	_ =	sdelay $0x1  }
0xb1: {  	[tilespmem:s30+$0xFFFFFFE0] =	vst v2  }
0xb2: {  	v2 =	vld [tilespmem:s4+$0xFFFFFFF0];
	_ =	sdelay $0x4  }
0xb3: {  	v2 =	vmul.f32 v2, v4;
	_ =	sdelay $0x1  }
0xb4: {  	[tilespmem:s30+$0xFFFFFFF0] =	vst v2  }
0xb5: {  	v2 =	vld [tilespmem:s4+$0x0];
	_ =	sdelay $0x2  }
0xb6: {  	v63 =	vbroadcast v3, $0x1;
	_ =	sdelay $0x1  }
0xb7: {  	v2 =	vmul.f32 v2, v63;
	_ =	sdelay $0x1  }
0xb8: {  	[tilespmem:s30+$0x0] =	vst v2  }
0xb9: {  	v2 =	vld [tilespmem:s4+$0x10];
	_ =	sdelay $0x4  }
0xba: {  	v2 =	vmul.f32 v2, v63;
	_ =	sdelay $0x1  }
0xbb: {  	[tilespmem:s30+$0x10] =	vst v2  }
0xbc: {  	v2 =	vld [tilespmem:s4+$0x20];
	_ =	sdelay $0x4  }
0xbd: {  	v2 =	vmul.f32 v2, v63;
	_ =	sdelay $0x1  }
0xbe: {  	[tilespmem:s30+$0x20] =	vst v2  }
0xbf: {  	v2 =	vld [tilespmem:s4+$0x30];
	_ =	sdelay $0x4  }
0xc0: {  	s31 =	sadd.s32 $0x1, s31;
	v2 =	vmul.f32 v2, v63  }
0xc1: {  	p1 =	seq.s32 s31, $0xA4;
	[tilespmem:s30+$0x40] =	vst v3  }
.Ltmp5:
0xc2: {  	[tilespmem:s30+$0x30] =	vst v2;
	(pc) =	sbr.rel @!p1 .LBB2_4-.Ltmp5, $4  }
0xc3: {  	[spmem:s2] =	stream.indirect.scatter.add.f32 [tilespmem:s22], [sflag:$0x2], $0x90, s23, s23, $0xb8;
	[tilespmem:$0x1F910] =	vst v63  }
0xc4: {  	_ =	swait.ge [sflag:s21], $0x4800  }
0xc5: {  	[sflag:s21] =	ssyncset.done $0x0  }
0xc6: {  	s0 =	sadd.s32 $0x80, s0;
	[sflag:s21] =	ssyncadd.s32 $0xFFFFB800  }
0xc7: {  	[bflag:$0x0] =	sbarrier.arrive $0xFFFF;
	s4 =	simm.s32 $0x0  }
.LBB2_8:
0xc8: {  	s0 =	sshll.u32 s4, $0x7  }
0xc9: {  	s18 =	sadd.s32 s12, s0  }
0xca: {  	s0 =	smul.u32 $0x240, s18;
	_ =	sdelay $0x1  }
0xcb: {  	s0 =	sshra.s32 s0, $0x2  }
0xcc: {  	s0 =	sadd.s32 s0, s2  }
0xcd: {  	[tilespmem:s22], [sflag:$0x2] =	stream.linear.gather [spmem:s0], $0x4800, $0x38;
	[tilespmem:$0x1F910] =	vst v63  }
0xce: {  	_ =	swait.ge [sflag:s21], $0x4800  }
0xcf: {  	[sflag:s21] =	ssyncset.done $0x0  }
0xd0: {  	s29 =	simm.s32 $0x4140;
	[sflag:s21] =	ssyncadd.s32 $0xFFFFB800  }
0xd1: {  	s20 =	simm.s32 $0x200;
	s0 =	simm.s32 $0x0;
	v1 =	vld [tilespmem:s29+$0x40]  }
.LBB2_9:
0xd2: {  	p1 =	sne.s32 s20, $0xFE00;
	v2 =	vld [tilespmem:s29+$0xFFFFFFC0];
	_ =	sdelay $0x3  }
0xd3: {  	v1 =	vmax.f32 v1, $1.000000000e-30  }
0xd4: {  	(erf) = vrcp.f32 v1;
	_ =	sdelay $0x8  }
0xd5: {  	v1 =	vpop (erf)  }
0xd6: {  	v3 =	vbroadcast v1, $0x0;
	_ =	sdelay $0x1  }
0xd7: {  	v2 =	vmul.f32 v3, v2  }
0xd8: {  	s30 =	sshra.s32 s0, $0x2;
	s0 =	smov.u32 s20  }
0xd9: {  	[tilespmem:s30+$0x100] =	vst v2  }
0xda: {  	v2 =	vld [tilespmem:s29+$0xFFFFFFD0];
	_ =	sdelay $0x4  }
0xdb: {  	v2 =	vmul.f32 v2, v3;
	_ =	sdelay $0x1  }
0xdc: {  	[tilespmem:s30+$0x110] =	vst v2  }
0xdd: {  	v2 =	vld [tilespmem:s29+$0xFFFFFFE0];
	_ =	sdelay $0x4  }
0xde: {  	v2 =	vmul.f32 v2, v3;
	_ =	sdelay $0x1  }
0xdf: {  	[tilespmem:s30+$0x120] =	vst v2  }
0xe0: {  	v2 =	vld [tilespmem:s29+$0xFFFFFFF0];
	_ =	sdelay $0x4  }
0xe1: {  	v2 =	vmul.f32 v2, v3;
	_ =	sdelay $0x1  }
0xe2: {  	[tilespmem:s30+$0x130] =	vst v2  }
0xe3: {  	v2 =	vld [tilespmem:s29+$0x0];
	_ =	sdelay $0x2  }
0xe4: {  	v1 =	vbroadcast v1, $0x1;
	_ =	sdelay $0x1  }
0xe5: {  	v2 =	vmul.f32 v2, v1;
	_ =	sdelay $0x1  }
0xe6: {  	[tilespmem:s30+$0x140] =	vst v2  }
0xe7: {  	v2 =	vld [tilespmem:s29+$0x10];
	_ =	sdelay $0x4  }
0xe8: {  	v2 =	vmul.f32 v2, v1;
	_ =	sdelay $0x1  }
0xe9: {  	[tilespmem:s30+$0x150] =	vst v2  }
0xea: {  	v2 =	vld [tilespmem:s29+$0x20];
	_ =	sdelay $0x4  }
0xeb: {  	v2 =	vmul.f32 v2, v1;
	_ =	sdelay $0x1  }
0xec: {  	[tilespmem:s30+$0x160] =	vst v2  }
0xed: {  	v2 =	vld [tilespmem:s29+$0x30];
	_ =	sdelay $0x3  }
.Ltmp6:
0xee: {  	(pc) =	sbr.rel @p1 .LBB2_9-.Ltmp6, $3  }
0xef: {  	v1 =	vmul.f32 v2, v1;
	_ =	sdelay $0x1  }
0xf0: {  	s29 =	sadd.s32 $0x90, s29;
	[tilespmem:s30+$0x170] =	vst v1  }
0xf1: {  	s20 =	sadd.s32 $0x200, s20;
	v1 =	vld [tilespmem:s29+$0x40]  }
0xf2: {  	_ =	sdelay $0x3  }
0xf3: {  	v1 =	vmax.f32 v1, $1.000000000e-30  }
0xf4: {  	(erf) = vrcp.f32 v1;
	_ =	sdelay $0x6  }
0xf5: {  	v1 =	vld [tilespmem:s29+$0xFFFFFFC0];
	_ =	sdelay $0x1  }
0xf6: {  	v2 =	vpop (erf)  }
0xf7: {  	v3 =	vbroadcast v2, $0x0;
	_ =	sdelay $0x1  }
0xf8: {  	v1 =	vmul.f32 v3, v1  }
0xf9: {  	s0 =	sshra.s32 s0, $0x2  }
0xfa: {  	[tilespmem:s0+$0x100] =	vst v1  }
0xfb: {  	v1 =	vld [tilespmem:s29+$0xFFFFFFD0];
	_ =	sdelay $0x4  }
0xfc: {  	v1 =	vmul.f32 v1, v3;
	_ =	sdelay $0x1  }
0xfd: {  	[tilespmem:s0+$0x110] =	vst v1  }
0xfe: {  	v1 =	vld [tilespmem:s29+$0xFFFFFFE0];
	_ =	sdelay $0x4  }
0xff: {  	v1 =	vmul.f32 v1, v3;
	_ =	sdelay $0x1  }
0x100: {  	[tilespmem:s0+$0x120] =	vst v1  }
0x101: {  	v1 =	vld [tilespmem:s29+$0xFFFFFFF0];
	_ =	sdelay $0x4  }
0x102: {  	v1 =	vmul.f32 v1, v3;
	_ =	sdelay $0x1  }
0x103: {  	[tilespmem:s0+$0x130] =	vst v1  }
0x104: {  	v1 =	vld [tilespmem:s29+$0x0];
	_ =	sdelay $0x2  }
0x105: {  	v2 =	vbroadcast v2, $0x1;
	_ =	sdelay $0x1  }
0x106: {  	v1 =	vmul.f32 v1, v2;
	_ =	sdelay $0x1  }
0x107: {  	[tilespmem:s0+$0x140] =	vst v1  }
0x108: {  	v1 =	vld [tilespmem:s29+$0x10];
	_ =	sdelay $0x4  }
0x109: {  	v1 =	vmul.f32 v1, v2;
	_ =	sdelay $0x1  }
0x10a: {  	[tilespmem:s0+$0x150] =	vst v1  }
0x10b: {  	v1 =	vld [tilespmem:s29+$0x20];
	_ =	sdelay $0x4  }
0x10c: {  	v1 =	vmul.f32 v1, v2;
	_ =	sdelay $0x1  }
0x10d: {  	[tilespmem:s0+$0x160] =	vst v1  }
0x10e: {  	v1 =	vld [tilespmem:s29+$0x30];
	_ =	sdelay $0x4  }
0x10f: {  	v1 =	vmul.f32 v1, v2  }
0x110: {  	s14 =	sshll.u32 s18, $0x4;
	s4 =	sadd.s32 $0x1, s4  }
0x111: {  	s31 =	sadd.s32 s10, s14;
	p1 =	seq.s32 s4, $0x5;
	[tilespmem:s0+$0x170] =	vst v1  }
0x112: {  	[hbm4b:s31+s3] =	stream.linear.scatter [tilespmem:s26], [sflag:$0x2], $0x4000, $0x38;
	[tilespmem:$0x1F910] =	vst v63  }
.Ltmp7:
0x113: {  	_ = 	snop;
	(pc) =	sbr.rel @!p1 .LBB2_8-.Ltmp7, $4  }
.Ltmp8:
0x114: {  	_ = 	snop;
	(pc) =	sbr.rel @p1 .LBB2_18-.Ltmp8, $4  }
0x115: {  	_ =	swait.ge [sflag:s21], $0x4000  }
0x116: {  	[sflag:s21] =	ssyncset.done $0x0  }
0x117: {  	[sflag:s21] =	ssyncadd.s32 $0xFFFFC000  }
0x118: {  	_ = 	snop  }
.LBB2_11:
0x119: {  	s0 =	sshll.u32 s4, $0x7  }
0x11a: {  	s0 =	sadd.s32 s1, s0  }
0x11b: {  	s14 =	sshrl.u32 s0, $0x3  }
0x11c: {  	s20 =	sadd.s32 s5, s14  }
0x11d: {  	[tilespmem:s29], [sflag:$0x1] =	stream.linear.gather [hbm4b:s20+s29], $0x80, $0x38;
	[tilespmem:$0x1F910] =	vst v63  }
0x11e: {  	s0 =	sshll.u32 s0, $0x1;
	s14 =	sadd.s32 s6, s14  }
0x11f: {  	[tilespmem:s23], [sflag:$0x1] =	stream.linear.gather [hbm4b:s14+s29], $0x80, $0x38;
	[tilespmem:$0x1F910] =	vst v63  }
0x120: {  	s0 =	sadd.s32 s7, s0  }
0x121: {  	[tilespmem:s24], [sflag:$0x1] =	stream.linear.gather [hbm4b:s0+s29], $0x800, $0x38;
	[tilespmem:$0x1F910] =	vst v63  }
0x122: {  	_ =	swait.ge [sflag:s25], $0x80  }
0x123: {  	[sflag:s25] =	ssyncset.done $0x0  }
0x124: {  	[sflag:s25] =	ssyncadd.s32 $0xFFFFFF80  }
0x125: {  	_ =	swait.ge [sflag:s25], $0x80  }
0x126: {  	[sflag:s25] =	ssyncset.done $0x0  }
0x127: {  	[sflag:s25] =	ssyncadd.s32 $0xFFFFFF80  }
0x128: {  	_ =	swait.ge [sflag:s25], $0x800  }
0x129: {  	[sflag:s25] =	ssyncset.done $0x0  }
0x12a: {  	[sflag:s25] =	ssyncadd.s32 $0xFFFFF800  }
0x12b: {  	[tilespmem:s26], [sflag:$0x1] =	stream.indirect.gather [hbm4b:s9+s23], $0x80, s29, s23, $0xb8;
	[tilespmem:$0x1F910] =	vst v63  }
0x12c: {  	_ =	swait.ge [sflag:s25], $0x4000  }
0x12d: {  	[sflag:s25] =	ssyncset.done $0x0  }
0x12e: {  	s20 =	simm.s32 $0x0;
	[sflag:s25] =	ssyncadd.s32 $0xFFFFC000  }
0x12f: {  	v2 =	vld [tilespmem:s20+$0x8900];
	_ =	sdelay $0x4  }
0x130: {  	v2 =	vsub.f32 v2, v1;
	_ =	sdelay $0x1  }
0x131: {  	v2 =	vmul.f32 $1.442695020e+00, v2;
	_ =	sdelay $0x1  }
0x132: {  	(erf) = vpow2.f32 v2;
	_ =	sdelay $0x6  }
0x133: {  	s30 =	simm.s32 $0x140;
	p1 =	slt.u32 s18, $0x50910;
	vm2 =	vmmov vm0  }
0x134: {  	vm2 =	vmneg @p1 vm2;
	v2 =	vld [tilespmem:s30+$0xFFFFFFC0]  }
0x135: {  	vm2 =	vmand vm2, vm1;
	v3 =	vpop (erf)  }
0x136: {  	v3 =	vnsel vm2, $0x0, v3  }
0x137: {  	v4 =	vbroadcast v3, $0x2;
	_ =	sdelay $0x1  }
0x138: {  	v2 =	vmul.f32 v4, v2  }
0x139: {  	s31 =	simm.s32 $0x4140  }
0x13a: {  	[tilespmem:s31+$0xFFFFFFC0] =	vst v2  }
0x13b: {  	v2 =	vld [tilespmem:s30+$0xFFFFFFD0];
	_ =	sdelay $0x4  }
0x13c: {  	v2 =	vmul.f32 v4, v2;
	_ =	sdelay $0x1  }
0x13d: {  	[tilespmem:s31+$0xFFFFFFD0] =	vst v2  }
0x13e: {  	v2 =	vld [tilespmem:s30+$0xFFFFFFE0];
	_ =	sdelay $0x4  }
0x13f: {  	v2 =	vmul.f32 v2, v4;
	_ =	sdelay $0x1  }
0x140: {  	[tilespmem:s31+$0xFFFFFFE0] =	vst v2  }
0x141: {  	v2 =	vld [tilespmem:s30+$0xFFFFFFF0];
	_ =	sdelay $0x4  }
0x142: {  	v2 =	vmul.f32 v2, v4;
	_ =	sdelay $0x1  }
0x143: {  	[tilespmem:s31+$0xFFFFFFF0] =	vst v2  }
0x144: {  	v2 =	vld [tilespmem:s30+$0x0];
	_ =	sdelay $0x2  }
0x145: {  	v63 =	vbroadcast v3, $0x3;
	_ =	sdelay $0x1  }
0x146: {  	v2 =	vmul.f32 v2, v63;
	_ =	sdelay $0x1  }
0x147: {  	[tilespmem:s31+$0x0] =	vst v2  }
0x148: {  	v2 =	vld [tilespmem:s30+$0x10];
	_ =	sdelay $0x4  }
0x149: {  	v2 =	vmul.f32 v2, v63;
	_ =	sdelay $0x1  }
0x14a: {  	[tilespmem:s31+$0x10] =	vst v2  }
0x14b: {  	v2 =	vld [tilespmem:s30+$0x20];
	_ =	sdelay $0x4  }
0x14c: {  	v2 =	vmul.f32 v2, v63;
	_ =	sdelay $0x1  }
0x14d: {  	[tilespmem:s31+$0x20] =	vst v2  }
0x14e: {  	v2 =	vld [tilespmem:s30+$0x30];
	_ =	sdelay $0x4  }
0x14f: {  	v2 =	vmul.f32 v2, v63  }
0x150: {  	[tilespmem:s31+$0x40] =	vst v3  }
0x151: {  	s14 =	simm.s32 $0x10;
	s0 =	smov.u32 s18;
	s20 =	simm.s32 $0x80;
	[tilespmem:s31+$0x30] =	vst v2  }
.LBB2_12:
0x152: {  	p1 =	sne.s32 s20, $0x1FC0;
	v2 =	vld [tilespmem:s14+$0x8900];
	_ =	sdelay $0x4  }
0x153: {  	v2 =	vsub.f32 v2, v1;
	_ =	sdelay $0x1  }
0x154: {  	v2 =	vmul.f32 $1.442695020e+00, v2;
	_ =	sdelay $0x1  }
0x155: {  	(erf) = vpow2.f32 v2;
	_ =	sdelay $0x5  }
0x156: {  	s0 =	sadd.s32 $0x1, s0  }
0x157: {  	s30 =	sadd.s32 $0x80, s30;
	vm2 =	vmmov vm0;
	p2 =	slt.u32 s0, $0x50910  }
0x158: {  	vm2 =	vmneg @p2 vm2;
	v2 =	vld [tilespmem:s30+$0xFFFFFFC0]  }
0x159: {  	vm2 =	vmand vm2, vm1;
	v3 =	vpop (erf)  }
0x15a: {  	v3 =	vnsel vm2, $0x0, v3  }
0x15b: {  	v4 =	vbroadcast v3, $0x2;
	_ =	sdelay $0x1  }
0x15c: {  	v2 =	vmul.f32 v4, v2  }
0x15d: {  	s31 =	sadd.s32 $0x90, s31  }
0x15e: {  	[tilespmem:s31+$0xFFFFFFC0] =	vst v2  }
0x15f: {  	v2 =	vld [tilespmem:s30+$0xFFFFFFD0];
	_ =	sdelay $0x4  }
0x160: {  	v2 =	vmul.f32 v4, v2;
	_ =	sdelay $0x1  }
0x161: {  	[tilespmem:s31+$0xFFFFFFD0] =	vst v2  }
0x162: {  	v2 =	vld [tilespmem:s30+$0xFFFFFFE0];
	_ =	sdelay $0x4  }
0x163: {  	v2 =	vmul.f32 v2, v4;
	_ =	sdelay $0x1  }
0x164: {  	[tilespmem:s31+$0xFFFFFFE0] =	vst v2  }
0x165: {  	v2 =	vld [tilespmem:s30+$0xFFFFFFF0];
	_ =	sdelay $0x4  }
0x166: {  	v2 =	vmul.f32 v2, v4;
	_ =	sdelay $0x1  }
0x167: {  	[tilespmem:s31+$0xFFFFFFF0] =	vst v2  }
0x168: {  	v2 =	vld [tilespmem:s30+$0x0];
	_ =	sdelay $0x2  }
0x169: {  	v4 =	vbroadcast v3, $0x3;
	_ =	sdelay $0x1  }
0x16a: {  	v2 =	vmul.f32 v2, v4;
	_ =	sdelay $0x1  }
0x16b: {  	[tilespmem:s31+$0x0] =	vst v2  }
0x16c: {  	v2 =	vld [tilespmem:s30+$0x10];
	_ =	sdelay $0x4  }
0x16d: {  	v2 =	vmul.f32 v2, v4;
	_ =	sdelay $0x1  }
0x16e: {  	[tilespmem:s31+$0x10] =	vst v2  }
0x16f: {  	v2 =	vld [tilespmem:s30+$0x20];
	_ =	sdelay $0x4  }
0x170: {  	v2 =	vmul.f32 v2, v4;
	_ =	sdelay $0x1  }
0x171: {  	[tilespmem:s31+$0x20] =	vst v2  }
0x172: {  	v2 =	vld [tilespmem:s30+$0x30];
	[tilespmem:s31+$0x40] =	vst v3;
	_ =	sdelay $0x2  }
.Ltmp9:
0x173: {  	(pc) =	sbr.rel @p1 .LBB2_12-.Ltmp9, $3  }
0x174: {  	_ = 	snop  }
0x175: {  	v2 =	vmul.f32 v2, v4;
	_ =	sdelay $0x1  }
0x176: {  	s14 =	sshra.s32 s20, $0x2;
	s20 =	sadd.s32 $0x40, s20;
	[tilespmem:s31+$0x30] =	vst v2  }
0x177: {  	v2 =	vld [tilespmem:s14+$0x8900];
	_ =	sdelay $0x4  }
0x178: {  	v2 =	vsub.f32 v2, v1;
	_ =	sdelay $0x1  }
0x179: {  	v2 =	vmul.f32 $1.442695020e+00, v2;
	_ =	sdelay $0x1  }
0x17a: {  	(erf) = vpow2.f32 v2;
	_ =	sdelay $0x5  }
0x17b: {  	s0 =	sadd.s32 $0x1, s0  }
0x17c: {  	s30 =	sadd.s32 $0x80, s30;
	vm2 =	vmmov vm0;
	p1 =	slt.u32 s0, $0x50910  }
0x17d: {  	vm2 =	vmneg @p1 vm2;
	v2 =	vld [tilespmem:s30+$0xFFFFFFC0]  }
0x17e: {  	vm2 =	vmand vm2, vm1;
	v3 =	vpop (erf)  }
0x17f: {  	v3 =	vnsel vm2, $0x0, v3  }
0x180: {  	v4 =	vbroadcast v3, $0x2;
	_ =	sdelay $0x1  }
0x181: {  	v2 =	vmul.f32 v4, v2  }
0x182: {  	s31 =	sadd.s32 $0x90, s31  }
0x183: {  	[tilespmem:s31+$0xFFFFFFC0] =	vst v2  }
0x184: {  	v2 =	vld [tilespmem:s30+$0xFFFFFFD0];
	_ =	sdelay $0x4  }
0x185: {  	v2 =	vmul.f32 v4, v2;
	_ =	sdelay $0x1  }
0x186: {  	[tilespmem:s31+$0xFFFFFFD0] =	vst v2  }
0x187: {  	v2 =	vld [tilespmem:s30+$0xFFFFFFE0];
	_ =	sdelay $0x4  }
0x188: {  	v2 =	vmul.f32 v2, v4;
	_ =	sdelay $0x1  }
0x189: {  	[tilespmem:s31+$0xFFFFFFE0] =	vst v2  }
0x18a: {  	v2 =	vld [tilespmem:s30+$0xFFFFFFF0];
	_ =	sdelay $0x4  }
0x18b: {  	v2 =	vmul.f32 v2, v4;
	_ =	sdelay $0x1  }
0x18c: {  	[tilespmem:s31+$0xFFFFFFF0] =	vst v2  }
0x18d: {  	v2 =	vld [tilespmem:s30+$0x0];
	_ =	sdelay $0x2  }
0x18e: {  	v63 =	vbroadcast v3, $0x3;
	_ =	sdelay $0x1  }
0x18f: {  	v2 =	vmul.f32 v2, v63;
	_ =	sdelay $0x1  }
0x190: {  	[tilespmem:s31+$0x0] =	vst v2  }
0x191: {  	v2 =	vld [tilespmem:s30+$0x10];
	_ =	sdelay $0x4  }
0x192: {  	v2 =	vmul.f32 v2, v63;
	_ =	sdelay $0x1  }
0x193: {  	[tilespmem:s31+$0x10] =	vst v2  }
0x194: {  	v2 =	vld [tilespmem:s30+$0x20];
	_ =	sdelay $0x4  }
0x195: {  	v2 =	vmul.f32 v2, v63;
	_ =	sdelay $0x1  }
0x196: {  	[tilespmem:s31+$0x20] =	vst v2  }
0x197: {  	v2 =	vld [tilespmem:s30+$0x30];
	_ =	sdelay $0x4  }
0x198: {  	s4 =	sadd.s32 $0x1, s4;
	v2 =	vmul.f32 v2, v63  }
0x199: {  	p1 =	seq.s32 s4, $0xA4;
	[tilespmem:s31+$0x40] =	vst v3  }
.Ltmp10:
0x19a: {  	[tilespmem:s31+$0x30] =	vst v2;
	(pc) =	sbr.rel @!p1 .LBB2_11-.Ltmp10, $4  }
0x19b: {  	[spmem:s2] =	stream.indirect.scatter.add.f32 [tilespmem:s22], [sflag:$0x2], $0x90, s23, s23, $0xb8;
	[tilespmem:$0x1F910] =	vst v63  }
0x19c: {  	_ =	swait.ge [sflag:s21], $0x4800  }
0x19d: {  	[sflag:s21] =	ssyncset.done $0x0  }
0x19e: {  	s18 =	sadd.s32 $0x80, s18;
	[sflag:s21] =	ssyncadd.s32 $0xFFFFB800  }
0x19f: {  	[bflag:$0x0] =	sbarrier.arrive $0xFFFF;
	s4 =	simm.s32 $0x0  }
.LBB2_15:
0x1a0: {  	s0 =	sshll.u32 s4, $0x7  }
0x1a1: {  	s18 =	sadd.s32 s12, s0  }
0x1a2: {  	s0 =	smul.u32 $0x240, s18;
	_ =	sdelay $0x1  }
0x1a3: {  	s0 =	sshra.s32 s0, $0x2  }
0x1a4: {  	s0 =	sadd.s32 s0, s2  }
0x1a5: {  	[tilespmem:s22], [sflag:$0x2] =	stream.linear.gather [spmem:s0], $0x4800, $0x38;
	[tilespmem:$0x1F910] =	vst v63  }
0x1a6: {  	_ =	swait.ge [sflag:s21], $0x4800  }
0x1a7: {  	[sflag:s21] =	ssyncset.done $0x0  }
0x1a8: {  	s29 =	simm.s32 $0x4140;
	[sflag:s21] =	ssyncadd.s32 $0xFFFFB800  }
0x1a9: {  	s20 =	simm.s32 $0x200;
	s0 =	simm.s32 $0x0;
	v1 =	vld [tilespmem:s29+$0x40]  }
.LBB2_16:
0x1aa: {  	p1 =	sne.s32 s20, $0xFE00;
	v2 =	vld [tilespmem:s29+$0xFFFFFFC0];
	_ =	sdelay $0x3  }
0x1ab: {  	v1 =	vmax.f32 v1, $1.000000000e-30  }
0x1ac: {  	(erf) = vrcp.f32 v1;
	_ =	sdelay $0x8  }
0x1ad: {  	v1 =	vpop (erf)  }
0x1ae: {  	v3 =	vbroadcast v1, $0x2;
	_ =	sdelay $0x1  }
0x1af: {  	v2 =	vmul.f32 v3, v2  }
0x1b0: {  	s30 =	sshra.s32 s0, $0x2;
	s0 =	smov.u32 s20  }
0x1b1: {  	[tilespmem:s30+$0x100] =	vst v2  }
0x1b2: {  	v2 =	vld [tilespmem:s29+$0xFFFFFFD0];
	_ =	sdelay $0x4  }
0x1b3: {  	v2 =	vmul.f32 v2, v3;
	_ =	sdelay $0x1  }
0x1b4: {  	[tilespmem:s30+$0x110] =	vst v2  }
0x1b5: {  	v2 =	vld [tilespmem:s29+$0xFFFFFFE0];
	_ =	sdelay $0x4  }
0x1b6: {  	v2 =	vmul.f32 v2, v3;
	_ =	sdelay $0x1  }
0x1b7: {  	[tilespmem:s30+$0x120] =	vst v2  }
0x1b8: {  	v2 =	vld [tilespmem:s29+$0xFFFFFFF0];
	_ =	sdelay $0x4  }
0x1b9: {  	v2 =	vmul.f32 v2, v3;
	_ =	sdelay $0x1  }
0x1ba: {  	[tilespmem:s30+$0x130] =	vst v2  }
0x1bb: {  	v2 =	vld [tilespmem:s29+$0x0];
	_ =	sdelay $0x2  }
0x1bc: {  	v1 =	vbroadcast v1, $0x3;
	_ =	sdelay $0x1  }
0x1bd: {  	v2 =	vmul.f32 v2, v1;
	_ =	sdelay $0x1  }
0x1be: {  	[tilespmem:s30+$0x140] =	vst v2  }
0x1bf: {  	v2 =	vld [tilespmem:s29+$0x10];
	_ =	sdelay $0x4  }
0x1c0: {  	v2 =	vmul.f32 v2, v1;
	_ =	sdelay $0x1  }
0x1c1: {  	[tilespmem:s30+$0x150] =	vst v2  }
0x1c2: {  	v2 =	vld [tilespmem:s29+$0x20];
	_ =	sdelay $0x4  }
0x1c3: {  	v2 =	vmul.f32 v2, v1;
	_ =	sdelay $0x1  }
0x1c4: {  	[tilespmem:s30+$0x160] =	vst v2  }
0x1c5: {  	v2 =	vld [tilespmem:s29+$0x30];
	_ =	sdelay $0x3  }
.Ltmp11:
0x1c6: {  	(pc) =	sbr.rel @p1 .LBB2_16-.Ltmp11, $3  }
0x1c7: {  	v1 =	vmul.f32 v2, v1;
	_ =	sdelay $0x1  }
0x1c8: {  	s29 =	sadd.s32 $0x90, s29;
	[tilespmem:s30+$0x170] =	vst v1  }
0x1c9: {  	s20 =	sadd.s32 $0x200, s20;
	v1 =	vld [tilespmem:s29+$0x40]  }
0x1ca: {  	_ =	sdelay $0x3  }
0x1cb: {  	v1 =	vmax.f32 v1, $1.000000000e-30  }
0x1cc: {  	(erf) = vrcp.f32 v1;
	_ =	sdelay $0x6  }
0x1cd: {  	v1 =	vld [tilespmem:s29+$0xFFFFFFC0];
	_ =	sdelay $0x1  }
0x1ce: {  	v2 =	vpop (erf)  }
0x1cf: {  	v3 =	vbroadcast v2, $0x2;
	_ =	sdelay $0x1  }
0x1d0: {  	v1 =	vmul.f32 v3, v1  }
0x1d1: {  	s0 =	sshra.s32 s0, $0x2  }
0x1d2: {  	[tilespmem:s0+$0x100] =	vst v1  }
0x1d3: {  	v1 =	vld [tilespmem:s29+$0xFFFFFFD0];
	_ =	sdelay $0x4  }
0x1d4: {  	v1 =	vmul.f32 v1, v3;
	_ =	sdelay $0x1  }
0x1d5: {  	[tilespmem:s0+$0x110] =	vst v1  }
0x1d6: {  	v1 =	vld [tilespmem:s29+$0xFFFFFFE0];
	_ =	sdelay $0x4  }
0x1d7: {  	v1 =	vmul.f32 v1, v3;
	_ =	sdelay $0x1  }
0x1d8: {  	[tilespmem:s0+$0x120] =	vst v1  }
0x1d9: {  	v1 =	vld [tilespmem:s29+$0xFFFFFFF0];
	_ =	sdelay $0x4  }
0x1da: {  	v1 =	vmul.f32 v1, v3;
	_ =	sdelay $0x1  }
0x1db: {  	[tilespmem:s0+$0x130] =	vst v1  }
0x1dc: {  	v1 =	vld [tilespmem:s29+$0x0];
	_ =	sdelay $0x2  }
0x1dd: {  	v2 =	vbroadcast v2, $0x3;
	_ =	sdelay $0x1  }
0x1de: {  	v1 =	vmul.f32 v1, v2;
	_ =	sdelay $0x1  }
0x1df: {  	[tilespmem:s0+$0x140] =	vst v1  }
0x1e0: {  	v1 =	vld [tilespmem:s29+$0x10];
	_ =	sdelay $0x4  }
0x1e1: {  	v1 =	vmul.f32 v1, v2;
	_ =	sdelay $0x1  }
0x1e2: {  	[tilespmem:s0+$0x150] =	vst v1  }
0x1e3: {  	v1 =	vld [tilespmem:s29+$0x20];
	_ =	sdelay $0x4  }
0x1e4: {  	v1 =	vmul.f32 v1, v2;
	_ =	sdelay $0x1  }
0x1e5: {  	[tilespmem:s0+$0x160] =	vst v1  }
0x1e6: {  	v1 =	vld [tilespmem:s29+$0x30];
	_ =	sdelay $0x4  }
0x1e7: {  	v1 =	vmul.f32 v1, v2  }
0x1e8: {  	s14 =	sshll.u32 s18, $0x4;
	s4 =	sadd.s32 $0x1, s4  }
0x1e9: {  	s31 =	sadd.s32 s11, s14;
	p1 =	sne.s32 s4, $0x5;
	[tilespmem:s0+$0x170] =	vst v1  }
0x1ea: {  	[hbm4b:s31+s3] =	stream.linear.scatter [tilespmem:s26], [sflag:$0x2], $0x4000, $0x38;
	[tilespmem:$0x1F910] =	vst v63  }
.Ltmp12:
0x1eb: {  	_ = 	snop;
	(pc) =	sbr.rel @p1 .LBB2_15-.Ltmp12, $4  }
.Ltmp13:
0x1ec: {  	_ = 	snop;
	(pc) =	sbr.rel @!p1 .LBB2_18-.Ltmp13, $4  }
0x1ed: {  	_ =	swait.ge [sflag:s21], $0x4000  }
0x1ee: {  	[sflag:s21] =	ssyncset.done $0x0  }
0x1ef: {  	[sflag:s21] =	ssyncadd.s32 $0xFFFFC000  }
0x1f0: {  	_ = 	snop  }
.LBB2_19:
0x1f1: {  	_ =	sfence.sel $0x180000  }
0x1f2: {  	[bflag:$0x0] =	sbarrier.arrive $0xFFFF  }
0x1f3: {  	_ =	strace $0x9000005C  }
0x1f4: {  	s0 =	stileid.u32;
	[bflag:$0x2] =	sbarrier.arrive $0xFFFF  }
0x1f5: {  	p0 =	sne.s32 s0, $0x0;
	s0 =	rddreg [dreg:$0x3]  }
0x1f6: {  	s0 =	sadd.s32 @!p0 $0x100000, s0  }
0x1f7: {  	[sflag:s0] =	ssyncadd.tile.s32 @!p0 $0x1;
	_ =	shalt  }
.Lfunc_end2:
_tile_overlayer_lowered:
.L_overlay_start_2:
0x1f8: {  	(tag) =	ssettag $0x2  }
0x1f9: {  	s0 =	rddreg [dreg:$0x0];
	s2 =	stileid.u32  }
0x1fa: {  	s1 =	rddreg [dreg:$0x1];
	p0 =	sne.s32 s2, $0x0  }
0x1fb: {  	s3 =	rddreg [dreg:$0x2];
	[bflag:$0x3] =	sbarrier.arrive $0xFFFF;
	s2 =	simm.s32 @!p0 $0x1C02  }
0x1fc: {  	[timem:s3], [sflag:s2] =	dma.local @!p0 [hbm:s0], s1  }
0x1fd: {  	s0 =	simm.s32 @!p0 $0x2  }
0x1fe: {  	_ =	swait.ge @!p0 [sflag:s0], s1  }
0x1ff: {  	s1 =	ssub.s32 @!p0 $0x0, s1;
	[sflag:s0] =	ssyncset.done @!p0 $0x0  }
0x200: {  	[sflag:s0] =	ssyncadd.s32 @!p0 s1  }
0x201: {  	[bflag:$0x3] =	sbarrier.arrive $0xFFFF  }
0x202: {  	_ =	shalt  }

// kernel: sparse-core-data-format-call.1.cloned.1.call-start
scs
called_computation.1_lowered:
.L_overlay_start_0:
0x0: {  	s1 =	sld [smem:$0x3FD9]  }
0x1: {  	s2 =	sld [smem:$0x3FFE];
	_ =	sdelay $0x1  }
0x2: {  	s3 =	srdreg.scid  }
0x3: {  	s0 =	sand.u32 $0x1, s3  }
0x4: {  	s17 =	sshll.u32 s0, $0xA;
	s1 =	sadd.s32 s2, s1  }
0x5: {  	s1 =	sadd.s32 s1, s17  }
0x6: {  	[smem:$0x3FAB] =	sst s1  }
0x7: {  	_ = 	snop  }
0x8: {  	(tm) =	ssettm $0x1  }
0x9: {  	s18 =	sld [smem:$0x3FFB];
	_ =	sdelay $0x3  }
0xa: {  	_ =	strace s18  }
0xb: {  	s1 =	sld [smem:$0x3FFC];
	_ =	sdelay $0x3  }
0xc: {  	_ =	strace s1  }
0xd: {  	s1 =	sld [smem:$0x3FFD];
	_ =	sdelay $0x3  }
0xe: {  	_ =	strace s1  }
0xf: {  	_ =	strace $0x8FFFFFFF  }
0x10: {  	s19 =	sld [smem:$0x3FDB];
	_ =	sdelay $0x1  }
0x11: {  	s20 =	simm.s32 $_scs_section_size  }
0x12: {  	s4 =	simm.s32 $_size__tile_overlayer_lowered;
	s5 =	simm.s32 $_tile_overlayer_lowered  }
0x13: {  	s23 =	simm.s32 $0x1BFF;
	s22 =	sshll.u32 s5, $0x1;
	s1 =	sadd.s32 s20, s19  }
0x14: {  	s6 =	simm.s32 $0x0;
	s21 =	sshll.u32 s4, $0x1;
	s4 =	sadd.s32 s22, s1  }
0x15: {  	[timem:s6], [sflag:s23] =	dma.local [hbm:s4], s21  }
0x16: {  	_ =	swait.ge [sflag:s23], s21  }
0x17: {  	s2 =	ssub.s32 $0x0, s21;
	[sflag:s23] =	ssyncset.done $0x0  }
0x18: {  	[sflag:s23] =	ssyncadd.s32 s2;
	_ =	sdelay $0x1  }
0x19: {  	s24 =	simm.s32 $0x1B8B  }
0x1a: {  	_ =	swait.ge [sflag:s24], $0x1  }
0x1b: {  	[sflag:s24] =	ssyncset.done $0x0  }
0x1c: {  	s26 =	simm.s32 $0x1B8E;
	s25 =	sld [smem:$0x3FFE];
	[sflag:s24] =	ssyncadd.s32 $0xFFFFFFFF  }
0x1d: {  	s27 =	simm.s32 $execute0_lowered;
	[smem:$0x3FD2] =	sst s26  }
0x1e: {  	s4 =	sshll.u32 s27, $0x1;
	_ =	strace $0x8000004C;
	[dreg:$0x1] =	wrdreg $0xFFFFFFFF  }
0x1f: {  	s28 =	simm.s32 $_size_execute0_lowered;
	s1 =	sadd.s32 s1, s4;
	[dreg:$0x0] =	wrdreg $0x0  }
0x20: {  	s4 =	sshll.u32 s28, $0x1;
	[dreg:$0x2] =	wrdreg s1  }
0x21: {  	[dreg:$0x3] =	wrdreg s4  }
0x22: {  	[dreg:$0x4] =	wrdreg $0xC0  }
0x23: {  	_ =	task [dreg:s6], $0x5FFFF  }
0x24: {  	[dreg:$0x1] =	wrdreg $0xFFFFFFFF  }
0x25: {  	[dreg:$0x0] =	wrdreg $0x60  }
0x26: {  	[dreg:$0x2] =	wrdreg s25  }
0x27: {  	[dreg:$0x3] =	wrdreg $0x9  }
0x28: {  	_ =	task.clear_ibuf [dreg:s6], $0x4FFFF;
	_ =	strace $0x9000004C  }
0x29: {  	s29 =	simm.s32 $0x9;
	_ =	strace $0x8000004E  }
0x2a: {  	_ =	swait.ge [sflag:s29], $0x1  }
0x2b: {  	[sflag:s29] =	ssyncadd.s32 $0xFFFFFFFF  }
0x2c: {  	_ =	strace $0x9000004E  }
0x2d: {  	_ =	sfence  }
0x2e: {  	s30 =	sld [smem:$0x0];
	_ =	sdelay $0x2  }
0x2f: {  	s31 =	sshll.u32 s3, $0xD;
	s3 =	sshrl.u32 s3, $0x2  }
0x30: {  	s2 =	sand.u32 $0x4000, s31;
	s1 =	sadd.s32 s3, s30  }
0x31: {  	s0 =	sor.u32 s2, s0;
	s1 =	sshll.u32 s1, $0x11  }
0x32: {  	s0 =	sor.u32 s1, s0  }
0x33: {  	s0 =	sadd.s32 $0x8F2B, s0  }
0x34: {  	[sflag:s0] =	ssyncadd.remote.s32 $0x1  }
0x35: {  	_ =	sfence.sel $0xFFFF  }
0x36: {  	[dreg:$0x0] =	wrdreg $0xFFFFFFFF;
	(pc) =	sbr.abs _section_cstart, $3  }
0x37: {  	[dreg:$0x1] =	wrdreg $0xFFFFFFFF  }
0x38: {  	_ =	task.clear_ibuf [dreg:s6], $0x2FFFF;
	_ =	strace $0x9FFFFFFF  }
0x39: {  	(tm) =	ssettm $0x7FFFFFFF  }
tec
execute0_lowered:
.L_overlay_start_1:
0x0: {  	(tag) =	ssettag $0x1  }
0x1: {  	s0 =	srdreg.scid  }
0x2: {  	s1 =	sshll.u32 s0, $0x4  }
0x3: {  	s4 =	rddreg [dreg:$0x0];
	s0 =	stileid.u32;
	s1 =	sand.u32 $0x10, s1  }
0x4: {  	s7 =	simm.s32 $0x1;
	s8 =	simm.s32 $0x2;
	s2 =	sor.u32 s0, s1  }
0x5: {  	s9 =	simm.s32 $0x0;
	s12 =	simm.s32 $0x0;
	s2 =	sshll.u32 s2, $0x3  }
0x6: {  	s11 =	simm.s32 $0x0;
	s3 =	sadd.s32 $0xB18800, s4;
	s6 =	ssub.s32 $0xA400, s2  }
.Ltmp0:
0x7: {  	s4 =	sadd.s32 $0x1558800, s4;
	s5 =	sand.u32 $0xF8, s6;
	(pc) =	sbr.rel .LBB1_1-.Ltmp0, $4  }
0x8: {  	s1 =	rddreg [dreg:$0x1];
	_ =	strace $0x8000004D;
	p0 =	sne.s32 s5, $0x0  }
0x9: {  	s6 =	sshrl.u32 s6, $0x8;
	s5 =	simm.s32 $0x1;
	s7 =	simm.s32 @!p0 $0x0  }
0xa: {  	s10 =	smov.u32 s2;
	[sflag:s5] =	ssyncpa.u1 $0x0;
	s6 =	sadd.s32 s7, s6  }
0xb: {  	[sflag:s8] =	ssyncpa.u1 $0x0;
	s8 =	simm.s32 $0x0;
	s7 =	sadd.s32 $0x1, s6  }
.LBB1_9:
0xc: {  	s14 =	sadd.s32 $0x100, s10  }
0xd: {  	p1 =	sgt.s32 s14, $0xA3FF  }
0xe: {  	s14 =	smov.u32 @p1 s2;
	p1 =	sne.s32 s11, s7  }
.Ltmp1:
0xf: {  	p0 =	slt.u32 s11, $0x2;
	(pc) =	sbr.rel @!p1 .LBB1_10-.Ltmp1, $4  }
0x10: {  	s13 =	simm.s32 @!p0 $0x2  }
0x11: {  	s15 =	sadd.s32 $0x1, s11;
	_ =	swait.ge @!p0 [sflag:s13], $0x4000  }
0x12: {  	s12 =	smov.u32 s10;
	s9 =	sadd.s32 $0x4000, s9;
	[sflag:s13] =	ssyncset.done @!p0 $0x0  }
0x13: {  	s11 =	smov.u32 s15;
	s10 =	smov.u32 s14;
	[sflag:s13] =	ssyncadd.s32 @!p0 $0xFFFFC000  }
.LBB1_1:
0x14: {  	p0 =	sge.u32 s11, s6  }
0x15: {  	s13 =	sxor.u32 @!p0 $0xFFFFFFFF, s11  }
0x16: {  	s31 =	sadd.s32 $0xFFFFFFFF, s11;
	s14 =	sshll.u32 @!p0 s10, $0x8;
	s13 =	sshll.u32 @!p0 s13, $0xE  }
0x17: {  	s15 =	simm.s32 @!p0 $0x0;
	s14 =	sadd.s32 @!p0 s3, s14;
	s13 =	sand.u32 @!p0 $0x4000, s13  }
0x18: {  	[tilespmem:s13], [sflag:$0x1] =	stream.linear.gather @!p0 [hbm4b:s14+s15], $0x4000, $0x38;
	[tilespmem:$0x10000] =	vst v63  }
0x19: {  	p0 =	sge.u32 s31, s6  }
.Ltmp2:
0x1a: {  	_ = 	snop;
	(pc) =	sbr.rel @p0 .LBB1_9-.Ltmp2, $1  }
0x1b: {  	_ =	sdelay $0x3  }
0x1c: {  	s13 =	sshll.u32 s9, $0x2;
	_ =	swait.ge [sflag:s5], $0x4000;
	s14 =	sshll.u32 s11, $0xE  }
0x1d: {  	s16 =	simm.s32 $0x0;
	s17 =	simm.s32 $0x0;
	s15 =	sand.u32 $0x10000, s13  }
0x1e: {  	[sflag:s5] =	ssyncset.done $0x0;
	s31 =	sand.u32 $0x4000, s14;
	s14 =	sshrl.u32 s15, $0x2  }
0x1f: {  	[sflag:s5] =	ssyncadd.s32 $0xFFFFC000;
	s13 =	sor.u32 $0x8000, s31;
	s15 =	sor.u32 $0x8000, s14  }
.LBB1_3:
0x20: {  	s18 =	sshra.s32 s16, $0x2  }
0x21: {  	v0 =	vmov s18;
	_ =	sdelay $0x3  }
0x22: {  	p1 =	por $0x1, $0x1;
	s18 =	simm.s32 $0x0  }
.LBB1_4:
0x23: {  	_ = 	snop  }
0x24: {  	s19 =	sshll.u32 s18, $0xA  }
0x25: {  	s19 =	sand.u32 $0x3FFFFC00, s19  }
0x26: {  	s19 =	sadd.s32 s19, s14  }
0x27: {  	v5 =	vld.idx.msk [tilespmem:v0+s19+$0x70 ss:$0x1], $0xffff  }
0x28: {  	v6 =	vld.idx.msk [tilespmem:v0+s19+$0x10 ss:$0x1], $0xffff  }
0x29: {  	v7 =	vld.idx.msk [tilespmem:v0+s19+$0x20 ss:$0x1], $0xffff  }
0x2a: {  	s31 =	sshll.u32 s18, $0x7;
	v1 =	vld.idx.msk [tilespmem:v0+s19+$0x30 ss:$0x1], $0xffff  }
0x2b: {  	s18 =	sand.u32 $0x3FFFFF80, s31;
	v2 =	vld.idx.msk [tilespmem:v0+s19+$0x40 ss:$0x1], $0xffff  }
0x2c: {  	s18 =	sadd.s32 s18, s15;
	v3 =	vld.idx.msk [tilespmem:v0+s19+$0x50 ss:$0x1], $0xffff  }
0x2d: {  	v4 =	vld.idx.msk [tilespmem:v0+s19+$0x60 ss:$0x1], $0xffff;
	[tilespmem:v0+s18+$0x70 ss:$0x1] =	vst.idx.msk $0xffff, v5  }
0x2e: {  	v5 =	vld.idx.msk [tilespmem:v0+s19+$0x0 ss:$0x1], $0xffff;
	[tilespmem:v0+s18+$0x10 ss:$0x1] =	vst.idx.msk $0xffff, v6;
	s19 =	sadd.s32 $0x80, s19  }
0x2f: {  	p0 =	por p1, p1;
	s20 =	simm.s32 $0x6;
	[tilespmem:v0+s18+$0x20 ss:$0x1] =	vst.idx.msk $0xffff, v7;
	v6 =	vld.idx.msk [tilespmem:v0+s19+$0x70 ss:$0x1], $0xffff  }
.LBB1_5:
0x30: {  	p1 =	sne.s32 s20, $0x1;
	v7 =	vld.idx.msk [tilespmem:v0+s19+$0x10 ss:$0x1], $0xffff;
	[tilespmem:v0+s18+$0x30 ss:$0x1] =	vst.idx.msk $0xffff, v1  }
0x31: {  	v8 =	vld.idx.msk [tilespmem:v0+s19+$0x20 ss:$0x1], $0xffff;
	[tilespmem:v0+s18+$0x40 ss:$0x1] =	vst.idx.msk $0xffff, v2  }
0x32: {  	v1 =	vld.idx.msk [tilespmem:v0+s19+$0x30 ss:$0x1], $0xffff;
	[tilespmem:v0+s18+$0x50 ss:$0x1] =	vst.idx.msk $0xffff, v3  }
.Ltmp3:
0x33: {  	v2 =	vld.idx.msk [tilespmem:v0+s19+$0x40 ss:$0x1], $0xffff;
	[tilespmem:v0+s18+$0x60 ss:$0x1] =	vst.idx.msk $0xffff, v4;
	(pc) =	sbr.rel @p1 .LBB1_5-.Ltmp3, $4  }
0x34: {  	v3 =	vld.idx.msk [tilespmem:v0+s19+$0x50 ss:$0x1], $0xffff;
	[tilespmem:v0+s18+$0x0 ss:$0x1] =	vst.idx.msk $0xffff, v5;
	s18 =	sadd.s32 $0x100, s18  }
0x35: {  	v4 =	vld.idx.msk [tilespmem:v0+s19+$0x60 ss:$0x1], $0xffff;
	[tilespmem:v0+s18+$0x70 ss:$0x1] =	vst.idx.msk $0xffff, v6  }
0x36: {  	v5 =	vld.idx.msk [tilespmem:v0+s19+$0x0 ss:$0x1], $0xffff;
	[tilespmem:v0+s18+$0x10 ss:$0x1] =	vst.idx.msk $0xffff, v7;
	s19 =	sadd.s32 $0x80, s19  }
0x37: {  	s20 =	sadd.s32 $0xFFFFFFFF, s20;
	v6 =	vld.idx.msk [tilespmem:v0+s19+$0x70 ss:$0x1], $0xffff;
	[tilespmem:v0+s18+$0x20 ss:$0x1] =	vst.idx.msk $0xffff, v8  }
0x38: {  	_ =	sdelay $0x3  }
0x39: {  	[tilespmem:v0+s18+$0x30 ss:$0x1] =	vst.idx.msk $0xffff, v1  }
0x3a: {  	v1 =	vld.idx.msk [tilespmem:v0+s19+$0x10 ss:$0x1], $0xffff;
	[tilespmem:v0+s18+$0x40 ss:$0x1] =	vst.idx.msk $0xffff, v2  }
0x3b: {  	v2 =	vld.idx.msk [tilespmem:v0+s19+$0x20 ss:$0x1], $0xffff;
	[tilespmem:v0+s18+$0x50 ss:$0x1] =	vst.idx.msk $0xffff, v3  }
0x3c: {  	v61 =	vld.idx.msk [tilespmem:v0+s19+$0x40 ss:$0x1], $0xffff;
	[tilespmem:v0+s18+$0x60 ss:$0x1] =	vst.idx.msk $0xffff, v4  }
0x3d: {  	s31 =	sadd.s32 $0x100, s18;
	v62 =	vld.idx.msk [tilespmem:v0+s19+$0x50 ss:$0x1], $0xffff;
	[tilespmem:v0+s18+$0x0 ss:$0x1] =	vst.idx.msk $0xffff, v5  }
0x3e: {  	v63 =	vld.idx.msk [tilespmem:v0+s19+$0x60 ss:$0x1], $0xffff;
	[tilespmem:v0+s31+$0x70 ss:$0x1] =	vst.idx.msk $0xffff, v6  }
0x3f: {  	v3 =	vld.idx.msk [tilespmem:v0+s19+$0x30 ss:$0x1], $0xffff;
	[tilespmem:v0+s31+$0x10 ss:$0x1] =	vst.idx.msk $0xffff, v1  }
0x40: {  	v1 =	vld.idx.msk [tilespmem:v0+s19+$0x0 ss:$0x1], $0xffff;
	[tilespmem:v0+s31+$0x20 ss:$0x1] =	vst.idx.msk $0xffff, v2  }
.Ltmp4:
0x41: {  	[tilespmem:v0+s31+$0x40 ss:$0x1] =	vst.idx.msk $0xffff, v61;
	(pc) =	sbr.rel @p0 .LBB1_4-.Ltmp4, $4  }
0x42: {  	[tilespmem:v0+s31+$0x50 ss:$0x1] =	vst.idx.msk $0xffff, v62  }
0x43: {  	[tilespmem:v0+s31+$0x60 ss:$0x1] =	vst.idx.msk $0xffff, v63  }
0x44: {  	[tilespmem:v0+s31+$0x30 ss:$0x1] =	vst.idx.msk $0xffff, v3  }
0x45: {  	p1 =	por $0x0, $0x0;
	s18 =	simm.s32 $0x1;
	[tilespmem:v0+s31+$0x0 ss:$0x1] =	vst.idx.msk $0xffff, v1  }
0x46: {  	s17 =	sadd.s32 $0x1, s17  }
0x47: {  	p0 =	sne.s32 s17, $0x8  }
.Ltmp5:
0x48: {  	_ = 	snop;
	(pc) =	sbr.rel @p0 .LBB1_3-.Ltmp5, $2  }
0x49: {  	_ =	sdelay $0x2  }
0x4a: {  	s16 =	sadd.s32 $0x2000, s16  }
.Ltmp6:
0x4b: {  	(pc) =	sbr.rel .LBB1_9-.Ltmp6, $4  }
0x4c: {  	_ = 	snop  }
0x4d: {  	s12 =	sshll.u32 s12, $0x8  }
0x4e: {  	s12 =	sadd.s32 s4, s12  }
0x4f: {  	[hbm4b:s12+s8] =	stream.linear.scatter [tilespmem:s13], [sflag:$0x2], $0x4000, $0x38;
	[tilespmem:$0x10000] =	vst v63  }
.LBB1_10:
0x50: {  	_ =	sfence.sel $0x180000  }
0x51: {  	s2 =	simm.s32 $0x1;
	[bflag:$0x0] =	sbarrier.arrive $0xFFFF  }
0x52: {  	s31 =	simm.s32 $0x2;
	[sflag:s2] =	ssyncpa.u1 $0x1  }
0x53: {  	[sflag:s31] =	ssyncpa.u1 $0x1  }
0x54: {  	p0 =	sne.s32 s0, $0x0;
	_ =	strace $0x9000004D  }
0x55: {  	s0 =	sadd.s32 @!p0 $0x100000, s1;
	[bflag:$0x2] =	sbarrier.arrive $0xFFFF  }
0x56: {  	[sflag:s0] =	ssyncadd.tile.s32 @!p0 $0x1;
	_ =	shalt  }
.Lfunc_end1:
_tile_overlayer_lowered:
.L_overlay_start_2:
0x57: {  	(tag) =	ssettag $0x2  }
0x58: {  	s0 =	rddreg [dreg:$0x0];
	s2 =	stileid.u32  }
0x59: {  	s1 =	rddreg [dreg:$0x1];
	p0 =	sne.s32 s2, $0x0  }
0x5a: {  	s3 =	rddreg [dreg:$0x2];
	[bflag:$0x3] =	sbarrier.arrive $0xFFFF;
	s2 =	simm.s32 @!p0 $0x1C01  }
0x5b: {  	[timem:s3], [sflag:s2] =	dma.local @!p0 [hbm:s0], s1  }
0x5c: {  	s0 =	simm.s32 @!p0 $0x1  }
0x5d: {  	_ =	swait.ge @!p0 [sflag:s0], s1  }
0x5e: {  	s1 =	ssub.s32 @!p0 $0x0, s1;
	[sflag:s0] =	ssyncset.done @!p0 $0x0  }
0x5f: {  	[sflag:s0] =	ssyncadd.s32 @!p0 s1  }
0x60: {  	[bflag:$0x3] =	sbarrier.arrive $0xFFFF  }
0x61: {  	_ =	shalt  }

// kernel: sparse-core-data-format-call.2.cloned.1.call-start
scs
called_computation.2_lowered:
.L_overlay_start_0:
0x0: {  	s1 =	sld [smem:$0x3FD9]  }
0x1: {  	s2 =	sld [smem:$0x3FFE];
	_ =	sdelay $0x1  }
0x2: {  	s3 =	srdreg.scid  }
0x3: {  	s0 =	sand.u32 $0x1, s3  }
0x4: {  	s17 =	sshll.u32 s0, $0xA;
	s1 =	sadd.s32 s2, s1  }
0x5: {  	s1 =	sadd.s32 s1, s17  }
0x6: {  	[smem:$0x3FAB] =	sst s1  }
0x7: {  	_ = 	snop  }
0x8: {  	(tm) =	ssettm $0x1  }
0x9: {  	s18 =	sld [smem:$0x3FFB];
	_ =	sdelay $0x3  }
0xa: {  	_ =	strace s18  }
0xb: {  	s1 =	sld [smem:$0x3FFC];
	_ =	sdelay $0x3  }
0xc: {  	_ =	strace s1  }
0xd: {  	s1 =	sld [smem:$0x3FFD];
	_ =	sdelay $0x3  }
0xe: {  	_ =	strace s1  }
0xf: {  	_ =	strace $0x8FFFFFFF  }
0x10: {  	s19 =	sld [smem:$0x3FDB];
	_ =	sdelay $0x1  }
0x11: {  	s20 =	simm.s32 $_scs_section_size  }
0x12: {  	s4 =	simm.s32 $_size__tile_overlayer_lowered;
	s5 =	simm.s32 $_tile_overlayer_lowered  }
0x13: {  	s23 =	simm.s32 $0x1BFF;
	s22 =	sshll.u32 s5, $0x1;
	s1 =	sadd.s32 s20, s19  }
0x14: {  	s6 =	simm.s32 $0x0;
	s21 =	sshll.u32 s4, $0x1;
	s4 =	sadd.s32 s22, s1  }
0x15: {  	[timem:s6], [sflag:s23] =	dma.local [hbm:s4], s21  }
0x16: {  	_ =	swait.ge [sflag:s23], s21  }
0x17: {  	s2 =	ssub.s32 $0x0, s21;
	[sflag:s23] =	ssyncset.done $0x0  }
0x18: {  	[sflag:s23] =	ssyncadd.s32 s2;
	_ =	sdelay $0x1  }
0x19: {  	s24 =	simm.s32 $0x1B8B  }
0x1a: {  	_ =	swait.ge [sflag:s24], $0x1  }
0x1b: {  	[sflag:s24] =	ssyncset.done $0x0  }
0x1c: {  	s26 =	simm.s32 $0x1B8E;
	s25 =	sld [smem:$0x3FFE];
	[sflag:s24] =	ssyncadd.s32 $0xFFFFFFFF  }
0x1d: {  	s27 =	simm.s32 $execute0_lowered;
	[smem:$0x3FD2] =	sst s26  }
0x1e: {  	s4 =	sshll.u32 s27, $0x1;
	_ =	strace $0x80000046;
	[dreg:$0x1] =	wrdreg $0xFFFFFFFF  }
0x1f: {  	s28 =	simm.s32 $_size_execute0_lowered;
	s1 =	sadd.s32 s1, s4;
	[dreg:$0x0] =	wrdreg $0x0  }
0x20: {  	s4 =	sshll.u32 s28, $0x1;
	[dreg:$0x2] =	wrdreg s1  }
0x21: {  	[dreg:$0x3] =	wrdreg s4  }
0x22: {  	[dreg:$0x4] =	wrdreg $0xC0  }
0x23: {  	_ =	task [dreg:s6], $0x5FFFF  }
0x24: {  	[dreg:$0x1] =	wrdreg $0xFFFFFFFF  }
0x25: {  	[dreg:$0x0] =	wrdreg $0x60  }
0x26: {  	[dreg:$0x2] =	wrdreg s25  }
0x27: {  	[dreg:$0x3] =	wrdreg $0x9  }
0x28: {  	_ =	task.clear_ibuf [dreg:s6], $0x4FFFF;
	_ =	strace $0x90000046  }
0x29: {  	s29 =	simm.s32 $0x9;
	_ =	strace $0x80000048  }
0x2a: {  	_ =	swait.ge [sflag:s29], $0x1  }
0x2b: {  	[sflag:s29] =	ssyncadd.s32 $0xFFFFFFFF  }
0x2c: {  	_ =	strace $0x90000048  }
0x2d: {  	_ =	sfence  }
0x2e: {  	s30 =	sld [smem:$0x0];
	_ =	sdelay $0x2  }
0x2f: {  	s31 =	sshll.u32 s3, $0xD;
	s3 =	sshrl.u32 s3, $0x2  }
0x30: {  	s2 =	sand.u32 $0x4000, s31;
	s1 =	sadd.s32 s3, s30  }
0x31: {  	s0 =	sor.u32 s2, s0;
	s1 =	sshll.u32 s1, $0x11  }
0x32: {  	s0 =	sor.u32 s1, s0  }
0x33: {  	s0 =	sadd.s32 $0x8F2B, s0  }
0x34: {  	[sflag:s0] =	ssyncadd.remote.s32 $0x1  }
0x35: {  	_ =	sfence.sel $0xFFFF  }
0x36: {  	[dreg:$0x0] =	wrdreg $0xFFFFFFFF;
	(pc) =	sbr.abs _section_cstart, $3  }
0x37: {  	[dreg:$0x1] =	wrdreg $0xFFFFFFFF  }
0x38: {  	_ =	task.clear_ibuf [dreg:s6], $0x2FFFF;
	_ =	strace $0x9FFFFFFF  }
0x39: {  	(tm) =	ssettm $0x7FFFFFFF  }
tec
execute0_lowered:
.L_overlay_start_1:
0x0: {  	(tag) =	ssettag $0x1  }
0x1: {  	s0 =	srdreg.scid  }
0x2: {  	s6 =	rddreg [dreg:$0x0];
	s7 =	simm.s32 $0x1;
	s1 =	sshll.u32 s0, $0x4  }
0x3: {  	s8 =	simm.s32 $0x2;
	s0 =	stileid.u32;
	s1 =	sand.u32 $0x10, s1  }
0x4: {  	s13 =	simm.s32 $0x0;
	s12 =	simm.s32 $0x0;
	s1 =	sor.u32 s0, s1  }
0x5: {  	s10 =	simm.s32 $0x0;
	s11 =	simm.s32 $0x0;
	s2 =	sshll.u32 s1, $0x9  }
0x6: {  	s3 =	sadd.s32 $0x8400, s6;
	s6 =	sadd.s32 $0x140C00, s6;
	s5 =	ssub.s32 $0x4E200, s2  }
.Ltmp0:
0x7: {  	s1 =	rddreg [dreg:$0x1];
	s4 =	sand.u32 $0x3E00, s5;
	(pc) =	sbr.rel .LBB1_1-.Ltmp0, $4  }
0x8: {  	_ =	strace $0x80000047;
	s9 =	smov.u32 s2;
	p0 =	sne.s32 s4, $0x0  }
0x9: {  	s5 =	sshrl.u32 s5, $0xE;
	s4 =	simm.s32 $0x1;
	s7 =	simm.s32 @!p0 $0x0  }
0xa: {  	[sflag:s4] =	ssyncpa.u1 $0x0;
	p0 =	por $0x0, $0x0;
	s5 =	sadd.s32 s7, s5  }
0xb: {  	[sflag:s8] =	ssyncpa.u1 $0x0;
	s8 =	simm.s32 $0x80;
	s7 =	sadd.s32 $0x1, s5  }
.LBB1_4:
0xc: {  	_ = 	snop  }
0xd: {  	[tilespmem:s18+$0x2D60 ss:$0x21] =	vst.msk $0xffff, v7  }
0xe: {  	[tilespmem:s18+$0x2F70 ss:$0x21] =	vst.msk $0xffff, v6  }
0xf: {  	[tilespmem:s18+$0x3390 ss:$0x21] =	vst.msk $0xffff, v3  }
0x10: {  	s21 =	sor.u32 s24, s23;
	v31 =	vld.idx.msk [tilespmem:v0+s16+$0xC70 ss:$0x1], $0xffff;
	[tilespmem:s18+$0x35A0 ss:$0x21] =	vst.msk $0xffff, v1  }
0x11: {  	[tilespmem:s18+$0x37B0 ss:$0x21] =	vst.msk $0xffff, v2;
	v43 =	vld.idx.msk [tilespmem:v0+s21+$0x410 ss:$0x1], $0xffff  }
0x12: {  	[tilespmem:s18+$0x39C0 ss:$0x21] =	vst.msk $0xffff, v4;
	v44 =	vld.idx.msk [tilespmem:v0+s21+$0x420 ss:$0x1], $0xffff  }
0x13: {  	[tilespmem:s18+$0x3BD0 ss:$0x21] =	vst.msk $0xffff, v5;
	s22 =	sand.u32 $0x3200, s21;
	v45 =	vld.idx.msk [tilespmem:v0+s21+$0x430 ss:$0x1], $0xffff  }
0x14: {  	s20 =	sand.u32 $0x180, s20;
	s25 =	sshra.s32 s19, $0x2;
	[tilespmem:s18+$0x3DE0 ss:$0x21] =	vst.msk $0xffff, v8;
	v46 =	vld.idx.msk [tilespmem:v0+s21+$0x440 ss:$0x1], $0xffff;
	s15 =	sadd.s32 s22, s15  }
0x15: {  	v47 =	vld.idx.msk [tilespmem:v0+s21+$0x450 ss:$0x1], $0xffff;
	s24 =	sadd.s32 s20, s15;
	s15 =	sadd.s32 s25, s17;
	[tilespmem:s18+$0x3FF0 ss:$0x21] =	vst.msk $0xffff, v31  }
0x16: {  	v48 =	vld.idx.msk [tilespmem:v0+s21+$0x460 ss:$0x1], $0xffff;
	[tilespmem:s15+$0x1290 ss:$0x21] =	vst.msk $0xffff, v43  }
0x17: {  	v49 =	vld.idx.msk [tilespmem:v0+s21+$0x470 ss:$0x1], $0xffff;
	[tilespmem:s15+$0x14A0 ss:$0x21] =	vst.msk $0xffff, v44  }
0x18: {  	v50 =	vld.idx.msk [tilespmem:v0+s21+$0x810 ss:$0x1], $0xffff;
	[tilespmem:s15+$0x16B0 ss:$0x21] =	vst.msk $0xffff, v45  }
0x19: {  	v51 =	vld.idx.msk [tilespmem:v0+s21+$0x820 ss:$0x1], $0xffff;
	[tilespmem:s15+$0x18C0 ss:$0x21] =	vst.msk $0xffff, v46  }
0x1a: {  	v52 =	vld.idx.msk [tilespmem:v0+s21+$0x830 ss:$0x1], $0xffff;
	[tilespmem:s15+$0x1AD0 ss:$0x21] =	vst.msk $0xffff, v47  }
0x1b: {  	v53 =	vld.idx.msk [tilespmem:v0+s21+$0x840 ss:$0x1], $0xffff;
	[tilespmem:s15+$0x1CE0 ss:$0x21] =	vst.msk $0xffff, v48  }
0x1c: {  	v54 =	vld.idx.msk [tilespmem:v0+s21+$0x850 ss:$0x1], $0xffff;
	[tilespmem:s15+$0x1EF0 ss:$0x21] =	vst.msk $0xffff, v49  }
0x1d: {  	v55 =	vld.idx.msk [tilespmem:v0+s21+$0x860 ss:$0x1], $0xffff;
	[tilespmem:s15+$0x2310 ss:$0x21] =	vst.msk $0xffff, v50  }
0x1e: {  	v56 =	vld.idx.msk [tilespmem:v0+s21+$0x870 ss:$0x1], $0xffff;
	[tilespmem:s15+$0x2520 ss:$0x21] =	vst.msk $0xffff, v51  }
0x1f: {  	v57 =	vld.idx.msk [tilespmem:v0+s21+$0xC10 ss:$0x1], $0xffff;
	[tilespmem:s15+$0x2730 ss:$0x21] =	vst.msk $0xffff, v52  }
0x20: {  	v58 =	vld.idx.msk [tilespmem:v0+s21+$0xC20 ss:$0x1], $0xffff;
	[tilespmem:s15+$0x2940 ss:$0x21] =	vst.msk $0xffff, v53  }
0x21: {  	v59 =	vld.idx.msk [tilespmem:v0+s21+$0xC30 ss:$0x1], $0xffff;
	[tilespmem:s15+$0x2B50 ss:$0x21] =	vst.msk $0xffff, v54  }
0x22: {  	v60 =	vld.idx.msk [tilespmem:v0+s21+$0xC40 ss:$0x1], $0xffff;
	[tilespmem:s15+$0x2D60 ss:$0x21] =	vst.msk $0xffff, v55  }
0x23: {  	v61 =	vld.idx.msk [tilespmem:v0+s21+$0xC50 ss:$0x1], $0xffff;
	[tilespmem:s15+$0x2F70 ss:$0x21] =	vst.msk $0xffff, v56  }
0x24: {  	v62 =	vld.idx.msk [tilespmem:v0+s21+$0xC60 ss:$0x1], $0xffff;
	[tilespmem:s15+$0x3390 ss:$0x21] =	vst.msk $0xffff, v57  }
0x25: {  	v63 =	vld.idx.msk [tilespmem:v0+s21+$0xC70 ss:$0x1], $0xffff;
	[tilespmem:s15+$0x35A0 ss:$0x21] =	vst.msk $0xffff, v58  }
0x26: {  	v32 =	vld [tilespmem:s24+$0xC00];
	[tilespmem:s15+$0x37B0 ss:$0x21] =	vst.msk $0xffff, v59  }
0x27: {  	v33 =	vld [tilespmem:s24+$0x0];
	[tilespmem:s15+$0x39C0 ss:$0x21] =	vst.msk $0xffff, v60  }
0x28: {  	v34 =	vld [tilespmem:s24+$0x10];
	[tilespmem:s15+$0x3BD0 ss:$0x21] =	vst.msk $0xffff, v61  }
0x29: {  	s13 =	sshll.u32 s13, $0x7;
	s26 =	sshll.u32 s12, $0x3;
	v35 =	vld [tilespmem:s24+$0x20];
	[tilespmem:s15+$0x3DE0 ss:$0x21] =	vst.msk $0xffff, v62  }
0x2a: {  	s27 =	sand.u32 $0xFFFFFC00, s13;
	s16 =	sand.u32 $0xFFFFFC00, s26;
	v36 =	vld [tilespmem:s24+$0x30];
	[tilespmem:s15+$0x3FF0 ss:$0x21] =	vst.msk $0xffff, v63  }
0x2b: {  	s13 =	sand.u32 $0x380, s13;
	s16 =	sadd.s32 s16, s27;
	v37 =	vld [tilespmem:s24+$0x40];
	[tilespmem:s15+$0x3180 ss:$0x21] =	vst.msk $0xffff, v32  }
0x2c: {  	s13 =	sor.u32 s13, s16;
	v38 =	vld [tilespmem:s24+$0x50];
	[tilespmem:s15+$0x0 ss:$0x21] =	vst.msk $0xffff, v33  }
0x2d: {  	v39 =	vld [tilespmem:s24+$0x60];
	s13 =	sshrl.u32 s13, $0x7;
	[tilespmem:s15+$0x210 ss:$0x21] =	vst.msk $0xffff, v34  }
0x2e: {  	v40 =	vld [tilespmem:s24+$0x70];
	s28 =	smulhi.u32 $0x1A36E2F, s13;
	[tilespmem:s15+$0x420 ss:$0x21] =	vst.msk $0xffff, v35  }
0x2f: {  	v41 =	vld [tilespmem:s24+$0x400];
	[tilespmem:s15+$0x630 ss:$0x21] =	vst.msk $0xffff, v36  }
0x30: {  	v42 =	vld [tilespmem:s24+$0x800];
	s16 =	sshrl.u32 s28, $0xB;
	[tilespmem:s15+$0x840 ss:$0x21] =	vst.msk $0xffff, v37  }
0x31: {  	s16 =	smul.u32 $0x4E200, s16;
	[tilespmem:s15+$0xA50 ss:$0x21] =	vst.msk $0xffff, v38  }
0x32: {  	s29 =	sshrl.u32 s12, $0x3;
	[tilespmem:s15+$0xC60 ss:$0x21] =	vst.msk $0xffff, v39  }
0x33: {  	s31 =	sand.u32 $0x7, s12;
	s30 =	sand.u32 $0xF, s29;
	[tilespmem:s15+$0xE70 ss:$0x21] =	vst.msk $0xffff, v40;
	s13 =	ssub.s32 s13, s16  }
0x34: {  	s12 =	sshll.u32 s31, $0x12;
	[tilespmem:s15+$0x1080 ss:$0x21] =	vst.msk $0xffff, v41;
	s16 =	sadd.s32 s6, s30;
	s13 =	sshll.u32 s13, $0x4  }
0x35: {  	s12 =	sor.u32 $0x20, s12;
	[tilespmem:s15+$0x2100 ss:$0x21] =	vst.msk $0xffff, v42;
	s13 =	sadd.s32 s13, s16  }
0x36: {  	[hbm4b:s13+s12] =	stream.strided.scatter [tilespmem:s14], [sflag:$0x2], $0x4000, s8, s12, $0x10;
	[tilespmem:$0x10400] =	vst v63  }
.LBB1_5:
0x37: {  	s14 =	sadd.s32 $0x4000, s9  }
0x38: {  	s12 =	sadd.s32 $0x20, s10;
	s16 =	smov.u32 s10;
	p2 =	sgt.s32 s14, $0x4E1FF  }
0x39: {  	s16 =	smov.u32 @p2 s12  }
0x3a: {  	s14 =	smov.u32 @p2 s2;
	p2 =	sgt.s32 s16, $0x1F  }
0x3b: {  	s16 =	simm.s32 @p2 $0x0;
	p2 =	sne.s32 s11, s7  }
.Ltmp1:
0x3c: {  	p1 =	slt.u32 s11, $0x2;
	(pc) =	sbr.rel @!p2 .LBB1_6-.Ltmp1, $4  }
0x3d: {  	s15 =	simm.s32 @!p1 $0x2  }
0x3e: {  	s13 =	smov.u32 s9;
	p0 =	por !p0, !p0;
	_ =	swait.ge @!p1 [sflag:s15], $0x4000  }
0x3f: {  	s12 =	smov.u32 s10;
	[sflag:s15] =	ssyncset.done @!p1 $0x0;
	s9 =	smov.u32 s14  }
0x40: {  	s11 =	sadd.s32 $0x1, s11;
	[sflag:s15] =	ssyncadd.s32 @!p1 $0xFFFFC000;
	s10 =	smov.u32 s16  }
.LBB1_1:
0x41: {  	p1 =	sge.u32 s11, s5  }
0x42: {  	s14 =	sshrl.u32 @!p1 s10, $0x3  }
0x43: {  	s15 =	sshll.u32 @!p1 s9, $0x3;
	s14 =	smul.u32 @!p1 $0x271000, s14  }
0x44: {  	s16 =	sshll.u32 @!p1 s10, $0x7;
	s15 =	sand.u32 @!p1 $0xFFFFFC00, s15  }
0x45: {  	s14 =	sadd.s32 @!p1 s14, s15;
	s15 =	sand.u32 @!p1 $0x380, s16  }
0x46: {  	s16 =	sand.u32 @!p1 $0x7F, s9;
	s14 =	sor.u32 @!p1 s15, s14  }
0x47: {  	s15 =	sor.u32 @!p1 s16, s14  }
0x48: {  	s16 =	smulhi.u32 @!p1 $0xD1B71759, s15;
	_ =	sdelay $0x1  }
0x49: {  	s14 =	smulhi.u32 @!p1 $0xD1B71759, s14;
	s16 =	sshrl.u32 @!p1 s16, $0x12  }
0x4a: {  	s16 =	smul.u32 @!p1 $0x4E200, s16  }
0x4b: {  	s31 =	sadd.s32 $0xFFFFFFFF, s11;
	s17 =	sxor.u32 @!p1 $0xFFFFFFFF, s11;
	s14 =	sshrl.u32 @!p1 s14, $0x12  }
0x4c: {  	s17 =	sshll.u32 @!p1 s17, $0xE;
	s14 =	sand.u32 @!p1 $0x1F, s14;
	s15 =	ssub.s32 @!p1 s15, s16  }
0x4d: {  	s14 =	smul.u32 @!p1 $0x9C40, s14;
	s16 =	sshrl.u32 @!p1 s15, $0x3;
	s15 =	sand.u32 @!p1 $0x7, s15  }
0x4e: {  	s17 =	sand.u32 @!p1 $0x4000, s17;
	s16 =	sadd.s32 @!p1 s3, s16;
	s15 =	sshll.u32 @!p1 s15, $0x12  }
0x4f: {  	s14 =	sadd.s32 @!p1 s14, s16;
	s15 =	sor.u32 @!p1 $0x1000, s15;
	s16 =	simm.s32 @!p1 $0x271000  }
0x50: {  	[tilespmem:s17], [sflag:$0x1] =	stream.strided.gather @!p1 [hbm4b:s14+s15], $0x4000, s16, s15, $0x38;
	[tilespmem:$0x10400] =	vst v63  }
0x51: {  	p1 =	sge.u32 s31, s5  }
.Ltmp2:
0x52: {  	_ = 	snop;
	(pc) =	sbr.rel @p1 .LBB1_5-.Ltmp2, $1  }
0x53: {  	_ =	sdelay $0x3  }
0x54: {  	s17 =	simm.s32 $0x0  }
0x55: {  	s16 =	sand.u32 $0x3000, s17;
	s18 =	sand.u32 $0x380, s17  }
0x56: {  	s14 =	sand.u32 $0x1, s11;
	s16 =	sor.u32 s18, s16  }
0x57: {  	_ =	swait.ge [sflag:s4], $0x4000;
	s15 =	sshll.u32 s14, $0xE;
	s18 =	sand.u32 $0x3200, s16  }
0x58: {  	[sflag:s4] =	ssyncset.done $0x0;
	s17 =	sand.u32 $0x180, s17;
	s18 =	sadd.s32 s18, s15  }
0x59: {  	[sflag:s4] =	ssyncadd.s32 $0xFFFFC000;
	s20 =	sadd.s32 s17, s18  }
0x5a: {  	v4 =	vld [tilespmem:s20+$0xC00]  }
0x5b: {  	s19 =	simm.s32 $0x1;
	v0 =	vmov s15;
	v5 =	vld [tilespmem:s20+$0x0]  }
0x5c: {  	s19 =	simm.s32 @!p0 $0x0;
	v6 =	vld [tilespmem:s20+$0x10]  }
0x5d: {  	s31 =	smul.u32 $0x10800, s19;
	v7 =	vld [tilespmem:s20+$0x20]  }
0x5e: {  	v8 =	vld [tilespmem:s20+$0x30]  }
0x5f: {  	s17 =	sshrl.u32 s31, $0x2;
	v9 =	vld [tilespmem:s20+$0x40]  }
0x60: {  	s17 =	sor.u32 $0x8000, s17;
	v1 =	vld.idx.msk [tilespmem:v0+s16+$0x410 ss:$0x1], $0xffff  }
0x61: {  	v2 =	vld.idx.msk [tilespmem:v0+s16+$0x420 ss:$0x1], $0xffff;
	s18 =	sadd.s32 $0x0, s17  }
0x62: {  	v3 =	vld.idx.msk [tilespmem:v0+s16+$0x430 ss:$0x1], $0xffff;
	[tilespmem:s18+$0x3180 ss:$0x21] =	vst.msk $0xffff, v4  }
0x63: {  	v10 =	vld.idx.msk [tilespmem:v0+s16+$0x820 ss:$0x1], $0xffff;
	[tilespmem:s18+$0x0 ss:$0x21] =	vst.msk $0xffff, v5  }
0x64: {  	v11 =	vld.idx.msk [tilespmem:v0+s16+$0x830 ss:$0x1], $0xffff;
	[tilespmem:s18+$0x210 ss:$0x21] =	vst.msk $0xffff, v6  }
0x65: {  	v12 =	vld.idx.msk [tilespmem:v0+s16+$0x840 ss:$0x1], $0xffff;
	[tilespmem:s18+$0x420 ss:$0x21] =	vst.msk $0xffff, v7  }
0x66: {  	v13 =	vld.idx.msk [tilespmem:v0+s16+$0x850 ss:$0x1], $0xffff;
	[tilespmem:s18+$0x630 ss:$0x21] =	vst.msk $0xffff, v8  }
0x67: {  	v4 =	vld [tilespmem:s20+$0x50];
	[tilespmem:s18+$0x840 ss:$0x21] =	vst.msk $0xffff, v9  }
0x68: {  	v5 =	vld [tilespmem:s20+$0x60];
	[tilespmem:s18+$0x1290 ss:$0x21] =	vst.msk $0xffff, v1  }
0x69: {  	v6 =	vld [tilespmem:s20+$0x70];
	[tilespmem:s18+$0x14A0 ss:$0x21] =	vst.msk $0xffff, v2  }
0x6a: {  	v7 =	vld [tilespmem:s20+$0x400];
	[tilespmem:s18+$0x16B0 ss:$0x21] =	vst.msk $0xffff, v3  }
0x6b: {  	v8 =	vld [tilespmem:s20+$0x800];
	[tilespmem:s18+$0x2520 ss:$0x21] =	vst.msk $0xffff, v10  }
0x6c: {  	v9 =	vld.idx.msk [tilespmem:v0+s16+$0x470 ss:$0x1], $0xffff;
	[tilespmem:s18+$0x2730 ss:$0x21] =	vst.msk $0xffff, v11  }
0x6d: {  	v3 =	vld.idx.msk [tilespmem:v0+s16+$0xC10 ss:$0x1], $0xffff;
	[tilespmem:s18+$0x2940 ss:$0x21] =	vst.msk $0xffff, v12  }
0x6e: {  	v1 =	vld.idx.msk [tilespmem:v0+s16+$0xC20 ss:$0x1], $0xffff;
	[tilespmem:s18+$0x2B50 ss:$0x21] =	vst.msk $0xffff, v13  }
0x6f: {  	v2 =	vld.idx.msk [tilespmem:v0+s16+$0xC30 ss:$0x1], $0xffff;
	[tilespmem:s18+$0xA50 ss:$0x21] =	vst.msk $0xffff, v4  }
0x70: {  	[tilespmem:s18+$0xE70 ss:$0x21] =	vst.msk $0xffff, v6;
	v6 =	vld.idx.msk [tilespmem:v0+s16+$0x460 ss:$0x1], $0xffff  }
0x71: {  	v4 =	vld.idx.msk [tilespmem:v0+s16+$0x440 ss:$0x1], $0xffff;
	[tilespmem:s18+$0xC60 ss:$0x21] =	vst.msk $0xffff, v5  }
0x72: {  	v5 =	vld.idx.msk [tilespmem:v0+s16+$0x450 ss:$0x1], $0xffff;
	[tilespmem:s18+$0x1080 ss:$0x21] =	vst.msk $0xffff, v7  }
0x73: {  	[tilespmem:s18+$0x2100 ss:$0x21] =	vst.msk $0xffff, v8;
	v8 =	vld.idx.msk [tilespmem:v0+s16+$0x810 ss:$0x1], $0xffff  }
0x74: {  	v7 =	vld.idx.msk [tilespmem:v0+s16+$0x860 ss:$0x1], $0xffff;
	[tilespmem:s18+$0x1EF0 ss:$0x21] =	vst.msk $0xffff, v9  }
0x75: {  	s14 =	smul.u32 $0x10800, s14;
	[tilespmem:s18+$0x1CE0 ss:$0x21] =	vst.msk $0xffff, v6;
	v6 =	vld.idx.msk [tilespmem:v0+s16+$0x870 ss:$0x1], $0xffff  }
0x76: {  	s21 =	simm.s32 $0x200;
	s22 =	simm.s32 $0x8;
	[tilespmem:s18+$0x18C0 ss:$0x21] =	vst.msk $0xffff, v4;
	v4 =	vld.idx.msk [tilespmem:v0+s16+$0xC40 ss:$0x1], $0xffff  }
0x77: {  	s23 =	sand.u32 $0x3000, s21;
	s14 =	sshrl.u32 s14, $0x2;
	s20 =	simm.s32 $0x80;
	[tilespmem:s18+$0x1AD0 ss:$0x21] =	vst.msk $0xffff, v5;
	v5 =	vld.idx.msk [tilespmem:v0+s16+$0xC50 ss:$0x1], $0xffff  }
0x78: {  	s19 =	simm.s32 $0x4;
	s14 =	sor.u32 $0x8000, s14;
	s24 =	sand.u32 $0x380, s20;
	[tilespmem:s18+$0x2310 ss:$0x21] =	vst.msk $0xffff, v8;
	v8 =	vld.idx.msk [tilespmem:v0+s16+$0xC60 ss:$0x1], $0xffff  }
.LBB1_3:
0x79: {  	p1 =	sne.s32 s22, $0x7C;
	[tilespmem:s18+$0x2D60 ss:$0x21] =	vst.msk $0xffff, v7;
	v7 =	vld.idx.msk [tilespmem:v0+s16+$0xC70 ss:$0x1], $0xffff;
	s16 =	sor.u32 s24, s23  }
0x7a: {  	s23 =	sand.u32 $0x3200, s16;
	v9 =	vld.idx.msk [tilespmem:v0+s16+$0x410 ss:$0x1], $0xffff;
	[tilespmem:s18+$0x2F70 ss:$0x21] =	vst.msk $0xffff, v6  }
0x7b: {  	s24 =	sand.u32 $0x180, s20;
	s23 =	sadd.s32 s23, s15;
	v6 =	vld.idx.msk [tilespmem:v0+s16+$0x420 ss:$0x1], $0xffff;
	[tilespmem:s18+$0x3390 ss:$0x21] =	vst.msk $0xffff, v3  }
0x7c: {  	s23 =	sadd.s32 s24, s23;
	v3 =	vld.idx.msk [tilespmem:v0+s16+$0x430 ss:$0x1], $0xffff;
	[tilespmem:s18+$0x35A0 ss:$0x21] =	vst.msk $0xffff, v1  }
0x7d: {  	v1 =	vld [tilespmem:s23+$0xC00];
	[tilespmem:s18+$0x37B0 ss:$0x21] =	vst.msk $0xffff, v2  }
0x7e: {  	v2 =	vld [tilespmem:s23+$0x0];
	[tilespmem:s18+$0x39C0 ss:$0x21] =	vst.msk $0xffff, v4  }
0x7f: {  	v4 =	vld [tilespmem:s23+$0x10];
	[tilespmem:s18+$0x3BD0 ss:$0x21] =	vst.msk $0xffff, v5  }
0x80: {  	s24 =	sshra.s32 s19, $0x2;
	s19 =	smov.u32 s22;
	v5 =	vld [tilespmem:s23+$0x20];
	[tilespmem:s18+$0x3DE0 ss:$0x21] =	vst.msk $0xffff, v8  }
0x81: {  	v8 =	vld [tilespmem:s23+$0x30];
	[tilespmem:s18+$0x3FF0 ss:$0x21] =	vst.msk $0xffff, v7;
	s18 =	sadd.s32 s24, s17  }
0x82: {  	v7 =	vld [tilespmem:s23+$0x40];
	[tilespmem:s18+$0x3180 ss:$0x21] =	vst.msk $0xffff, v1  }
0x83: {  	[tilespmem:s18+$0x0 ss:$0x21] =	vst.msk $0xffff, v2;
	v1 =	vld [tilespmem:s23+$0x50]  }
0x84: {  	[tilespmem:s18+$0x210 ss:$0x21] =	vst.msk $0xffff, v4;
	v2 =	vld [tilespmem:s23+$0x60]  }
0x85: {  	[tilespmem:s18+$0x420 ss:$0x21] =	vst.msk $0xffff, v5;
	v4 =	vld [tilespmem:s23+$0x70]  }
0x86: {  	[tilespmem:s18+$0x630 ss:$0x21] =	vst.msk $0xffff, v8;
	v5 =	vld [tilespmem:s23+$0x400]  }
0x87: {  	[tilespmem:s18+$0x840 ss:$0x21] =	vst.msk $0xffff, v7;
	v7 =	vld [tilespmem:s23+$0x800]  }
0x88: {  	[tilespmem:s18+$0xA50 ss:$0x21] =	vst.msk $0xffff, v1;
	v1 =	vld.idx.msk [tilespmem:v0+s16+$0x440 ss:$0x1], $0xffff  }
0x89: {  	[tilespmem:s18+$0xC60 ss:$0x21] =	vst.msk $0xffff, v2;
	v2 =	vld.idx.msk [tilespmem:v0+s16+$0x450 ss:$0x1], $0xffff  }
0x8a: {  	[tilespmem:s18+$0xE70 ss:$0x21] =	vst.msk $0xffff, v4;
	v4 =	vld.idx.msk [tilespmem:v0+s16+$0x460 ss:$0x1], $0xffff  }
0x8b: {  	[tilespmem:s18+$0x1080 ss:$0x21] =	vst.msk $0xffff, v5;
	v5 =	vld.idx.msk [tilespmem:v0+s16+$0x470 ss:$0x1], $0xffff  }
0x8c: {  	[tilespmem:s18+$0x2100 ss:$0x21] =	vst.msk $0xffff, v7;
	v8 =	vld.idx.msk [tilespmem:v0+s16+$0x810 ss:$0x1], $0xffff  }
0x8d: {  	[tilespmem:s18+$0x1290 ss:$0x21] =	vst.msk $0xffff, v9;
	v9 =	vld.idx.msk [tilespmem:v0+s16+$0x820 ss:$0x1], $0xffff  }
0x8e: {  	[tilespmem:s18+$0x14A0 ss:$0x21] =	vst.msk $0xffff, v6;
	v10 =	vld.idx.msk [tilespmem:v0+s16+$0x830 ss:$0x1], $0xffff  }
0x8f: {  	[tilespmem:s18+$0x16B0 ss:$0x21] =	vst.msk $0xffff, v3;
	v11 =	vld.idx.msk [tilespmem:v0+s16+$0x840 ss:$0x1], $0xffff  }
0x90: {  	[tilespmem:s18+$0x18C0 ss:$0x21] =	vst.msk $0xffff, v1;
	v12 =	vld.idx.msk [tilespmem:v0+s16+$0x850 ss:$0x1], $0xffff  }
0x91: {  	[tilespmem:s18+$0x1AD0 ss:$0x21] =	vst.msk $0xffff, v2;
	v7 =	vld.idx.msk [tilespmem:v0+s16+$0x860 ss:$0x1], $0xffff  }
0x92: {  	[tilespmem:s18+$0x1CE0 ss:$0x21] =	vst.msk $0xffff, v4;
	v6 =	vld.idx.msk [tilespmem:v0+s16+$0x870 ss:$0x1], $0xffff  }
0x93: {  	[tilespmem:s18+$0x1EF0 ss:$0x21] =	vst.msk $0xffff, v5;
	v3 =	vld.idx.msk [tilespmem:v0+s16+$0xC10 ss:$0x1], $0xffff  }
.Ltmp3:
0x94: {  	[tilespmem:s18+$0x2310 ss:$0x21] =	vst.msk $0xffff, v8;
	v1 =	vld.idx.msk [tilespmem:v0+s16+$0xC20 ss:$0x1], $0xffff;
	(pc) =	sbr.rel @p1 .LBB1_3-.Ltmp3, $4  }
0x95: {  	[tilespmem:s18+$0x2520 ss:$0x21] =	vst.msk $0xffff, v9;
	v2 =	vld.idx.msk [tilespmem:v0+s16+$0xC30 ss:$0x1], $0xffff  }
0x96: {  	[tilespmem:s18+$0x2730 ss:$0x21] =	vst.msk $0xffff, v10;
	v4 =	vld.idx.msk [tilespmem:v0+s16+$0xC40 ss:$0x1], $0xffff  }
0x97: {  	s20 =	sadd.s32 $0x80, s20;
	s21 =	sadd.s32 $0x200, s21;
	[tilespmem:s18+$0x2940 ss:$0x21] =	vst.msk $0xffff, v11;
	v5 =	vld.idx.msk [tilespmem:v0+s16+$0xC50 ss:$0x1], $0xffff  }
0x98: {  	s22 =	sadd.s32 $0x4, s22;
	s24 =	sand.u32 $0x380, s20;
	s23 =	sand.u32 $0x3000, s21;
	[tilespmem:s18+$0x2B50 ss:$0x21] =	vst.msk $0xffff, v12;
	v8 =	vld.idx.msk [tilespmem:v0+s16+$0xC60 ss:$0x1], $0xffff  }
.Ltmp4:
0x99: {  	_ = 	snop;
	(pc) =	sbr.rel .LBB1_4-.Ltmp4, $1  }
0x9a: {  	_ =	sdelay $0x3  }
.LBB1_6:
0x9b: {  	_ =	sfence.sel $0x180000  }
0x9c: {  	s2 =	simm.s32 $0x1;
	[bflag:$0x0] =	sbarrier.arrive $0xFFFF  }
0x9d: {  	s31 =	simm.s32 $0x2;
	[sflag:s2] =	ssyncpa.u1 $0x1  }
0x9e: {  	[sflag:s31] =	ssyncpa.u1 $0x1  }
0x9f: {  	p0 =	sne.s32 s0, $0x0;
	_ =	strace $0x90000047  }
0xa0: {  	s0 =	sadd.s32 @!p0 $0x100000, s1;
	[bflag:$0x2] =	sbarrier.arrive $0xFFFF  }
0xa1: {  	[sflag:s0] =	ssyncadd.tile.s32 @!p0 $0x1;
	_ =	shalt  }
.Lfunc_end1:
_tile_overlayer_lowered:
.L_overlay_start_2:
0xa2: {  	(tag) =	ssettag $0x2  }
0xa3: {  	s0 =	rddreg [dreg:$0x0];
	s2 =	stileid.u32  }
0xa4: {  	s1 =	rddreg [dreg:$0x1];
	p0 =	sne.s32 s2, $0x0  }
0xa5: {  	s3 =	rddreg [dreg:$0x2];
	[bflag:$0x3] =	sbarrier.arrive $0xFFFF;
	s2 =	simm.s32 @!p0 $0x1C01  }
0xa6: {  	[timem:s3], [sflag:s2] =	dma.local @!p0 [hbm:s0], s1  }
0xa7: {  	s0 =	simm.s32 @!p0 $0x1  }
0xa8: {  	_ =	swait.ge @!p0 [sflag:s0], s1  }
0xa9: {  	s1 =	ssub.s32 @!p0 $0x0, s1;
	[sflag:s0] =	ssyncset.done @!p0 $0x0  }
0xaa: {  	[sflag:s0] =	ssyncadd.s32 @!p0 s1  }
0xab: {  	[bflag:$0x3] =	sbarrier.arrive $0xFFFF  }
0xac: {  	_ =	shalt  }

// kernel: sparse-core-data-format-call.cloned.1.call-start
scs
called_computation_lowered:
.L_overlay_start_0:
0x0: {  	s2 =	sld [smem:$0x3FD9]  }
0x1: {  	s3 =	sld [smem:$0x3FFE];
	_ =	sdelay $0x1  }
0x2: {  	s1 =	srdreg.scid  }
0x3: {  	s0 =	sand.u32 $0x1, s1  }
0x4: {  	s18 =	sshll.u32 s0, $0xA;
	s2 =	sadd.s32 s3, s2  }
0x5: {  	s2 =	sadd.s32 s2, s18  }
0x6: {  	[smem:$0x3FAB] =	sst s2  }
0x7: {  	_ = 	snop  }
0x8: {  	(tm) =	ssettm $0x1  }
0x9: {  	s19 =	sld [smem:$0x3FFB];
	_ =	sdelay $0x3  }
0xa: {  	_ =	strace s19  }
0xb: {  	s2 =	sld [smem:$0x3FFC];
	_ =	sdelay $0x3  }
0xc: {  	_ =	strace s2  }
0xd: {  	s2 =	sld [smem:$0x3FFD];
	_ =	sdelay $0x3  }
0xe: {  	_ =	strace s2  }
0xf: {  	_ =	strace $0x8FFFFFFF  }
0x10: {  	s20 =	sld [smem:$0x3FDB];
	_ =	sdelay $0x1  }
0x11: {  	s21 =	simm.s32 $_scs_section_size  }
0x12: {  	s4 =	simm.s32 $_size__tile_overlayer_lowered;
	s5 =	simm.s32 $_tile_overlayer_lowered  }
0x13: {  	s6 =	simm.s32 $0x1BFF;
	s22 =	sshll.u32 s5, $0x1;
	s3 =	sadd.s32 s21, s20  }
0x14: {  	s23 =	simm.s32 $0x0;
	s4 =	sshll.u32 s4, $0x1;
	s5 =	sadd.s32 s22, s3  }
0x15: {  	[timem:s23], [sflag:s6] =	dma.local [hbm:s5], s4  }
0x16: {  	_ =	swait.ge [sflag:s6], s4  }
0x17: {  	s4 =	ssub.s32 $0x0, s4;
	[sflag:s6] =	ssyncset.done $0x0  }
0x18: {  	[sflag:s6] =	ssyncadd.s32 s4;
	_ =	sdelay $0x1  }
0x19: {  	s24 =	simm.s32 $0x1B8B  }
0x1a: {  	_ =	swait.ge [sflag:s24], $0x1  }
0x1b: {  	[sflag:s24] =	ssyncset.done $0x0  }
0x1c: {  	[sflag:s24] =	ssyncadd.s32 $0xFFFFFFFF  }
0x1d: {  	s4 =	sld [smem:$0x0]  }
0x1e: {  	s5 =	sand.u32 $0xFFFFFFFE, s1  }
0x1f: {  	p0 =	sne.s32 s1, s5  }
0x20: {  	s5 =	sshll.u32 @p0 s5, $0xE  }
0x21: {  	s5 =	sadd.s32 @p0 $0x11B8D, s5;
	s6 =	sshll.u32 @p0 s4, $0x11  }
0x22: {  	s5 =	sor.u32 @p0 s6, s5  }
0x23: {  	[sflag:s5] =	ssyncadd.remote.s32 @p0 $0x1;
	_ =	sdelay $0x1  }
0x24: {  	s5 =	simm.s32 @p0 $0x1B8D  }
0x25: {  	_ =	swait.eq @p0 [sflag:s5], $0x1  }
0x26: {  	[sflag:s5] =	ssyncadd.s32 @p0 $0xFFFFFFFF  }
0x27: {  	s6 =	sshll.u32 @!p0 s1, $0xE  }
0x28: {  	s6 =	sor.u32 @!p0 $0x4000, s6;
	s5 =	simm.s32 @!p0 $0x1B8D  }
0x29: {  	s4 =	sshll.u32 @!p0 s4, $0x11;
	s6 =	sadd.s32 @!p0 $0x11B8D, s6;
	_ =	swait.eq @!p0 [sflag:s5], $0x1  }
0x2a: {  	s4 =	sor.u32 @!p0 s4, s6;
	[sflag:s5] =	ssyncadd.s32 @!p0 $0xFFFFFFFF  }
0x2b: {  	s26 =	simm.s32 $0x1B8E;
	s25 =	sld [smem:$0x3FFE];
	[sflag:s4] =	ssyncadd.remote.s32 @!p0 $0x1  }
0x2c: {  	s27 =	simm.s32 $execute0_lowered;
	[smem:$0x3FD2] =	sst s26  }
0x2d: {  	s5 =	sshll.u32 s27, $0x1;
	_ =	strace $0x80000055;
	[dreg:$0x1] =	wrdreg $0xFFFFFFFF  }
0x2e: {  	s28 =	simm.s32 $_size_execute0_lowered;
	s3 =	sadd.s32 s3, s5;
	[dreg:$0x0] =	wrdreg $0x0  }
0x2f: {  	s5 =	sshll.u32 s28, $0x1;
	[dreg:$0x2] =	wrdreg s3  }
0x30: {  	[dreg:$0x3] =	wrdreg s5  }
0x31: {  	[dreg:$0x4] =	wrdreg $0xC0  }
0x32: {  	_ =	task [dreg:s23], $0x5FFFF  }
0x33: {  	[dreg:$0x1] =	wrdreg $0xFFFFFFFF  }
0x34: {  	[dreg:$0x0] =	wrdreg $0x60  }
0x35: {  	[dreg:$0x2] =	wrdreg s25  }
0x36: {  	[dreg:$0x3] =	wrdreg $0x9  }
0x37: {  	_ =	task.clear_ibuf [dreg:s23], $0x4FFFF;
	_ =	strace $0x90000055  }
0x38: {  	s29 =	simm.s32 $0x9;
	_ =	strace $0x80000057  }
0x39: {  	_ =	swait.ge [sflag:s29], $0x1  }
0x3a: {  	[sflag:s29] =	ssyncadd.s32 $0xFFFFFFFF  }
0x3b: {  	_ =	strace $0x90000057  }
0x3c: {  	_ =	sfence  }
0x3d: {  	s30 =	sld [smem:$0x0];
	_ =	sdelay $0x2  }
0x3e: {  	s31 =	sshll.u32 s1, $0xD;
	s1 =	sshrl.u32 s1, $0x2  }
0x3f: {  	s4 =	sand.u32 $0x4000, s31;
	s1 =	sadd.s32 s1, s30  }
0x40: {  	s0 =	sor.u32 s4, s0;
	s1 =	sshll.u32 s1, $0x11  }
0x41: {  	s0 =	sor.u32 s1, s0  }
0x42: {  	s0 =	sadd.s32 $0x8F2B, s0  }
0x43: {  	[sflag:s0] =	ssyncadd.remote.s32 $0x1  }
0x44: {  	_ =	sfence.sel $0xFFFF  }
0x45: {  	[dreg:$0x0] =	wrdreg $0xFFFFFFFF;
	(pc) =	sbr.abs _section_cstart, $3  }
0x46: {  	[dreg:$0x1] =	wrdreg $0xFFFFFFFF  }
0x47: {  	_ =	task.clear_ibuf [dreg:s23], $0x2FFFF;
	_ =	strace $0x9FFFFFFF  }
0x48: {  	(tm) =	ssettm $0x7FFFFFFF  }
0x49: {  	_ =	shalt  }
tec
execute0_lowered:
.L_overlay_start_1:
0x0: {  	(tag) =	ssettag $0x1  }
0x1: {  	s0 =	srdreg.scid  }
0x2: {  	s1 =	sshll.u32 s0, $0x4  }
0x3: {  	s4 =	rddreg [dreg:$0x0];
	s0 =	stileid.u32;
	s1 =	sand.u32 $0x10, s1  }
0x4: {  	s7 =	simm.s32 $0x1;
	s8 =	simm.s32 $0x2;
	s2 =	sor.u32 s0, s1  }
0x5: {  	s9 =	simm.s32 $0x0;
	s12 =	simm.s32 $0x0;
	s2 =	sshll.u32 s2, $0x3  }
0x6: {  	s11 =	simm.s32 $0x0;
	s3 =	sadd.s32 $0xB18800, s4;
	s6 =	ssub.s32 $0xA400, s2  }
.Ltmp0:
0x7: {  	s4 =	sadd.s32 $0x1558800, s4;
	s5 =	sand.u32 $0xF8, s6;
	(pc) =	sbr.rel .LBB1_1-.Ltmp0, $4  }
0x8: {  	s1 =	rddreg [dreg:$0x1];
	_ =	strace $0x80000056;
	p0 =	sne.s32 s5, $0x0  }
0x9: {  	s6 =	sshrl.u32 s6, $0x8;
	s5 =	simm.s32 $0x1;
	s7 =	simm.s32 @!p0 $0x0  }
0xa: {  	s10 =	smov.u32 s2;
	[sflag:s5] =	ssyncpa.u1 $0x0;
	s6 =	sadd.s32 s7, s6  }
0xb: {  	[sflag:s8] =	ssyncpa.u1 $0x0;
	s8 =	simm.s32 $0x0;
	s7 =	sadd.s32 $0x1, s6  }
.LBB1_9:
0xc: {  	s14 =	sadd.s32 $0x100, s10  }
0xd: {  	p1 =	sgt.s32 s14, $0xA3FF  }
0xe: {  	s14 =	smov.u32 @p1 s2;
	p1 =	sne.s32 s11, s7  }
.Ltmp1:
0xf: {  	p0 =	slt.u32 s11, $0x2;
	(pc) =	sbr.rel @!p1 .LBB1_10-.Ltmp1, $4  }
0x10: {  	s13 =	simm.s32 @!p0 $0x2  }
0x11: {  	s15 =	sadd.s32 $0x1, s11;
	_ =	swait.ge @!p0 [sflag:s13], $0x4000  }
0x12: {  	s12 =	smov.u32 s10;
	s9 =	sadd.s32 $0x4000, s9;
	[sflag:s13] =	ssyncset.done @!p0 $0x0  }
0x13: {  	s11 =	smov.u32 s15;
	s10 =	smov.u32 s14;
	[sflag:s13] =	ssyncadd.s32 @!p0 $0xFFFFC000  }
.LBB1_1:
0x14: {  	p0 =	sge.u32 s11, s6  }
0x15: {  	s13 =	sxor.u32 @!p0 $0xFFFFFFFF, s11  }
0x16: {  	s31 =	sadd.s32 $0xFFFFFFFF, s11;
	s14 =	sshll.u32 @!p0 s10, $0x8;
	s13 =	sshll.u32 @!p0 s13, $0xE  }
0x17: {  	s15 =	simm.s32 @!p0 $0x0;
	s14 =	sadd.s32 @!p0 s3, s14;
	s13 =	sand.u32 @!p0 $0x4000, s13  }
0x18: {  	[tilespmem:s13], [sflag:$0x1] =	stream.linear.gather @!p0 [hbm4b:s14+s15], $0x4000, $0x38;
	[tilespmem:$0x10000] =	vst v63  }
0x19: {  	p0 =	sge.u32 s31, s6  }
.Ltmp2:
0x1a: {  	_ = 	snop;
	(pc) =	sbr.rel @p0 .LBB1_9-.Ltmp2, $1  }
0x1b: {  	_ =	sdelay $0x3  }
0x1c: {  	s13 =	sshll.u32 s9, $0x2;
	_ =	swait.ge [sflag:s5], $0x4000;
	s14 =	sshll.u32 s11, $0xE  }
0x1d: {  	s16 =	simm.s32 $0x0;
	s17 =	simm.s32 $0x0;
	s15 =	sand.u32 $0x10000, s13  }
0x1e: {  	[sflag:s5] =	ssyncset.done $0x0;
	s31 =	sand.u32 $0x4000, s14;
	s14 =	sshrl.u32 s15, $0x2  }
0x1f: {  	[sflag:s5] =	ssyncadd.s32 $0xFFFFC000;
	s13 =	sor.u32 $0x8000, s31;
	s15 =	sor.u32 $0x8000, s14  }
.LBB1_3:
0x20: {  	s18 =	sshra.s32 s16, $0x2  }
0x21: {  	v0 =	vmov s18;
	_ =	sdelay $0x3  }
0x22: {  	p1 =	por $0x1, $0x1;
	s18 =	simm.s32 $0x0  }
.LBB1_4:
0x23: {  	_ = 	snop  }
0x24: {  	s19 =	sshll.u32 s18, $0xA  }
0x25: {  	s19 =	sand.u32 $0x3FFFFC00, s19  }
0x26: {  	s19 =	sadd.s32 s19, s14  }
0x27: {  	v5 =	vld.idx.msk [tilespmem:v0+s19+$0x70 ss:$0x1], $0xffff  }
0x28: {  	v6 =	vld.idx.msk [tilespmem:v0+s19+$0x10 ss:$0x1], $0xffff  }
0x29: {  	v7 =	vld.idx.msk [tilespmem:v0+s19+$0x20 ss:$0x1], $0xffff  }
0x2a: {  	s31 =	sshll.u32 s18, $0x7;
	v1 =	vld.idx.msk [tilespmem:v0+s19+$0x30 ss:$0x1], $0xffff  }
0x2b: {  	s18 =	sand.u32 $0x3FFFFF80, s31;
	v2 =	vld.idx.msk [tilespmem:v0+s19+$0x40 ss:$0x1], $0xffff  }
0x2c: {  	s18 =	sadd.s32 s18, s15;
	v3 =	vld.idx.msk [tilespmem:v0+s19+$0x50 ss:$0x1], $0xffff  }
0x2d: {  	v4 =	vld.idx.msk [tilespmem:v0+s19+$0x60 ss:$0x1], $0xffff;
	[tilespmem:v0+s18+$0x70 ss:$0x1] =	vst.idx.msk $0xffff, v5  }
0x2e: {  	v5 =	vld.idx.msk [tilespmem:v0+s19+$0x0 ss:$0x1], $0xffff;
	[tilespmem:v0+s18+$0x10 ss:$0x1] =	vst.idx.msk $0xffff, v6;
	s19 =	sadd.s32 $0x80, s19  }
0x2f: {  	p0 =	por p1, p1;
	s20 =	simm.s32 $0x6;
	[tilespmem:v0+s18+$0x20 ss:$0x1] =	vst.idx.msk $0xffff, v7;
	v6 =	vld.idx.msk [tilespmem:v0+s19+$0x70 ss:$0x1], $0xffff  }
.LBB1_5:
0x30: {  	p1 =	sne.s32 s20, $0x1;
	v7 =	vld.idx.msk [tilespmem:v0+s19+$0x10 ss:$0x1], $0xffff;
	[tilespmem:v0+s18+$0x30 ss:$0x1] =	vst.idx.msk $0xffff, v1  }
0x31: {  	v8 =	vld.idx.msk [tilespmem:v0+s19+$0x20 ss:$0x1], $0xffff;
	[tilespmem:v0+s18+$0x40 ss:$0x1] =	vst.idx.msk $0xffff, v2  }
0x32: {  	v1 =	vld.idx.msk [tilespmem:v0+s19+$0x30 ss:$0x1], $0xffff;
	[tilespmem:v0+s18+$0x50 ss:$0x1] =	vst.idx.msk $0xffff, v3  }
.Ltmp3:
0x33: {  	v2 =	vld.idx.msk [tilespmem:v0+s19+$0x40 ss:$0x1], $0xffff;
	[tilespmem:v0+s18+$0x60 ss:$0x1] =	vst.idx.msk $0xffff, v4;
	(pc) =	sbr.rel @p1 .LBB1_5-.Ltmp3, $4  }
0x34: {  	v3 =	vld.idx.msk [tilespmem:v0+s19+$0x50 ss:$0x1], $0xffff;
	[tilespmem:v0+s18+$0x0 ss:$0x1] =	vst.idx.msk $0xffff, v5;
	s18 =	sadd.s32 $0x100, s18  }
0x35: {  	v4 =	vld.idx.msk [tilespmem:v0+s19+$0x60 ss:$0x1], $0xffff;
	[tilespmem:v0+s18+$0x70 ss:$0x1] =	vst.idx.msk $0xffff, v6  }
0x36: {  	v5 =	vld.idx.msk [tilespmem:v0+s19+$0x0 ss:$0x1], $0xffff;
	[tilespmem:v0+s18+$0x10 ss:$0x1] =	vst.idx.msk $0xffff, v7;
	s19 =	sadd.s32 $0x80, s19  }
0x37: {  	s20 =	sadd.s32 $0xFFFFFFFF, s20;
	v6 =	vld.idx.msk [tilespmem:v0+s19+$0x70 ss:$0x1], $0xffff;
	[tilespmem:v0+s18+$0x20 ss:$0x1] =	vst.idx.msk $0xffff, v8  }
0x38: {  	_ =	sdelay $0x3  }
0x39: {  	[tilespmem:v0+s18+$0x30 ss:$0x1] =	vst.idx.msk $0xffff, v1  }
0x3a: {  	v1 =	vld.idx.msk [tilespmem:v0+s19+$0x10 ss:$0x1], $0xffff;
	[tilespmem:v0+s18+$0x40 ss:$0x1] =	vst.idx.msk $0xffff, v2  }
0x3b: {  	v2 =	vld.idx.msk [tilespmem:v0+s19+$0x20 ss:$0x1], $0xffff;
	[tilespmem:v0+s18+$0x50 ss:$0x1] =	vst.idx.msk $0xffff, v3  }
0x3c: {  	v61 =	vld.idx.msk [tilespmem:v0+s19+$0x40 ss:$0x1], $0xffff;
	[tilespmem:v0+s18+$0x60 ss:$0x1] =	vst.idx.msk $0xffff, v4  }
0x3d: {  	s31 =	sadd.s32 $0x100, s18;
	v62 =	vld.idx.msk [tilespmem:v0+s19+$0x50 ss:$0x1], $0xffff;
	[tilespmem:v0+s18+$0x0 ss:$0x1] =	vst.idx.msk $0xffff, v5  }
0x3e: {  	v63 =	vld.idx.msk [tilespmem:v0+s19+$0x60 ss:$0x1], $0xffff;
	[tilespmem:v0+s31+$0x70 ss:$0x1] =	vst.idx.msk $0xffff, v6  }
0x3f: {  	v3 =	vld.idx.msk [tilespmem:v0+s19+$0x30 ss:$0x1], $0xffff;
	[tilespmem:v0+s31+$0x10 ss:$0x1] =	vst.idx.msk $0xffff, v1  }
0x40: {  	v1 =	vld.idx.msk [tilespmem:v0+s19+$0x0 ss:$0x1], $0xffff;
	[tilespmem:v0+s31+$0x20 ss:$0x1] =	vst.idx.msk $0xffff, v2  }
.Ltmp4:
0x41: {  	[tilespmem:v0+s31+$0x40 ss:$0x1] =	vst.idx.msk $0xffff, v61;
	(pc) =	sbr.rel @p0 .LBB1_4-.Ltmp4, $4  }
0x42: {  	[tilespmem:v0+s31+$0x50 ss:$0x1] =	vst.idx.msk $0xffff, v62  }
0x43: {  	[tilespmem:v0+s31+$0x60 ss:$0x1] =	vst.idx.msk $0xffff, v63  }
0x44: {  	[tilespmem:v0+s31+$0x30 ss:$0x1] =	vst.idx.msk $0xffff, v3  }
0x45: {  	p1 =	por $0x0, $0x0;
	s18 =	simm.s32 $0x1;
	[tilespmem:v0+s31+$0x0 ss:$0x1] =	vst.idx.msk $0xffff, v1  }
0x46: {  	s17 =	sadd.s32 $0x1, s17  }
0x47: {  	p0 =	sne.s32 s17, $0x8  }
.Ltmp5:
0x48: {  	_ = 	snop;
	(pc) =	sbr.rel @p0 .LBB1_3-.Ltmp5, $2  }
0x49: {  	_ =	sdelay $0x2  }
0x4a: {  	s16 =	sadd.s32 $0x2000, s16  }
.Ltmp6:
0x4b: {  	(pc) =	sbr.rel .LBB1_9-.Ltmp6, $4  }
0x4c: {  	_ = 	snop  }
0x4d: {  	s12 =	sshll.u32 s12, $0x8  }
0x4e: {  	s12 =	sadd.s32 s4, s12  }
0x4f: {  	[hbm4b:s12+s8] =	stream.linear.scatter [tilespmem:s13], [sflag:$0x2], $0x4000, $0x38;
	[tilespmem:$0x10000] =	vst v63  }
.LBB1_10:
0x50: {  	_ =	sfence.sel $0x180000  }
0x51: {  	s2 =	simm.s32 $0x1;
	[bflag:$0x0] =	sbarrier.arrive $0xFFFF  }
0x52: {  	s31 =	simm.s32 $0x2;
	[sflag:s2] =	ssyncpa.u1 $0x1  }
0x53: {  	[sflag:s31] =	ssyncpa.u1 $0x1  }
0x54: {  	p0 =	sne.s32 s0, $0x0;
	_ =	strace $0x90000056  }
0x55: {  	s0 =	sadd.s32 @!p0 $0x100000, s1;
	[bflag:$0x2] =	sbarrier.arrive $0xFFFF  }
0x56: {  	[sflag:s0] =	ssyncadd.tile.s32 @!p0 $0x1;
	_ =	shalt  }
.Lfunc_end1:
_tile_overlayer_lowered:
.L_overlay_start_2:
0x57: {  	(tag) =	ssettag $0x2  }
0x58: {  	s0 =	rddreg [dreg:$0x0];
	s2 =	stileid.u32  }
0x59: {  	s1 =	rddreg [dreg:$0x1];
	p0 =	sne.s32 s2, $0x0  }
0x5a: {  	s3 =	rddreg [dreg:$0x2];
	[bflag:$0x3] =	sbarrier.arrive $0xFFFF;
	s2 =	simm.s32 @!p0 $0x1C01  }
0x5b: {  	[timem:s3], [sflag:s2] =	dma.local @!p0 [hbm:s0], s1  }
0x5c: {  	s0 =	simm.s32 @!p0 $0x1  }
0x5d: {  	_ =	swait.ge @!p0 [sflag:s0], s1  }
0x5e: {  	s1 =	ssub.s32 @!p0 $0x0, s1;
	[sflag:s0] =	ssyncset.done @!p0 $0x0  }
0x5f: {  	[sflag:s0] =	ssyncadd.s32 @!p0 s1  }
0x60: {  	[bflag:$0x3] =	sbarrier.arrive $0xFFFF  }
0x61: {  	_ =	shalt  }

</sc_bundles>
